<compile_context>
chip_gen: v7x
topology: tpu7x:2x2x1
jax: 0.10.2.dev20260603
libtpu: 0.0.44.dev20260713+nightly
codegen_flags: <defaults>
</compile_context>

<pallas_src>
import functools

import jax
import jax.numpy as jnp
from jax import lax
from jax.experimental import pallas as pl
from jax.experimental.pallas import tpu as pltpu
from jax.experimental.pallas import tpu_sc as plsc

_B = 16384
_S = 54
_D = 16
_RW = (_S + 1) * _D
_TL = 200.0
_NC = 2
_NS = 16
_NW = _NC * _NS

_B_SC = 512
_B_TC = _B - _B_SC
_NSCW = 8
_NB = _B_SC // _NSCW
_CW = _NB * _RW // 128

_TC_BLK = 256
_N_TC_BLK = _B_TC // _TC_BLK


def _splat(vec, lane):
    return vec.at[jnp.full((_D,), lane, jnp.int32)].get(mode="promise_in_bounds")


@functools.partial(
    pl.kernel,
    out_type=jax.ShapeDtypeStruct((_B_SC * _RW // 128, 128), jnp.float32),
    mesh=plsc.VectorSubcoreMesh(core_axis_name="c", subcore_axis_name="s"),
    compiler_params=pltpu.CompilerParams(needs_layout_passes=False),
    scratch_types=[
        pltpu.VMEM((_NB * _S,), jnp.int32),
        pltpu.VMEM((_CW, 128), jnp.float32),
        pltpu.VMEM_SHARED((_NS, _CW, 128), jnp.float32),
        pltpu.VMEM((_NB,), jnp.float32),
        pltpu.VMEM((_D,), jnp.float32),
        pltpu.VMEM((6, _D), jnp.float32),
        pltpu.SemaphoreType.DMA,
        pltpu.SemaphoreType.DMA,
    ],
)
def _torso_sc(obs_hbm, step_hbm, state_hbm, table_hbm, out_hbm,
              idx_v, ob, shared_v, step_v, state_v, table_v, isem, osem):
    sid = lax.axis_index("s")
    wid = sid * _NC + lax.axis_index("c")

    @pl.when(wid < _NSCW)
    def _worker():
        _torso_sc_worker(obs_hbm, step_hbm, state_hbm, table_hbm, out_hbm,
                         idx_v, ob, shared_v, step_v, state_v, table_v,
                         isem, osem, sid, wid)


def _torso_sc_worker(obs_hbm, step_hbm, state_hbm, table_hbm, out_hbm,
                     idx_v, ob, shared_v, step_v, state_v, table_v,
                     isem, osem, sid, wid):
    cb = _B_TC + wid * _NB
    iota16 = jnp.arange(_D, dtype=jnp.int32)
    pltpu.async_copy(obs_hbm.at[pl.ds(cb * _S, _NB * _S)], idx_v, isem)
    pltpu.sync_copy(state_hbm, state_v)
    pltpu.sync_copy(table_hbm, table_v)
    pltpu.sync_copy(step_hbm.at[pl.ds(cb, _NB)], step_v)
    pltpu.make_async_copy(obs_hbm.at[pl.ds(0, _NB * _S)], idx_v, isem).wait()

    def row_body(g, rcarry):
        w = g * _S
        off = g * _RW
        vecs = [idx_v[pl.ds(w, _D)], idx_v[pl.ds(w + 16, _D)],
                idx_v[pl.ds(w + 32, _D)], idx_v[pl.ds(w + _S - _D, _D)]]
        for s in range(_S):
            k, l = (s // _D, s % _D) if s < 48 else (3, s - (_S - _D))
            row = plsc.load_gather(table_v, [_splat(vecs[k], l), iota16])
            p = off + s * _D
            ob[p // 128, pl.ds(p % 128, _D)] = row
        return rcarry

    lax.fori_loop(0, _NB, row_body, 0)

    scaled_state = state_v[...] * (1.0 / _TL)
    for gg in range(_NB // _D):
        step16 = step_v[pl.ds(gg * _D, _D)]
        for l in range(_D):
            p = (gg * _D + l) * _RW + _S * _D
            ob[p // 128, pl.ds(p % 128, _D)] = _splat(step16, l) * scaled_state

    orow = pl.multiple_of(wid * _CW, 8)
    pltpu.sync_copy(ob, shared_v.at[sid])
    pltpu.async_copy(shared_v.at[sid], out_hbm.at[pl.ds(orow, _CW)], osem)
    pltpu.make_async_copy(shared_v.at[sid],
                          out_hbm.at[pl.ds(0, _CW)], osem).wait()


def _torso_tc_body(obs_ref, step_ref, state_ref, ttab_ref, sc_ref, out_ref):
    i = pl.program_id(0)

    @pl.when(i < _N_TC_BLK)
    def _():
        obs_f = obs_ref[...].astype(jnp.float32)
        col = lax.broadcasted_iota(jnp.int32, (_S, _S * _D), 1) // _D
        rowi = lax.broadcasted_iota(jnp.int32, (_S, _S * _D), 0)
        expand = (col == rowi).astype(jnp.float32)
        idx_exp = jnp.dot(obs_f, expand, preferred_element_type=jnp.float32)
        acc = jnp.broadcast_to(ttab_ref[0:1, :], idx_exp.shape)
        for r in range(1, 6):
            acc = jnp.where(idx_exp == float(r), ttab_ref[r:r + 1, :], acc)
        step_emb = step_ref[...] * (1.0 / _TL) * state_ref[...]
        out_ref[...] = jnp.concatenate([acc, step_emb], axis=1)

    @pl.when(i >= _N_TC_BLK)
    def _():
        out_ref[...] = sc_ref[...]


_torso_tc = pl.pallas_call(
    _torso_tc_body,
    grid=(_B // _TC_BLK,),
    in_specs=[
        pl.BlockSpec((_TC_BLK, _S), lambda i: (i, 0)),
        pl.BlockSpec((_TC_BLK, 1), lambda i: (i, 0)),
        pl.BlockSpec((1, _D), lambda i: (0, 0)),
        pl.BlockSpec((6, _S * _D), lambda i: (0, 0)),
        pl.BlockSpec((_TC_BLK, _RW),
                     lambda i: (jnp.maximum(i - _N_TC_BLK, 0), 0)),
    ],
    out_specs=pl.BlockSpec((_TC_BLK, _RW), lambda i: (i, 0)),
    out_shape=jax.ShapeDtypeStruct((_B, _RW), jnp.float32),
)


def kernel(observation_cube, observation_step_count, step_count_embedder_state,
           embed_table):
    obs2d = observation_cube.reshape(_B, _S)
    obs_flat = observation_cube.reshape(_B * _S)
    step2d = observation_step_count.reshape(_B, 1)
    state = step_count_embedder_state.reshape(_D)
    ttab = jnp.tile(embed_table, (1, _S))
    sc_out = _torso_sc(obs_flat, observation_step_count, state, embed_table)
    sc2d = sc_out.reshape(_B_SC, _RW)
    return _torso_tc(obs2d, step2d, step_count_embedder_state, ttab, sc2d)

# --- scband reference (transcript-rebuilt; emitter-appended) ---
"""Pipeline reference for scband-torso-85375359910320 (READ-ONLY COPY).

The authoritative reference and input builder live on the scoring server;
editing this copy changes nothing except your own understanding.
"""

import jax, jax.numpy as jnp
import numpy as np

CUBE_EMBED_DIM = 16
TIME_LIMIT = 200
STEP_COUNT_EMBED_DIM = 16
FACE_LEN = 6
BATCH = 16384


def setup_inputs(seed: int = 0) -> dict:
    key = jax.random.key(seed)
    k1, k2, k3, k4 = jax.random.split(key, 4)
    observation_cube = jax.random.randint(k1, (BATCH, 6, 3, 3), 0, FACE_LEN, dtype=jnp.int32)
    observation_step_count = jax.random.uniform(k2, (BATCH,), dtype=jnp.float32) * TIME_LIMIT
    step_count_embedder_state = jax.random.normal(k3, (1, STEP_COUNT_EMBED_DIM), dtype=jnp.float32)
    # learned parameter: embedding table sized per init_kwargs (face_len x cube_embed_dim)
    embed_table = jax.random.normal(k4, (FACE_LEN, CUBE_EMBED_DIM), dtype=jnp.float32)
    return {
        "observation_cube": observation_cube,
        "observation_step_count": observation_step_count,
        "step_count_embedder_state": step_count_embedder_state,
        "embed_table": embed_table,
    }


def reference(observation_cube, observation_step_count, step_count_embedder_state, embed_table):
    # cube embedding: gather from the face-color table, then flatten the last
    # three observation dims (6 faces x 3 x 3 stickers) together with embed_dim
    cube_embedding = jnp.take(embed_table, observation_cube, axis=0)
    cube_embedding = cube_embedding.reshape(*observation_cube.shape[:-3], -1)
    # step-count embedding: normalized step count projected by the external
    # embedder state (acting as the Dense layer's weight matrix [1, embed_dim])
    normalized = observation_step_count[:, None] / TIME_LIMIT
    step_count_embedding = normalized @ step_count_embedder_state
    return jnp.concatenate([cube_embedding, step_count_embedding], axis=-1)

if __name__ == "__main__":
    import jax
    _d = setup_inputs()
    print(jax.jit(kernel)(*tuple(_d.values())))

</pallas_src>

<mosaic_0001>
#map = affine_map<(d0, d1) -> (0)>
#map1 = affine_map<(d0, d1) -> (0, 0)>
module attributes {stable_mosaic.version = 14 : i64} {
  func.func @_torso_sc(%arg0: i32, %arg1: i32, %arg2: memref<884736xi32, #tpu.memory_space<hbm>>, %arg3: memref<16384xf32, #tpu.memory_space<hbm>>, %arg4: memref<16xf32, #tpu.memory_space<hbm>>, %arg5: memref<6x16xf32, #tpu.memory_space<hbm>>, %arg6: memref<3520x128xf32, #tpu.memory_space<hbm>>, %arg7: memref<3456xi32, #tpu.memory_space<vmem>>, %arg8: memref<440x128xf32, #tpu.memory_space<vmem>>, %arg9: memref<16x440x128xf32, #tpu.memory_space<vmem_shared>>, %arg10: memref<64xf32, #tpu.memory_space<vmem>>, %arg11: memref<16xf32, #tpu.memory_space<vmem>>, %arg12: memref<6x16xf32, #tpu.memory_space<vmem>>, %arg13: memref<!tpu.dma_semaphore, #tpu.memory_space<semaphore_mem>>, %arg14: memref<!tpu.dma_semaphore, #tpu.memory_space<semaphore_mem>>) attributes {dimension_semantics = [#tpu.dimension_semantics<core_parallel>, #tpu.dimension_semantics<subcore_parallel>], iteration_bounds = array<i64: 2, 16>, scalar_prefetch = 0 : i64, scratch_operands = 8 : i64, tpu.core_type = #tpu.core_type<sc_vector_subcore>, window_params = [{transform_indices = #map}, {transform_indices = #map}, {transform_indices = #map}, {transform_indices = #map1}, {transform_indices = #map1}]} {
    %mul3A = arith.constant 2 : i32
    %mul3A_0 = arith.muli %arg1, %mul3A : i32
    %add3A = arith.addi %mul3A_0, %arg0 : i32
    %lt3A = arith.constant 8 : i32
    %lt3A_1 = arith.cmpi slt, %add3A, %lt3A : i32
    %convert_element_type3A = arith.extui %lt3A_1 : i1 to i32
    %cond3A = arith.constant 0 : i32
    %cond3A_2 = arith.cmpi ne, %convert_element_type3A, %cond3A : i32
    scf.if %cond3A_2 {
      %mul3A_3 = arith.constant 64 : i32
      %mul3A_4 = arith.muli %add3A, %mul3A_3 : i32
      %add3A_5 = arith.constant 15872 : i32
      %add3A_6 = arith.addi %add3A_5, %mul3A_4 : i32
      %iota3A = tpu.iota {dimensions = array<i32: 0>} : vector<16xi32>
      %mul3A_7 = arith.constant 54 : i32
      %mul3A_8 = arith.muli %add3A_6, %mul3A_7 : i32
      %dma_start3A = tpu.memref_slice %arg2[%mul3A_8] : memref<884736xi32, #tpu.memory_space<hbm>> -> memref<3456xi32, #tpu.memory_space<hbm>>
      %dma_start3A_9 = tpu.memref_slice %arg2[%mul3A_8] : memref<884736xi32, #tpu.memory_space<hbm>> -> memref<3456xi32, #tpu.memory_space<hbm>>
      tpu.enqueue_dma source(%dma_start3A_9 : memref<3456xi32, #tpu.memory_space<hbm>>) target(%arg7 : memref<3456xi32, #tpu.memory_space<vmem>>) target_semaphore(%arg13 : memref<!tpu.dma_semaphore, #tpu.memory_space<semaphore_mem>>)
      "tpu.region"() ({
        %run_scoped3A = tpu.sem_alloc : memref<!tpu.dma_semaphore, #tpu.memory_space<semaphore_mem>>
        tpu.enqueue_dma source(%arg4 : memref<16xf32, #tpu.memory_space<hbm>>) target(%arg11 : memref<16xf32, #tpu.memory_space<vmem>>) target_semaphore(%run_scoped3A : memref<!tpu.dma_semaphore, #tpu.memory_space<semaphore_mem>>)
        tpu.wait_dma2 semaphore(%run_scoped3A : memref<!tpu.dma_semaphore, #tpu.memory_space<semaphore_mem>>) src(%arg4 : memref<16xf32, #tpu.memory_space<hbm>>) dst(%arg11 : memref<16xf32, #tpu.memory_space<vmem>>)
        tpu.yield
      }) : () -> ()
      "tpu.region"() ({
        %run_scoped3A = tpu.sem_alloc : memref<!tpu.dma_semaphore, #tpu.memory_space<semaphore_mem>>
        tpu.enqueue_dma source(%arg5 : memref<6x16xf32, #tpu.memory_space<hbm>>) target(%arg12 : memref<6x16xf32, #tpu.memory_space<vmem>>) target_semaphore(%run_scoped3A : memref<!tpu.dma_semaphore, #tpu.memory_space<semaphore_mem>>)
        tpu.wait_dma2 semaphore(%run_scoped3A : memref<!tpu.dma_semaphore, #tpu.memory_space<semaphore_mem>>) src(%arg5 : memref<6x16xf32, #tpu.memory_space<hbm>>) dst(%arg12 : memref<6x16xf32, #tpu.memory_space<vmem>>)
        tpu.yield
      }) : () -> ()
      "tpu.region"() ({
        %run_scoped3A = tpu.sem_alloc : memref<!tpu.dma_semaphore, #tpu.memory_space<semaphore_mem>>
        %dma_start3A_1129 = tpu.memref_slice %arg3[%add3A_6] : memref<16384xf32, #tpu.memory_space<hbm>> -> memref<64xf32, #tpu.memory_space<hbm>>
        %dma_start3A_1130 = tpu.memref_slice %arg3[%add3A_6] : memref<16384xf32, #tpu.memory_space<hbm>> -> memref<64xf32, #tpu.memory_space<hbm>>
        tpu.enqueue_dma source(%dma_start3A_1130 : memref<64xf32, #tpu.memory_space<hbm>>) target(%arg10 : memref<64xf32, #tpu.memory_space<vmem>>) target_semaphore(%run_scoped3A : memref<!tpu.dma_semaphore, #tpu.memory_space<semaphore_mem>>)
        %dma_wait3A_1131 = tpu.memref_slice %arg3[%add3A_6] : memref<16384xf32, #tpu.memory_space<hbm>> -> memref<64xf32, #tpu.memory_space<hbm>>
        %dma_wait3A_1132 = tpu.memref_slice %arg3[%add3A_6] : memref<16384xf32, #tpu.memory_space<hbm>> -> memref<64xf32, #tpu.memory_space<hbm>>
        tpu.wait_dma2 semaphore(%run_scoped3A : memref<!tpu.dma_semaphore, #tpu.memory_space<semaphore_mem>>) src(%dma_wait3A_1132 : memref<64xf32, #tpu.memory_space<hbm>>) dst(%arg10 : memref<64xf32, #tpu.memory_space<vmem>>)
        tpu.yield
      }) : () -> ()
      %dma_wait3A = arith.constant 0 : i32
      %dma_wait3A_10 = tpu.memref_slice %arg2[%dma_wait3A] : memref<884736xi32, #tpu.memory_space<hbm>> -> memref<3456xi32, #tpu.memory_space<hbm>>
      %dma_wait3A_11 = arith.constant 0 : i32
      %dma_wait3A_12 = tpu.memref_slice %arg2[%dma_wait3A_11] : memref<884736xi32, #tpu.memory_space<hbm>> -> memref<3456xi32, #tpu.memory_space<hbm>>
      tpu.wait_dma2 semaphore(%arg13 : memref<!tpu.dma_semaphore, #tpu.memory_space<semaphore_mem>>) src(%dma_wait3A_12 : memref<3456xi32, #tpu.memory_space<hbm>>) dst(%arg7 : memref<3456xi32, #tpu.memory_space<vmem>>)
      %scan3A = arith.constant 0 : i32
      %scan3A_13 = arith.constant 0 : i32
      %scan3A_14 = arith.constant 64 : i32
      %scan3A_15 = arith.addi %scan3A_13, %scan3A_14 : i32
      %scan3A_16 = arith.constant 1 : i32
      scf.for %scan3A_1129 = %scan3A_13 to %scan3A_15 step %scan3A_16  : i32 {
        %mul3A_1130 = arith.constant 54 : i32
        %mul3A_1131 = arith.muli %scan3A_1129, %mul3A_1130 : i32
        %mul3A_1132 = arith.constant 880 : i32
        %mul3A_1133 = arith.muli %scan3A_1129, %mul3A_1132 : i32
        %get3A_1134 = arith.index_cast %mul3A_1131 : i32 to index
        %get3A_1135 = tpu.vector_load %arg7[%get3A_1134] {strides = array<i32>} : memref<3456xi32, #tpu.memory_space<vmem>>, vector<16xi32>,
        %add3A_1136 = arith.constant 16 : i32
        %add3A_1137 = arith.addi %mul3A_1131, %add3A_1136 : i32
        %get3A_1138 = arith.index_cast %add3A_1137 : i32 to index
        %get3A_1139 = tpu.vector_load %arg7[%get3A_1138] {strides = array<i32>} : memref<3456xi32, #tpu.memory_space<vmem>>, vector<16xi32>,
        %add3A_1140 = arith.constant 32 : i32
        %add3A_1141 = arith.addi %mul3A_1131, %add3A_1140 : i32
        %get3A_1142 = arith.index_cast %add3A_1141 : i32 to index
        %get3A_1143 = tpu.vector_load %arg7[%get3A_1142] {strides = array<i32>} : memref<3456xi32, #tpu.memory_space<vmem>>, vector<16xi32>,
        %add3A_1144 = arith.constant 54 : i32
        %add3A_1145 = arith.addi %mul3A_1131, %add3A_1144 : i32
        %sub3A = arith.constant 16 : i32
        %sub3A_1146 = arith.subi %add3A_1145, %sub3A : i32
        %get3A_1147 = arith.index_cast %sub3A_1146 : i32 to index
        %get3A_1148 = tpu.vector_load %arg7[%get3A_1147] {strides = array<i32>} : memref<3456xi32, #tpu.memory_space<vmem>>, vector<16xi32>,
        %broadcast_in_dim3A_1149 = arith.constant 0 : i32
        %broadcast_in_dim3A_1150 = vector.broadcast %broadcast_in_dim3A_1149 : i32 to vector<16xi32>
        %lt3A_1151 = arith.constant 0 : i32
        %lt3A_1152 = vector.broadcast %lt3A_1151 : i32 to vector<16xi32>
        %lt3A_1153 = arith.cmpi slt, %broadcast_in_dim3A_1150, %lt3A_1152 : vector<16xi32>
        %add3A_1154 = arith.constant 16 : i32
        %add3A_1155 = vector.broadcast %add3A_1154 : i32 to vector<16xi32>
        %add3A_1156 = arith.addi %broadcast_in_dim3A_1150, %add3A_1155 : vector<16xi32>
        %select_n3A_1157 = arith.select %lt3A_1153, %add3A_1156, %broadcast_in_dim3A_1150 : vector<16xi1>, vector<16xi32>
        %broadcast_in_dim3A_1158 = vector.shape_cast %select_n3A_1157 : vector<16xi32> to vector<16x1xi32>
        %gather3A_1159 = vector.shape_cast %broadcast_in_dim3A_1158 : vector<16x1xi32> to vector<16xi32>
        %gather3A_1160 = tpu.dynamic_gather %get3A_1135[%gather3A_1159] in [0] : vector<16xi32>, vector<16xi32> -> vector<16xi32>
        %gather3A_1161 = tpu.vector_load_idx %arg12[%gather3A_1160, %iota3A] : memref<6x16xf32, #tpu.memory_space<vmem>>[vector<16xi32>, vector<16xi32>], vector<16xf32>,
        %add3A_1162 = arith.constant 0 : i32
        %add3A_1163 = arith.addi %mul3A_1133, %add3A_1162 : i32
        %jit3A = arith.constant 128 : i32
        %div3A = arith.divsi %add3A_1163, %jit3A : i32
        %sign3A = arith.constant 0 : i32
        %sign3A_1164 = arith.cmpi sgt, %add3A_1163, %sign3A : i32
        %sign3A_1165 = arith.extui %sign3A_1164 : i1 to i32
        %sign3A_1166 = arith.constant 0 : i32
        %sign3A_1167 = arith.cmpi slt, %add3A_1163, %sign3A_1166 : i32
        %sign3A_1168 = arith.extui %sign3A_1167 : i1 to i32
        %sign3A_1169 = arith.subi %sign3A_1165, %sign3A_1168 : i32
        %sign3A_1170 = arith.constant 0 : i32
        %sign3A_1171 = arith.cmpi sgt, %jit3A, %sign3A_1170 : i32
        %sign3A_1172 = arith.extui %sign3A_1171 : i1 to i32
        %sign3A_1173 = arith.constant 0 : i32
        %sign3A_1174 = arith.cmpi slt, %jit3A, %sign3A_1173 : i32
        %sign3A_1175 = arith.extui %sign3A_1174 : i1 to i32
        %sign3A_1176 = arith.subi %sign3A_1172, %sign3A_1175 : i32
        %ne3A = arith.cmpi ne, %sign3A_1169, %sign3A_1176 : i32
        %rem3A = arith.remsi %add3A_1163, %jit3A : i32
        %ne3A_1177 = arith.constant 0 : i32
        %ne3A_1178 = arith.cmpi ne, %rem3A, %ne3A_1177 : i32
        %and3A = arith.andi %ne3A, %ne3A_1178 : i1
        %sub3A_1179 = arith.constant 1 : i32
        %sub3A_1180 = arith.subi %div3A, %sub3A_1179 : i32
        %select_n3A_1181 = arith.select %and3A, %sub3A_1180, %div3A : i32
        %jit3A_1182 = arith.constant 128 : i32
        %eq3A = arith.constant 0 : i32
        %eq3A_1183 = arith.cmpi eq, %jit3A_1182, %eq3A : i32
        %jit3A_1184 = arith.constant 1 : i32
        %select_n3A_1185 = arith.select %eq3A_1183, %jit3A_1184, %jit3A_1182 : i32
        %rem3A_1186 = arith.remsi %add3A_1163, %select_n3A_1185 : i32
        %ne3A_1187 = arith.constant 0 : i32
        %ne3A_1188 = arith.cmpi ne, %rem3A_1186, %ne3A_1187 : i32
        %lt3A_1189 = arith.constant 0 : i32
        %lt3A_1190 = arith.cmpi slt, %rem3A_1186, %lt3A_1189 : i32
        %lt3A_1191 = arith.constant 0 : i32
        %lt3A_1192 = arith.cmpi slt, %select_n3A_1185, %lt3A_1191 : i32
        %ne3A_1193 = arith.xori %lt3A_1190, %lt3A_1192 : i1
        %and3A_1194 = arith.andi %ne3A_1193, %ne3A_1188 : i1
        %add3A_1195 = arith.addi %rem3A_1186, %select_n3A_1185 : i32
        %select_n3A_1196 = arith.select %and3A_1194, %add3A_1195, %rem3A_1186 : i32
        %swap3A_1197 = arith.index_cast %select_n3A_1181 : i32 to index
        %swap3A_1198 = arith.index_cast %select_n3A_1196 : i32 to index
        %swap3A_1199 = tpu.vector_load %arg8[%swap3A_1197, %swap3A_1198] {strides = array<i32>} : memref<440x128xf32, #tpu.memory_space<vmem>>, vector<16xf32>,
        tpu.vector_store %arg8[%swap3A_1197, %swap3A_1198], %gather3A_1161 {strides = array<i32>} : memref<440x128xf32, #tpu.memory_space<vmem>>, vector<16xf32>,
        %broadcast_in_dim3A_1200 = arith.constant 1 : i32
        %broadcast_in_dim3A_1201 = vector.broadcast %broadcast_in_dim3A_1200 : i32 to vector<16xi32>
        %lt3A_1202 = arith.constant 0 : i32
        %lt3A_1203 = vector.broadcast %lt3A_1202 : i32 to vector<16xi32>
        %lt3A_1204 = arith.cmpi slt, %broadcast_in_dim3A_1201, %lt3A_1203 : vector<16xi32>
        %add3A_1205 = arith.constant 16 : i32
        %add3A_1206 = vector.broadcast %add3A_1205 : i32 to vector<16xi32>
        %add3A_1207 = arith.addi %broadcast_in_dim3A_1201, %add3A_1206 : vector<16xi32>
        %select_n3A_1208 = arith.select %lt3A_1204, %add3A_1207, %broadcast_in_dim3A_1201 : vector<16xi1>, vector<16xi32>
        %broadcast_in_dim3A_1209 = vector.shape_cast %select_n3A_1208 : vector<16xi32> to vector<16x1xi32>
        %gather3A_1210 = vector.shape_cast %broadcast_in_dim3A_1209 : vector<16x1xi32> to vector<16xi32>
        %gather3A_1211 = tpu.dynamic_gather %get3A_1135[%gather3A_1210] in [0] : vector<16xi32>, vector<16xi32> -> vector<16xi32>
        %gather3A_1212 = tpu.vector_load_idx %arg12[%gather3A_1211, %iota3A] : memref<6x16xf32, #tpu.memory_space<vmem>>[vector<16xi32>, vector<16xi32>], vector<16xf32>,
        %add3A_1213 = arith.constant 16 : i32
        %add3A_1214 = arith.addi %mul3A_1133, %add3A_1213 : i32
        %jit3A_1215 = arith.constant 128 : i32
        %div3A_1216 = arith.divsi %add3A_1214, %jit3A_1215 : i32
        %sign3A_1217 = arith.constant 0 : i32
        %sign3A_1218 = arith.cmpi sgt, %add3A_1214, %sign3A_1217 : i32
        %sign3A_1219 = arith.extui %sign3A_1218 : i1 to i32
        %sign3A_1220 = arith.constant 0 : i32
        %sign3A_1221 = arith.cmpi slt, %add3A_1214, %sign3A_1220 : i32
        %sign3A_1222 = arith.extui %sign3A_1221 : i1 to i32
        %sign3A_1223 = arith.subi %sign3A_1219, %sign3A_1222 : i32
        %sign3A_1224 = arith.constant 0 : i32
        %sign3A_1225 = arith.cmpi sgt, %jit3A_1215, %sign3A_1224 : i32
        %sign3A_1226 = arith.extui %sign3A_1225 : i1 to i32
        %sign3A_1227 = arith.constant 0 : i32
        %sign3A_1228 = arith.cmpi slt, %jit3A_1215, %sign3A_1227 : i32
        %sign3A_1229 = arith.extui %sign3A_1228 : i1 to i32
        %sign3A_1230 = arith.subi %sign3A_1226, %sign3A_1229 : i32
        %ne3A_1231 = arith.cmpi ne, %sign3A_1223, %sign3A_1230 : i32
        %rem3A_1232 = arith.remsi %add3A_1214, %jit3A_1215 : i32
        %ne3A_1233 = arith.constant 0 : i32
        %ne3A_1234 = arith.cmpi ne, %rem3A_1232, %ne3A_1233 : i32
        %and3A_1235 = arith.andi %ne3A_1231, %ne3A_1234 : i1
        %sub3A_1236 = arith.constant 1 : i32
        %sub3A_1237 = arith.subi %div3A_1216, %sub3A_1236 : i32
        %select_n3A_1238 = arith.select %and3A_1235, %sub3A_1237, %div3A_1216 : i32
        %jit3A_1239 = arith.constant 128 : i32
        %eq3A_1240 = arith.constant 0 : i32
        %eq3A_1241 = arith.cmpi eq, %jit3A_1239, %eq3A_1240 : i32
        %jit3A_1242 = arith.constant 1 : i32
        %select_n3A_1243 = arith.select %eq3A_1241, %jit3A_1242, %jit3A_1239 : i32
        %rem3A_1244 = arith.remsi %add3A_1214, %select_n3A_1243 : i32
        %ne3A_1245 = arith.constant 0 : i32
        %ne3A_1246 = arith.cmpi ne, %rem3A_1244, %ne3A_1245 : i32
        %lt3A_1247 = arith.constant 0 : i32
        %lt3A_1248 = arith.cmpi slt, %rem3A_1244, %lt3A_1247 : i32
        %lt3A_1249 = arith.constant 0 : i32
        %lt3A_1250 = arith.cmpi slt, %select_n3A_1243, %lt3A_1249 : i32
        %ne3A_1251 = arith.xori %lt3A_1248, %lt3A_1250 : i1
        %and3A_1252 = arith.andi %ne3A_1251, %ne3A_1246 : i1
        %add3A_1253 = arith.addi %rem3A_1244, %select_n3A_1243 : i32
        %select_n3A_1254 = arith.select %and3A_1252, %add3A_1253, %rem3A_1244 : i32
        %swap3A_1255 = arith.index_cast %select_n3A_1238 : i32 to index
        %swap3A_1256 = arith.index_cast %select_n3A_1254 : i32 to index
        %swap3A_1257 = tpu.vector_load %arg8[%swap3A_1255, %swap3A_1256] {strides = array<i32>} : memref<440x128xf32, #tpu.memory_space<vmem>>, vector<16xf32>,
        tpu.vector_store %arg8[%swap3A_1255, %swap3A_1256], %gather3A_1212 {strides = array<i32>} : memref<440x128xf32, #tpu.memory_space<vmem>>, vector<16xf32>,
        %broadcast_in_dim3A_1258 = arith.constant 2 : i32
        %broadcast_in_dim3A_1259 = vector.broadcast %broadcast_in_dim3A_1258 : i32 to vector<16xi32>
        %lt3A_1260 = arith.constant 0 : i32
        %lt3A_1261 = vector.broadcast %lt3A_1260 : i32 to vector<16xi32>
        %lt3A_1262 = arith.cmpi slt, %broadcast_in_dim3A_1259, %lt3A_1261 : vector<16xi32>
        %add3A_1263 = arith.constant 16 : i32
        %add3A_1264 = vector.broadcast %add3A_1263 : i32 to vector<16xi32>
        %add3A_1265 = arith.addi %broadcast_in_dim3A_1259, %add3A_1264 : vector<16xi32>
        %select_n3A_1266 = arith.select %lt3A_1262, %add3A_1265, %broadcast_in_dim3A_1259 : vector<16xi1>, vector<16xi32>
        %broadcast_in_dim3A_1267 = vector.shape_cast %select_n3A_1266 : vector<16xi32> to vector<16x1xi32>
        %gather3A_1268 = vector.shape_cast %broadcast_in_dim3A_1267 : vector<16x1xi32> to vector<16xi32>
        %gather3A_1269 = tpu.dynamic_gather %get3A_1135[%gather3A_1268] in [0] : vector<16xi32>, vector<16xi32> -> vector<16xi32>
        %gather3A_1270 = tpu.vector_load_idx %arg12[%gather3A_1269, %iota3A] : memref<6x16xf32, #tpu.memory_space<vmem>>[vector<16xi32>, vector<16xi32>], vector<16xf32>,
        %add3A_1271 = arith.constant 32 : i32
        %add3A_1272 = arith.addi %mul3A_1133, %add3A_1271 : i32
        %jit3A_1273 = arith.constant 128 : i32
        %div3A_1274 = arith.divsi %add3A_1272, %jit3A_1273 : i32
        %sign3A_1275 = arith.constant 0 : i32
        %sign3A_1276 = arith.cmpi sgt, %add3A_1272, %sign3A_1275 : i32
        %sign3A_1277 = arith.extui %sign3A_1276 : i1 to i32
        %sign3A_1278 = arith.constant 0 : i32
        %sign3A_1279 = arith.cmpi slt, %add3A_1272, %sign3A_1278 : i32
        %sign3A_1280 = arith.extui %sign3A_1279 : i1 to i32
        %sign3A_1281 = arith.subi %sign3A_1277, %sign3A_1280 : i32
        %sign3A_1282 = arith.constant 0 : i32
        %sign3A_1283 = arith.cmpi sgt, %jit3A_1273, %sign3A_1282 : i32
        %sign3A_1284 = arith.extui %sign3A_1283 : i1 to i32
        %sign3A_1285 = arith.constant 0 : i32
        %sign3A_1286 = arith.cmpi slt, %jit3A_1273, %sign3A_1285 : i32
        %sign3A_1287 = arith.extui %sign3A_1286 : i1 to i32
        %sign3A_1288 = arith.subi %sign3A_1284, %sign3A_1287 : i32
        %ne3A_1289 = arith.cmpi ne, %sign3A_1281, %sign3A_1288 : i32
        %rem3A_1290 = arith.remsi %add3A_1272, %jit3A_1273 : i32
        %ne3A_1291 = arith.constant 0 : i32
        %ne3A_1292 = arith.cmpi ne, %rem3A_1290, %ne3A_1291 : i32
        %and3A_1293 = arith.andi %ne3A_1289, %ne3A_1292 : i1
        %sub3A_1294 = arith.constant 1 : i32
        %sub3A_1295 = arith.subi %div3A_1274, %sub3A_1294 : i32
        %select_n3A_1296 = arith.select %and3A_1293, %sub3A_1295, %div3A_1274 : i32
        %jit3A_1297 = arith.constant 128 : i32
        %eq3A_1298 = arith.constant 0 : i32
        %eq3A_1299 = arith.cmpi eq, %jit3A_1297, %eq3A_1298 : i32
        %jit3A_1300 = arith.constant 1 : i32
        %select_n3A_1301 = arith.select %eq3A_1299, %jit3A_1300, %jit3A_1297 : i32
        %rem3A_1302 = arith.remsi %add3A_1272, %select_n3A_1301 : i32
        %ne3A_1303 = arith.constant 0 : i32
        %ne3A_1304 = arith.cmpi ne, %rem3A_1302, %ne3A_1303 : i32
        %lt3A_1305 = arith.constant 0 : i32
        %lt3A_1306 = arith.cmpi slt, %rem3A_1302, %lt3A_1305 : i32
        %lt3A_1307 = arith.constant 0 : i32
        %lt3A_1308 = arith.cmpi slt, %select_n3A_1301, %lt3A_1307 : i32
        %ne3A_1309 = arith.xori %lt3A_1306, %lt3A_1308 : i1
        %and3A_1310 = arith.andi %ne3A_1309, %ne3A_1304 : i1
        %add3A_1311 = arith.addi %rem3A_1302, %select_n3A_1301 : i32
        %select_n3A_1312 = arith.select %and3A_1310, %add3A_1311, %rem3A_1302 : i32
        %swap3A_1313 = arith.index_cast %select_n3A_1296 : i32 to index
        %swap3A_1314 = arith.index_cast %select_n3A_1312 : i32 to index
        %swap3A_1315 = tpu.vector_load %arg8[%swap3A_1313, %swap3A_1314] {strides = array<i32>} : memref<440x128xf32, #tpu.memory_space<vmem>>, vector<16xf32>,
        tpu.vector_store %arg8[%swap3A_1313, %swap3A_1314], %gather3A_1270 {strides = array<i32>} : memref<440x128xf32, #tpu.memory_space<vmem>>, vector<16xf32>,
        %broadcast_in_dim3A_1316 = arith.constant 3 : i32
        %broadcast_in_dim3A_1317 = vector.broadcast %broadcast_in_dim3A_1316 : i32 to vector<16xi32>
        %lt3A_1318 = arith.constant 0 : i32
        %lt3A_1319 = vector.broadcast %lt3A_1318 : i32 to vector<16xi32>
        %lt3A_1320 = arith.cmpi slt, %broadcast_in_dim3A_1317, %lt3A_1319 : vector<16xi32>
        %add3A_1321 = arith.constant 16 : i32
        %add3A_1322 = vector.broadcast %add3A_1321 : i32 to vector<16xi32>
        %add3A_1323 = arith.addi %broadcast_in_dim3A_1317, %add3A_1322 : vector<16xi32>
        %select_n3A_1324 = arith.select %lt3A_1320, %add3A_1323, %broadcast_in_dim3A_1317 : vector<16xi1>, vector<16xi32>
        %broadcast_in_dim3A_1325 = vector.shape_cast %select_n3A_1324 : vector<16xi32> to vector<16x1xi32>
        %gather3A_1326 = vector.shape_cast %broadcast_in_dim3A_1325 : vector<16x1xi32> to vector<16xi32>
        %gather3A_1327 = tpu.dynamic_gather %get3A_1135[%gather3A_1326] in [0] : vector<16xi32>, vector<16xi32> -> vector<16xi32>
        %gather3A_1328 = tpu.vector_load_idx %arg12[%gather3A_1327, %iota3A] : memref<6x16xf32, #tpu.memory_space<vmem>>[vector<16xi32>, vector<16xi32>], vector<16xf32>,
        %add3A_1329 = arith.constant 48 : i32
        %add3A_1330 = arith.addi %mul3A_1133, %add3A_1329 : i32
        %jit3A_1331 = arith.constant 128 : i32
        %div3A_1332 = arith.divsi %add3A_1330, %jit3A_1331 : i32
        %sign3A_1333 = arith.constant 0 : i32
        %sign3A_1334 = arith.cmpi sgt, %add3A_1330, %sign3A_1333 : i32
        %sign3A_1335 = arith.extui %sign3A_1334 : i1 to i32
        %sign3A_1336 = arith.constant 0 : i32
        %sign3A_1337 = arith.cmpi slt, %add3A_1330, %sign3A_1336 : i32
        %sign3A_1338 = arith.extui %sign3A_1337 : i1 to i32
        %sign3A_1339 = arith.subi %sign3A_1335, %sign3A_1338 : i32
        %sign3A_1340 = arith.constant 0 : i32
        %sign3A_1341 = arith.cmpi sgt, %jit3A_1331, %sign3A_1340 : i32
        %sign3A_1342 = arith.extui %sign3A_1341 : i1 to i32
        %sign3A_1343 = arith.constant 0 : i32
        %sign3A_1344 = arith.cmpi slt, %jit3A_1331, %sign3A_1343 : i32
        %sign3A_1345 = arith.extui %sign3A_1344 : i1 to i32
        %sign3A_1346 = arith.subi %sign3A_1342, %sign3A_1345 : i32
        %ne3A_1347 = arith.cmpi ne, %sign3A_1339, %sign3A_1346 : i32
        %rem3A_1348 = arith.remsi %add3A_1330, %jit3A_1331 : i32
        %ne3A_1349 = arith.constant 0 : i32
        %ne3A_1350 = arith.cmpi ne, %rem3A_1348, %ne3A_1349 : i32
        %and3A_1351 = arith.andi %ne3A_1347, %ne3A_1350 : i1
        %sub3A_1352 = arith.constant 1 : i32
        %sub3A_1353 = arith.subi %div3A_1332, %sub3A_1352 : i32
        %select_n3A_1354 = arith.select %and3A_1351, %sub3A_1353, %div3A_1332 : i32
        %jit3A_1355 = arith.constant 128 : i32
        %eq3A_1356 = arith.constant 0 : i32
        %eq3A_1357 = arith.cmpi eq, %jit3A_1355, %eq3A_1356 : i32
        %jit3A_1358 = arith.constant 1 : i32
        %select_n3A_1359 = arith.select %eq3A_1357, %jit3A_1358, %jit3A_1355 : i32
        %rem3A_1360 = arith.remsi %add3A_1330, %select_n3A_1359 : i32
        %ne3A_1361 = arith.constant 0 : i32
        %ne3A_1362 = arith.cmpi ne, %rem3A_1360, %ne3A_1361 : i32
        %lt3A_1363 = arith.constant 0 : i32
        %lt3A_1364 = arith.cmpi slt, %rem3A_1360, %lt3A_1363 : i32
        %lt3A_1365 = arith.constant 0 : i32
        %lt3A_1366 = arith.cmpi slt, %select_n3A_1359, %lt3A_1365 : i32
        %ne3A_1367 = arith.xori %lt3A_1364, %lt3A_1366 : i1
        %and3A_1368 = arith.andi %ne3A_1367, %ne3A_1362 : i1
        %add3A_1369 = arith.addi %rem3A_1360, %select_n3A_1359 : i32
        %select_n3A_1370 = arith.select %and3A_1368, %add3A_1369, %rem3A_1360 : i32
        %swap3A_1371 = arith.index_cast %select_n3A_1354 : i32 to index
        %swap3A_1372 = arith.index_cast %select_n3A_1370 : i32 to index
        %swap3A_1373 = tpu.vector_load %arg8[%swap3A_1371, %swap3A_1372] {strides = array<i32>} : memref<440x128xf32, #tpu.memory_space<vmem>>, vector<16xf32>,
        tpu.vector_store %arg8[%swap3A_1371, %swap3A_1372], %gather3A_1328 {strides = array<i32>} : memref<440x128xf32, #tpu.memory_space<vmem>>, vector<16xf32>,
        %broadcast_in_dim3A_1374 = arith.constant 4 : i32
        %broadcast_in_dim3A_1375 = vector.broadcast %broadcast_in_dim3A_1374 : i32 to vector<16xi32>
        %lt3A_1376 = arith.constant 0 : i32
        %lt3A_1377 = vector.broadcast %lt3A_1376 : i32 to vector<16xi32>
        %lt3A_1378 = arith.cmpi slt, %broadcast_in_dim3A_1375, %lt3A_1377 : vector<16xi32>
        %add3A_1379 = arith.constant 16 : i32
        %add3A_1380 = vector.broadcast %add3A_1379 : i32 to vector<16xi32>
        %add3A_1381 = arith.addi %broadcast_in_dim3A_1375, %add3A_1380 : vector<16xi32>
        %select_n3A_1382 = arith.select %lt3A_1378, %add3A_1381, %broadcast_in_dim3A_1375 : vector<16xi1>, vector<16xi32>
        %broadcast_in_dim3A_1383 = vector.shape_cast %select_n3A_1382 : vector<16xi32> to vector<16x1xi32>
        %gather3A_1384 = vector.shape_cast %broadcast_in_dim3A_1383 : vector<16x1xi32> to vector<16xi32>
        %gather3A_1385 = tpu.dynamic_gather %get3A_1135[%gather3A_1384] in [0] : vector<16xi32>, vector<16xi32> -> vector<16xi32>
        %gather3A_1386 = tpu.vector_load_idx %arg12[%gather3A_1385, %iota3A] : memref<6x16xf32, #tpu.memory_space<vmem>>[vector<16xi32>, vector<16xi32>], vector<16xf32>,
        %add3A_1387 = arith.constant 64 : i32
        %add3A_1388 = arith.addi %mul3A_1133, %add3A_1387 : i32
        %jit3A_1389 = arith.constant 128 : i32
        %div3A_1390 = arith.divsi %add3A_1388, %jit3A_1389 : i32
        %sign3A_1391 = arith.constant 0 : i32
        %sign3A_1392 = arith.cmpi sgt, %add3A_1388, %sign3A_1391 : i32
        %sign3A_1393 = arith.extui %sign3A_1392 : i1 to i32
        %sign3A_1394 = arith.constant 0 : i32
        %sign3A_1395 = arith.cmpi slt, %add3A_1388, %sign3A_1394 : i32
        %sign3A_1396 = arith.extui %sign3A_1395 : i1 to i32
        %sign3A_1397 = arith.subi %sign3A_1393, %sign3A_1396 : i32
        %sign3A_1398 = arith.constant 0 : i32
        %sign3A_1399 = arith.cmpi sgt, %jit3A_1389, %sign3A_1398 : i32
        %sign3A_1400 = arith.extui %sign3A_1399 : i1 to i32
        %sign3A_1401 = arith.constant 0 : i32
        %sign3A_1402 = arith.cmpi slt, %jit3A_1389, %sign3A_1401 : i32
        %sign3A_1403 = arith.extui %sign3A_1402 : i1 to i32
        %sign3A_1404 = arith.subi %sign3A_1400, %sign3A_1403 : i32
        %ne3A_1405 = arith.cmpi ne, %sign3A_1397, %sign3A_1404 : i32
        %rem3A_1406 = arith.remsi %add3A_1388, %jit3A_1389 : i32
        %ne3A_1407 = arith.constant 0 : i32
        %ne3A_1408 = arith.cmpi ne, %rem3A_1406, %ne3A_1407 : i32
        %and3A_1409 = arith.andi %ne3A_1405, %ne3A_1408 : i1
        %sub3A_1410 = arith.constant 1 : i32
        %sub3A_1411 = arith.subi %div3A_1390, %sub3A_1410 : i32
        %select_n3A_1412 = arith.select %and3A_1409, %sub3A_1411, %div3A_1390 : i32
        %jit3A_1413 = arith.constant 128 : i32
        %eq3A_1414 = arith.constant 0 : i32
        %eq3A_1415 = arith.cmpi eq, %jit3A_1413, %eq3A_1414 : i32
        %jit3A_1416 = arith.constant 1 : i32
        %select_n3A_1417 = arith.select %eq3A_1415, %jit3A_1416, %jit3A_1413 : i32
        %rem3A_1418 = arith.remsi %add3A_1388, %select_n3A_1417 : i32
        %ne3A_1419 = arith.constant 0 : i32
        %ne3A_1420 = arith.cmpi ne, %rem3A_1418, %ne3A_1419 : i32
        %lt3A_1421 = arith.constant 0 : i32
        %lt3A_1422 = arith.cmpi slt, %rem3A_1418, %lt3A_1421 : i32
        %lt3A_1423 = arith.constant 0 : i32
        %lt3A_1424 = arith.cmpi slt, %select_n3A_1417, %lt3A_1423 : i32
        %ne3A_1425 = arith.xori %lt3A_1422, %lt3A_1424 : i1
        %and3A_1426 = arith.andi %ne3A_1425, %ne3A_1420 : i1
        %add3A_1427 = arith.addi %rem3A_1418, %select_n3A_1417 : i32
        %select_n3A_1428 = arith.select %and3A_1426, %add3A_1427, %rem3A_1418 : i32
        %swap3A_1429 = arith.index_cast %select_n3A_1412 : i32 to index
        %swap3A_1430 = arith.index_cast %select_n3A_1428 : i32 to index
        %swap3A_1431 = tpu.vector_load %arg8[%swap3A_1429, %swap3A_1430] {strides = array<i32>} : memref<440x128xf32, #tpu.memory_space<vmem>>, vector<16xf32>,
        tpu.vector_store %arg8[%swap3A_1429, %swap3A_1430], %gather3A_1386 {strides = array<i32>} : memref<440x128xf32, #tpu.memory_space<vmem>>, vector<16xf32>,
        %broadcast_in_dim3A_1432 = arith.constant 5 : i32
        %broadcast_in_dim3A_1433 = vector.broadcast %broadcast_in_dim3A_1432 : i32 to vector<16xi32>
        %lt3A_1434 = arith.constant 0 : i32
        %lt3A_1435 = vector.broadcast %lt3A_1434 : i32 to vector<16xi32>
        %lt3A_1436 = arith.cmpi slt, %broadcast_in_dim3A_1433, %lt3A_1435 : vector<16xi32>
        %add3A_1437 = arith.constant 16 : i32
        %add3A_1438 = vector.broadcast %add3A_1437 : i32 to vector<16xi32>
        %add3A_1439 = arith.addi %broadcast_in_dim3A_1433, %add3A_1438 : vector<16xi32>
        %select_n3A_1440 = arith.select %lt3A_1436, %add3A_1439, %broadcast_in_dim3A_1433 : vector<16xi1>, vector<16xi32>
        %broadcast_in_dim3A_1441 = vector.shape_cast %select_n3A_1440 : vector<16xi32> to vector<16x1xi32>
        %gather3A_1442 = vector.shape_cast %broadcast_in_dim3A_1441 : vector<16x1xi32> to vector<16xi32>
        %gather3A_1443 = tpu.dynamic_gather %get3A_1135[%gather3A_1442] in [0] : vector<16xi32>, vector<16xi32> -> vector<16xi32>
        %gather3A_1444 = tpu.vector_load_idx %arg12[%gather3A_1443, %iota3A] : memref<6x16xf32, #tpu.memory_space<vmem>>[vector<16xi32>, vector<16xi32>], vector<16xf32>,
        %add3A_1445 = arith.constant 80 : i32
        %add3A_1446 = arith.addi %mul3A_1133, %add3A_1445 : i32
        %jit3A_1447 = arith.constant 128 : i32
        %div3A_1448 = arith.divsi %add3A_1446, %jit3A_1447 : i32
        %sign3A_1449 = arith.constant 0 : i32
        %sign3A_1450 = arith.cmpi sgt, %add3A_1446, %sign3A_1449 : i32
        %sign3A_1451 = arith.extui %sign3A_1450 : i1 to i32
        %sign3A_1452 = arith.constant 0 : i32
        %sign3A_1453 = arith.cmpi slt, %add3A_1446, %sign3A_1452 : i32
        %sign3A_1454 = arith.extui %sign3A_1453 : i1 to i32
        %sign3A_1455 = arith.subi %sign3A_1451, %sign3A_1454 : i32
        %sign3A_1456 = arith.constant 0 : i32
        %sign3A_1457 = arith.cmpi sgt, %jit3A_1447, %sign3A_1456 : i32
        %sign3A_1458 = arith.extui %sign3A_1457 : i1 to i32
        %sign3A_1459 = arith.constant 0 : i32
        %sign3A_1460 = arith.cmpi slt, %jit3A_1447, %sign3A_1459 : i32
        %sign3A_1461 = arith.extui %sign3A_1460 : i1 to i32
        %sign3A_1462 = arith.subi %sign3A_1458, %sign3A_1461 : i32
        %ne3A_1463 = arith.cmpi ne, %sign3A_1455, %sign3A_1462 : i32
        %rem3A_1464 = arith.remsi %add3A_1446, %jit3A_1447 : i32
        %ne3A_1465 = arith.constant 0 : i32
        %ne3A_1466 = arith.cmpi ne, %rem3A_1464, %ne3A_1465 : i32
        %and3A_1467 = arith.andi %ne3A_1463, %ne3A_1466 : i1
        %sub3A_1468 = arith.constant 1 : i32
        %sub3A_1469 = arith.subi %div3A_1448, %sub3A_1468 : i32
        %select_n3A_1470 = arith.select %and3A_1467, %sub3A_1469, %div3A_1448 : i32
        %jit3A_1471 = arith.constant 128 : i32
        %eq3A_1472 = arith.constant 0 : i32
        %eq3A_1473 = arith.cmpi eq, %jit3A_1471, %eq3A_1472 : i32
        %jit3A_1474 = arith.constant 1 : i32
        %select_n3A_1475 = arith.select %eq3A_1473, %jit3A_1474, %jit3A_1471 : i32
        %rem3A_1476 = arith.remsi %add3A_1446, %select_n3A_1475 : i32
        %ne3A_1477 = arith.constant 0 : i32
        %ne3A_1478 = arith.cmpi ne, %rem3A_1476, %ne3A_1477 : i32
        %lt3A_1479 = arith.constant 0 : i32
        %lt3A_1480 = arith.cmpi slt, %rem3A_1476, %lt3A_1479 : i32
        %lt3A_1481 = arith.constant 0 : i32
        %lt3A_1482 = arith.cmpi slt, %select_n3A_1475, %lt3A_1481 : i32
        %ne3A_1483 = arith.xori %lt3A_1480, %lt3A_1482 : i1
        %and3A_1484 = arith.andi %ne3A_1483, %ne3A_1478 : i1
        %add3A_1485 = arith.addi %rem3A_1476, %select_n3A_1475 : i32
        %select_n3A_1486 = arith.select %and3A_1484, %add3A_1485, %rem3A_1476 : i32
        %swap3A_1487 = arith.index_cast %select_n3A_1470 : i32 to index
        %swap3A_1488 = arith.index_cast %select_n3A_1486 : i32 to index
        %swap3A_1489 = tpu.vector_load %arg8[%swap3A_1487, %swap3A_1488] {strides = array<i32>} : memref<440x128xf32, #tpu.memory_space<vmem>>, vector<16xf32>,
        tpu.vector_store %arg8[%swap3A_1487, %swap3A_1488], %gather3A_1444 {strides = array<i32>} : memref<440x128xf32, #tpu.memory_space<vmem>>, vector<16xf32>,
        %broadcast_in_dim3A_1490 = arith.constant 6 : i32
        %broadcast_in_dim3A_1491 = vector.broadcast %broadcast_in_dim3A_1490 : i32 to vector<16xi32>
        %lt3A_1492 = arith.constant 0 : i32
        %lt3A_1493 = vector.broadcast %lt3A_1492 : i32 to vector<16xi32>
        %lt3A_1494 = arith.cmpi slt, %broadcast_in_dim3A_1491, %lt3A_1493 : vector<16xi32>
        %add3A_1495 = arith.constant 16 : i32
        %add3A_1496 = vector.broadcast %add3A_1495 : i32 to vector<16xi32>
        %add3A_1497 = arith.addi %broadcast_in_dim3A_1491, %add3A_1496 : vector<16xi32>
        %select_n3A_1498 = arith.select %lt3A_1494, %add3A_1497, %broadcast_in_dim3A_1491 : vector<16xi1>, vector<16xi32>
        %broadcast_in_dim3A_1499 = vector.shape_cast %select_n3A_1498 : vector<16xi32> to vector<16x1xi32>
        %gather3A_1500 = vector.shape_cast %broadcast_in_dim3A_1499 : vector<16x1xi32> to vector<16xi32>
        %gather3A_1501 = tpu.dynamic_gather %get3A_1135[%gather3A_1500] in [0] : vector<16xi32>, vector<16xi32> -> vector<16xi32>
        %gather3A_1502 = tpu.vector_load_idx %arg12[%gather3A_1501, %iota3A] : memref<6x16xf32, #tpu.memory_space<vmem>>[vector<16xi32>, vector<16xi32>], vector<16xf32>,
        %add3A_1503 = arith.constant 96 : i32
        %add3A_1504 = arith.addi %mul3A_1133, %add3A_1503 : i32
        %jit3A_1505 = arith.constant 128 : i32
        %div3A_1506 = arith.divsi %add3A_1504, %jit3A_1505 : i32
        %sign3A_1507 = arith.constant 0 : i32
        %sign3A_1508 = arith.cmpi sgt, %add3A_1504, %sign3A_1507 : i32
        %sign3A_1509 = arith.extui %sign3A_1508 : i1 to i32
        %sign3A_1510 = arith.constant 0 : i32
        %sign3A_1511 = arith.cmpi slt, %add3A_1504, %sign3A_1510 : i32
        %sign3A_1512 = arith.extui %sign3A_1511 : i1 to i32
        %sign3A_1513 = arith.subi %sign3A_1509, %sign3A_1512 : i32
        %sign3A_1514 = arith.constant 0 : i32
        %sign3A_1515 = arith.cmpi sgt, %jit3A_1505, %sign3A_1514 : i32
        %sign3A_1516 = arith.extui %sign3A_1515 : i1 to i32
        %sign3A_1517 = arith.constant 0 : i32
        %sign3A_1518 = arith.cmpi slt, %jit3A_1505, %sign3A_1517 : i32
        %sign3A_1519 = arith.extui %sign3A_1518 : i1 to i32
        %sign3A_1520 = arith.subi %sign3A_1516, %sign3A_1519 : i32
        %ne3A_1521 = arith.cmpi ne, %sign3A_1513, %sign3A_1520 : i32
        %rem3A_1522 = arith.remsi %add3A_1504, %jit3A_1505 : i32
        %ne3A_1523 = arith.constant 0 : i32
        %ne3A_1524 = arith.cmpi ne, %rem3A_1522, %ne3A_1523 : i32
        %and3A_1525 = arith.andi %ne3A_1521, %ne3A_1524 : i1
        %sub3A_1526 = arith.constant 1 : i32
        %sub3A_1527 = arith.subi %div3A_1506, %sub3A_1526 : i32
        %select_n3A_1528 = arith.select %and3A_1525, %sub3A_1527, %div3A_1506 : i32
        %jit3A_1529 = arith.constant 128 : i32
        %eq3A_1530 = arith.constant 0 : i32
        %eq3A_1531 = arith.cmpi eq, %jit3A_1529, %eq3A_1530 : i32
        %jit3A_1532 = arith.constant 1 : i32
        %select_n3A_1533 = arith.select %eq3A_1531, %jit3A_1532, %jit3A_1529 : i32
        %rem3A_1534 = arith.remsi %add3A_1504, %select_n3A_1533 : i32
        %ne3A_1535 = arith.constant 0 : i32
        %ne3A_1536 = arith.cmpi ne, %rem3A_1534, %ne3A_1535 : i32
        %lt3A_1537 = arith.constant 0 : i32
        %lt3A_1538 = arith.cmpi slt, %rem3A_1534, %lt3A_1537 : i32
        %lt3A_1539 = arith.constant 0 : i32
        %lt3A_1540 = arith.cmpi slt, %select_n3A_1533, %lt3A_1539 : i32
        %ne3A_1541 = arith.xori %lt3A_1538, %lt3A_1540 : i1
        %and3A_1542 = arith.andi %ne3A_1541, %ne3A_1536 : i1
        %add3A_1543 = arith.addi %rem3A_1534, %select_n3A_1533 : i32
        %select_n3A_1544 = arith.select %and3A_1542, %add3A_1543, %rem3A_1534 : i32
        %swap3A_1545 = arith.index_cast %select_n3A_1528 : i32 to index
        %swap3A_1546 = arith.index_cast %select_n3A_1544 : i32 to index
        %swap3A_1547 = tpu.vector_load %arg8[%swap3A_1545, %swap3A_1546] {strides = array<i32>} : memref<440x128xf32, #tpu.memory_space<vmem>>, vector<16xf32>,
        tpu.vector_store %arg8[%swap3A_1545, %swap3A_1546], %gather3A_1502 {strides = array<i32>} : memref<440x128xf32, #tpu.memory_space<vmem>>, vector<16xf32>,
        %broadcast_in_dim3A_1548 = arith.constant 7 : i32
        %broadcast_in_dim3A_1549 = vector.broadcast %broadcast_in_dim3A_1548 : i32 to vector<16xi32>
        %lt3A_1550 = arith.constant 0 : i32
        %lt3A_1551 = vector.broadcast %lt3A_1550 : i32 to vector<16xi32>
        %lt3A_1552 = arith.cmpi slt, %broadcast_in_dim3A_1549, %lt3A_1551 : vector<16xi32>
        %add3A_1553 = arith.constant 16 : i32
        %add3A_1554 = vector.broadcast %add3A_1553 : i32 to vector<16xi32>
        %add3A_1555 = arith.addi %broadcast_in_dim3A_1549, %add3A_1554 : vector<16xi32>
        %select_n3A_1556 = arith.select %lt3A_1552, %add3A_1555, %broadcast_in_dim3A_1549 : vector<16xi1>, vector<16xi32>
        %broadcast_in_dim3A_1557 = vector.shape_cast %select_n3A_1556 : vector<16xi32> to vector<16x1xi32>
        %gather3A_1558 = vector.shape_cast %broadcast_in_dim3A_1557 : vector<16x1xi32> to vector<16xi32>
        %gather3A_1559 = tpu.dynamic_gather %get3A_1135[%gather3A_1558] in [0] : vector<16xi32>, vector<16xi32> -> vector<16xi32>
        %gather3A_1560 = tpu.vector_load_idx %arg12[%gather3A_1559, %iota3A] : memref<6x16xf32, #tpu.memory_space<vmem>>[vector<16xi32>, vector<16xi32>], vector<16xf32>,
        %add3A_1561 = arith.constant 112 : i32
        %add3A_1562 = arith.addi %mul3A_1133, %add3A_1561 : i32
        %jit3A_1563 = arith.constant 128 : i32
        %div3A_1564 = arith.divsi %add3A_1562, %jit3A_1563 : i32
        %sign3A_1565 = arith.constant 0 : i32
        %sign3A_1566 = arith.cmpi sgt, %add3A_1562, %sign3A_1565 : i32
        %sign3A_1567 = arith.extui %sign3A_1566 : i1 to i32
        %sign3A_1568 = arith.constant 0 : i32
        %sign3A_1569 = arith.cmpi slt, %add3A_1562, %sign3A_1568 : i32
        %sign3A_1570 = arith.extui %sign3A_1569 : i1 to i32
        %sign3A_1571 = arith.subi %sign3A_1567, %sign3A_1570 : i32
        %sign3A_1572 = arith.constant 0 : i32
        %sign3A_1573 = arith.cmpi sgt, %jit3A_1563, %sign3A_1572 : i32
        %sign3A_1574 = arith.extui %sign3A_1573 : i1 to i32
        %sign3A_1575 = arith.constant 0 : i32
        %sign3A_1576 = arith.cmpi slt, %jit3A_1563, %sign3A_1575 : i32
        %sign3A_1577 = arith.extui %sign3A_1576 : i1 to i32
        %sign3A_1578 = arith.subi %sign3A_1574, %sign3A_1577 : i32
        %ne3A_1579 = arith.cmpi ne, %sign3A_1571, %sign3A_1578 : i32
        %rem3A_1580 = arith.remsi %add3A_1562, %jit3A_1563 : i32
        %ne3A_1581 = arith.constant 0 : i32
        %ne3A_1582 = arith.cmpi ne, %rem3A_1580, %ne3A_1581 : i32
        %and3A_1583 = arith.andi %ne3A_1579, %ne3A_1582 : i1
        %sub3A_1584 = arith.constant 1 : i32
        %sub3A_1585 = arith.subi %div3A_1564, %sub3A_1584 : i32
        %select_n3A_1586 = arith.select %and3A_1583, %sub3A_1585, %div3A_1564 : i32
        %jit3A_1587 = arith.constant 128 : i32
        %eq3A_1588 = arith.constant 0 : i32
        %eq3A_1589 = arith.cmpi eq, %jit3A_1587, %eq3A_1588 : i32
        %jit3A_1590 = arith.constant 1 : i32
        %select_n3A_1591 = arith.select %eq3A_1589, %jit3A_1590, %jit3A_1587 : i32
        %rem3A_1592 = arith.remsi %add3A_1562, %select_n3A_1591 : i32
        %ne3A_1593 = arith.constant 0 : i32
        %ne3A_1594 = arith.cmpi ne, %rem3A_1592, %ne3A_1593 : i32
        %lt3A_1595 = arith.constant 0 : i32
        %lt3A_1596 = arith.cmpi slt, %rem3A_1592, %lt3A_1595 : i32
        %lt3A_1597 = arith.constant 0 : i32
        %lt3A_1598 = arith.cmpi slt, %select_n3A_1591, %lt3A_1597 : i32
        %ne3A_1599 = arith.xori %lt3A_1596, %lt3A_1598 : i1
        %and3A_1600 = arith.andi %ne3A_1599, %ne3A_1594 : i1
        %add3A_1601 = arith.addi %rem3A_1592, %select_n3A_1591 : i32
        %select_n3A_1602 = arith.select %and3A_1600, %add3A_1601, %rem3A_1592 : i32
        %swap3A_1603 = arith.index_cast %select_n3A_1586 : i32 to index
        %swap3A_1604 = arith.index_cast %select_n3A_1602 : i32 to index
        %swap3A_1605 = tpu.vector_load %arg8[%swap3A_1603, %swap3A_1604] {strides = array<i32>} : memref<440x128xf32, #tpu.memory_space<vmem>>, vector<16xf32>,
        tpu.vector_store %arg8[%swap3A_1603, %swap3A_1604], %gather3A_1560 {strides = array<i32>} : memref<440x128xf32, #tpu.memory_space<vmem>>, vector<16xf32>,
        %broadcast_in_dim3A_1606 = arith.constant 8 : i32
        %broadcast_in_dim3A_1607 = vector.broadcast %broadcast_in_dim3A_1606 : i32 to vector<16xi32>
        %lt3A_1608 = arith.constant 0 : i32
        %lt3A_1609 = vector.broadcast %lt3A_1608 : i32 to vector<16xi32>
        %lt3A_1610 = arith.cmpi slt, %broadcast_in_dim3A_1607, %lt3A_1609 : vector<16xi32>
        %add3A_1611 = arith.constant 16 : i32
        %add3A_1612 = vector.broadcast %add3A_1611 : i32 to vector<16xi32>
        %add3A_1613 = arith.addi %broadcast_in_dim3A_1607, %add3A_1612 : vector<16xi32>
        %select_n3A_1614 = arith.select %lt3A_1610, %add3A_1613, %broadcast_in_dim3A_1607 : vector<16xi1>, vector<16xi32>
        %broadcast_in_dim3A_1615 = vector.shape_cast %select_n3A_1614 : vector<16xi32> to vector<16x1xi32>
        %gather3A_1616 = vector.shape_cast %broadcast_in_dim3A_1615 : vector<16x1xi32> to vector<16xi32>
        %gather3A_1617 = tpu.dynamic_gather %get3A_1135[%gather3A_1616] in [0] : vector<16xi32>, vector<16xi32> -> vector<16xi32>
        %gather3A_1618 = tpu.vector_load_idx %arg12[%gather3A_1617, %iota3A] : memref<6x16xf32, #tpu.memory_space<vmem>>[vector<16xi32>, vector<16xi32>], vector<16xf32>,
        %add3A_1619 = arith.constant 128 : i32
        %add3A_1620 = arith.addi %mul3A_1133, %add3A_1619 : i32
        %jit3A_1621 = arith.constant 128 : i32
        %div3A_1622 = arith.divsi %add3A_1620, %jit3A_1621 : i32
        %sign3A_1623 = arith.constant 0 : i32
        %sign3A_1624 = arith.cmpi sgt, %add3A_1620, %sign3A_1623 : i32
        %sign3A_1625 = arith.extui %sign3A_1624 : i1 to i32
        %sign3A_1626 = arith.constant 0 : i32
        %sign3A_1627 = arith.cmpi slt, %add3A_1620, %sign3A_1626 : i32
        %sign3A_1628 = arith.extui %sign3A_1627 : i1 to i32
        %sign3A_1629 = arith.subi %sign3A_1625, %sign3A_1628 : i32
        %sign3A_1630 = arith.constant 0 : i32
        %sign3A_1631 = arith.cmpi sgt, %jit3A_1621, %sign3A_1630 : i32
        %sign3A_1632 = arith.extui %sign3A_1631 : i1 to i32
        %sign3A_1633 = arith.constant 0 : i32
        %sign3A_1634 = arith.cmpi slt, %jit3A_1621, %sign3A_1633 : i32
        %sign3A_1635 = arith.extui %sign3A_1634 : i1 to i32
        %sign3A_1636 = arith.subi %sign3A_1632, %sign3A_1635 : i32
        %ne3A_1637 = arith.cmpi ne, %sign3A_1629, %sign3A_1636 : i32
        %rem3A_1638 = arith.remsi %add3A_1620, %jit3A_1621 : i32
        %ne3A_1639 = arith.constant 0 : i32
        %ne3A_1640 = arith.cmpi ne, %rem3A_1638, %ne3A_1639 : i32
        %and3A_1641 = arith.andi %ne3A_1637, %ne3A_1640 : i1
        %sub3A_1642 = arith.constant 1 : i32
        %sub3A_1643 = arith.subi %div3A_1622, %sub3A_1642 : i32
        %select_n3A_1644 = arith.select %and3A_1641, %sub3A_1643, %div3A_1622 : i32
        %jit3A_1645 = arith.constant 128 : i32
        %eq3A_1646 = arith.constant 0 : i32
        %eq3A_1647 = arith.cmpi eq, %jit3A_1645, %eq3A_1646 : i32
        %jit3A_1648 = arith.constant 1 : i32
        %select_n3A_1649 = arith.select %eq3A_1647, %jit3A_1648, %jit3A_1645 : i32
        %rem3A_1650 = arith.remsi %add3A_1620, %select_n3A_1649 : i32
        %ne3A_1651 = arith.constant 0 : i32
        %ne3A_1652 = arith.cmpi ne, %rem3A_1650, %ne3A_1651 : i32
        %lt3A_1653 = arith.constant 0 : i32
        %lt3A_1654 = arith.cmpi slt, %rem3A_1650, %lt3A_1653 : i32
        %lt3A_1655 = arith.constant 0 : i32
        %lt3A_1656 = arith.cmpi slt, %select_n3A_1649, %lt3A_1655 : i32
        %ne3A_1657 = arith.xori %lt3A_1654, %lt3A_1656 : i1
        %and3A_1658 = arith.andi %ne3A_1657, %ne3A_1652 : i1
        %add3A_1659 = arith.addi %rem3A_1650, %select_n3A_1649 : i32
        %select_n3A_1660 = arith.select %and3A_1658, %add3A_1659, %rem3A_1650 : i32
        %swap3A_1661 = arith.index_cast %select_n3A_1644 : i32 to index
        %swap3A_1662 = arith.index_cast %select_n3A_1660 : i32 to index
        %swap3A_1663 = tpu.vector_load %arg8[%swap3A_1661, %swap3A_1662] {strides = array<i32>} : memref<440x128xf32, #tpu.memory_space<vmem>>, vector<16xf32>,
        tpu.vector_store %arg8[%swap3A_1661, %swap3A_1662], %gather3A_1618 {strides = array<i32>} : memref<440x128xf32, #tpu.memory_space<vmem>>, vector<16xf32>,
        %broadcast_in_dim3A_1664 = arith.constant 9 : i32
        %broadcast_in_dim3A_1665 = vector.broadcast %broadcast_in_dim3A_1664 : i32 to vector<16xi32>
        %lt3A_1666 = arith.constant 0 : i32
        %lt3A_1667 = vector.broadcast %lt3A_1666 : i32 to vector<16xi32>
        %lt3A_1668 = arith.cmpi slt, %broadcast_in_dim3A_1665, %lt3A_1667 : vector<16xi32>
        %add3A_1669 = arith.constant 16 : i32
        %add3A_1670 = vector.broadcast %add3A_1669 : i32 to vector<16xi32>
        %add3A_1671 = arith.addi %broadcast_in_dim3A_1665, %add3A_1670 : vector<16xi32>
        %select_n3A_1672 = arith.select %lt3A_1668, %add3A_1671, %broadcast_in_dim3A_1665 : vector<16xi1>, vector<16xi32>
        %broadcast_in_dim3A_1673 = vector.shape_cast %select_n3A_1672 : vector<16xi32> to vector<16x1xi32>
        %gather3A_1674 = vector.shape_cast %broadcast_in_dim3A_1673 : vector<16x1xi32> to vector<16xi32>
        %gather3A_1675 = tpu.dynamic_gather %get3A_1135[%gather3A_1674] in [0] : vector<16xi32>, vector<16xi32> -> vector<16xi32>
        %gather3A_1676 = tpu.vector_load_idx %arg12[%gather3A_1675, %iota3A] : memref<6x16xf32, #tpu.memory_space<vmem>>[vector<16xi32>, vector<16xi32>], vector<16xf32>,
        %add3A_1677 = arith.constant 144 : i32
        %add3A_1678 = arith.addi %mul3A_1133, %add3A_1677 : i32
        %jit3A_1679 = arith.constant 128 : i32
        %div3A_1680 = arith.divsi %add3A_1678, %jit3A_1679 : i32
        %sign3A_1681 = arith.constant 0 : i32
        %sign3A_1682 = arith.cmpi sgt, %add3A_1678, %sign3A_1681 : i32
        %sign3A_1683 = arith.extui %sign3A_1682 : i1 to i32
        %sign3A_1684 = arith.constant 0 : i32
        %sign3A_1685 = arith.cmpi slt, %add3A_1678, %sign3A_1684 : i32
        %sign3A_1686 = arith.extui %sign3A_1685 : i1 to i32
        %sign3A_1687 = arith.subi %sign3A_1683, %sign3A_1686 : i32
        %sign3A_1688 = arith.constant 0 : i32
        %sign3A_1689 = arith.cmpi sgt, %jit3A_1679, %sign3A_1688 : i32
        %sign3A_1690 = arith.extui %sign3A_1689 : i1 to i32
        %sign3A_1691 = arith.constant 0 : i32
        %sign3A_1692 = arith.cmpi slt, %jit3A_1679, %sign3A_1691 : i32
        %sign3A_1693 = arith.extui %sign3A_1692 : i1 to i32
        %sign3A_1694 = arith.subi %sign3A_1690, %sign3A_1693 : i32
        %ne3A_1695 = arith.cmpi ne, %sign3A_1687, %sign3A_1694 : i32
        %rem3A_1696 = arith.remsi %add3A_1678, %jit3A_1679 : i32
        %ne3A_1697 = arith.constant 0 : i32
        %ne3A_1698 = arith.cmpi ne, %rem3A_1696, %ne3A_1697 : i32
        %and3A_1699 = arith.andi %ne3A_1695, %ne3A_1698 : i1
        %sub3A_1700 = arith.constant 1 : i32
        %sub3A_1701 = arith.subi %div3A_1680, %sub3A_1700 : i32
        %select_n3A_1702 = arith.select %and3A_1699, %sub3A_1701, %div3A_1680 : i32
        %jit3A_1703 = arith.constant 128 : i32
        %eq3A_1704 = arith.constant 0 : i32
        %eq3A_1705 = arith.cmpi eq, %jit3A_1703, %eq3A_1704 : i32
        %jit3A_1706 = arith.constant 1 : i32
        %select_n3A_1707 = arith.select %eq3A_1705, %jit3A_1706, %jit3A_1703 : i32
        %rem3A_1708 = arith.remsi %add3A_1678, %select_n3A_1707 : i32
        %ne3A_1709 = arith.constant 0 : i32
        %ne3A_1710 = arith.cmpi ne, %rem3A_1708, %ne3A_1709 : i32
        %lt3A_1711 = arith.constant 0 : i32
        %lt3A_1712 = arith.cmpi slt, %rem3A_1708, %lt3A_1711 : i32
        %lt3A_1713 = arith.constant 0 : i32
        %lt3A_1714 = arith.cmpi slt, %select_n3A_1707, %lt3A_1713 : i32
        %ne3A_1715 = arith.xori %lt3A_1712, %lt3A_1714 : i1
        %and3A_1716 = arith.andi %ne3A_1715, %ne3A_1710 : i1
        %add3A_1717 = arith.addi %rem3A_1708, %select_n3A_1707 : i32
        %select_n3A_1718 = arith.select %and3A_1716, %add3A_1717, %rem3A_1708 : i32
        %swap3A_1719 = arith.index_cast %select_n3A_1702 : i32 to index
        %swap3A_1720 = arith.index_cast %select_n3A_1718 : i32 to index
        %swap3A_1721 = tpu.vector_load %arg8[%swap3A_1719, %swap3A_1720] {strides = array<i32>} : memref<440x128xf32, #tpu.memory_space<vmem>>, vector<16xf32>,
        tpu.vector_store %arg8[%swap3A_1719, %swap3A_1720], %gather3A_1676 {strides = array<i32>} : memref<440x128xf32, #tpu.memory_space<vmem>>, vector<16xf32>,
        %broadcast_in_dim3A_1722 = arith.constant 10 : i32
        %broadcast_in_dim3A_1723 = vector.broadcast %broadcast_in_dim3A_1722 : i32 to vector<16xi32>
        %lt3A_1724 = arith.constant 0 : i32
        %lt3A_1725 = vector.broadcast %lt3A_1724 : i32 to vector<16xi32>
        %lt3A_1726 = arith.cmpi slt, %broadcast_in_dim3A_1723, %lt3A_1725 : vector<16xi32>
        %add3A_1727 = arith.constant 16 : i32
        %add3A_1728 = vector.broadcast %add3A_1727 : i32 to vector<16xi32>
        %add3A_1729 = arith.addi %broadcast_in_dim3A_1723, %add3A_1728 : vector<16xi32>
        %select_n3A_1730 = arith.select %lt3A_1726, %add3A_1729, %broadcast_in_dim3A_1723 : vector<16xi1>, vector<16xi32>
        %broadcast_in_dim3A_1731 = vector.shape_cast %select_n3A_1730 : vector<16xi32> to vector<16x1xi32>
        %gather3A_1732 = vector.shape_cast %broadcast_in_dim3A_1731 : vector<16x1xi32> to vector<16xi32>
        %gather3A_1733 = tpu.dynamic_gather %get3A_1135[%gather3A_1732] in [0] : vector<16xi32>, vector<16xi32> -> vector<16xi32>
        %gather3A_1734 = tpu.vector_load_idx %arg12[%gather3A_1733, %iota3A] : memref<6x16xf32, #tpu.memory_space<vmem>>[vector<16xi32>, vector<16xi32>], vector<16xf32>,
        %add3A_1735 = arith.constant 160 : i32
        %add3A_1736 = arith.addi %mul3A_1133, %add3A_1735 : i32
        %jit3A_1737 = arith.constant 128 : i32
        %div3A_1738 = arith.divsi %add3A_1736, %jit3A_1737 : i32
        %sign3A_1739 = arith.constant 0 : i32
        %sign3A_1740 = arith.cmpi sgt, %add3A_1736, %sign3A_1739 : i32
        %sign3A_1741 = arith.extui %sign3A_1740 : i1 to i32
        %sign3A_1742 = arith.constant 0 : i32
        %sign3A_1743 = arith.cmpi slt, %add3A_1736, %sign3A_1742 : i32
        %sign3A_1744 = arith.extui %sign3A_1743 : i1 to i32
        %sign3A_1745 = arith.subi %sign3A_1741, %sign3A_1744 : i32
        %sign3A_1746 = arith.constant 0 : i32
        %sign3A_1747 = arith.cmpi sgt, %jit3A_1737, %sign3A_1746 : i32
        %sign3A_1748 = arith.extui %sign3A_1747 : i1 to i32
        %sign3A_1749 = arith.constant 0 : i32
        %sign3A_1750 = arith.cmpi slt, %jit3A_1737, %sign3A_1749 : i32
        %sign3A_1751 = arith.extui %sign3A_1750 : i1 to i32
        %sign3A_1752 = arith.subi %sign3A_1748, %sign3A_1751 : i32
        %ne3A_1753 = arith.cmpi ne, %sign3A_1745, %sign3A_1752 : i32
        %rem3A_1754 = arith.remsi %add3A_1736, %jit3A_1737 : i32
        %ne3A_1755 = arith.constant 0 : i32
        %ne3A_1756 = arith.cmpi ne, %rem3A_1754, %ne3A_1755 : i32
        %and3A_1757 = arith.andi %ne3A_1753, %ne3A_1756 : i1
        %sub3A_1758 = arith.constant 1 : i32
        %sub3A_1759 = arith.subi %div3A_1738, %sub3A_1758 : i32
        %select_n3A_1760 = arith.select %and3A_1757, %sub3A_1759, %div3A_1738 : i32
        %jit3A_1761 = arith.constant 128 : i32
        %eq3A_1762 = arith.constant 0 : i32
        %eq3A_1763 = arith.cmpi eq, %jit3A_1761, %eq3A_1762 : i32
        %jit3A_1764 = arith.constant 1 : i32
        %select_n3A_1765 = arith.select %eq3A_1763, %jit3A_1764, %jit3A_1761 : i32
        %rem3A_1766 = arith.remsi %add3A_1736, %select_n3A_1765 : i32
        %ne3A_1767 = arith.constant 0 : i32
        %ne3A_1768 = arith.cmpi ne, %rem3A_1766, %ne3A_1767 : i32
        %lt3A_1769 = arith.constant 0 : i32
        %lt3A_1770 = arith.cmpi slt, %rem3A_1766, %lt3A_1769 : i32
        %lt3A_1771 = arith.constant 0 : i32
        %lt3A_1772 = arith.cmpi slt, %select_n3A_1765, %lt3A_1771 : i32
        %ne3A_1773 = arith.xori %lt3A_1770, %lt3A_1772 : i1
        %and3A_1774 = arith.andi %ne3A_1773, %ne3A_1768 : i1
        %add3A_1775 = arith.addi %rem3A_1766, %select_n3A_1765 : i32
        %select_n3A_1776 = arith.select %and3A_1774, %add3A_1775, %rem3A_1766 : i32
        %swap3A_1777 = arith.index_cast %select_n3A_1760 : i32 to index
        %swap3A_1778 = arith.index_cast %select_n3A_1776 : i32 to index
        %swap3A_1779 = tpu.vector_load %arg8[%swap3A_1777, %swap3A_1778] {strides = array<i32>} : memref<440x128xf32, #tpu.memory_space<vmem>>, vector<16xf32>,
        tpu.vector_store %arg8[%swap3A_1777, %swap3A_1778], %gather3A_1734 {strides = array<i32>} : memref<440x128xf32, #tpu.memory_space<vmem>>, vector<16xf32>,
        %broadcast_in_dim3A_1780 = arith.constant 11 : i32
        %broadcast_in_dim3A_1781 = vector.broadcast %broadcast_in_dim3A_1780 : i32 to vector<16xi32>
        %lt3A_1782 = arith.constant 0 : i32
        %lt3A_1783 = vector.broadcast %lt3A_1782 : i32 to vector<16xi32>
        %lt3A_1784 = arith.cmpi slt, %broadcast_in_dim3A_1781, %lt3A_1783 : vector<16xi32>
        %add3A_1785 = arith.constant 16 : i32
        %add3A_1786 = vector.broadcast %add3A_1785 : i32 to vector<16xi32>
        %add3A_1787 = arith.addi %broadcast_in_dim3A_1781, %add3A_1786 : vector<16xi32>
        %select_n3A_1788 = arith.select %lt3A_1784, %add3A_1787, %broadcast_in_dim3A_1781 : vector<16xi1>, vector<16xi32>
        %broadcast_in_dim3A_1789 = vector.shape_cast %select_n3A_1788 : vector<16xi32> to vector<16x1xi32>
        %gather3A_1790 = vector.shape_cast %broadcast_in_dim3A_1789 : vector<16x1xi32> to vector<16xi32>
        %gather3A_1791 = tpu.dynamic_gather %get3A_1135[%gather3A_1790] in [0] : vector<16xi32>, vector<16xi32> -> vector<16xi32>
        %gather3A_1792 = tpu.vector_load_idx %arg12[%gather3A_1791, %iota3A] : memref<6x16xf32, #tpu.memory_space<vmem>>[vector<16xi32>, vector<16xi32>], vector<16xf32>,
        %add3A_1793 = arith.constant 176 : i32
        %add3A_1794 = arith.addi %mul3A_1133, %add3A_1793 : i32
        %jit3A_1795 = arith.constant 128 : i32
        %div3A_1796 = arith.divsi %add3A_1794, %jit3A_1795 : i32
        %sign3A_1797 = arith.constant 0 : i32
        %sign3A_1798 = arith.cmpi sgt, %add3A_1794, %sign3A_1797 : i32
        %sign3A_1799 = arith.extui %sign3A_1798 : i1 to i32
        %sign3A_1800 = arith.constant 0 : i32
        %sign3A_1801 = arith.cmpi slt, %add3A_1794, %sign3A_1800 : i32
        %sign3A_1802 = arith.extui %sign3A_1801 : i1 to i32
        %sign3A_1803 = arith.subi %sign3A_1799, %sign3A_1802 : i32
        %sign3A_1804 = arith.constant 0 : i32
        %sign3A_1805 = arith.cmpi sgt, %jit3A_1795, %sign3A_1804 : i32
        %sign3A_1806 = arith.extui %sign3A_1805 : i1 to i32
        %sign3A_1807 = arith.constant 0 : i32
        %sign3A_1808 = arith.cmpi slt, %jit3A_1795, %sign3A_1807 : i32
        %sign3A_1809 = arith.extui %sign3A_1808 : i1 to i32
        %sign3A_1810 = arith.subi %sign3A_1806, %sign3A_1809 : i32
        %ne3A_1811 = arith.cmpi ne, %sign3A_1803, %sign3A_1810 : i32
        %rem3A_1812 = arith.remsi %add3A_1794, %jit3A_1795 : i32
        %ne3A_1813 = arith.constant 0 : i32
        %ne3A_1814 = arith.cmpi ne, %rem3A_1812, %ne3A_1813 : i32
        %and3A_1815 = arith.andi %ne3A_1811, %ne3A_1814 : i1
        %sub3A_1816 = arith.constant 1 : i32
        %sub3A_1817 = arith.subi %div3A_1796, %sub3A_1816 : i32
        %select_n3A_1818 = arith.select %and3A_1815, %sub3A_1817, %div3A_1796 : i32
        %jit3A_1819 = arith.constant 128 : i32
        %eq3A_1820 = arith.constant 0 : i32
        %eq3A_1821 = arith.cmpi eq, %jit3A_1819, %eq3A_1820 : i32
        %jit3A_1822 = arith.constant 1 : i32
        %select_n3A_1823 = arith.select %eq3A_1821, %jit3A_1822, %jit3A_1819 : i32
        %rem3A_1824 = arith.remsi %add3A_1794, %select_n3A_1823 : i32
        %ne3A_1825 = arith.constant 0 : i32
        %ne3A_1826 = arith.cmpi ne, %rem3A_1824, %ne3A_1825 : i32
        %lt3A_1827 = arith.constant 0 : i32
        %lt3A_1828 = arith.cmpi slt, %rem3A_1824, %lt3A_1827 : i32
        %lt3A_1829 = arith.constant 0 : i32
        %lt3A_1830 = arith.cmpi slt, %select_n3A_1823, %lt3A_1829 : i32
        %ne3A_1831 = arith.xori %lt3A_1828, %lt3A_1830 : i1
        %and3A_1832 = arith.andi %ne3A_1831, %ne3A_1826 : i1
        %add3A_1833 = arith.addi %rem3A_1824, %select_n3A_1823 : i32
        %select_n3A_1834 = arith.select %and3A_1832, %add3A_1833, %rem3A_1824 : i32
        %swap3A_1835 = arith.index_cast %select_n3A_1818 : i32 to index
        %swap3A_1836 = arith.index_cast %select_n3A_1834 : i32 to index
        %swap3A_1837 = tpu.vector_load %arg8[%swap3A_1835, %swap3A_1836] {strides = array<i32>} : memref<440x128xf32, #tpu.memory_space<vmem>>, vector<16xf32>,
        tpu.vector_store %arg8[%swap3A_1835, %swap3A_1836], %gather3A_1792 {strides = array<i32>} : memref<440x128xf32, #tpu.memory_space<vmem>>, vector<16xf32>,
        %broadcast_in_dim3A_1838 = arith.constant 12 : i32
        %broadcast_in_dim3A_1839 = vector.broadcast %broadcast_in_dim3A_1838 : i32 to vector<16xi32>
        %lt3A_1840 = arith.constant 0 : i32
        %lt3A_1841 = vector.broadcast %lt3A_1840 : i32 to vector<16xi32>
        %lt3A_1842 = arith.cmpi slt, %broadcast_in_dim3A_1839, %lt3A_1841 : vector<16xi32>
        %add3A_1843 = arith.constant 16 : i32
        %add3A_1844 = vector.broadcast %add3A_1843 : i32 to vector<16xi32>
        %add3A_1845 = arith.addi %broadcast_in_dim3A_1839, %add3A_1844 : vector<16xi32>
        %select_n3A_1846 = arith.select %lt3A_1842, %add3A_1845, %broadcast_in_dim3A_1839 : vector<16xi1>, vector<16xi32>
        %broadcast_in_dim3A_1847 = vector.shape_cast %select_n3A_1846 : vector<16xi32> to vector<16x1xi32>
        %gather3A_1848 = vector.shape_cast %broadcast_in_dim3A_1847 : vector<16x1xi32> to vector<16xi32>
        %gather3A_1849 = tpu.dynamic_gather %get3A_1135[%gather3A_1848] in [0] : vector<16xi32>, vector<16xi32> -> vector<16xi32>
        %gather3A_1850 = tpu.vector_load_idx %arg12[%gather3A_1849, %iota3A] : memref<6x16xf32, #tpu.memory_space<vmem>>[vector<16xi32>, vector<16xi32>], vector<16xf32>,
        %add3A_1851 = arith.constant 192 : i32
        %add3A_1852 = arith.addi %mul3A_1133, %add3A_1851 : i32
        %jit3A_1853 = arith.constant 128 : i32
        %div3A_1854 = arith.divsi %add3A_1852, %jit3A_1853 : i32
        %sign3A_1855 = arith.constant 0 : i32
        %sign3A_1856 = arith.cmpi sgt, %add3A_1852, %sign3A_1855 : i32
        %sign3A_1857 = arith.extui %sign3A_1856 : i1 to i32
        %sign3A_1858 = arith.constant 0 : i32
        %sign3A_1859 = arith.cmpi slt, %add3A_1852, %sign3A_1858 : i32
        %sign3A_1860 = arith.extui %sign3A_1859 : i1 to i32
        %sign3A_1861 = arith.subi %sign3A_1857, %sign3A_1860 : i32
        %sign3A_1862 = arith.constant 0 : i32
        %sign3A_1863 = arith.cmpi sgt, %jit3A_1853, %sign3A_1862 : i32
        %sign3A_1864 = arith.extui %sign3A_1863 : i1 to i32
        %sign3A_1865 = arith.constant 0 : i32
        %sign3A_1866 = arith.cmpi slt, %jit3A_1853, %sign3A_1865 : i32
        %sign3A_1867 = arith.extui %sign3A_1866 : i1 to i32
        %sign3A_1868 = arith.subi %sign3A_1864, %sign3A_1867 : i32
        %ne3A_1869 = arith.cmpi ne, %sign3A_1861, %sign3A_1868 : i32
        %rem3A_1870 = arith.remsi %add3A_1852, %jit3A_1853 : i32
        %ne3A_1871 = arith.constant 0 : i32
        %ne3A_1872 = arith.cmpi ne, %rem3A_1870, %ne3A_1871 : i32
        %and3A_1873 = arith.andi %ne3A_1869, %ne3A_1872 : i1
        %sub3A_1874 = arith.constant 1 : i32
        %sub3A_1875 = arith.subi %div3A_1854, %sub3A_1874 : i32
        %select_n3A_1876 = arith.select %and3A_1873, %sub3A_1875, %div3A_1854 : i32
        %jit3A_1877 = arith.constant 128 : i32
        %eq3A_1878 = arith.constant 0 : i32
        %eq3A_1879 = arith.cmpi eq, %jit3A_1877, %eq3A_1878 : i32
        %jit3A_1880 = arith.constant 1 : i32
        %select_n3A_1881 = arith.select %eq3A_1879, %jit3A_1880, %jit3A_1877 : i32
        %rem3A_1882 = arith.remsi %add3A_1852, %select_n3A_1881 : i32
        %ne3A_1883 = arith.constant 0 : i32
        %ne3A_1884 = arith.cmpi ne, %rem3A_1882, %ne3A_1883 : i32
        %lt3A_1885 = arith.constant 0 : i32
        %lt3A_1886 = arith.cmpi slt, %rem3A_1882, %lt3A_1885 : i32
        %lt3A_1887 = arith.constant 0 : i32
        %lt3A_1888 = arith.cmpi slt, %select_n3A_1881, %lt3A_1887 : i32
        %ne3A_1889 = arith.xori %lt3A_1886, %lt3A_1888 : i1
        %and3A_1890 = arith.andi %ne3A_1889, %ne3A_1884 : i1
        %add3A_1891 = arith.addi %rem3A_1882, %select_n3A_1881 : i32
        %select_n3A_1892 = arith.select %and3A_1890, %add3A_1891, %rem3A_1882 : i32
        %swap3A_1893 = arith.index_cast %select_n3A_1876 : i32 to index
        %swap3A_1894 = arith.index_cast %select_n3A_1892 : i32 to index
        %swap3A_1895 = tpu.vector_load %arg8[%swap3A_1893, %swap3A_1894] {strides = array<i32>} : memref<440x128xf32, #tpu.memory_space<vmem>>, vector<16xf32>,
        tpu.vector_store %arg8[%swap3A_1893, %swap3A_1894], %gather3A_1850 {strides = array<i32>} : memref<440x128xf32, #tpu.memory_space<vmem>>, vector<16xf32>,
        %broadcast_in_dim3A_1896 = arith.constant 13 : i32
        %broadcast_in_dim3A_1897 = vector.broadcast %broadcast_in_dim3A_1896 : i32 to vector<16xi32>
        %lt3A_1898 = arith.constant 0 : i32
        %lt3A_1899 = vector.broadcast %lt3A_1898 : i32 to vector<16xi32>
        %lt3A_1900 = arith.cmpi slt, %broadcast_in_dim3A_1897, %lt3A_1899 : vector<16xi32>
        %add3A_1901 = arith.constant 16 : i32
        %add3A_1902 = vector.broadcast %add3A_1901 : i32 to vector<16xi32>
        %add3A_1903 = arith.addi %broadcast_in_dim3A_1897, %add3A_1902 : vector<16xi32>
        %select_n3A_1904 = arith.select %lt3A_1900, %add3A_1903, %broadcast_in_dim3A_1897 : vector<16xi1>, vector<16xi32>
        %broadcast_in_dim3A_1905 = vector.shape_cast %select_n3A_1904 : vector<16xi32> to vector<16x1xi32>
        %gather3A_1906 = vector.shape_cast %broadcast_in_dim3A_1905 : vector<16x1xi32> to vector<16xi32>
        %gather3A_1907 = tpu.dynamic_gather %get3A_1135[%gather3A_1906] in [0] : vector<16xi32>, vector<16xi32> -> vector<16xi32>
        %gather3A_1908 = tpu.vector_load_idx %arg12[%gather3A_1907, %iota3A] : memref<6x16xf32, #tpu.memory_space<vmem>>[vector<16xi32>, vector<16xi32>], vector<16xf32>,
        %add3A_1909 = arith.constant 208 : i32
        %add3A_1910 = arith.addi %mul3A_1133, %add3A_1909 : i32
        %jit3A_1911 = arith.constant 128 : i32
        %div3A_1912 = arith.divsi %add3A_1910, %jit3A_1911 : i32
        %sign3A_1913 = arith.constant 0 : i32
        %sign3A_1914 = arith.cmpi sgt, %add3A_1910, %sign3A_1913 : i32
        %sign3A_1915 = arith.extui %sign3A_1914 : i1 to i32
        %sign3A_1916 = arith.constant 0 : i32
        %sign3A_1917 = arith.cmpi slt, %add3A_1910, %sign3A_1916 : i32
        %sign3A_1918 = arith.extui %sign3A_1917 : i1 to i32
        %sign3A_1919 = arith.subi %sign3A_1915, %sign3A_1918 : i32
        %sign3A_1920 = arith.constant 0 : i32
        %sign3A_1921 = arith.cmpi sgt, %jit3A_1911, %sign3A_1920 : i32
        %sign3A_1922 = arith.extui %sign3A_1921 : i1 to i32
        %sign3A_1923 = arith.constant 0 : i32
        %sign3A_1924 = arith.cmpi slt, %jit3A_1911, %sign3A_1923 : i32
        %sign3A_1925 = arith.extui %sign3A_1924 : i1 to i32
        %sign3A_1926 = arith.subi %sign3A_1922, %sign3A_1925 : i32
        %ne3A_1927 = arith.cmpi ne, %sign3A_1919, %sign3A_1926 : i32
        %rem3A_1928 = arith.remsi %add3A_1910, %jit3A_1911 : i32
        %ne3A_1929 = arith.constant 0 : i32
        %ne3A_1930 = arith.cmpi ne, %rem3A_1928, %ne3A_1929 : i32
        %and3A_1931 = arith.andi %ne3A_1927, %ne3A_1930 : i1
        %sub3A_1932 = arith.constant 1 : i32
        %sub3A_1933 = arith.subi %div3A_1912, %sub3A_1932 : i32
        %select_n3A_1934 = arith.select %and3A_1931, %sub3A_1933, %div3A_1912 : i32
        %jit3A_1935 = arith.constant 128 : i32
        %eq3A_1936 = arith.constant 0 : i32
        %eq3A_1937 = arith.cmpi eq, %jit3A_1935, %eq3A_1936 : i32
        %jit3A_1938 = arith.constant 1 : i32
        %select_n3A_1939 = arith.select %eq3A_1937, %jit3A_1938, %jit3A_1935 : i32
        %rem3A_1940 = arith.remsi %add3A_1910, %select_n3A_1939 : i32
        %ne3A_1941 = arith.constant 0 : i32
        %ne3A_1942 = arith.cmpi ne, %rem3A_1940, %ne3A_1941 : i32
        %lt3A_1943 = arith.constant 0 : i32
        %lt3A_1944 = arith.cmpi slt, %rem3A_1940, %lt3A_1943 : i32
        %lt3A_1945 = arith.constant 0 : i32
        %lt3A_1946 = arith.cmpi slt, %select_n3A_1939, %lt3A_1945 : i32
        %ne3A_1947 = arith.xori %lt3A_1944, %lt3A_1946 : i1
        %and3A_1948 = arith.andi %ne3A_1947, %ne3A_1942 : i1
        %add3A_1949 = arith.addi %rem3A_1940, %select_n3A_1939 : i32
        %select_n3A_1950 = arith.select %and3A_1948, %add3A_1949, %rem3A_1940 : i32
        %swap3A_1951 = arith.index_cast %select_n3A_1934 : i32 to index
        %swap3A_1952 = arith.index_cast %select_n3A_1950 : i32 to index
        %swap3A_1953 = tpu.vector_load %arg8[%swap3A_1951, %swap3A_1952] {strides = array<i32>} : memref<440x128xf32, #tpu.memory_space<vmem>>, vector<16xf32>,
        tpu.vector_store %arg8[%swap3A_1951, %swap3A_1952], %gather3A_1908 {strides = array<i32>} : memref<440x128xf32, #tpu.memory_space<vmem>>, vector<16xf32>,
        %broadcast_in_dim3A_1954 = arith.constant 14 : i32
        %broadcast_in_dim3A_1955 = vector.broadcast %broadcast_in_dim3A_1954 : i32 to vector<16xi32>
        %lt3A_1956 = arith.constant 0 : i32
        %lt3A_1957 = vector.broadcast %lt3A_1956 : i32 to vector<16xi32>
        %lt3A_1958 = arith.cmpi slt, %broadcast_in_dim3A_1955, %lt3A_1957 : vector<16xi32>
        %add3A_1959 = arith.constant 16 : i32
        %add3A_1960 = vector.broadcast %add3A_1959 : i32 to vector<16xi32>
        %add3A_1961 = arith.addi %broadcast_in_dim3A_1955, %add3A_1960 : vector<16xi32>
        %select_n3A_1962 = arith.select %lt3A_1958, %add3A_1961, %broadcast_in_dim3A_1955 : vector<16xi1>, vector<16xi32>
        %broadcast_in_dim3A_1963 = vector.shape_cast %select_n3A_1962 : vector<16xi32> to vector<16x1xi32>
        %gather3A_1964 = vector.shape_cast %broadcast_in_dim3A_1963 : vector<16x1xi32> to vector<16xi32>
        %gather3A_1965 = tpu.dynamic_gather %get3A_1135[%gather3A_1964] in [0] : vector<16xi32>, vector<16xi32> -> vector<16xi32>
        %gather3A_1966 = tpu.vector_load_idx %arg12[%gather3A_1965, %iota3A] : memref<6x16xf32, #tpu.memory_space<vmem>>[vector<16xi32>, vector<16xi32>], vector<16xf32>,
        %add3A_1967 = arith.constant 224 : i32
        %add3A_1968 = arith.addi %mul3A_1133, %add3A_1967 : i32
        %jit3A_1969 = arith.constant 128 : i32
        %div3A_1970 = arith.divsi %add3A_1968, %jit3A_1969 : i32
        %sign3A_1971 = arith.constant 0 : i32
        %sign3A_1972 = arith.cmpi sgt, %add3A_1968, %sign3A_1971 : i32
        %sign3A_1973 = arith.extui %sign3A_1972 : i1 to i32
        %sign3A_1974 = arith.constant 0 : i32
        %sign3A_1975 = arith.cmpi slt, %add3A_1968, %sign3A_1974 : i32
        %sign3A_1976 = arith.extui %sign3A_1975 : i1 to i32
        %sign3A_1977 = arith.subi %sign3A_1973, %sign3A_1976 : i32
        %sign3A_1978 = arith.constant 0 : i32
        %sign3A_1979 = arith.cmpi sgt, %jit3A_1969, %sign3A_1978 : i32
        %sign3A_1980 = arith.extui %sign3A_1979 : i1 to i32
        %sign3A_1981 = arith.constant 0 : i32
        %sign3A_1982 = arith.cmpi slt, %jit3A_1969, %sign3A_1981 : i32
        %sign3A_1983 = arith.extui %sign3A_1982 : i1 to i32
        %sign3A_1984 = arith.subi %sign3A_1980, %sign3A_1983 : i32
        %ne3A_1985 = arith.cmpi ne, %sign3A_1977, %sign3A_1984 : i32
        %rem3A_1986 = arith.remsi %add3A_1968, %jit3A_1969 : i32
        %ne3A_1987 = arith.constant 0 : i32
        %ne3A_1988 = arith.cmpi ne, %rem3A_1986, %ne3A_1987 : i32
        %and3A_1989 = arith.andi %ne3A_1985, %ne3A_1988 : i1
        %sub3A_1990 = arith.constant 1 : i32
        %sub3A_1991 = arith.subi %div3A_1970, %sub3A_1990 : i32
        %select_n3A_1992 = arith.select %and3A_1989, %sub3A_1991, %div3A_1970 : i32
        %jit3A_1993 = arith.constant 128 : i32
        %eq3A_1994 = arith.constant 0 : i32
        %eq3A_1995 = arith.cmpi eq, %jit3A_1993, %eq3A_1994 : i32
        %jit3A_1996 = arith.constant 1 : i32
        %select_n3A_1997 = arith.select %eq3A_1995, %jit3A_1996, %jit3A_1993 : i32
        %rem3A_1998 = arith.remsi %add3A_1968, %select_n3A_1997 : i32
        %ne3A_1999 = arith.constant 0 : i32
        %ne3A_2000 = arith.cmpi ne, %rem3A_1998, %ne3A_1999 : i32
        %lt3A_2001 = arith.constant 0 : i32
        %lt3A_2002 = arith.cmpi slt, %rem3A_1998, %lt3A_2001 : i32
        %lt3A_2003 = arith.constant 0 : i32
        %lt3A_2004 = arith.cmpi slt, %select_n3A_1997, %lt3A_2003 : i32
        %ne3A_2005 = arith.xori %lt3A_2002, %lt3A_2004 : i1
        %and3A_2006 = arith.andi %ne3A_2005, %ne3A_2000 : i1
        %add3A_2007 = arith.addi %rem3A_1998, %select_n3A_1997 : i32
        %select_n3A_2008 = arith.select %and3A_2006, %add3A_2007, %rem3A_1998 : i32
        %swap3A_2009 = arith.index_cast %select_n3A_1992 : i32 to index
        %swap3A_2010 = arith.index_cast %select_n3A_2008 : i32 to index
        %swap3A_2011 = tpu.vector_load %arg8[%swap3A_2009, %swap3A_2010] {strides = array<i32>} : memref<440x128xf32, #tpu.memory_space<vmem>>, vector<16xf32>,
        tpu.vector_store %arg8[%swap3A_2009, %swap3A_2010], %gather3A_1966 {strides = array<i32>} : memref<440x128xf32, #tpu.memory_space<vmem>>, vector<16xf32>,
        %broadcast_in_dim3A_2012 = arith.constant 15 : i32
        %broadcast_in_dim3A_2013 = vector.broadcast %broadcast_in_dim3A_2012 : i32 to vector<16xi32>
        %lt3A_2014 = arith.constant 0 : i32
        %lt3A_2015 = vector.broadcast %lt3A_2014 : i32 to vector<16xi32>
        %lt3A_2016 = arith.cmpi slt, %broadcast_in_dim3A_2013, %lt3A_2015 : vector<16xi32>
        %add3A_2017 = arith.constant 16 : i32
        %add3A_2018 = vector.broadcast %add3A_2017 : i32 to vector<16xi32>
        %add3A_2019 = arith.addi %broadcast_in_dim3A_2013, %add3A_2018 : vector<16xi32>
        %select_n3A_2020 = arith.select %lt3A_2016, %add3A_2019, %broadcast_in_dim3A_2013 : vector<16xi1>, vector<16xi32>
        %broadcast_in_dim3A_2021 = vector.shape_cast %select_n3A_2020 : vector<16xi32> to vector<16x1xi32>
        %gather3A_2022 = vector.shape_cast %broadcast_in_dim3A_2021 : vector<16x1xi32> to vector<16xi32>
        %gather3A_2023 = tpu.dynamic_gather %get3A_1135[%gather3A_2022] in [0] : vector<16xi32>, vector<16xi32> -> vector<16xi32>
        %gather3A_2024 = tpu.vector_load_idx %arg12[%gather3A_2023, %iota3A] : memref<6x16xf32, #tpu.memory_space<vmem>>[vector<16xi32>, vector<16xi32>], vector<16xf32>,
        %add3A_2025 = arith.constant 240 : i32
        %add3A_2026 = arith.addi %mul3A_1133, %add3A_2025 : i32
        %jit3A_2027 = arith.constant 128 : i32
        %div3A_2028 = arith.divsi %add3A_2026, %jit3A_2027 : i32
        %sign3A_2029 = arith.constant 0 : i32
        %sign3A_2030 = arith.cmpi sgt, %add3A_2026, %sign3A_2029 : i32
        %sign3A_2031 = arith.extui %sign3A_2030 : i1 to i32
        %sign3A_2032 = arith.constant 0 : i32
        %sign3A_2033 = arith.cmpi slt, %add3A_2026, %sign3A_2032 : i32
        %sign3A_2034 = arith.extui %sign3A_2033 : i1 to i32
        %sign3A_2035 = arith.subi %sign3A_2031, %sign3A_2034 : i32
        %sign3A_2036 = arith.constant 0 : i32
        %sign3A_2037 = arith.cmpi sgt, %jit3A_2027, %sign3A_2036 : i32
        %sign3A_2038 = arith.extui %sign3A_2037 : i1 to i32
        %sign3A_2039 = arith.constant 0 : i32
        %sign3A_2040 = arith.cmpi slt, %jit3A_2027, %sign3A_2039 : i32
        %sign3A_2041 = arith.extui %sign3A_2040 : i1 to i32
        %sign3A_2042 = arith.subi %sign3A_2038, %sign3A_2041 : i32
        %ne3A_2043 = arith.cmpi ne, %sign3A_2035, %sign3A_2042 : i32
        %rem3A_2044 = arith.remsi %add3A_2026, %jit3A_2027 : i32
        %ne3A_2045 = arith.constant 0 : i32
        %ne3A_2046 = arith.cmpi ne, %rem3A_2044, %ne3A_2045 : i32
        %and3A_2047 = arith.andi %ne3A_2043, %ne3A_2046 : i1
        %sub3A_2048 = arith.constant 1 : i32
        %sub3A_2049 = arith.subi %div3A_2028, %sub3A_2048 : i32
        %select_n3A_2050 = arith.select %and3A_2047, %sub3A_2049, %div3A_2028 : i32
        %jit3A_2051 = arith.constant 128 : i32
        %eq3A_2052 = arith.constant 0 : i32
        %eq3A_2053 = arith.cmpi eq, %jit3A_2051, %eq3A_2052 : i32
        %jit3A_2054 = arith.constant 1 : i32
        %select_n3A_2055 = arith.select %eq3A_2053, %jit3A_2054, %jit3A_2051 : i32
        %rem3A_2056 = arith.remsi %add3A_2026, %select_n3A_2055 : i32
        %ne3A_2057 = arith.constant 0 : i32
        %ne3A_2058 = arith.cmpi ne, %rem3A_2056, %ne3A_2057 : i32
        %lt3A_2059 = arith.constant 0 : i32
        %lt3A_2060 = arith.cmpi slt, %rem3A_2056, %lt3A_2059 : i32
        %lt3A_2061 = arith.constant 0 : i32
        %lt3A_2062 = arith.cmpi slt, %select_n3A_2055, %lt3A_2061 : i32
        %ne3A_2063 = arith.xori %lt3A_2060, %lt3A_2062 : i1
        %and3A_2064 = arith.andi %ne3A_2063, %ne3A_2058 : i1
        %add3A_2065 = arith.addi %rem3A_2056, %select_n3A_2055 : i32
        %select_n3A_2066 = arith.select %and3A_2064, %add3A_2065, %rem3A_2056 : i32
        %swap3A_2067 = arith.index_cast %select_n3A_2050 : i32 to index
        %swap3A_2068 = arith.index_cast %select_n3A_2066 : i32 to index
        %swap3A_2069 = tpu.vector_load %arg8[%swap3A_2067, %swap3A_2068] {strides = array<i32>} : memref<440x128xf32, #tpu.memory_space<vmem>>, vector<16xf32>,
        tpu.vector_store %arg8[%swap3A_2067, %swap3A_2068], %gather3A_2024 {strides = array<i32>} : memref<440x128xf32, #tpu.memory_space<vmem>>, vector<16xf32>,
        %broadcast_in_dim3A_2070 = arith.constant 0 : i32
        %broadcast_in_dim3A_2071 = vector.broadcast %broadcast_in_dim3A_2070 : i32 to vector<16xi32>
        %lt3A_2072 = arith.constant 0 : i32
        %lt3A_2073 = vector.broadcast %lt3A_2072 : i32 to vector<16xi32>
        %lt3A_2074 = arith.cmpi slt, %broadcast_in_dim3A_2071, %lt3A_2073 : vector<16xi32>
        %add3A_2075 = arith.constant 16 : i32
        %add3A_2076 = vector.broadcast %add3A_2075 : i32 to vector<16xi32>
        %add3A_2077 = arith.addi %broadcast_in_dim3A_2071, %add3A_2076 : vector<16xi32>
        %select_n3A_2078 = arith.select %lt3A_2074, %add3A_2077, %broadcast_in_dim3A_2071 : vector<16xi1>, vector<16xi32>
        %broadcast_in_dim3A_2079 = vector.shape_cast %select_n3A_2078 : vector<16xi32> to vector<16x1xi32>
        %gather3A_2080 = vector.shape_cast %broadcast_in_dim3A_2079 : vector<16x1xi32> to vector<16xi32>
        %gather3A_2081 = tpu.dynamic_gather %get3A_1139[%gather3A_2080] in [0] : vector<16xi32>, vector<16xi32> -> vector<16xi32>
        %gather3A_2082 = tpu.vector_load_idx %arg12[%gather3A_2081, %iota3A] : memref<6x16xf32, #tpu.memory_space<vmem>>[vector<16xi32>, vector<16xi32>], vector<16xf32>,
        %add3A_2083 = arith.constant 256 : i32
        %add3A_2084 = arith.addi %mul3A_1133, %add3A_2083 : i32
        %jit3A_2085 = arith.constant 128 : i32
        %div3A_2086 = arith.divsi %add3A_2084, %jit3A_2085 : i32
        %sign3A_2087 = arith.constant 0 : i32
        %sign3A_2088 = arith.cmpi sgt, %add3A_2084, %sign3A_2087 : i32
        %sign3A_2089 = arith.extui %sign3A_2088 : i1 to i32
        %sign3A_2090 = arith.constant 0 : i32
        %sign3A_2091 = arith.cmpi slt, %add3A_2084, %sign3A_2090 : i32
        %sign3A_2092 = arith.extui %sign3A_2091 : i1 to i32
        %sign3A_2093 = arith.subi %sign3A_2089, %sign3A_2092 : i32
        %sign3A_2094 = arith.constant 0 : i32
        %sign3A_2095 = arith.cmpi sgt, %jit3A_2085, %sign3A_2094 : i32
        %sign3A_2096 = arith.extui %sign3A_2095 : i1 to i32
        %sign3A_2097 = arith.constant 0 : i32
        %sign3A_2098 = arith.cmpi slt, %jit3A_2085, %sign3A_2097 : i32
        %sign3A_2099 = arith.extui %sign3A_2098 : i1 to i32
        %sign3A_2100 = arith.subi %sign3A_2096, %sign3A_2099 : i32
        %ne3A_2101 = arith.cmpi ne, %sign3A_2093, %sign3A_2100 : i32
        %rem3A_2102 = arith.remsi %add3A_2084, %jit3A_2085 : i32
        %ne3A_2103 = arith.constant 0 : i32
        %ne3A_2104 = arith.cmpi ne, %rem3A_2102, %ne3A_2103 : i32
        %and3A_2105 = arith.andi %ne3A_2101, %ne3A_2104 : i1
        %sub3A_2106 = arith.constant 1 : i32
        %sub3A_2107 = arith.subi %div3A_2086, %sub3A_2106 : i32
        %select_n3A_2108 = arith.select %and3A_2105, %sub3A_2107, %div3A_2086 : i32
        %jit3A_2109 = arith.constant 128 : i32
        %eq3A_2110 = arith.constant 0 : i32
        %eq3A_2111 = arith.cmpi eq, %jit3A_2109, %eq3A_2110 : i32
        %jit3A_2112 = arith.constant 1 : i32
        %select_n3A_2113 = arith.select %eq3A_2111, %jit3A_2112, %jit3A_2109 : i32
        %rem3A_2114 = arith.remsi %add3A_2084, %select_n3A_2113 : i32
        %ne3A_2115 = arith.constant 0 : i32
        %ne3A_2116 = arith.cmpi ne, %rem3A_2114, %ne3A_2115 : i32
        %lt3A_2117 = arith.constant 0 : i32
        %lt3A_2118 = arith.cmpi slt, %rem3A_2114, %lt3A_2117 : i32
        %lt3A_2119 = arith.constant 0 : i32
        %lt3A_2120 = arith.cmpi slt, %select_n3A_2113, %lt3A_2119 : i32
        %ne3A_2121 = arith.xori %lt3A_2118, %lt3A_2120 : i1
        %and3A_2122 = arith.andi %ne3A_2121, %ne3A_2116 : i1
        %add3A_2123 = arith.addi %rem3A_2114, %select_n3A_2113 : i32
        %select_n3A_2124 = arith.select %and3A_2122, %add3A_2123, %rem3A_2114 : i32
        %swap3A_2125 = arith.index_cast %select_n3A_2108 : i32 to index
        %swap3A_2126 = arith.index_cast %select_n3A_2124 : i32 to index
        %swap3A_2127 = tpu.vector_load %arg8[%swap3A_2125, %swap3A_2126] {strides = array<i32>} : memref<440x128xf32, #tpu.memory_space<vmem>>, vector<16xf32>,
        tpu.vector_store %arg8[%swap3A_2125, %swap3A_2126], %gather3A_2082 {strides = array<i32>} : memref<440x128xf32, #tpu.memory_space<vmem>>, vector<16xf32>,
        %broadcast_in_dim3A_2128 = arith.constant 1 : i32
        %broadcast_in_dim3A_2129 = vector.broadcast %broadcast_in_dim3A_2128 : i32 to vector<16xi32>
        %lt3A_2130 = arith.constant 0 : i32
        %lt3A_2131 = vector.broadcast %lt3A_2130 : i32 to vector<16xi32>
        %lt3A_2132 = arith.cmpi slt, %broadcast_in_dim3A_2129, %lt3A_2131 : vector<16xi32>
        %add3A_2133 = arith.constant 16 : i32
        %add3A_2134 = vector.broadcast %add3A_2133 : i32 to vector<16xi32>
        %add3A_2135 = arith.addi %broadcast_in_dim3A_2129, %add3A_2134 : vector<16xi32>
        %select_n3A_2136 = arith.select %lt3A_2132, %add3A_2135, %broadcast_in_dim3A_2129 : vector<16xi1>, vector<16xi32>
        %broadcast_in_dim3A_2137 = vector.shape_cast %select_n3A_2136 : vector<16xi32> to vector<16x1xi32>
        %gather3A_2138 = vector.shape_cast %broadcast_in_dim3A_2137 : vector<16x1xi32> to vector<16xi32>
        %gather3A_2139 = tpu.dynamic_gather %get3A_1139[%gather3A_2138] in [0] : vector<16xi32>, vector<16xi32> -> vector<16xi32>
        %gather3A_2140 = tpu.vector_load_idx %arg12[%gather3A_2139, %iota3A] : memref<6x16xf32, #tpu.memory_space<vmem>>[vector<16xi32>, vector<16xi32>], vector<16xf32>,
        %add3A_2141 = arith.constant 272 : i32
        %add3A_2142 = arith.addi %mul3A_1133, %add3A_2141 : i32
        %jit3A_2143 = arith.constant 128 : i32
        %div3A_2144 = arith.divsi %add3A_2142, %jit3A_2143 : i32
        %sign3A_2145 = arith.constant 0 : i32
        %sign3A_2146 = arith.cmpi sgt, %add3A_2142, %sign3A_2145 : i32
        %sign3A_2147 = arith.extui %sign3A_2146 : i1 to i32
        %sign3A_2148 = arith.constant 0 : i32
        %sign3A_2149 = arith.cmpi slt, %add3A_2142, %sign3A_2148 : i32
        %sign3A_2150 = arith.extui %sign3A_2149 : i1 to i32
        %sign3A_2151 = arith.subi %sign3A_2147, %sign3A_2150 : i32
        %sign3A_2152 = arith.constant 0 : i32
        %sign3A_2153 = arith.cmpi sgt, %jit3A_2143, %sign3A_2152 : i32
        %sign3A_2154 = arith.extui %sign3A_2153 : i1 to i32
        %sign3A_2155 = arith.constant 0 : i32
        %sign3A_2156 = arith.cmpi slt, %jit3A_2143, %sign3A_2155 : i32
        %sign3A_2157 = arith.extui %sign3A_2156 : i1 to i32
        %sign3A_2158 = arith.subi %sign3A_2154, %sign3A_2157 : i32
        %ne3A_2159 = arith.cmpi ne, %sign3A_2151, %sign3A_2158 : i32
        %rem3A_2160 = arith.remsi %add3A_2142, %jit3A_2143 : i32
        %ne3A_2161 = arith.constant 0 : i32
        %ne3A_2162 = arith.cmpi ne, %rem3A_2160, %ne3A_2161 : i32
        %and3A_2163 = arith.andi %ne3A_2159, %ne3A_2162 : i1
        %sub3A_2164 = arith.constant 1 : i32
        %sub3A_2165 = arith.subi %div3A_2144, %sub3A_2164 : i32
        %select_n3A_2166 = arith.select %and3A_2163, %sub3A_2165, %div3A_2144 : i32
        %jit3A_2167 = arith.constant 128 : i32
        %eq3A_2168 = arith.constant 0 : i32
        %eq3A_2169 = arith.cmpi eq, %jit3A_2167, %eq3A_2168 : i32
        %jit3A_2170 = arith.constant 1 : i32
        %select_n3A_2171 = arith.select %eq3A_2169, %jit3A_2170, %jit3A_2167 : i32
        %rem3A_2172 = arith.remsi %add3A_2142, %select_n3A_2171 : i32
        %ne3A_2173 = arith.constant 0 : i32
        %ne3A_2174 = arith.cmpi ne, %rem3A_2172, %ne3A_2173 : i32
        %lt3A_2175 = arith.constant 0 : i32
        %lt3A_2176 = arith.cmpi slt, %rem3A_2172, %lt3A_2175 : i32
        %lt3A_2177 = arith.constant 0 : i32
        %lt3A_2178 = arith.cmpi slt, %select_n3A_2171, %lt3A_2177 : i32
        %ne3A_2179 = arith.xori %lt3A_2176, %lt3A_2178 : i1
        %and3A_2180 = arith.andi %ne3A_2179, %ne3A_2174 : i1
        %add3A_2181 = arith.addi %rem3A_2172, %select_n3A_2171 : i32
        %select_n3A_2182 = arith.select %and3A_2180, %add3A_2181, %rem3A_2172 : i32
        %swap3A_2183 = arith.index_cast %select_n3A_2166 : i32 to index
        %swap3A_2184 = arith.index_cast %select_n3A_2182 : i32 to index
        %swap3A_2185 = tpu.vector_load %arg8[%swap3A_2183, %swap3A_2184] {strides = array<i32>} : memref<440x128xf32, #tpu.memory_space<vmem>>, vector<16xf32>,
        tpu.vector_store %arg8[%swap3A_2183, %swap3A_2184], %gather3A_2140 {strides = array<i32>} : memref<440x128xf32, #tpu.memory_space<vmem>>, vector<16xf32>,
        %broadcast_in_dim3A_2186 = arith.constant 2 : i32
        %broadcast_in_dim3A_2187 = vector.broadcast %broadcast_in_dim3A_2186 : i32 to vector<16xi32>
        %lt3A_2188 = arith.constant 0 : i32
        %lt3A_2189 = vector.broadcast %lt3A_2188 : i32 to vector<16xi32>
        %lt3A_2190 = arith.cmpi slt, %broadcast_in_dim3A_2187, %lt3A_2189 : vector<16xi32>
        %add3A_2191 = arith.constant 16 : i32
        %add3A_2192 = vector.broadcast %add3A_2191 : i32 to vector<16xi32>
        %add3A_2193 = arith.addi %broadcast_in_dim3A_2187, %add3A_2192 : vector<16xi32>
        %select_n3A_2194 = arith.select %lt3A_2190, %add3A_2193, %broadcast_in_dim3A_2187 : vector<16xi1>, vector<16xi32>
        %broadcast_in_dim3A_2195 = vector.shape_cast %select_n3A_2194 : vector<16xi32> to vector<16x1xi32>
        %gather3A_2196 = vector.shape_cast %broadcast_in_dim3A_2195 : vector<16x1xi32> to vector<16xi32>
        %gather3A_2197 = tpu.dynamic_gather %get3A_1139[%gather3A_2196] in [0] : vector<16xi32>, vector<16xi32> -> vector<16xi32>
        %gather3A_2198 = tpu.vector_load_idx %arg12[%gather3A_2197, %iota3A] : memref<6x16xf32, #tpu.memory_space<vmem>>[vector<16xi32>, vector<16xi32>], vector<16xf32>,
        %add3A_2199 = arith.constant 288 : i32
        %add3A_2200 = arith.addi %mul3A_1133, %add3A_2199 : i32
        %jit3A_2201 = arith.constant 128 : i32
        %div3A_2202 = arith.divsi %add3A_2200, %jit3A_2201 : i32
        %sign3A_2203 = arith.constant 0 : i32
        %sign3A_2204 = arith.cmpi sgt, %add3A_2200, %sign3A_2203 : i32
        %sign3A_2205 = arith.extui %sign3A_2204 : i1 to i32
        %sign3A_2206 = arith.constant 0 : i32
        %sign3A_2207 = arith.cmpi slt, %add3A_2200, %sign3A_2206 : i32
        %sign3A_2208 = arith.extui %sign3A_2207 : i1 to i32
        %sign3A_2209 = arith.subi %sign3A_2205, %sign3A_2208 : i32
        %sign3A_2210 = arith.constant 0 : i32
        %sign3A_2211 = arith.cmpi sgt, %jit3A_2201, %sign3A_2210 : i32
        %sign3A_2212 = arith.extui %sign3A_2211 : i1 to i32
        %sign3A_2213 = arith.constant 0 : i32
        %sign3A_2214 = arith.cmpi slt, %jit3A_2201, %sign3A_2213 : i32
        %sign3A_2215 = arith.extui %sign3A_2214 : i1 to i32
        %sign3A_2216 = arith.subi %sign3A_2212, %sign3A_2215 : i32
        %ne3A_2217 = arith.cmpi ne, %sign3A_2209, %sign3A_2216 : i32
        %rem3A_2218 = arith.remsi %add3A_2200, %jit3A_2201 : i32
        %ne3A_2219 = arith.constant 0 : i32
        %ne3A_2220 = arith.cmpi ne, %rem3A_2218, %ne3A_2219 : i32
        %and3A_2221 = arith.andi %ne3A_2217, %ne3A_2220 : i1
        %sub3A_2222 = arith.constant 1 : i32
        %sub3A_2223 = arith.subi %div3A_2202, %sub3A_2222 : i32
        %select_n3A_2224 = arith.select %and3A_2221, %sub3A_2223, %div3A_2202 : i32
        %jit3A_2225 = arith.constant 128 : i32
        %eq3A_2226 = arith.constant 0 : i32
        %eq3A_2227 = arith.cmpi eq, %jit3A_2225, %eq3A_2226 : i32
        %jit3A_2228 = arith.constant 1 : i32
        %select_n3A_2229 = arith.select %eq3A_2227, %jit3A_2228, %jit3A_2225 : i32
        %rem3A_2230 = arith.remsi %add3A_2200, %select_n3A_2229 : i32
        %ne3A_2231 = arith.constant 0 : i32
        %ne3A_2232 = arith.cmpi ne, %rem3A_2230, %ne3A_2231 : i32
        %lt3A_2233 = arith.constant 0 : i32
        %lt3A_2234 = arith.cmpi slt, %rem3A_2230, %lt3A_2233 : i32
        %lt3A_2235 = arith.constant 0 : i32
        %lt3A_2236 = arith.cmpi slt, %select_n3A_2229, %lt3A_2235 : i32
        %ne3A_2237 = arith.xori %lt3A_2234, %lt3A_2236 : i1
        %and3A_2238 = arith.andi %ne3A_2237, %ne3A_2232 : i1
        %add3A_2239 = arith.addi %rem3A_2230, %select_n3A_2229 : i32
        %select_n3A_2240 = arith.select %and3A_2238, %add3A_2239, %rem3A_2230 : i32
        %swap3A_2241 = arith.index_cast %select_n3A_2224 : i32 to index
        %swap3A_2242 = arith.index_cast %select_n3A_2240 : i32 to index
        %swap3A_2243 = tpu.vector_load %arg8[%swap3A_2241, %swap3A_2242] {strides = array<i32>} : memref<440x128xf32, #tpu.memory_space<vmem>>, vector<16xf32>,
        tpu.vector_store %arg8[%swap3A_2241, %swap3A_2242], %gather3A_2198 {strides = array<i32>} : memref<440x128xf32, #tpu.memory_space<vmem>>, vector<16xf32>,
        %broadcast_in_dim3A_2244 = arith.constant 3 : i32
        %broadcast_in_dim3A_2245 = vector.broadcast %broadcast_in_dim3A_2244 : i32 to vector<16xi32>
        %lt3A_2246 = arith.constant 0 : i32
        %lt3A_2247 = vector.broadcast %lt3A_2246 : i32 to vector<16xi32>
        %lt3A_2248 = arith.cmpi slt, %broadcast_in_dim3A_2245, %lt3A_2247 : vector<16xi32>
        %add3A_2249 = arith.constant 16 : i32
        %add3A_2250 = vector.broadcast %add3A_2249 : i32 to vector<16xi32>
        %add3A_2251 = arith.addi %broadcast_in_dim3A_2245, %add3A_2250 : vector<16xi32>
        %select_n3A_2252 = arith.select %lt3A_2248, %add3A_2251, %broadcast_in_dim3A_2245 : vector<16xi1>, vector<16xi32>
        %broadcast_in_dim3A_2253 = vector.shape_cast %select_n3A_2252 : vector<16xi32> to vector<16x1xi32>
        %gather3A_2254 = vector.shape_cast %broadcast_in_dim3A_2253 : vector<16x1xi32> to vector<16xi32>
        %gather3A_2255 = tpu.dynamic_gather %get3A_1139[%gather3A_2254] in [0] : vector<16xi32>, vector<16xi32> -> vector<16xi32>
        %gather3A_2256 = tpu.vector_load_idx %arg12[%gather3A_2255, %iota3A] : memref<6x16xf32, #tpu.memory_space<vmem>>[vector<16xi32>, vector<16xi32>], vector<16xf32>,
        %add3A_2257 = arith.constant 304 : i32
        %add3A_2258 = arith.addi %mul3A_1133, %add3A_2257 : i32
        %jit3A_2259 = arith.constant 128 : i32
        %div3A_2260 = arith.divsi %add3A_2258, %jit3A_2259 : i32
        %sign3A_2261 = arith.constant 0 : i32
        %sign3A_2262 = arith.cmpi sgt, %add3A_2258, %sign3A_2261 : i32
        %sign3A_2263 = arith.extui %sign3A_2262 : i1 to i32
        %sign3A_2264 = arith.constant 0 : i32
        %sign3A_2265 = arith.cmpi slt, %add3A_2258, %sign3A_2264 : i32
        %sign3A_2266 = arith.extui %sign3A_2265 : i1 to i32
        %sign3A_2267 = arith.subi %sign3A_2263, %sign3A_2266 : i32
        %sign3A_2268 = arith.constant 0 : i32
        %sign3A_2269 = arith.cmpi sgt, %jit3A_2259, %sign3A_2268 : i32
        %sign3A_2270 = arith.extui %sign3A_2269 : i1 to i32
        %sign3A_2271 = arith.constant 0 : i32
        %sign3A_2272 = arith.cmpi slt, %jit3A_2259, %sign3A_2271 : i32
        %sign3A_2273 = arith.extui %sign3A_2272 : i1 to i32
        %sign3A_2274 = arith.subi %sign3A_2270, %sign3A_2273 : i32
        %ne3A_2275 = arith.cmpi ne, %sign3A_2267, %sign3A_2274 : i32
        %rem3A_2276 = arith.remsi %add3A_2258, %jit3A_2259 : i32
        %ne3A_2277 = arith.constant 0 : i32
        %ne3A_2278 = arith.cmpi ne, %rem3A_2276, %ne3A_2277 : i32
        %and3A_2279 = arith.andi %ne3A_2275, %ne3A_2278 : i1
        %sub3A_2280 = arith.constant 1 : i32
        %sub3A_2281 = arith.subi %div3A_2260, %sub3A_2280 : i32
        %select_n3A_2282 = arith.select %and3A_2279, %sub3A_2281, %div3A_2260 : i32
        %jit3A_2283 = arith.constant 128 : i32
        %eq3A_2284 = arith.constant 0 : i32
        %eq3A_2285 = arith.cmpi eq, %jit3A_2283, %eq3A_2284 : i32
        %jit3A_2286 = arith.constant 1 : i32
        %select_n3A_2287 = arith.select %eq3A_2285, %jit3A_2286, %jit3A_2283 : i32
        %rem3A_2288 = arith.remsi %add3A_2258, %select_n3A_2287 : i32
        %ne3A_2289 = arith.constant 0 : i32
        %ne3A_2290 = arith.cmpi ne, %rem3A_2288, %ne3A_2289 : i32
        %lt3A_2291 = arith.constant 0 : i32
        %lt3A_2292 = arith.cmpi slt, %rem3A_2288, %lt3A_2291 : i32
        %lt3A_2293 = arith.constant 0 : i32
        %lt3A_2294 = arith.cmpi slt, %select_n3A_2287, %lt3A_2293 : i32
        %ne3A_2295 = arith.xori %lt3A_2292, %lt3A_2294 : i1
        %and3A_2296 = arith.andi %ne3A_2295, %ne3A_2290 : i1
        %add3A_2297 = arith.addi %rem3A_2288, %select_n3A_2287 : i32
        %select_n3A_2298 = arith.select %and3A_2296, %add3A_2297, %rem3A_2288 : i32
        %swap3A_2299 = arith.index_cast %select_n3A_2282 : i32 to index
        %swap3A_2300 = arith.index_cast %select_n3A_2298 : i32 to index
        %swap3A_2301 = tpu.vector_load %arg8[%swap3A_2299, %swap3A_2300] {strides = array<i32>} : memref<440x128xf32, #tpu.memory_space<vmem>>, vector<16xf32>,
        tpu.vector_store %arg8[%swap3A_2299, %swap3A_2300], %gather3A_2256 {strides = array<i32>} : memref<440x128xf32, #tpu.memory_space<vmem>>, vector<16xf32>,
        %broadcast_in_dim3A_2302 = arith.constant 4 : i32
        %broadcast_in_dim3A_2303 = vector.broadcast %broadcast_in_dim3A_2302 : i32 to vector<16xi32>
        %lt3A_2304 = arith.constant 0 : i32
        %lt3A_2305 = vector.broadcast %lt3A_2304 : i32 to vector<16xi32>
        %lt3A_2306 = arith.cmpi slt, %broadcast_in_dim3A_2303, %lt3A_2305 : vector<16xi32>
        %add3A_2307 = arith.constant 16 : i32
        %add3A_2308 = vector.broadcast %add3A_2307 : i32 to vector<16xi32>
        %add3A_2309 = arith.addi %broadcast_in_dim3A_2303, %add3A_2308 : vector<16xi32>
        %select_n3A_2310 = arith.select %lt3A_2306, %add3A_2309, %broadcast_in_dim3A_2303 : vector<16xi1>, vector<16xi32>
        %broadcast_in_dim3A_2311 = vector.shape_cast %select_n3A_2310 : vector<16xi32> to vector<16x1xi32>
        %gather3A_2312 = vector.shape_cast %broadcast_in_dim3A_2311 : vector<16x1xi32> to vector<16xi32>
        %gather3A_2313 = tpu.dynamic_gather %get3A_1139[%gather3A_2312] in [0] : vector<16xi32>, vector<16xi32> -> vector<16xi32>
        %gather3A_2314 = tpu.vector_load_idx %arg12[%gather3A_2313, %iota3A] : memref<6x16xf32, #tpu.memory_space<vmem>>[vector<16xi32>, vector<16xi32>], vector<16xf32>,
        %add3A_2315 = arith.constant 320 : i32
        %add3A_2316 = arith.addi %mul3A_1133, %add3A_2315 : i32
        %jit3A_2317 = arith.constant 128 : i32
        %div3A_2318 = arith.divsi %add3A_2316, %jit3A_2317 : i32
        %sign3A_2319 = arith.constant 0 : i32
        %sign3A_2320 = arith.cmpi sgt, %add3A_2316, %sign3A_2319 : i32
        %sign3A_2321 = arith.extui %sign3A_2320 : i1 to i32
        %sign3A_2322 = arith.constant 0 : i32
        %sign3A_2323 = arith.cmpi slt, %add3A_2316, %sign3A_2322 : i32
        %sign3A_2324 = arith.extui %sign3A_2323 : i1 to i32
        %sign3A_2325 = arith.subi %sign3A_2321, %sign3A_2324 : i32
        %sign3A_2326 = arith.constant 0 : i32
        %sign3A_2327 = arith.cmpi sgt, %jit3A_2317, %sign3A_2326 : i32
        %sign3A_2328 = arith.extui %sign3A_2327 : i1 to i32
        %sign3A_2329 = arith.constant 0 : i32
        %sign3A_2330 = arith.cmpi slt, %jit3A_2317, %sign3A_2329 : i32
        %sign3A_2331 = arith.extui %sign3A_2330 : i1 to i32
        %sign3A_2332 = arith.subi %sign3A_2328, %sign3A_2331 : i32
        %ne3A_2333 = arith.cmpi ne, %sign3A_2325, %sign3A_2332 : i32
        %rem3A_2334 = arith.remsi %add3A_2316, %jit3A_2317 : i32
        %ne3A_2335 = arith.constant 0 : i32
        %ne3A_2336 = arith.cmpi ne, %rem3A_2334, %ne3A_2335 : i32
        %and3A_2337 = arith.andi %ne3A_2333, %ne3A_2336 : i1
        %sub3A_2338 = arith.constant 1 : i32
        %sub3A_2339 = arith.subi %div3A_2318, %sub3A_2338 : i32
        %select_n3A_2340 = arith.select %and3A_2337, %sub3A_2339, %div3A_2318 : i32
        %jit3A_2341 = arith.constant 128 : i32
        %eq3A_2342 = arith.constant 0 : i32
        %eq3A_2343 = arith.cmpi eq, %jit3A_2341, %eq3A_2342 : i32
        %jit3A_2344 = arith.constant 1 : i32
        %select_n3A_2345 = arith.select %eq3A_2343, %jit3A_2344, %jit3A_2341 : i32
        %rem3A_2346 = arith.remsi %add3A_2316, %select_n3A_2345 : i32
        %ne3A_2347 = arith.constant 0 : i32
        %ne3A_2348 = arith.cmpi ne, %rem3A_2346, %ne3A_2347 : i32
        %lt3A_2349 = arith.constant 0 : i32
        %lt3A_2350 = arith.cmpi slt, %rem3A_2346, %lt3A_2349 : i32
        %lt3A_2351 = arith.constant 0 : i32
        %lt3A_2352 = arith.cmpi slt, %select_n3A_2345, %lt3A_2351 : i32
        %ne3A_2353 = arith.xori %lt3A_2350, %lt3A_2352 : i1
        %and3A_2354 = arith.andi %ne3A_2353, %ne3A_2348 : i1
        %add3A_2355 = arith.addi %rem3A_2346, %select_n3A_2345 : i32
        %select_n3A_2356 = arith.select %and3A_2354, %add3A_2355, %rem3A_2346 : i32
        %swap3A_2357 = arith.index_cast %select_n3A_2340 : i32 to index
        %swap3A_2358 = arith.index_cast %select_n3A_2356 : i32 to index
        %swap3A_2359 = tpu.vector_load %arg8[%swap3A_2357, %swap3A_2358] {strides = array<i32>} : memref<440x128xf32, #tpu.memory_space<vmem>>, vector<16xf32>,
        tpu.vector_store %arg8[%swap3A_2357, %swap3A_2358], %gather3A_2314 {strides = array<i32>} : memref<440x128xf32, #tpu.memory_space<vmem>>, vector<16xf32>,
        %broadcast_in_dim3A_2360 = arith.constant 5 : i32
        %broadcast_in_dim3A_2361 = vector.broadcast %broadcast_in_dim3A_2360 : i32 to vector<16xi32>
        %lt3A_2362 = arith.constant 0 : i32
        %lt3A_2363 = vector.broadcast %lt3A_2362 : i32 to vector<16xi32>
        %lt3A_2364 = arith.cmpi slt, %broadcast_in_dim3A_2361, %lt3A_2363 : vector<16xi32>
        %add3A_2365 = arith.constant 16 : i32
        %add3A_2366 = vector.broadcast %add3A_2365 : i32 to vector<16xi32>
        %add3A_2367 = arith.addi %broadcast_in_dim3A_2361, %add3A_2366 : vector<16xi32>
        %select_n3A_2368 = arith.select %lt3A_2364, %add3A_2367, %broadcast_in_dim3A_2361 : vector<16xi1>, vector<16xi32>
        %broadcast_in_dim3A_2369 = vector.shape_cast %select_n3A_2368 : vector<16xi32> to vector<16x1xi32>
        %gather3A_2370 = vector.shape_cast %broadcast_in_dim3A_2369 : vector<16x1xi32> to vector<16xi32>
        %gather3A_2371 = tpu.dynamic_gather %get3A_1139[%gather3A_2370] in [0] : vector<16xi32>, vector<16xi32> -> vector<16xi32>
        %gather3A_2372 = tpu.vector_load_idx %arg12[%gather3A_2371, %iota3A] : memref<6x16xf32, #tpu.memory_space<vmem>>[vector<16xi32>, vector<16xi32>], vector<16xf32>,
        %add3A_2373 = arith.constant 336 : i32
        %add3A_2374 = arith.addi %mul3A_1133, %add3A_2373 : i32
        %jit3A_2375 = arith.constant 128 : i32
        %div3A_2376 = arith.divsi %add3A_2374, %jit3A_2375 : i32
        %sign3A_2377 = arith.constant 0 : i32
        %sign3A_2378 = arith.cmpi sgt, %add3A_2374, %sign3A_2377 : i32
        %sign3A_2379 = arith.extui %sign3A_2378 : i1 to i32
        %sign3A_2380 = arith.constant 0 : i32
        %sign3A_2381 = arith.cmpi slt, %add3A_2374, %sign3A_2380 : i32
        %sign3A_2382 = arith.extui %sign3A_2381 : i1 to i32
        %sign3A_2383 = arith.subi %sign3A_2379, %sign3A_2382 : i32
        %sign3A_2384 = arith.constant 0 : i32
        %sign3A_2385 = arith.cmpi sgt, %jit3A_2375, %sign3A_2384 : i32
        %sign3A_2386 = arith.extui %sign3A_2385 : i1 to i32
        %sign3A_2387 = arith.constant 0 : i32
        %sign3A_2388 = arith.cmpi slt, %jit3A_2375, %sign3A_2387 : i32
        %sign3A_2389 = arith.extui %sign3A_2388 : i1 to i32
        %sign3A_2390 = arith.subi %sign3A_2386, %sign3A_2389 : i32
        %ne3A_2391 = arith.cmpi ne, %sign3A_2383, %sign3A_2390 : i32
        %rem3A_2392 = arith.remsi %add3A_2374, %jit3A_2375 : i32
        %ne3A_2393 = arith.constant 0 : i32
        %ne3A_2394 = arith.cmpi ne, %rem3A_2392, %ne3A_2393 : i32
        %and3A_2395 = arith.andi %ne3A_2391, %ne3A_2394 : i1
        %sub3A_2396 = arith.constant 1 : i32
        %sub3A_2397 = arith.subi %div3A_2376, %sub3A_2396 : i32
        %select_n3A_2398 = arith.select %and3A_2395, %sub3A_2397, %div3A_2376 : i32
        %jit3A_2399 = arith.constant 128 : i32
        %eq3A_2400 = arith.constant 0 : i32
        %eq3A_2401 = arith.cmpi eq, %jit3A_2399, %eq3A_2400 : i32
        %jit3A_2402 = arith.constant 1 : i32
        %select_n3A_2403 = arith.select %eq3A_2401, %jit3A_2402, %jit3A_2399 : i32
        %rem3A_2404 = arith.remsi %add3A_2374, %select_n3A_2403 : i32
        %ne3A_2405 = arith.constant 0 : i32
        %ne3A_2406 = arith.cmpi ne, %rem3A_2404, %ne3A_2405 : i32
        %lt3A_2407 = arith.constant 0 : i32
        %lt3A_2408 = arith.cmpi slt, %rem3A_2404, %lt3A_2407 : i32
        %lt3A_2409 = arith.constant 0 : i32
        %lt3A_2410 = arith.cmpi slt, %select_n3A_2403, %lt3A_2409 : i32
        %ne3A_2411 = arith.xori %lt3A_2408, %lt3A_2410 : i1
        %and3A_2412 = arith.andi %ne3A_2411, %ne3A_2406 : i1
        %add3A_2413 = arith.addi %rem3A_2404, %select_n3A_2403 : i32
        %select_n3A_2414 = arith.select %and3A_2412, %add3A_2413, %rem3A_2404 : i32
        %swap3A_2415 = arith.index_cast %select_n3A_2398 : i32 to index
        %swap3A_2416 = arith.index_cast %select_n3A_2414 : i32 to index
        %swap3A_2417 = tpu.vector_load %arg8[%swap3A_2415, %swap3A_2416] {strides = array<i32>} : memref<440x128xf32, #tpu.memory_space<vmem>>, vector<16xf32>,
        tpu.vector_store %arg8[%swap3A_2415, %swap3A_2416], %gather3A_2372 {strides = array<i32>} : memref<440x128xf32, #tpu.memory_space<vmem>>, vector<16xf32>,
        %broadcast_in_dim3A_2418 = arith.constant 6 : i32
        %broadcast_in_dim3A_2419 = vector.broadcast %broadcast_in_dim3A_2418 : i32 to vector<16xi32>
        %lt3A_2420 = arith.constant 0 : i32
        %lt3A_2421 = vector.broadcast %lt3A_2420 : i32 to vector<16xi32>
        %lt3A_2422 = arith.cmpi slt, %broadcast_in_dim3A_2419, %lt3A_2421 : vector<16xi32>
        %add3A_2423 = arith.constant 16 : i32
        %add3A_2424 = vector.broadcast %add3A_2423 : i32 to vector<16xi32>
        %add3A_2425 = arith.addi %broadcast_in_dim3A_2419, %add3A_2424 : vector<16xi32>
        %select_n3A_2426 = arith.select %lt3A_2422, %add3A_2425, %broadcast_in_dim3A_2419 : vector<16xi1>, vector<16xi32>
        %broadcast_in_dim3A_2427 = vector.shape_cast %select_n3A_2426 : vector<16xi32> to vector<16x1xi32>
        %gather3A_2428 = vector.shape_cast %broadcast_in_dim3A_2427 : vector<16x1xi32> to vector<16xi32>
        %gather3A_2429 = tpu.dynamic_gather %get3A_1139[%gather3A_2428] in [0] : vector<16xi32>, vector<16xi32> -> vector<16xi32>
        %gather3A_2430 = tpu.vector_load_idx %arg12[%gather3A_2429, %iota3A] : memref<6x16xf32, #tpu.memory_space<vmem>>[vector<16xi32>, vector<16xi32>], vector<16xf32>,
        %add3A_2431 = arith.constant 352 : i32
        %add3A_2432 = arith.addi %mul3A_1133, %add3A_2431 : i32
        %jit3A_2433 = arith.constant 128 : i32
        %div3A_2434 = arith.divsi %add3A_2432, %jit3A_2433 : i32
        %sign3A_2435 = arith.constant 0 : i32
        %sign3A_2436 = arith.cmpi sgt, %add3A_2432, %sign3A_2435 : i32
        %sign3A_2437 = arith.extui %sign3A_2436 : i1 to i32
        %sign3A_2438 = arith.constant 0 : i32
        %sign3A_2439 = arith.cmpi slt, %add3A_2432, %sign3A_2438 : i32
        %sign3A_2440 = arith.extui %sign3A_2439 : i1 to i32
        %sign3A_2441 = arith.subi %sign3A_2437, %sign3A_2440 : i32
        %sign3A_2442 = arith.constant 0 : i32
        %sign3A_2443 = arith.cmpi sgt, %jit3A_2433, %sign3A_2442 : i32
        %sign3A_2444 = arith.extui %sign3A_2443 : i1 to i32
        %sign3A_2445 = arith.constant 0 : i32
        %sign3A_2446 = arith.cmpi slt, %jit3A_2433, %sign3A_2445 : i32
        %sign3A_2447 = arith.extui %sign3A_2446 : i1 to i32
        %sign3A_2448 = arith.subi %sign3A_2444, %sign3A_2447 : i32
        %ne3A_2449 = arith.cmpi ne, %sign3A_2441, %sign3A_2448 : i32
        %rem3A_2450 = arith.remsi %add3A_2432, %jit3A_2433 : i32
        %ne3A_2451 = arith.constant 0 : i32
        %ne3A_2452 = arith.cmpi ne, %rem3A_2450, %ne3A_2451 : i32
        %and3A_2453 = arith.andi %ne3A_2449, %ne3A_2452 : i1
        %sub3A_2454 = arith.constant 1 : i32
        %sub3A_2455 = arith.subi %div3A_2434, %sub3A_2454 : i32
        %select_n3A_2456 = arith.select %and3A_2453, %sub3A_2455, %div3A_2434 : i32
        %jit3A_2457 = arith.constant 128 : i32
        %eq3A_2458 = arith.constant 0 : i32
        %eq3A_2459 = arith.cmpi eq, %jit3A_2457, %eq3A_2458 : i32
        %jit3A_2460 = arith.constant 1 : i32
        %select_n3A_2461 = arith.select %eq3A_2459, %jit3A_2460, %jit3A_2457 : i32
        %rem3A_2462 = arith.remsi %add3A_2432, %select_n3A_2461 : i32
        %ne3A_2463 = arith.constant 0 : i32
        %ne3A_2464 = arith.cmpi ne, %rem3A_2462, %ne3A_2463 : i32
        %lt3A_2465 = arith.constant 0 : i32
        %lt3A_2466 = arith.cmpi slt, %rem3A_2462, %lt3A_2465 : i32
        %lt3A_2467 = arith.constant 0 : i32
        %lt3A_2468 = arith.cmpi slt, %select_n3A_2461, %lt3A_2467 : i32
        %ne3A_2469 = arith.xori %lt3A_2466, %lt3A_2468 : i1
        %and3A_2470 = arith.andi %ne3A_2469, %ne3A_2464 : i1
        %add3A_2471 = arith.addi %rem3A_2462, %select_n3A_2461 : i32
        %select_n3A_2472 = arith.select %and3A_2470, %add3A_2471, %rem3A_2462 : i32
        %swap3A_2473 = arith.index_cast %select_n3A_2456 : i32 to index
        %swap3A_2474 = arith.index_cast %select_n3A_2472 : i32 to index
        %swap3A_2475 = tpu.vector_load %arg8[%swap3A_2473, %swap3A_2474] {strides = array<i32>} : memref<440x128xf32, #tpu.memory_space<vmem>>, vector<16xf32>,
        tpu.vector_store %arg8[%swap3A_2473, %swap3A_2474], %gather3A_2430 {strides = array<i32>} : memref<440x128xf32, #tpu.memory_space<vmem>>, vector<16xf32>,
        %broadcast_in_dim3A_2476 = arith.constant 7 : i32
        %broadcast_in_dim3A_2477 = vector.broadcast %broadcast_in_dim3A_2476 : i32 to vector<16xi32>
        %lt3A_2478 = arith.constant 0 : i32
        %lt3A_2479 = vector.broadcast %lt3A_2478 : i32 to vector<16xi32>
        %lt3A_2480 = arith.cmpi slt, %broadcast_in_dim3A_2477, %lt3A_2479 : vector<16xi32>
        %add3A_2481 = arith.constant 16 : i32
        %add3A_2482 = vector.broadcast %add3A_2481 : i32 to vector<16xi32>
        %add3A_2483 = arith.addi %broadcast_in_dim3A_2477, %add3A_2482 : vector<16xi32>
        %select_n3A_2484 = arith.select %lt3A_2480, %add3A_2483, %broadcast_in_dim3A_2477 : vector<16xi1>, vector<16xi32>
        %broadcast_in_dim3A_2485 = vector.shape_cast %select_n3A_2484 : vector<16xi32> to vector<16x1xi32>
        %gather3A_2486 = vector.shape_cast %broadcast_in_dim3A_2485 : vector<16x1xi32> to vector<16xi32>
        %gather3A_2487 = tpu.dynamic_gather %get3A_1139[%gather3A_2486] in [0] : vector<16xi32>, vector<16xi32> -> vector<16xi32>
        %gather3A_2488 = tpu.vector_load_idx %arg12[%gather3A_2487, %iota3A] : memref<6x16xf32, #tpu.memory_space<vmem>>[vector<16xi32>, vector<16xi32>], vector<16xf32>,
        %add3A_2489 = arith.constant 368 : i32
        %add3A_2490 = arith.addi %mul3A_1133, %add3A_2489 : i32
        %jit3A_2491 = arith.constant 128 : i32
        %div3A_2492 = arith.divsi %add3A_2490, %jit3A_2491 : i32
        %sign3A_2493 = arith.constant 0 : i32
        %sign3A_2494 = arith.cmpi sgt, %add3A_2490, %sign3A_2493 : i32
        %sign3A_2495 = arith.extui %sign3A_2494 : i1 to i32
        %sign3A_2496 = arith.constant 0 : i32
        %sign3A_2497 = arith.cmpi slt, %add3A_2490, %sign3A_2496 : i32
        %sign3A_2498 = arith.extui %sign3A_2497 : i1 to i32
        %sign3A_2499 = arith.subi %sign3A_2495, %sign3A_2498 : i32
        %sign3A_2500 = arith.constant 0 : i32
        %sign3A_2501 = arith.cmpi sgt, %jit3A_2491, %sign3A_2500 : i32
        %sign3A_2502 = arith.extui %sign3A_2501 : i1 to i32
        %sign3A_2503 = arith.constant 0 : i32
        %sign3A_2504 = arith.cmpi slt, %jit3A_2491, %sign3A_2503 : i32
        %sign3A_2505 = arith.extui %sign3A_2504 : i1 to i32
        %sign3A_2506 = arith.subi %sign3A_2502, %sign3A_2505 : i32
        %ne3A_2507 = arith.cmpi ne, %sign3A_2499, %sign3A_2506 : i32
        %rem3A_2508 = arith.remsi %add3A_2490, %jit3A_2491 : i32
        %ne3A_2509 = arith.constant 0 : i32
        %ne3A_2510 = arith.cmpi ne, %rem3A_2508, %ne3A_2509 : i32
        %and3A_2511 = arith.andi %ne3A_2507, %ne3A_2510 : i1
        %sub3A_2512 = arith.constant 1 : i32
        %sub3A_2513 = arith.subi %div3A_2492, %sub3A_2512 : i32
        %select_n3A_2514 = arith.select %and3A_2511, %sub3A_2513, %div3A_2492 : i32
        %jit3A_2515 = arith.constant 128 : i32
        %eq3A_2516 = arith.constant 0 : i32
        %eq3A_2517 = arith.cmpi eq, %jit3A_2515, %eq3A_2516 : i32
        %jit3A_2518 = arith.constant 1 : i32
        %select_n3A_2519 = arith.select %eq3A_2517, %jit3A_2518, %jit3A_2515 : i32
        %rem3A_2520 = arith.remsi %add3A_2490, %select_n3A_2519 : i32
        %ne3A_2521 = arith.constant 0 : i32
        %ne3A_2522 = arith.cmpi ne, %rem3A_2520, %ne3A_2521 : i32
        %lt3A_2523 = arith.constant 0 : i32
        %lt3A_2524 = arith.cmpi slt, %rem3A_2520, %lt3A_2523 : i32
        %lt3A_2525 = arith.constant 0 : i32
        %lt3A_2526 = arith.cmpi slt, %select_n3A_2519, %lt3A_2525 : i32
        %ne3A_2527 = arith.xori %lt3A_2524, %lt3A_2526 : i1
        %and3A_2528 = arith.andi %ne3A_2527, %ne3A_2522 : i1
        %add3A_2529 = arith.addi %rem3A_2520, %select_n3A_2519 : i32
        %select_n3A_2530 = arith.select %and3A_2528, %add3A_2529, %rem3A_2520 : i32
        %swap3A_2531 = arith.index_cast %select_n3A_2514 : i32 to index
        %swap3A_2532 = arith.index_cast %select_n3A_2530 : i32 to index
        %swap3A_2533 = tpu.vector_load %arg8[%swap3A_2531, %swap3A_2532] {strides = array<i32>} : memref<440x128xf32, #tpu.memory_space<vmem>>, vector<16xf32>,
        tpu.vector_store %arg8[%swap3A_2531, %swap3A_2532], %gather3A_2488 {strides = array<i32>} : memref<440x128xf32, #tpu.memory_space<vmem>>, vector<16xf32>,
        %broadcast_in_dim3A_2534 = arith.constant 8 : i32
        %broadcast_in_dim3A_2535 = vector.broadcast %broadcast_in_dim3A_2534 : i32 to vector<16xi32>
        %lt3A_2536 = arith.constant 0 : i32
        %lt3A_2537 = vector.broadcast %lt3A_2536 : i32 to vector<16xi32>
        %lt3A_2538 = arith.cmpi slt, %broadcast_in_dim3A_2535, %lt3A_2537 : vector<16xi32>
        %add3A_2539 = arith.constant 16 : i32
        %add3A_2540 = vector.broadcast %add3A_2539 : i32 to vector<16xi32>
        %add3A_2541 = arith.addi %broadcast_in_dim3A_2535, %add3A_2540 : vector<16xi32>
        %select_n3A_2542 = arith.select %lt3A_2538, %add3A_2541, %broadcast_in_dim3A_2535 : vector<16xi1>, vector<16xi32>
        %broadcast_in_dim3A_2543 = vector.shape_cast %select_n3A_2542 : vector<16xi32> to vector<16x1xi32>
        %gather3A_2544 = vector.shape_cast %broadcast_in_dim3A_2543 : vector<16x1xi32> to vector<16xi32>
        %gather3A_2545 = tpu.dynamic_gather %get3A_1139[%gather3A_2544] in [0] : vector<16xi32>, vector<16xi32> -> vector<16xi32>
        %gather3A_2546 = tpu.vector_load_idx %arg12[%gather3A_2545, %iota3A] : memref<6x16xf32, #tpu.memory_space<vmem>>[vector<16xi32>, vector<16xi32>], vector<16xf32>,
        %add3A_2547 = arith.constant 384 : i32
        %add3A_2548 = arith.addi %mul3A_1133, %add3A_2547 : i32
        %jit3A_2549 = arith.constant 128 : i32
        %div3A_2550 = arith.divsi %add3A_2548, %jit3A_2549 : i32
        %sign3A_2551 = arith.constant 0 : i32
        %sign3A_2552 = arith.cmpi sgt, %add3A_2548, %sign3A_2551 : i32
        %sign3A_2553 = arith.extui %sign3A_2552 : i1 to i32
        %sign3A_2554 = arith.constant 0 : i32
        %sign3A_2555 = arith.cmpi slt, %add3A_2548, %sign3A_2554 : i32
        %sign3A_2556 = arith.extui %sign3A_2555 : i1 to i32
        %sign3A_2557 = arith.subi %sign3A_2553, %sign3A_2556 : i32
        %sign3A_2558 = arith.constant 0 : i32
        %sign3A_2559 = arith.cmpi sgt, %jit3A_2549, %sign3A_2558 : i32
        %sign3A_2560 = arith.extui %sign3A_2559 : i1 to i32
        %sign3A_2561 = arith.constant 0 : i32
        %sign3A_2562 = arith.cmpi slt, %jit3A_2549, %sign3A_2561 : i32
        %sign3A_2563 = arith.extui %sign3A_2562 : i1 to i32
        %sign3A_2564 = arith.subi %sign3A_2560, %sign3A_2563 : i32
        %ne3A_2565 = arith.cmpi ne, %sign3A_2557, %sign3A_2564 : i32
        %rem3A_2566 = arith.remsi %add3A_2548, %jit3A_2549 : i32
        %ne3A_2567 = arith.constant 0 : i32
        %ne3A_2568 = arith.cmpi ne, %rem3A_2566, %ne3A_2567 : i32
        %and3A_2569 = arith.andi %ne3A_2565, %ne3A_2568 : i1
        %sub3A_2570 = arith.constant 1 : i32
        %sub3A_2571 = arith.subi %div3A_2550, %sub3A_2570 : i32
        %select_n3A_2572 = arith.select %and3A_2569, %sub3A_2571, %div3A_2550 : i32
        %jit3A_2573 = arith.constant 128 : i32
        %eq3A_2574 = arith.constant 0 : i32
        %eq3A_2575 = arith.cmpi eq, %jit3A_2573, %eq3A_2574 : i32
        %jit3A_2576 = arith.constant 1 : i32
        %select_n3A_2577 = arith.select %eq3A_2575, %jit3A_2576, %jit3A_2573 : i32
        %rem3A_2578 = arith.remsi %add3A_2548, %select_n3A_2577 : i32
        %ne3A_2579 = arith.constant 0 : i32
        %ne3A_2580 = arith.cmpi ne, %rem3A_2578, %ne3A_2579 : i32
        %lt3A_2581 = arith.constant 0 : i32
        %lt3A_2582 = arith.cmpi slt, %rem3A_2578, %lt3A_2581 : i32
        %lt3A_2583 = arith.constant 0 : i32
        %lt3A_2584 = arith.cmpi slt, %select_n3A_2577, %lt3A_2583 : i32
        %ne3A_2585 = arith.xori %lt3A_2582, %lt3A_2584 : i1
        %and3A_2586 = arith.andi %ne3A_2585, %ne3A_2580 : i1
        %add3A_2587 = arith.addi %rem3A_2578, %select_n3A_2577 : i32
        %select_n3A_2588 = arith.select %and3A_2586, %add3A_2587, %rem3A_2578 : i32
        %swap3A_2589 = arith.index_cast %select_n3A_2572 : i32 to index
        %swap3A_2590 = arith.index_cast %select_n3A_2588 : i32 to index
        %swap3A_2591 = tpu.vector_load %arg8[%swap3A_2589, %swap3A_2590] {strides = array<i32>} : memref<440x128xf32, #tpu.memory_space<vmem>>, vector<16xf32>,
        tpu.vector_store %arg8[%swap3A_2589, %swap3A_2590], %gather3A_2546 {strides = array<i32>} : memref<440x128xf32, #tpu.memory_space<vmem>>, vector<16xf32>,
        %broadcast_in_dim3A_2592 = arith.constant 9 : i32
        %broadcast_in_dim3A_2593 = vector.broadcast %broadcast_in_dim3A_2592 : i32 to vector<16xi32>
        %lt3A_2594 = arith.constant 0 : i32
        %lt3A_2595 = vector.broadcast %lt3A_2594 : i32 to vector<16xi32>
        %lt3A_2596 = arith.cmpi slt, %broadcast_in_dim3A_2593, %lt3A_2595 : vector<16xi32>
        %add3A_2597 = arith.constant 16 : i32
        %add3A_2598 = vector.broadcast %add3A_2597 : i32 to vector<16xi32>
        %add3A_2599 = arith.addi %broadcast_in_dim3A_2593, %add3A_2598 : vector<16xi32>
        %select_n3A_2600 = arith.select %lt3A_2596, %add3A_2599, %broadcast_in_dim3A_2593 : vector<16xi1>, vector<16xi32>
        %broadcast_in_dim3A_2601 = vector.shape_cast %select_n3A_2600 : vector<16xi32> to vector<16x1xi32>
        %gather3A_2602 = vector.shape_cast %broadcast_in_dim3A_2601 : vector<16x1xi32> to vector<16xi32>
        %gather3A_2603 = tpu.dynamic_gather %get3A_1139[%gather3A_2602] in [0] : vector<16xi32>, vector<16xi32> -> vector<16xi32>
        %gather3A_2604 = tpu.vector_load_idx %arg12[%gather3A_2603, %iota3A] : memref<6x16xf32, #tpu.memory_space<vmem>>[vector<16xi32>, vector<16xi32>], vector<16xf32>,
        %add3A_2605 = arith.constant 400 : i32
        %add3A_2606 = arith.addi %mul3A_1133, %add3A_2605 : i32
        %jit3A_2607 = arith.constant 128 : i32
        %div3A_2608 = arith.divsi %add3A_2606, %jit3A_2607 : i32
        %sign3A_2609 = arith.constant 0 : i32
        %sign3A_2610 = arith.cmpi sgt, %add3A_2606, %sign3A_2609 : i32
        %sign3A_2611 = arith.extui %sign3A_2610 : i1 to i32
        %sign3A_2612 = arith.constant 0 : i32
        %sign3A_2613 = arith.cmpi slt, %add3A_2606, %sign3A_2612 : i32
        %sign3A_2614 = arith.extui %sign3A_2613 : i1 to i32
        %sign3A_2615 = arith.subi %sign3A_2611, %sign3A_2614 : i32
        %sign3A_2616 = arith.constant 0 : i32
        %sign3A_2617 = arith.cmpi sgt, %jit3A_2607, %sign3A_2616 : i32
        %sign3A_2618 = arith.extui %sign3A_2617 : i1 to i32
        %sign3A_2619 = arith.constant 0 : i32
        %sign3A_2620 = arith.cmpi slt, %jit3A_2607, %sign3A_2619 : i32
        %sign3A_2621 = arith.extui %sign3A_2620 : i1 to i32
        %sign3A_2622 = arith.subi %sign3A_2618, %sign3A_2621 : i32
        %ne3A_2623 = arith.cmpi ne, %sign3A_2615, %sign3A_2622 : i32
        %rem3A_2624 = arith.remsi %add3A_2606, %jit3A_2607 : i32
        %ne3A_2625 = arith.constant 0 : i32
        %ne3A_2626 = arith.cmpi ne, %rem3A_2624, %ne3A_2625 : i32
        %and3A_2627 = arith.andi %ne3A_2623, %ne3A_2626 : i1
        %sub3A_2628 = arith.constant 1 : i32
        %sub3A_2629 = arith.subi %div3A_2608, %sub3A_2628 : i32
        %select_n3A_2630 = arith.select %and3A_2627, %sub3A_2629, %div3A_2608 : i32
        %jit3A_2631 = arith.constant 128 : i32
        %eq3A_2632 = arith.constant 0 : i32
        %eq3A_2633 = arith.cmpi eq, %jit3A_2631, %eq3A_2632 : i32
        %jit3A_2634 = arith.constant 1 : i32
        %select_n3A_2635 = arith.select %eq3A_2633, %jit3A_2634, %jit3A_2631 : i32
        %rem3A_2636 = arith.remsi %add3A_2606, %select_n3A_2635 : i32
        %ne3A_2637 = arith.constant 0 : i32
        %ne3A_2638 = arith.cmpi ne, %rem3A_2636, %ne3A_2637 : i32
        %lt3A_2639 = arith.constant 0 : i32
        %lt3A_2640 = arith.cmpi slt, %rem3A_2636, %lt3A_2639 : i32
        %lt3A_2641 = arith.constant 0 : i32
        %lt3A_2642 = arith.cmpi slt, %select_n3A_2635, %lt3A_2641 : i32
        %ne3A_2643 = arith.xori %lt3A_2640, %lt3A_2642 : i1
        %and3A_2644 = arith.andi %ne3A_2643, %ne3A_2638 : i1
        %add3A_2645 = arith.addi %rem3A_2636, %select_n3A_2635 : i32
        %select_n3A_2646 = arith.select %and3A_2644, %add3A_2645, %rem3A_2636 : i32
        %swap3A_2647 = arith.index_cast %select_n3A_2630 : i32 to index
        %swap3A_2648 = arith.index_cast %select_n3A_2646 : i32 to index
        %swap3A_2649 = tpu.vector_load %arg8[%swap3A_2647, %swap3A_2648] {strides = array<i32>} : memref<440x128xf32, #tpu.memory_space<vmem>>, vector<16xf32>,
        tpu.vector_store %arg8[%swap3A_2647, %swap3A_2648], %gather3A_2604 {strides = array<i32>} : memref<440x128xf32, #tpu.memory_space<vmem>>, vector<16xf32>,
        %broadcast_in_dim3A_2650 = arith.constant 10 : i32
        %broadcast_in_dim3A_2651 = vector.broadcast %broadcast_in_dim3A_2650 : i32 to vector<16xi32>
        %lt3A_2652 = arith.constant 0 : i32
        %lt3A_2653 = vector.broadcast %lt3A_2652 : i32 to vector<16xi32>
        %lt3A_2654 = arith.cmpi slt, %broadcast_in_dim3A_2651, %lt3A_2653 : vector<16xi32>
        %add3A_2655 = arith.constant 16 : i32
        %add3A_2656 = vector.broadcast %add3A_2655 : i32 to vector<16xi32>
        %add3A_2657 = arith.addi %broadcast_in_dim3A_2651, %add3A_2656 : vector<16xi32>
        %select_n3A_2658 = arith.select %lt3A_2654, %add3A_2657, %broadcast_in_dim3A_2651 : vector<16xi1>, vector<16xi32>
        %broadcast_in_dim3A_2659 = vector.shape_cast %select_n3A_2658 : vector<16xi32> to vector<16x1xi32>
        %gather3A_2660 = vector.shape_cast %broadcast_in_dim3A_2659 : vector<16x1xi32> to vector<16xi32>
        %gather3A_2661 = tpu.dynamic_gather %get3A_1139[%gather3A_2660] in [0] : vector<16xi32>, vector<16xi32> -> vector<16xi32>
        %gather3A_2662 = tpu.vector_load_idx %arg12[%gather3A_2661, %iota3A] : memref<6x16xf32, #tpu.memory_space<vmem>>[vector<16xi32>, vector<16xi32>], vector<16xf32>,
        %add3A_2663 = arith.constant 416 : i32
        %add3A_2664 = arith.addi %mul3A_1133, %add3A_2663 : i32
        %jit3A_2665 = arith.constant 128 : i32
        %div3A_2666 = arith.divsi %add3A_2664, %jit3A_2665 : i32
        %sign3A_2667 = arith.constant 0 : i32
        %sign3A_2668 = arith.cmpi sgt, %add3A_2664, %sign3A_2667 : i32
        %sign3A_2669 = arith.extui %sign3A_2668 : i1 to i32
        %sign3A_2670 = arith.constant 0 : i32
        %sign3A_2671 = arith.cmpi slt, %add3A_2664, %sign3A_2670 : i32
        %sign3A_2672 = arith.extui %sign3A_2671 : i1 to i32
        %sign3A_2673 = arith.subi %sign3A_2669, %sign3A_2672 : i32
        %sign3A_2674 = arith.constant 0 : i32
        %sign3A_2675 = arith.cmpi sgt, %jit3A_2665, %sign3A_2674 : i32
        %sign3A_2676 = arith.extui %sign3A_2675 : i1 to i32
        %sign3A_2677 = arith.constant 0 : i32
        %sign3A_2678 = arith.cmpi slt, %jit3A_2665, %sign3A_2677 : i32
        %sign3A_2679 = arith.extui %sign3A_2678 : i1 to i32
        %sign3A_2680 = arith.subi %sign3A_2676, %sign3A_2679 : i32
        %ne3A_2681 = arith.cmpi ne, %sign3A_2673, %sign3A_2680 : i32
        %rem3A_2682 = arith.remsi %add3A_2664, %jit3A_2665 : i32
        %ne3A_2683 = arith.constant 0 : i32
        %ne3A_2684 = arith.cmpi ne, %rem3A_2682, %ne3A_2683 : i32
        %and3A_2685 = arith.andi %ne3A_2681, %ne3A_2684 : i1
        %sub3A_2686 = arith.constant 1 : i32
        %sub3A_2687 = arith.subi %div3A_2666, %sub3A_2686 : i32
        %select_n3A_2688 = arith.select %and3A_2685, %sub3A_2687, %div3A_2666 : i32
        %jit3A_2689 = arith.constant 128 : i32
        %eq3A_2690 = arith.constant 0 : i32
        %eq3A_2691 = arith.cmpi eq, %jit3A_2689, %eq3A_2690 : i32
        %jit3A_2692 = arith.constant 1 : i32
        %select_n3A_2693 = arith.select %eq3A_2691, %jit3A_2692, %jit3A_2689 : i32
        %rem3A_2694 = arith.remsi %add3A_2664, %select_n3A_2693 : i32
        %ne3A_2695 = arith.constant 0 : i32
        %ne3A_2696 = arith.cmpi ne, %rem3A_2694, %ne3A_2695 : i32
        %lt3A_2697 = arith.constant 0 : i32
        %lt3A_2698 = arith.cmpi slt, %rem3A_2694, %lt3A_2697 : i32
        %lt3A_2699 = arith.constant 0 : i32
        %lt3A_2700 = arith.cmpi slt, %select_n3A_2693, %lt3A_2699 : i32
        %ne3A_2701 = arith.xori %lt3A_2698, %lt3A_2700 : i1
        %and3A_2702 = arith.andi %ne3A_2701, %ne3A_2696 : i1
        %add3A_2703 = arith.addi %rem3A_2694, %select_n3A_2693 : i32
        %select_n3A_2704 = arith.select %and3A_2702, %add3A_2703, %rem3A_2694 : i32
        %swap3A_2705 = arith.index_cast %select_n3A_2688 : i32 to index
        %swap3A_2706 = arith.index_cast %select_n3A_2704 : i32 to index
        %swap3A_2707 = tpu.vector_load %arg8[%swap3A_2705, %swap3A_2706] {strides = array<i32>} : memref<440x128xf32, #tpu.memory_space<vmem>>, vector<16xf32>,
        tpu.vector_store %arg8[%swap3A_2705, %swap3A_2706], %gather3A_2662 {strides = array<i32>} : memref<440x128xf32, #tpu.memory_space<vmem>>, vector<16xf32>,
        %broadcast_in_dim3A_2708 = arith.constant 11 : i32
        %broadcast_in_dim3A_2709 = vector.broadcast %broadcast_in_dim3A_2708 : i32 to vector<16xi32>
        %lt3A_2710 = arith.constant 0 : i32
        %lt3A_2711 = vector.broadcast %lt3A_2710 : i32 to vector<16xi32>
        %lt3A_2712 = arith.cmpi slt, %broadcast_in_dim3A_2709, %lt3A_2711 : vector<16xi32>
        %add3A_2713 = arith.constant 16 : i32
        %add3A_2714 = vector.broadcast %add3A_2713 : i32 to vector<16xi32>
        %add3A_2715 = arith.addi %broadcast_in_dim3A_2709, %add3A_2714 : vector<16xi32>
        %select_n3A_2716 = arith.select %lt3A_2712, %add3A_2715, %broadcast_in_dim3A_2709 : vector<16xi1>, vector<16xi32>
        %broadcast_in_dim3A_2717 = vector.shape_cast %select_n3A_2716 : vector<16xi32> to vector<16x1xi32>
        %gather3A_2718 = vector.shape_cast %broadcast_in_dim3A_2717 : vector<16x1xi32> to vector<16xi32>
        %gather3A_2719 = tpu.dynamic_gather %get3A_1139[%gather3A_2718] in [0] : vector<16xi32>, vector<16xi32> -> vector<16xi32>
        %gather3A_2720 = tpu.vector_load_idx %arg12[%gather3A_2719, %iota3A] : memref<6x16xf32, #tpu.memory_space<vmem>>[vector<16xi32>, vector<16xi32>], vector<16xf32>,
        %add3A_2721 = arith.constant 432 : i32
        %add3A_2722 = arith.addi %mul3A_1133, %add3A_2721 : i32
        %jit3A_2723 = arith.constant 128 : i32
        %div3A_2724 = arith.divsi %add3A_2722, %jit3A_2723 : i32
        %sign3A_2725 = arith.constant 0 : i32
        %sign3A_2726 = arith.cmpi sgt, %add3A_2722, %sign3A_2725 : i32
        %sign3A_2727 = arith.extui %sign3A_2726 : i1 to i32
        %sign3A_2728 = arith.constant 0 : i32
        %sign3A_2729 = arith.cmpi slt, %add3A_2722, %sign3A_2728 : i32
        %sign3A_2730 = arith.extui %sign3A_2729 : i1 to i32
        %sign3A_2731 = arith.subi %sign3A_2727, %sign3A_2730 : i32
        %sign3A_2732 = arith.constant 0 : i32
        %sign3A_2733 = arith.cmpi sgt, %jit3A_2723, %sign3A_2732 : i32
        %sign3A_2734 = arith.extui %sign3A_2733 : i1 to i32
        %sign3A_2735 = arith.constant 0 : i32
        %sign3A_2736 = arith.cmpi slt, %jit3A_2723, %sign3A_2735 : i32
        %sign3A_2737 = arith.extui %sign3A_2736 : i1 to i32
        %sign3A_2738 = arith.subi %sign3A_2734, %sign3A_2737 : i32
        %ne3A_2739 = arith.cmpi ne, %sign3A_2731, %sign3A_2738 : i32
        %rem3A_2740 = arith.remsi %add3A_2722, %jit3A_2723 : i32
        %ne3A_2741 = arith.constant 0 : i32
        %ne3A_2742 = arith.cmpi ne, %rem3A_2740, %ne3A_2741 : i32
        %and3A_2743 = arith.andi %ne3A_2739, %ne3A_2742 : i1
        %sub3A_2744 = arith.constant 1 : i32
        %sub3A_2745 = arith.subi %div3A_2724, %sub3A_2744 : i32
        %select_n3A_2746 = arith.select %and3A_2743, %sub3A_2745, %div3A_2724 : i32
        %jit3A_2747 = arith.constant 128 : i32
        %eq3A_2748 = arith.constant 0 : i32
        %eq3A_2749 = arith.cmpi eq, %jit3A_2747, %eq3A_2748 : i32
        %jit3A_2750 = arith.constant 1 : i32
        %select_n3A_2751 = arith.select %eq3A_2749, %jit3A_2750, %jit3A_2747 : i32
        %rem3A_2752 = arith.remsi %add3A_2722, %select_n3A_2751 : i32
        %ne3A_2753 = arith.constant 0 : i32
        %ne3A_2754 = arith.cmpi ne, %rem3A_2752, %ne3A_2753 : i32
        %lt3A_2755 = arith.constant 0 : i32
        %lt3A_2756 = arith.cmpi slt, %rem3A_2752, %lt3A_2755 : i32
        %lt3A_2757 = arith.constant 0 : i32
        %lt3A_2758 = arith.cmpi slt, %select_n3A_2751, %lt3A_2757 : i32
        %ne3A_2759 = arith.xori %lt3A_2756, %lt3A_2758 : i1
        %and3A_2760 = arith.andi %ne3A_2759, %ne3A_2754 : i1
        %add3A_2761 = arith.addi %rem3A_2752, %select_n3A_2751 : i32
        %select_n3A_2762 = arith.select %and3A_2760, %add3A_2761, %rem3A_2752 : i32
        %swap3A_2763 = arith.index_cast %select_n3A_2746 : i32 to index
        %swap3A_2764 = arith.index_cast %select_n3A_2762 : i32 to index
        %swap3A_2765 = tpu.vector_load %arg8[%swap3A_2763, %swap3A_2764] {strides = array<i32>} : memref<440x128xf32, #tpu.memory_space<vmem>>, vector<16xf32>,
        tpu.vector_store %arg8[%swap3A_2763, %swap3A_2764], %gather3A_2720 {strides = array<i32>} : memref<440x128xf32, #tpu.memory_space<vmem>>, vector<16xf32>,
        %broadcast_in_dim3A_2766 = arith.constant 12 : i32
        %broadcast_in_dim3A_2767 = vector.broadcast %broadcast_in_dim3A_2766 : i32 to vector<16xi32>
        %lt3A_2768 = arith.constant 0 : i32
        %lt3A_2769 = vector.broadcast %lt3A_2768 : i32 to vector<16xi32>
        %lt3A_2770 = arith.cmpi slt, %broadcast_in_dim3A_2767, %lt3A_2769 : vector<16xi32>
        %add3A_2771 = arith.constant 16 : i32
        %add3A_2772 = vector.broadcast %add3A_2771 : i32 to vector<16xi32>
        %add3A_2773 = arith.addi %broadcast_in_dim3A_2767, %add3A_2772 : vector<16xi32>
        %select_n3A_2774 = arith.select %lt3A_2770, %add3A_2773, %broadcast_in_dim3A_2767 : vector<16xi1>, vector<16xi32>
        %broadcast_in_dim3A_2775 = vector.shape_cast %select_n3A_2774 : vector<16xi32> to vector<16x1xi32>
        %gather3A_2776 = vector.shape_cast %broadcast_in_dim3A_2775 : vector<16x1xi32> to vector<16xi32>
        %gather3A_2777 = tpu.dynamic_gather %get3A_1139[%gather3A_2776] in [0] : vector<16xi32>, vector<16xi32> -> vector<16xi32>
        %gather3A_2778 = tpu.vector_load_idx %arg12[%gather3A_2777, %iota3A] : memref<6x16xf32, #tpu.memory_space<vmem>>[vector<16xi32>, vector<16xi32>], vector<16xf32>,
        %add3A_2779 = arith.constant 448 : i32
        %add3A_2780 = arith.addi %mul3A_1133, %add3A_2779 : i32
        %jit3A_2781 = arith.constant 128 : i32
        %div3A_2782 = arith.divsi %add3A_2780, %jit3A_2781 : i32
        %sign3A_2783 = arith.constant 0 : i32
        %sign3A_2784 = arith.cmpi sgt, %add3A_2780, %sign3A_2783 : i32
        %sign3A_2785 = arith.extui %sign3A_2784 : i1 to i32
        %sign3A_2786 = arith.constant 0 : i32
        %sign3A_2787 = arith.cmpi slt, %add3A_2780, %sign3A_2786 : i32
        %sign3A_2788 = arith.extui %sign3A_2787 : i1 to i32
        %sign3A_2789 = arith.subi %sign3A_2785, %sign3A_2788 : i32
        %sign3A_2790 = arith.constant 0 : i32
        %sign3A_2791 = arith.cmpi sgt, %jit3A_2781, %sign3A_2790 : i32
        %sign3A_2792 = arith.extui %sign3A_2791 : i1 to i32
        %sign3A_2793 = arith.constant 0 : i32
        %sign3A_2794 = arith.cmpi slt, %jit3A_2781, %sign3A_2793 : i32
        %sign3A_2795 = arith.extui %sign3A_2794 : i1 to i32
        %sign3A_2796 = arith.subi %sign3A_2792, %sign3A_2795 : i32
        %ne3A_2797 = arith.cmpi ne, %sign3A_2789, %sign3A_2796 : i32
        %rem3A_2798 = arith.remsi %add3A_2780, %jit3A_2781 : i32
        %ne3A_2799 = arith.constant 0 : i32
        %ne3A_2800 = arith.cmpi ne, %rem3A_2798, %ne3A_2799 : i32
        %and3A_2801 = arith.andi %ne3A_2797, %ne3A_2800 : i1
        %sub3A_2802 = arith.constant 1 : i32
        %sub3A_2803 = arith.subi %div3A_2782, %sub3A_2802 : i32
        %select_n3A_2804 = arith.select %and3A_2801, %sub3A_2803, %div3A_2782 : i32
        %jit3A_2805 = arith.constant 128 : i32
        %eq3A_2806 = arith.constant 0 : i32
        %eq3A_2807 = arith.cmpi eq, %jit3A_2805, %eq3A_2806 : i32
        %jit3A_2808 = arith.constant 1 : i32
        %select_n3A_2809 = arith.select %eq3A_2807, %jit3A_2808, %jit3A_2805 : i32
        %rem3A_2810 = arith.remsi %add3A_2780, %select_n3A_2809 : i32
        %ne3A_2811 = arith.constant 0 : i32
        %ne3A_2812 = arith.cmpi ne, %rem3A_2810, %ne3A_2811 : i32
        %lt3A_2813 = arith.constant 0 : i32
        %lt3A_2814 = arith.cmpi slt, %rem3A_2810, %lt3A_2813 : i32
        %lt3A_2815 = arith.constant 0 : i32
        %lt3A_2816 = arith.cmpi slt, %select_n3A_2809, %lt3A_2815 : i32
        %ne3A_2817 = arith.xori %lt3A_2814, %lt3A_2816 : i1
        %and3A_2818 = arith.andi %ne3A_2817, %ne3A_2812 : i1
        %add3A_2819 = arith.addi %rem3A_2810, %select_n3A_2809 : i32
        %select_n3A_2820 = arith.select %and3A_2818, %add3A_2819, %rem3A_2810 : i32
        %swap3A_2821 = arith.index_cast %select_n3A_2804 : i32 to index
        %swap3A_2822 = arith.index_cast %select_n3A_2820 : i32 to index
        %swap3A_2823 = tpu.vector_load %arg8[%swap3A_2821, %swap3A_2822] {strides = array<i32>} : memref<440x128xf32, #tpu.memory_space<vmem>>, vector<16xf32>,
        tpu.vector_store %arg8[%swap3A_2821, %swap3A_2822], %gather3A_2778 {strides = array<i32>} : memref<440x128xf32, #tpu.memory_space<vmem>>, vector<16xf32>,
        %broadcast_in_dim3A_2824 = arith.constant 13 : i32
        %broadcast_in_dim3A_2825 = vector.broadcast %broadcast_in_dim3A_2824 : i32 to vector<16xi32>
        %lt3A_2826 = arith.constant 0 : i32
        %lt3A_2827 = vector.broadcast %lt3A_2826 : i32 to vector<16xi32>
        %lt3A_2828 = arith.cmpi slt, %broadcast_in_dim3A_2825, %lt3A_2827 : vector<16xi32>
        %add3A_2829 = arith.constant 16 : i32
        %add3A_2830 = vector.broadcast %add3A_2829 : i32 to vector<16xi32>
        %add3A_2831 = arith.addi %broadcast_in_dim3A_2825, %add3A_2830 : vector<16xi32>
        %select_n3A_2832 = arith.select %lt3A_2828, %add3A_2831, %broadcast_in_dim3A_2825 : vector<16xi1>, vector<16xi32>
        %broadcast_in_dim3A_2833 = vector.shape_cast %select_n3A_2832 : vector<16xi32> to vector<16x1xi32>
        %gather3A_2834 = vector.shape_cast %broadcast_in_dim3A_2833 : vector<16x1xi32> to vector<16xi32>
        %gather3A_2835 = tpu.dynamic_gather %get3A_1139[%gather3A_2834] in [0] : vector<16xi32>, vector<16xi32> -> vector<16xi32>
        %gather3A_2836 = tpu.vector_load_idx %arg12[%gather3A_2835, %iota3A] : memref<6x16xf32, #tpu.memory_space<vmem>>[vector<16xi32>, vector<16xi32>], vector<16xf32>,
        %add3A_2837 = arith.constant 464 : i32
        %add3A_2838 = arith.addi %mul3A_1133, %add3A_2837 : i32
        %jit3A_2839 = arith.constant 128 : i32
        %div3A_2840 = arith.divsi %add3A_2838, %jit3A_2839 : i32
        %sign3A_2841 = arith.constant 0 : i32
        %sign3A_2842 = arith.cmpi sgt, %add3A_2838, %sign3A_2841 : i32
        %sign3A_2843 = arith.extui %sign3A_2842 : i1 to i32
        %sign3A_2844 = arith.constant 0 : i32
        %sign3A_2845 = arith.cmpi slt, %add3A_2838, %sign3A_2844 : i32
        %sign3A_2846 = arith.extui %sign3A_2845 : i1 to i32
        %sign3A_2847 = arith.subi %sign3A_2843, %sign3A_2846 : i32
        %sign3A_2848 = arith.constant 0 : i32
        %sign3A_2849 = arith.cmpi sgt, %jit3A_2839, %sign3A_2848 : i32
        %sign3A_2850 = arith.extui %sign3A_2849 : i1 to i32
        %sign3A_2851 = arith.constant 0 : i32
        %sign3A_2852 = arith.cmpi slt, %jit3A_2839, %sign3A_2851 : i32
        %sign3A_2853 = arith.extui %sign3A_2852 : i1 to i32
        %sign3A_2854 = arith.subi %sign3A_2850, %sign3A_2853 : i32
        %ne3A_2855 = arith.cmpi ne, %sign3A_2847, %sign3A_2854 : i32
        %rem3A_2856 = arith.remsi %add3A_2838, %jit3A_2839 : i32
        %ne3A_2857 = arith.constant 0 : i32
        %ne3A_2858 = arith.cmpi ne, %rem3A_2856, %ne3A_2857 : i32
        %and3A_2859 = arith.andi %ne3A_2855, %ne3A_2858 : i1
        %sub3A_2860 = arith.constant 1 : i32
        %sub3A_2861 = arith.subi %div3A_2840, %sub3A_2860 : i32
        %select_n3A_2862 = arith.select %and3A_2859, %sub3A_2861, %div3A_2840 : i32
        %jit3A_2863 = arith.constant 128 : i32
        %eq3A_2864 = arith.constant 0 : i32
        %eq3A_2865 = arith.cmpi eq, %jit3A_2863, %eq3A_2864 : i32
        %jit3A_2866 = arith.constant 1 : i32
        %select_n3A_2867 = arith.select %eq3A_2865, %jit3A_2866, %jit3A_2863 : i32
        %rem3A_2868 = arith.remsi %add3A_2838, %select_n3A_2867 : i32
        %ne3A_2869 = arith.constant 0 : i32
        %ne3A_2870 = arith.cmpi ne, %rem3A_2868, %ne3A_2869 : i32
        %lt3A_2871 = arith.constant 0 : i32
        %lt3A_2872 = arith.cmpi slt, %rem3A_2868, %lt3A_2871 : i32
        %lt3A_2873 = arith.constant 0 : i32
        %lt3A_2874 = arith.cmpi slt, %select_n3A_2867, %lt3A_2873 : i32
        %ne3A_2875 = arith.xori %lt3A_2872, %lt3A_2874 : i1
        %and3A_2876 = arith.andi %ne3A_2875, %ne3A_2870 : i1
        %add3A_2877 = arith.addi %rem3A_2868, %select_n3A_2867 : i32
        %select_n3A_2878 = arith.select %and3A_2876, %add3A_2877, %rem3A_2868 : i32
        %swap3A_2879 = arith.index_cast %select_n3A_2862 : i32 to index
        %swap3A_2880 = arith.index_cast %select_n3A_2878 : i32 to index
        %swap3A_2881 = tpu.vector_load %arg8[%swap3A_2879, %swap3A_2880] {strides = array<i32>} : memref<440x128xf32, #tpu.memory_space<vmem>>, vector<16xf32>,
        tpu.vector_store %arg8[%swap3A_2879, %swap3A_2880], %gather3A_2836 {strides = array<i32>} : memref<440x128xf32, #tpu.memory_space<vmem>>, vector<16xf32>,
        %broadcast_in_dim3A_2882 = arith.constant 14 : i32
        %broadcast_in_dim3A_2883 = vector.broadcast %broadcast_in_dim3A_2882 : i32 to vector<16xi32>
        %lt3A_2884 = arith.constant 0 : i32
        %lt3A_2885 = vector.broadcast %lt3A_2884 : i32 to vector<16xi32>
        %lt3A_2886 = arith.cmpi slt, %broadcast_in_dim3A_2883, %lt3A_2885 : vector<16xi32>
        %add3A_2887 = arith.constant 16 : i32
        %add3A_2888 = vector.broadcast %add3A_2887 : i32 to vector<16xi32>
        %add3A_2889 = arith.addi %broadcast_in_dim3A_2883, %add3A_2888 : vector<16xi32>
        %select_n3A_2890 = arith.select %lt3A_2886, %add3A_2889, %broadcast_in_dim3A_2883 : vector<16xi1>, vector<16xi32>
        %broadcast_in_dim3A_2891 = vector.shape_cast %select_n3A_2890 : vector<16xi32> to vector<16x1xi32>
        %gather3A_2892 = vector.shape_cast %broadcast_in_dim3A_2891 : vector<16x1xi32> to vector<16xi32>
        %gather3A_2893 = tpu.dynamic_gather %get3A_1139[%gather3A_2892] in [0] : vector<16xi32>, vector<16xi32> -> vector<16xi32>
        %gather3A_2894 = tpu.vector_load_idx %arg12[%gather3A_2893, %iota3A] : memref<6x16xf32, #tpu.memory_space<vmem>>[vector<16xi32>, vector<16xi32>], vector<16xf32>,
        %add3A_2895 = arith.constant 480 : i32
        %add3A_2896 = arith.addi %mul3A_1133, %add3A_2895 : i32
        %jit3A_2897 = arith.constant 128 : i32
        %div3A_2898 = arith.divsi %add3A_2896, %jit3A_2897 : i32
        %sign3A_2899 = arith.constant 0 : i32
        %sign3A_2900 = arith.cmpi sgt, %add3A_2896, %sign3A_2899 : i32
        %sign3A_2901 = arith.extui %sign3A_2900 : i1 to i32
        %sign3A_2902 = arith.constant 0 : i32
        %sign3A_2903 = arith.cmpi slt, %add3A_2896, %sign3A_2902 : i32
        %sign3A_2904 = arith.extui %sign3A_2903 : i1 to i32
        %sign3A_2905 = arith.subi %sign3A_2901, %sign3A_2904 : i32
        %sign3A_2906 = arith.constant 0 : i32
        %sign3A_2907 = arith.cmpi sgt, %jit3A_2897, %sign3A_2906 : i32
        %sign3A_2908 = arith.extui %sign3A_2907 : i1 to i32
        %sign3A_2909 = arith.constant 0 : i32
        %sign3A_2910 = arith.cmpi slt, %jit3A_2897, %sign3A_2909 : i32
        %sign3A_2911 = arith.extui %sign3A_2910 : i1 to i32
        %sign3A_2912 = arith.subi %sign3A_2908, %sign3A_2911 : i32
        %ne3A_2913 = arith.cmpi ne, %sign3A_2905, %sign3A_2912 : i32
        %rem3A_2914 = arith.remsi %add3A_2896, %jit3A_2897 : i32
        %ne3A_2915 = arith.constant 0 : i32
        %ne3A_2916 = arith.cmpi ne, %rem3A_2914, %ne3A_2915 : i32
        %and3A_2917 = arith.andi %ne3A_2913, %ne3A_2916 : i1
        %sub3A_2918 = arith.constant 1 : i32
        %sub3A_2919 = arith.subi %div3A_2898, %sub3A_2918 : i32
        %select_n3A_2920 = arith.select %and3A_2917, %sub3A_2919, %div3A_2898 : i32
        %jit3A_2921 = arith.constant 128 : i32
        %eq3A_2922 = arith.constant 0 : i32
        %eq3A_2923 = arith.cmpi eq, %jit3A_2921, %eq3A_2922 : i32
        %jit3A_2924 = arith.constant 1 : i32
        %select_n3A_2925 = arith.select %eq3A_2923, %jit3A_2924, %jit3A_2921 : i32
        %rem3A_2926 = arith.remsi %add3A_2896, %select_n3A_2925 : i32
        %ne3A_2927 = arith.constant 0 : i32
        %ne3A_2928 = arith.cmpi ne, %rem3A_2926, %ne3A_2927 : i32
        %lt3A_2929 = arith.constant 0 : i32
        %lt3A_2930 = arith.cmpi slt, %rem3A_2926, %lt3A_2929 : i32
        %lt3A_2931 = arith.constant 0 : i32
        %lt3A_2932 = arith.cmpi slt, %select_n3A_2925, %lt3A_2931 : i32
        %ne3A_2933 = arith.xori %lt3A_2930, %lt3A_2932 : i1
        %and3A_2934 = arith.andi %ne3A_2933, %ne3A_2928 : i1
        %add3A_2935 = arith.addi %rem3A_2926, %select_n3A_2925 : i32
        %select_n3A_2936 = arith.select %and3A_2934, %add3A_2935, %rem3A_2926 : i32
        %swap3A_2937 = arith.index_cast %select_n3A_2920 : i32 to index
        %swap3A_2938 = arith.index_cast %select_n3A_2936 : i32 to index
        %swap3A_2939 = tpu.vector_load %arg8[%swap3A_2937, %swap3A_2938] {strides = array<i32>} : memref<440x128xf32, #tpu.memory_space<vmem>>, vector<16xf32>,
        tpu.vector_store %arg8[%swap3A_2937, %swap3A_2938], %gather3A_2894 {strides = array<i32>} : memref<440x128xf32, #tpu.memory_space<vmem>>, vector<16xf32>,
        %broadcast_in_dim3A_2940 = arith.constant 15 : i32
        %broadcast_in_dim3A_2941 = vector.broadcast %broadcast_in_dim3A_2940 : i32 to vector<16xi32>
        %lt3A_2942 = arith.constant 0 : i32
        %lt3A_2943 = vector.broadcast %lt3A_2942 : i32 to vector<16xi32>
        %lt3A_2944 = arith.cmpi slt, %broadcast_in_dim3A_2941, %lt3A_2943 : vector<16xi32>
        %add3A_2945 = arith.constant 16 : i32
        %add3A_2946 = vector.broadcast %add3A_2945 : i32 to vector<16xi32>
        %add3A_2947 = arith.addi %broadcast_in_dim3A_2941, %add3A_2946 : vector<16xi32>
        %select_n3A_2948 = arith.select %lt3A_2944, %add3A_2947, %broadcast_in_dim3A_2941 : vector<16xi1>, vector<16xi32>
        %broadcast_in_dim3A_2949 = vector.shape_cast %select_n3A_2948 : vector<16xi32> to vector<16x1xi32>
        %gather3A_2950 = vector.shape_cast %broadcast_in_dim3A_2949 : vector<16x1xi32> to vector<16xi32>
        %gather3A_2951 = tpu.dynamic_gather %get3A_1139[%gather3A_2950] in [0] : vector<16xi32>, vector<16xi32> -> vector<16xi32>
        %gather3A_2952 = tpu.vector_load_idx %arg12[%gather3A_2951, %iota3A] : memref<6x16xf32, #tpu.memory_space<vmem>>[vector<16xi32>, vector<16xi32>], vector<16xf32>,
        %add3A_2953 = arith.constant 496 : i32
        %add3A_2954 = arith.addi %mul3A_1133, %add3A_2953 : i32
        %jit3A_2955 = arith.constant 128 : i32
        %div3A_2956 = arith.divsi %add3A_2954, %jit3A_2955 : i32
        %sign3A_2957 = arith.constant 0 : i32
        %sign3A_2958 = arith.cmpi sgt, %add3A_2954, %sign3A_2957 : i32
        %sign3A_2959 = arith.extui %sign3A_2958 : i1 to i32
        %sign3A_2960 = arith.constant 0 : i32
        %sign3A_2961 = arith.cmpi slt, %add3A_2954, %sign3A_2960 : i32
        %sign3A_2962 = arith.extui %sign3A_2961 : i1 to i32
        %sign3A_2963 = arith.subi %sign3A_2959, %sign3A_2962 : i32
        %sign3A_2964 = arith.constant 0 : i32
        %sign3A_2965 = arith.cmpi sgt, %jit3A_2955, %sign3A_2964 : i32
        %sign3A_2966 = arith.extui %sign3A_2965 : i1 to i32
        %sign3A_2967 = arith.constant 0 : i32
        %sign3A_2968 = arith.cmpi slt, %jit3A_2955, %sign3A_2967 : i32
        %sign3A_2969 = arith.extui %sign3A_2968 : i1 to i32
        %sign3A_2970 = arith.subi %sign3A_2966, %sign3A_2969 : i32
        %ne3A_2971 = arith.cmpi ne, %sign3A_2963, %sign3A_2970 : i32
        %rem3A_2972 = arith.remsi %add3A_2954, %jit3A_2955 : i32
        %ne3A_2973 = arith.constant 0 : i32
        %ne3A_2974 = arith.cmpi ne, %rem3A_2972, %ne3A_2973 : i32
        %and3A_2975 = arith.andi %ne3A_2971, %ne3A_2974 : i1
        %sub3A_2976 = arith.constant 1 : i32
        %sub3A_2977 = arith.subi %div3A_2956, %sub3A_2976 : i32
        %select_n3A_2978 = arith.select %and3A_2975, %sub3A_2977, %div3A_2956 : i32
        %jit3A_2979 = arith.constant 128 : i32
        %eq3A_2980 = arith.constant 0 : i32
        %eq3A_2981 = arith.cmpi eq, %jit3A_2979, %eq3A_2980 : i32
        %jit3A_2982 = arith.constant 1 : i32
        %select_n3A_2983 = arith.select %eq3A_2981, %jit3A_2982, %jit3A_2979 : i32
        %rem3A_2984 = arith.remsi %add3A_2954, %select_n3A_2983 : i32
        %ne3A_2985 = arith.constant 0 : i32
        %ne3A_2986 = arith.cmpi ne, %rem3A_2984, %ne3A_2985 : i32
        %lt3A_2987 = arith.constant 0 : i32
        %lt3A_2988 = arith.cmpi slt, %rem3A_2984, %lt3A_2987 : i32
        %lt3A_2989 = arith.constant 0 : i32
        %lt3A_2990 = arith.cmpi slt, %select_n3A_2983, %lt3A_2989 : i32
        %ne3A_2991 = arith.xori %lt3A_2988, %lt3A_2990 : i1
        %and3A_2992 = arith.andi %ne3A_2991, %ne3A_2986 : i1
        %add3A_2993 = arith.addi %rem3A_2984, %select_n3A_2983 : i32
        %select_n3A_2994 = arith.select %and3A_2992, %add3A_2993, %rem3A_2984 : i32
        %swap3A_2995 = arith.index_cast %select_n3A_2978 : i32 to index
        %swap3A_2996 = arith.index_cast %select_n3A_2994 : i32 to index
        %swap3A_2997 = tpu.vector_load %arg8[%swap3A_2995, %swap3A_2996] {strides = array<i32>} : memref<440x128xf32, #tpu.memory_space<vmem>>, vector<16xf32>,
        tpu.vector_store %arg8[%swap3A_2995, %swap3A_2996], %gather3A_2952 {strides = array<i32>} : memref<440x128xf32, #tpu.memory_space<vmem>>, vector<16xf32>,
        %broadcast_in_dim3A_2998 = arith.constant 0 : i32
        %broadcast_in_dim3A_2999 = vector.broadcast %broadcast_in_dim3A_2998 : i32 to vector<16xi32>
        %lt3A_3000 = arith.constant 0 : i32
        %lt3A_3001 = vector.broadcast %lt3A_3000 : i32 to vector<16xi32>
        %lt3A_3002 = arith.cmpi slt, %broadcast_in_dim3A_2999, %lt3A_3001 : vector<16xi32>
        %add3A_3003 = arith.constant 16 : i32
        %add3A_3004 = vector.broadcast %add3A_3003 : i32 to vector<16xi32>
        %add3A_3005 = arith.addi %broadcast_in_dim3A_2999, %add3A_3004 : vector<16xi32>
        %select_n3A_3006 = arith.select %lt3A_3002, %add3A_3005, %broadcast_in_dim3A_2999 : vector<16xi1>, vector<16xi32>
        %broadcast_in_dim3A_3007 = vector.shape_cast %select_n3A_3006 : vector<16xi32> to vector<16x1xi32>
        %gather3A_3008 = vector.shape_cast %broadcast_in_dim3A_3007 : vector<16x1xi32> to vector<16xi32>
        %gather3A_3009 = tpu.dynamic_gather %get3A_1143[%gather3A_3008] in [0] : vector<16xi32>, vector<16xi32> -> vector<16xi32>
        %gather3A_3010 = tpu.vector_load_idx %arg12[%gather3A_3009, %iota3A] : memref<6x16xf32, #tpu.memory_space<vmem>>[vector<16xi32>, vector<16xi32>], vector<16xf32>,
        %add3A_3011 = arith.constant 512 : i32
        %add3A_3012 = arith.addi %mul3A_1133, %add3A_3011 : i32
        %jit3A_3013 = arith.constant 128 : i32
        %div3A_3014 = arith.divsi %add3A_3012, %jit3A_3013 : i32
        %sign3A_3015 = arith.constant 0 : i32
        %sign3A_3016 = arith.cmpi sgt, %add3A_3012, %sign3A_3015 : i32
        %sign3A_3017 = arith.extui %sign3A_3016 : i1 to i32
        %sign3A_3018 = arith.constant 0 : i32
        %sign3A_3019 = arith.cmpi slt, %add3A_3012, %sign3A_3018 : i32
        %sign3A_3020 = arith.extui %sign3A_3019 : i1 to i32
        %sign3A_3021 = arith.subi %sign3A_3017, %sign3A_3020 : i32
        %sign3A_3022 = arith.constant 0 : i32
        %sign3A_3023 = arith.cmpi sgt, %jit3A_3013, %sign3A_3022 : i32
        %sign3A_3024 = arith.extui %sign3A_3023 : i1 to i32
        %sign3A_3025 = arith.constant 0 : i32
        %sign3A_3026 = arith.cmpi slt, %jit3A_3013, %sign3A_3025 : i32
        %sign3A_3027 = arith.extui %sign3A_3026 : i1 to i32
        %sign3A_3028 = arith.subi %sign3A_3024, %sign3A_3027 : i32
        %ne3A_3029 = arith.cmpi ne, %sign3A_3021, %sign3A_3028 : i32
        %rem3A_3030 = arith.remsi %add3A_3012, %jit3A_3013 : i32
        %ne3A_3031 = arith.constant 0 : i32
        %ne3A_3032 = arith.cmpi ne, %rem3A_3030, %ne3A_3031 : i32
        %and3A_3033 = arith.andi %ne3A_3029, %ne3A_3032 : i1
        %sub3A_3034 = arith.constant 1 : i32
        %sub3A_3035 = arith.subi %div3A_3014, %sub3A_3034 : i32
        %select_n3A_3036 = arith.select %and3A_3033, %sub3A_3035, %div3A_3014 : i32
        %jit3A_3037 = arith.constant 128 : i32
        %eq3A_3038 = arith.constant 0 : i32
        %eq3A_3039 = arith.cmpi eq, %jit3A_3037, %eq3A_3038 : i32
        %jit3A_3040 = arith.constant 1 : i32
        %select_n3A_3041 = arith.select %eq3A_3039, %jit3A_3040, %jit3A_3037 : i32
        %rem3A_3042 = arith.remsi %add3A_3012, %select_n3A_3041 : i32
        %ne3A_3043 = arith.constant 0 : i32
        %ne3A_3044 = arith.cmpi ne, %rem3A_3042, %ne3A_3043 : i32
        %lt3A_3045 = arith.constant 0 : i32
        %lt3A_3046 = arith.cmpi slt, %rem3A_3042, %lt3A_3045 : i32
        %lt3A_3047 = arith.constant 0 : i32
        %lt3A_3048 = arith.cmpi slt, %select_n3A_3041, %lt3A_3047 : i32
        %ne3A_3049 = arith.xori %lt3A_3046, %lt3A_3048 : i1
        %and3A_3050 = arith.andi %ne3A_3049, %ne3A_3044 : i1
        %add3A_3051 = arith.addi %rem3A_3042, %select_n3A_3041 : i32
        %select_n3A_3052 = arith.select %and3A_3050, %add3A_3051, %rem3A_3042 : i32
        %swap3A_3053 = arith.index_cast %select_n3A_3036 : i32 to index
        %swap3A_3054 = arith.index_cast %select_n3A_3052 : i32 to index
        %swap3A_3055 = tpu.vector_load %arg8[%swap3A_3053, %swap3A_3054] {strides = array<i32>} : memref<440x128xf32, #tpu.memory_space<vmem>>, vector<16xf32>,
        tpu.vector_store %arg8[%swap3A_3053, %swap3A_3054], %gather3A_3010 {strides = array<i32>} : memref<440x128xf32, #tpu.memory_space<vmem>>, vector<16xf32>,
        %broadcast_in_dim3A_3056 = arith.constant 1 : i32
        %broadcast_in_dim3A_3057 = vector.broadcast %broadcast_in_dim3A_3056 : i32 to vector<16xi32>
        %lt3A_3058 = arith.constant 0 : i32
        %lt3A_3059 = vector.broadcast %lt3A_3058 : i32 to vector<16xi32>
        %lt3A_3060 = arith.cmpi slt, %broadcast_in_dim3A_3057, %lt3A_3059 : vector<16xi32>
        %add3A_3061 = arith.constant 16 : i32
        %add3A_3062 = vector.broadcast %add3A_3061 : i32 to vector<16xi32>
        %add3A_3063 = arith.addi %broadcast_in_dim3A_3057, %add3A_3062 : vector<16xi32>
        %select_n3A_3064 = arith.select %lt3A_3060, %add3A_3063, %broadcast_in_dim3A_3057 : vector<16xi1>, vector<16xi32>
        %broadcast_in_dim3A_3065 = vector.shape_cast %select_n3A_3064 : vector<16xi32> to vector<16x1xi32>
        %gather3A_3066 = vector.shape_cast %broadcast_in_dim3A_3065 : vector<16x1xi32> to vector<16xi32>
        %gather3A_3067 = tpu.dynamic_gather %get3A_1143[%gather3A_3066] in [0] : vector<16xi32>, vector<16xi32> -> vector<16xi32>
        %gather3A_3068 = tpu.vector_load_idx %arg12[%gather3A_3067, %iota3A] : memref<6x16xf32, #tpu.memory_space<vmem>>[vector<16xi32>, vector<16xi32>], vector<16xf32>,
        %add3A_3069 = arith.constant 528 : i32
        %add3A_3070 = arith.addi %mul3A_1133, %add3A_3069 : i32
        %jit3A_3071 = arith.constant 128 : i32
        %div3A_3072 = arith.divsi %add3A_3070, %jit3A_3071 : i32
        %sign3A_3073 = arith.constant 0 : i32
        %sign3A_3074 = arith.cmpi sgt, %add3A_3070, %sign3A_3073 : i32
        %sign3A_3075 = arith.extui %sign3A_3074 : i1 to i32
        %sign3A_3076 = arith.constant 0 : i32
        %sign3A_3077 = arith.cmpi slt, %add3A_3070, %sign3A_3076 : i32
        %sign3A_3078 = arith.extui %sign3A_3077 : i1 to i32
        %sign3A_3079 = arith.subi %sign3A_3075, %sign3A_3078 : i32
        %sign3A_3080 = arith.constant 0 : i32
        %sign3A_3081 = arith.cmpi sgt, %jit3A_3071, %sign3A_3080 : i32
        %sign3A_3082 = arith.extui %sign3A_3081 : i1 to i32
        %sign3A_3083 = arith.constant 0 : i32
        %sign3A_3084 = arith.cmpi slt, %jit3A_3071, %sign3A_3083 : i32
        %sign3A_3085 = arith.extui %sign3A_3084 : i1 to i32
        %sign3A_3086 = arith.subi %sign3A_3082, %sign3A_3085 : i32
        %ne3A_3087 = arith.cmpi ne, %sign3A_3079, %sign3A_3086 : i32
        %rem3A_3088 = arith.remsi %add3A_3070, %jit3A_3071 : i32
        %ne3A_3089 = arith.constant 0 : i32
        %ne3A_3090 = arith.cmpi ne, %rem3A_3088, %ne3A_3089 : i32
        %and3A_3091 = arith.andi %ne3A_3087, %ne3A_3090 : i1
        %sub3A_3092 = arith.constant 1 : i32
        %sub3A_3093 = arith.subi %div3A_3072, %sub3A_3092 : i32
        %select_n3A_3094 = arith.select %and3A_3091, %sub3A_3093, %div3A_3072 : i32
        %jit3A_3095 = arith.constant 128 : i32
        %eq3A_3096 = arith.constant 0 : i32
        %eq3A_3097 = arith.cmpi eq, %jit3A_3095, %eq3A_3096 : i32
        %jit3A_3098 = arith.constant 1 : i32
        %select_n3A_3099 = arith.select %eq3A_3097, %jit3A_3098, %jit3A_3095 : i32
        %rem3A_3100 = arith.remsi %add3A_3070, %select_n3A_3099 : i32
        %ne3A_3101 = arith.constant 0 : i32
        %ne3A_3102 = arith.cmpi ne, %rem3A_3100, %ne3A_3101 : i32
        %lt3A_3103 = arith.constant 0 : i32
        %lt3A_3104 = arith.cmpi slt, %rem3A_3100, %lt3A_3103 : i32
        %lt3A_3105 = arith.constant 0 : i32
        %lt3A_3106 = arith.cmpi slt, %select_n3A_3099, %lt3A_3105 : i32
        %ne3A_3107 = arith.xori %lt3A_3104, %lt3A_3106 : i1
        %and3A_3108 = arith.andi %ne3A_3107, %ne3A_3102 : i1
        %add3A_3109 = arith.addi %rem3A_3100, %select_n3A_3099 : i32
        %select_n3A_3110 = arith.select %and3A_3108, %add3A_3109, %rem3A_3100 : i32
        %swap3A_3111 = arith.index_cast %select_n3A_3094 : i32 to index
        %swap3A_3112 = arith.index_cast %select_n3A_3110 : i32 to index
        %swap3A_3113 = tpu.vector_load %arg8[%swap3A_3111, %swap3A_3112] {strides = array<i32>} : memref<440x128xf32, #tpu.memory_space<vmem>>, vector<16xf32>,
        tpu.vector_store %arg8[%swap3A_3111, %swap3A_3112], %gather3A_3068 {strides = array<i32>} : memref<440x128xf32, #tpu.memory_space<vmem>>, vector<16xf32>,
        %broadcast_in_dim3A_3114 = arith.constant 2 : i32
        %broadcast_in_dim3A_3115 = vector.broadcast %broadcast_in_dim3A_3114 : i32 to vector<16xi32>
        %lt3A_3116 = arith.constant 0 : i32
        %lt3A_3117 = vector.broadcast %lt3A_3116 : i32 to vector<16xi32>
        %lt3A_3118 = arith.cmpi slt, %broadcast_in_dim3A_3115, %lt3A_3117 : vector<16xi32>
        %add3A_3119 = arith.constant 16 : i32
        %add3A_3120 = vector.broadcast %add3A_3119 : i32 to vector<16xi32>
        %add3A_3121 = arith.addi %broadcast_in_dim3A_3115, %add3A_3120 : vector<16xi32>
        %select_n3A_3122 = arith.select %lt3A_3118, %add3A_3121, %broadcast_in_dim3A_3115 : vector<16xi1>, vector<16xi32>
        %broadcast_in_dim3A_3123 = vector.shape_cast %select_n3A_3122 : vector<16xi32> to vector<16x1xi32>
        %gather3A_3124 = vector.shape_cast %broadcast_in_dim3A_3123 : vector<16x1xi32> to vector<16xi32>
        %gather3A_3125 = tpu.dynamic_gather %get3A_1143[%gather3A_3124] in [0] : vector<16xi32>, vector<16xi32> -> vector<16xi32>
        %gather3A_3126 = tpu.vector_load_idx %arg12[%gather3A_3125, %iota3A] : memref<6x16xf32, #tpu.memory_space<vmem>>[vector<16xi32>, vector<16xi32>], vector<16xf32>,
        %add3A_3127 = arith.constant 544 : i32
        %add3A_3128 = arith.addi %mul3A_1133, %add3A_3127 : i32
        %jit3A_3129 = arith.constant 128 : i32
        %div3A_3130 = arith.divsi %add3A_3128, %jit3A_3129 : i32
        %sign3A_3131 = arith.constant 0 : i32
        %sign3A_3132 = arith.cmpi sgt, %add3A_3128, %sign3A_3131 : i32
        %sign3A_3133 = arith.extui %sign3A_3132 : i1 to i32
        %sign3A_3134 = arith.constant 0 : i32
        %sign3A_3135 = arith.cmpi slt, %add3A_3128, %sign3A_3134 : i32
        %sign3A_3136 = arith.extui %sign3A_3135 : i1 to i32
        %sign3A_3137 = arith.subi %sign3A_3133, %sign3A_3136 : i32
        %sign3A_3138 = arith.constant 0 : i32
        %sign3A_3139 = arith.cmpi sgt, %jit3A_3129, %sign3A_3138 : i32
        %sign3A_3140 = arith.extui %sign3A_3139 : i1 to i32
        %sign3A_3141 = arith.constant 0 : i32
        %sign3A_3142 = arith.cmpi slt, %jit3A_3129, %sign3A_3141 : i32
        %sign3A_3143 = arith.extui %sign3A_3142 : i1 to i32
        %sign3A_3144 = arith.subi %sign3A_3140, %sign3A_3143 : i32
        %ne3A_3145 = arith.cmpi ne, %sign3A_3137, %sign3A_3144 : i32
        %rem3A_3146 = arith.remsi %add3A_3128, %jit3A_3129 : i32
        %ne3A_3147 = arith.constant 0 : i32
        %ne3A_3148 = arith.cmpi ne, %rem3A_3146, %ne3A_3147 : i32
        %and3A_3149 = arith.andi %ne3A_3145, %ne3A_3148 : i1
        %sub3A_3150 = arith.constant 1 : i32
        %sub3A_3151 = arith.subi %div3A_3130, %sub3A_3150 : i32
        %select_n3A_3152 = arith.select %and3A_3149, %sub3A_3151, %div3A_3130 : i32
        %jit3A_3153 = arith.constant 128 : i32
        %eq3A_3154 = arith.constant 0 : i32
        %eq3A_3155 = arith.cmpi eq, %jit3A_3153, %eq3A_3154 : i32
        %jit3A_3156 = arith.constant 1 : i32
        %select_n3A_3157 = arith.select %eq3A_3155, %jit3A_3156, %jit3A_3153 : i32
        %rem3A_3158 = arith.remsi %add3A_3128, %select_n3A_3157 : i32
        %ne3A_3159 = arith.constant 0 : i32
        %ne3A_3160 = arith.cmpi ne, %rem3A_3158, %ne3A_3159 : i32
        %lt3A_3161 = arith.constant 0 : i32
        %lt3A_3162 = arith.cmpi slt, %rem3A_3158, %lt3A_3161 : i32
        %lt3A_3163 = arith.constant 0 : i32
        %lt3A_3164 = arith.cmpi slt, %select_n3A_3157, %lt3A_3163 : i32
        %ne3A_3165 = arith.xori %lt3A_3162, %lt3A_3164 : i1
        %and3A_3166 = arith.andi %ne3A_3165, %ne3A_3160 : i1
        %add3A_3167 = arith.addi %rem3A_3158, %select_n3A_3157 : i32
        %select_n3A_3168 = arith.select %and3A_3166, %add3A_3167, %rem3A_3158 : i32
        %swap3A_3169 = arith.index_cast %select_n3A_3152 : i32 to index
        %swap3A_3170 = arith.index_cast %select_n3A_3168 : i32 to index
        %swap3A_3171 = tpu.vector_load %arg8[%swap3A_3169, %swap3A_3170] {strides = array<i32>} : memref<440x128xf32, #tpu.memory_space<vmem>>, vector<16xf32>,
        tpu.vector_store %arg8[%swap3A_3169, %swap3A_3170], %gather3A_3126 {strides = array<i32>} : memref<440x128xf32, #tpu.memory_space<vmem>>, vector<16xf32>,
        %broadcast_in_dim3A_3172 = arith.constant 3 : i32
        %broadcast_in_dim3A_3173 = vector.broadcast %broadcast_in_dim3A_3172 : i32 to vector<16xi32>
        %lt3A_3174 = arith.constant 0 : i32
        %lt3A_3175 = vector.broadcast %lt3A_3174 : i32 to vector<16xi32>
        %lt3A_3176 = arith.cmpi slt, %broadcast_in_dim3A_3173, %lt3A_3175 : vector<16xi32>
        %add3A_3177 = arith.constant 16 : i32
        %add3A_3178 = vector.broadcast %add3A_3177 : i32 to vector<16xi32>
        %add3A_3179 = arith.addi %broadcast_in_dim3A_3173, %add3A_3178 : vector<16xi32>
        %select_n3A_3180 = arith.select %lt3A_3176, %add3A_3179, %broadcast_in_dim3A_3173 : vector<16xi1>, vector<16xi32>
        %broadcast_in_dim3A_3181 = vector.shape_cast %select_n3A_3180 : vector<16xi32> to vector<16x1xi32>
        %gather3A_3182 = vector.shape_cast %broadcast_in_dim3A_3181 : vector<16x1xi32> to vector<16xi32>
        %gather3A_3183 = tpu.dynamic_gather %get3A_1143[%gather3A_3182] in [0] : vector<16xi32>, vector<16xi32> -> vector<16xi32>
        %gather3A_3184 = tpu.vector_load_idx %arg12[%gather3A_3183, %iota3A] : memref<6x16xf32, #tpu.memory_space<vmem>>[vector<16xi32>, vector<16xi32>], vector<16xf32>,
        %add3A_3185 = arith.constant 560 : i32
        %add3A_3186 = arith.addi %mul3A_1133, %add3A_3185 : i32
        %jit3A_3187 = arith.constant 128 : i32
        %div3A_3188 = arith.divsi %add3A_3186, %jit3A_3187 : i32
        %sign3A_3189 = arith.constant 0 : i32
        %sign3A_3190 = arith.cmpi sgt, %add3A_3186, %sign3A_3189 : i32
        %sign3A_3191 = arith.extui %sign3A_3190 : i1 to i32
        %sign3A_3192 = arith.constant 0 : i32
        %sign3A_3193 = arith.cmpi slt, %add3A_3186, %sign3A_3192 : i32
        %sign3A_3194 = arith.extui %sign3A_3193 : i1 to i32
        %sign3A_3195 = arith.subi %sign3A_3191, %sign3A_3194 : i32
        %sign3A_3196 = arith.constant 0 : i32
        %sign3A_3197 = arith.cmpi sgt, %jit3A_3187, %sign3A_3196 : i32
        %sign3A_3198 = arith.extui %sign3A_3197 : i1 to i32
        %sign3A_3199 = arith.constant 0 : i32
        %sign3A_3200 = arith.cmpi slt, %jit3A_3187, %sign3A_3199 : i32
        %sign3A_3201 = arith.extui %sign3A_3200 : i1 to i32
        %sign3A_3202 = arith.subi %sign3A_3198, %sign3A_3201 : i32
        %ne3A_3203 = arith.cmpi ne, %sign3A_3195, %sign3A_3202 : i32
        %rem3A_3204 = arith.remsi %add3A_3186, %jit3A_3187 : i32
        %ne3A_3205 = arith.constant 0 : i32
        %ne3A_3206 = arith.cmpi ne, %rem3A_3204, %ne3A_3205 : i32
        %and3A_3207 = arith.andi %ne3A_3203, %ne3A_3206 : i1
        %sub3A_3208 = arith.constant 1 : i32
        %sub3A_3209 = arith.subi %div3A_3188, %sub3A_3208 : i32
        %select_n3A_3210 = arith.select %and3A_3207, %sub3A_3209, %div3A_3188 : i32
        %jit3A_3211 = arith.constant 128 : i32
        %eq3A_3212 = arith.constant 0 : i32
        %eq3A_3213 = arith.cmpi eq, %jit3A_3211, %eq3A_3212 : i32
        %jit3A_3214 = arith.constant 1 : i32
        %select_n3A_3215 = arith.select %eq3A_3213, %jit3A_3214, %jit3A_3211 : i32
        %rem3A_3216 = arith.remsi %add3A_3186, %select_n3A_3215 : i32
        %ne3A_3217 = arith.constant 0 : i32
        %ne3A_3218 = arith.cmpi ne, %rem3A_3216, %ne3A_3217 : i32
        %lt3A_3219 = arith.constant 0 : i32
        %lt3A_3220 = arith.cmpi slt, %rem3A_3216, %lt3A_3219 : i32
        %lt3A_3221 = arith.constant 0 : i32
        %lt3A_3222 = arith.cmpi slt, %select_n3A_3215, %lt3A_3221 : i32
        %ne3A_3223 = arith.xori %lt3A_3220, %lt3A_3222 : i1
        %and3A_3224 = arith.andi %ne3A_3223, %ne3A_3218 : i1
        %add3A_3225 = arith.addi %rem3A_3216, %select_n3A_3215 : i32
        %select_n3A_3226 = arith.select %and3A_3224, %add3A_3225, %rem3A_3216 : i32
        %swap3A_3227 = arith.index_cast %select_n3A_3210 : i32 to index
        %swap3A_3228 = arith.index_cast %select_n3A_3226 : i32 to index
        %swap3A_3229 = tpu.vector_load %arg8[%swap3A_3227, %swap3A_3228] {strides = array<i32>} : memref<440x128xf32, #tpu.memory_space<vmem>>, vector<16xf32>,
        tpu.vector_store %arg8[%swap3A_3227, %swap3A_3228], %gather3A_3184 {strides = array<i32>} : memref<440x128xf32, #tpu.memory_space<vmem>>, vector<16xf32>,
        %broadcast_in_dim3A_3230 = arith.constant 4 : i32
        %broadcast_in_dim3A_3231 = vector.broadcast %broadcast_in_dim3A_3230 : i32 to vector<16xi32>
        %lt3A_3232 = arith.constant 0 : i32
        %lt3A_3233 = vector.broadcast %lt3A_3232 : i32 to vector<16xi32>
        %lt3A_3234 = arith.cmpi slt, %broadcast_in_dim3A_3231, %lt3A_3233 : vector<16xi32>
        %add3A_3235 = arith.constant 16 : i32
        %add3A_3236 = vector.broadcast %add3A_3235 : i32 to vector<16xi32>
        %add3A_3237 = arith.addi %broadcast_in_dim3A_3231, %add3A_3236 : vector<16xi32>
        %select_n3A_3238 = arith.select %lt3A_3234, %add3A_3237, %broadcast_in_dim3A_3231 : vector<16xi1>, vector<16xi32>
        %broadcast_in_dim3A_3239 = vector.shape_cast %select_n3A_3238 : vector<16xi32> to vector<16x1xi32>
        %gather3A_3240 = vector.shape_cast %broadcast_in_dim3A_3239 : vector<16x1xi32> to vector<16xi32>
        %gather3A_3241 = tpu.dynamic_gather %get3A_1143[%gather3A_3240] in [0] : vector<16xi32>, vector<16xi32> -> vector<16xi32>
        %gather3A_3242 = tpu.vector_load_idx %arg12[%gather3A_3241, %iota3A] : memref<6x16xf32, #tpu.memory_space<vmem>>[vector<16xi32>, vector<16xi32>], vector<16xf32>,
        %add3A_3243 = arith.constant 576 : i32
        %add3A_3244 = arith.addi %mul3A_1133, %add3A_3243 : i32
        %jit3A_3245 = arith.constant 128 : i32
        %div3A_3246 = arith.divsi %add3A_3244, %jit3A_3245 : i32
        %sign3A_3247 = arith.constant 0 : i32
        %sign3A_3248 = arith.cmpi sgt, %add3A_3244, %sign3A_3247 : i32
        %sign3A_3249 = arith.extui %sign3A_3248 : i1 to i32
        %sign3A_3250 = arith.constant 0 : i32
        %sign3A_3251 = arith.cmpi slt, %add3A_3244, %sign3A_3250 : i32
        %sign3A_3252 = arith.extui %sign3A_3251 : i1 to i32
        %sign3A_3253 = arith.subi %sign3A_3249, %sign3A_3252 : i32
        %sign3A_3254 = arith.constant 0 : i32
        %sign3A_3255 = arith.cmpi sgt, %jit3A_3245, %sign3A_3254 : i32
        %sign3A_3256 = arith.extui %sign3A_3255 : i1 to i32
        %sign3A_3257 = arith.constant 0 : i32
        %sign3A_3258 = arith.cmpi slt, %jit3A_3245, %sign3A_3257 : i32
        %sign3A_3259 = arith.extui %sign3A_3258 : i1 to i32
        %sign3A_3260 = arith.subi %sign3A_3256, %sign3A_3259 : i32
        %ne3A_3261 = arith.cmpi ne, %sign3A_3253, %sign3A_3260 : i32
        %rem3A_3262 = arith.remsi %add3A_3244, %jit3A_3245 : i32
        %ne3A_3263 = arith.constant 0 : i32
        %ne3A_3264 = arith.cmpi ne, %rem3A_3262, %ne3A_3263 : i32
        %and3A_3265 = arith.andi %ne3A_3261, %ne3A_3264 : i1
        %sub3A_3266 = arith.constant 1 : i32
        %sub3A_3267 = arith.subi %div3A_3246, %sub3A_3266 : i32
        %select_n3A_3268 = arith.select %and3A_3265, %sub3A_3267, %div3A_3246 : i32
        %jit3A_3269 = arith.constant 128 : i32
        %eq3A_3270 = arith.constant 0 : i32
        %eq3A_3271 = arith.cmpi eq, %jit3A_3269, %eq3A_3270 : i32
        %jit3A_3272 = arith.constant 1 : i32
        %select_n3A_3273 = arith.select %eq3A_3271, %jit3A_3272, %jit3A_3269 : i32
        %rem3A_3274 = arith.remsi %add3A_3244, %select_n3A_3273 : i32
        %ne3A_3275 = arith.constant 0 : i32
        %ne3A_3276 = arith.cmpi ne, %rem3A_3274, %ne3A_3275 : i32
        %lt3A_3277 = arith.constant 0 : i32
        %lt3A_3278 = arith.cmpi slt, %rem3A_3274, %lt3A_3277 : i32
        %lt3A_3279 = arith.constant 0 : i32
        %lt3A_3280 = arith.cmpi slt, %select_n3A_3273, %lt3A_3279 : i32
        %ne3A_3281 = arith.xori %lt3A_3278, %lt3A_3280 : i1
        %and3A_3282 = arith.andi %ne3A_3281, %ne3A_3276 : i1
        %add3A_3283 = arith.addi %rem3A_3274, %select_n3A_3273 : i32
        %select_n3A_3284 = arith.select %and3A_3282, %add3A_3283, %rem3A_3274 : i32
        %swap3A_3285 = arith.index_cast %select_n3A_3268 : i32 to index
        %swap3A_3286 = arith.index_cast %select_n3A_3284 : i32 to index
        %swap3A_3287 = tpu.vector_load %arg8[%swap3A_3285, %swap3A_3286] {strides = array<i32>} : memref<440x128xf32, #tpu.memory_space<vmem>>, vector<16xf32>,
        tpu.vector_store %arg8[%swap3A_3285, %swap3A_3286], %gather3A_3242 {strides = array<i32>} : memref<440x128xf32, #tpu.memory_space<vmem>>, vector<16xf32>,
        %broadcast_in_dim3A_3288 = arith.constant 5 : i32
        %broadcast_in_dim3A_3289 = vector.broadcast %broadcast_in_dim3A_3288 : i32 to vector<16xi32>
        %lt3A_3290 = arith.constant 0 : i32
        %lt3A_3291 = vector.broadcast %lt3A_3290 : i32 to vector<16xi32>
        %lt3A_3292 = arith.cmpi slt, %broadcast_in_dim3A_3289, %lt3A_3291 : vector<16xi32>
        %add3A_3293 = arith.constant 16 : i32
        %add3A_3294 = vector.broadcast %add3A_3293 : i32 to vector<16xi32>
        %add3A_3295 = arith.addi %broadcast_in_dim3A_3289, %add3A_3294 : vector<16xi32>
        %select_n3A_3296 = arith.select %lt3A_3292, %add3A_3295, %broadcast_in_dim3A_3289 : vector<16xi1>, vector<16xi32>
        %broadcast_in_dim3A_3297 = vector.shape_cast %select_n3A_3296 : vector<16xi32> to vector<16x1xi32>
        %gather3A_3298 = vector.shape_cast %broadcast_in_dim3A_3297 : vector<16x1xi32> to vector<16xi32>
        %gather3A_3299 = tpu.dynamic_gather %get3A_1143[%gather3A_3298] in [0] : vector<16xi32>, vector<16xi32> -> vector<16xi32>
        %gather3A_3300 = tpu.vector_load_idx %arg12[%gather3A_3299, %iota3A] : memref<6x16xf32, #tpu.memory_space<vmem>>[vector<16xi32>, vector<16xi32>], vector<16xf32>,
        %add3A_3301 = arith.constant 592 : i32
        %add3A_3302 = arith.addi %mul3A_1133, %add3A_3301 : i32
        %jit3A_3303 = arith.constant 128 : i32
        %div3A_3304 = arith.divsi %add3A_3302, %jit3A_3303 : i32
        %sign3A_3305 = arith.constant 0 : i32
        %sign3A_3306 = arith.cmpi sgt, %add3A_3302, %sign3A_3305 : i32
        %sign3A_3307 = arith.extui %sign3A_3306 : i1 to i32
        %sign3A_3308 = arith.constant 0 : i32
        %sign3A_3309 = arith.cmpi slt, %add3A_3302, %sign3A_3308 : i32
        %sign3A_3310 = arith.extui %sign3A_3309 : i1 to i32
        %sign3A_3311 = arith.subi %sign3A_3307, %sign3A_3310 : i32
        %sign3A_3312 = arith.constant 0 : i32
        %sign3A_3313 = arith.cmpi sgt, %jit3A_3303, %sign3A_3312 : i32
        %sign3A_3314 = arith.extui %sign3A_3313 : i1 to i32
        %sign3A_3315 = arith.constant 0 : i32
        %sign3A_3316 = arith.cmpi slt, %jit3A_3303, %sign3A_3315 : i32
        %sign3A_3317 = arith.extui %sign3A_3316 : i1 to i32
        %sign3A_3318 = arith.subi %sign3A_3314, %sign3A_3317 : i32
        %ne3A_3319 = arith.cmpi ne, %sign3A_3311, %sign3A_3318 : i32
        %rem3A_3320 = arith.remsi %add3A_3302, %jit3A_3303 : i32
        %ne3A_3321 = arith.constant 0 : i32
        %ne3A_3322 = arith.cmpi ne, %rem3A_3320, %ne3A_3321 : i32
        %and3A_3323 = arith.andi %ne3A_3319, %ne3A_3322 : i1
        %sub3A_3324 = arith.constant 1 : i32
        %sub3A_3325 = arith.subi %div3A_3304, %sub3A_3324 : i32
        %select_n3A_3326 = arith.select %and3A_3323, %sub3A_3325, %div3A_3304 : i32
        %jit3A_3327 = arith.constant 128 : i32
        %eq3A_3328 = arith.constant 0 : i32
        %eq3A_3329 = arith.cmpi eq, %jit3A_3327, %eq3A_3328 : i32
        %jit3A_3330 = arith.constant 1 : i32
        %select_n3A_3331 = arith.select %eq3A_3329, %jit3A_3330, %jit3A_3327 : i32
        %rem3A_3332 = arith.remsi %add3A_3302, %select_n3A_3331 : i32
        %ne3A_3333 = arith.constant 0 : i32
        %ne3A_3334 = arith.cmpi ne, %rem3A_3332, %ne3A_3333 : i32
        %lt3A_3335 = arith.constant 0 : i32
        %lt3A_3336 = arith.cmpi slt, %rem3A_3332, %lt3A_3335 : i32
        %lt3A_3337 = arith.constant 0 : i32
        %lt3A_3338 = arith.cmpi slt, %select_n3A_3331, %lt3A_3337 : i32
        %ne3A_3339 = arith.xori %lt3A_3336, %lt3A_3338 : i1
        %and3A_3340 = arith.andi %ne3A_3339, %ne3A_3334 : i1
        %add3A_3341 = arith.addi %rem3A_3332, %select_n3A_3331 : i32
        %select_n3A_3342 = arith.select %and3A_3340, %add3A_3341, %rem3A_3332 : i32
        %swap3A_3343 = arith.index_cast %select_n3A_3326 : i32 to index
        %swap3A_3344 = arith.index_cast %select_n3A_3342 : i32 to index
        %swap3A_3345 = tpu.vector_load %arg8[%swap3A_3343, %swap3A_3344] {strides = array<i32>} : memref<440x128xf32, #tpu.memory_space<vmem>>, vector<16xf32>,
        tpu.vector_store %arg8[%swap3A_3343, %swap3A_3344], %gather3A_3300 {strides = array<i32>} : memref<440x128xf32, #tpu.memory_space<vmem>>, vector<16xf32>,
        %broadcast_in_dim3A_3346 = arith.constant 6 : i32
        %broadcast_in_dim3A_3347 = vector.broadcast %broadcast_in_dim3A_3346 : i32 to vector<16xi32>
        %lt3A_3348 = arith.constant 0 : i32
        %lt3A_3349 = vector.broadcast %lt3A_3348 : i32 to vector<16xi32>
        %lt3A_3350 = arith.cmpi slt, %broadcast_in_dim3A_3347, %lt3A_3349 : vector<16xi32>
        %add3A_3351 = arith.constant 16 : i32
        %add3A_3352 = vector.broadcast %add3A_3351 : i32 to vector<16xi32>
        %add3A_3353 = arith.addi %broadcast_in_dim3A_3347, %add3A_3352 : vector<16xi32>
        %select_n3A_3354 = arith.select %lt3A_3350, %add3A_3353, %broadcast_in_dim3A_3347 : vector<16xi1>, vector<16xi32>
        %broadcast_in_dim3A_3355 = vector.shape_cast %select_n3A_3354 : vector<16xi32> to vector<16x1xi32>
        %gather3A_3356 = vector.shape_cast %broadcast_in_dim3A_3355 : vector<16x1xi32> to vector<16xi32>
        %gather3A_3357 = tpu.dynamic_gather %get3A_1143[%gather3A_3356] in [0] : vector<16xi32>, vector<16xi32> -> vector<16xi32>
        %gather3A_3358 = tpu.vector_load_idx %arg12[%gather3A_3357, %iota3A] : memref<6x16xf32, #tpu.memory_space<vmem>>[vector<16xi32>, vector<16xi32>], vector<16xf32>,
        %add3A_3359 = arith.constant 608 : i32
        %add3A_3360 = arith.addi %mul3A_1133, %add3A_3359 : i32
        %jit3A_3361 = arith.constant 128 : i32
        %div3A_3362 = arith.divsi %add3A_3360, %jit3A_3361 : i32
        %sign3A_3363 = arith.constant 0 : i32
        %sign3A_3364 = arith.cmpi sgt, %add3A_3360, %sign3A_3363 : i32
        %sign3A_3365 = arith.extui %sign3A_3364 : i1 to i32
        %sign3A_3366 = arith.constant 0 : i32
        %sign3A_3367 = arith.cmpi slt, %add3A_3360, %sign3A_3366 : i32
        %sign3A_3368 = arith.extui %sign3A_3367 : i1 to i32
        %sign3A_3369 = arith.subi %sign3A_3365, %sign3A_3368 : i32
        %sign3A_3370 = arith.constant 0 : i32
        %sign3A_3371 = arith.cmpi sgt, %jit3A_3361, %sign3A_3370 : i32
        %sign3A_3372 = arith.extui %sign3A_3371 : i1 to i32
        %sign3A_3373 = arith.constant 0 : i32
        %sign3A_3374 = arith.cmpi slt, %jit3A_3361, %sign3A_3373 : i32
        %sign3A_3375 = arith.extui %sign3A_3374 : i1 to i32
        %sign3A_3376 = arith.subi %sign3A_3372, %sign3A_3375 : i32
        %ne3A_3377 = arith.cmpi ne, %sign3A_3369, %sign3A_3376 : i32
        %rem3A_3378 = arith.remsi %add3A_3360, %jit3A_3361 : i32
        %ne3A_3379 = arith.constant 0 : i32
        %ne3A_3380 = arith.cmpi ne, %rem3A_3378, %ne3A_3379 : i32
        %and3A_3381 = arith.andi %ne3A_3377, %ne3A_3380 : i1
        %sub3A_3382 = arith.constant 1 : i32
        %sub3A_3383 = arith.subi %div3A_3362, %sub3A_3382 : i32
        %select_n3A_3384 = arith.select %and3A_3381, %sub3A_3383, %div3A_3362 : i32
        %jit3A_3385 = arith.constant 128 : i32
        %eq3A_3386 = arith.constant 0 : i32
        %eq3A_3387 = arith.cmpi eq, %jit3A_3385, %eq3A_3386 : i32
        %jit3A_3388 = arith.constant 1 : i32
        %select_n3A_3389 = arith.select %eq3A_3387, %jit3A_3388, %jit3A_3385 : i32
        %rem3A_3390 = arith.remsi %add3A_3360, %select_n3A_3389 : i32
        %ne3A_3391 = arith.constant 0 : i32
        %ne3A_3392 = arith.cmpi ne, %rem3A_3390, %ne3A_3391 : i32
        %lt3A_3393 = arith.constant 0 : i32
        %lt3A_3394 = arith.cmpi slt, %rem3A_3390, %lt3A_3393 : i32
        %lt3A_3395 = arith.constant 0 : i32
        %lt3A_3396 = arith.cmpi slt, %select_n3A_3389, %lt3A_3395 : i32
        %ne3A_3397 = arith.xori %lt3A_3394, %lt3A_3396 : i1
        %and3A_3398 = arith.andi %ne3A_3397, %ne3A_3392 : i1
        %add3A_3399 = arith.addi %rem3A_3390, %select_n3A_3389 : i32
        %select_n3A_3400 = arith.select %and3A_3398, %add3A_3399, %rem3A_3390 : i32
        %swap3A_3401 = arith.index_cast %select_n3A_3384 : i32 to index
        %swap3A_3402 = arith.index_cast %select_n3A_3400 : i32 to index
        %swap3A_3403 = tpu.vector_load %arg8[%swap3A_3401, %swap3A_3402] {strides = array<i32>} : memref<440x128xf32, #tpu.memory_space<vmem>>, vector<16xf32>,
        tpu.vector_store %arg8[%swap3A_3401, %swap3A_3402], %gather3A_3358 {strides = array<i32>} : memref<440x128xf32, #tpu.memory_space<vmem>>, vector<16xf32>,
        %broadcast_in_dim3A_3404 = arith.constant 7 : i32
        %broadcast_in_dim3A_3405 = vector.broadcast %broadcast_in_dim3A_3404 : i32 to vector<16xi32>
        %lt3A_3406 = arith.constant 0 : i32
        %lt3A_3407 = vector.broadcast %lt3A_3406 : i32 to vector<16xi32>
        %lt3A_3408 = arith.cmpi slt, %broadcast_in_dim3A_3405, %lt3A_3407 : vector<16xi32>
        %add3A_3409 = arith.constant 16 : i32
        %add3A_3410 = vector.broadcast %add3A_3409 : i32 to vector<16xi32>
        %add3A_3411 = arith.addi %broadcast_in_dim3A_3405, %add3A_3410 : vector<16xi32>
        %select_n3A_3412 = arith.select %lt3A_3408, %add3A_3411, %broadcast_in_dim3A_3405 : vector<16xi1>, vector<16xi32>
        %broadcast_in_dim3A_3413 = vector.shape_cast %select_n3A_3412 : vector<16xi32> to vector<16x1xi32>
        %gather3A_3414 = vector.shape_cast %broadcast_in_dim3A_3413 : vector<16x1xi32> to vector<16xi32>
        %gather3A_3415 = tpu.dynamic_gather %get3A_1143[%gather3A_3414] in [0] : vector<16xi32>, vector<16xi32> -> vector<16xi32>
        %gather3A_3416 = tpu.vector_load_idx %arg12[%gather3A_3415, %iota3A] : memref<6x16xf32, #tpu.memory_space<vmem>>[vector<16xi32>, vector<16xi32>], vector<16xf32>,
        %add3A_3417 = arith.constant 624 : i32
        %add3A_3418 = arith.addi %mul3A_1133, %add3A_3417 : i32
        %jit3A_3419 = arith.constant 128 : i32
        %div3A_3420 = arith.divsi %add3A_3418, %jit3A_3419 : i32
        %sign3A_3421 = arith.constant 0 : i32
        %sign3A_3422 = arith.cmpi sgt, %add3A_3418, %sign3A_3421 : i32
        %sign3A_3423 = arith.extui %sign3A_3422 : i1 to i32
        %sign3A_3424 = arith.constant 0 : i32
        %sign3A_3425 = arith.cmpi slt, %add3A_3418, %sign3A_3424 : i32
        %sign3A_3426 = arith.extui %sign3A_3425 : i1 to i32
        %sign3A_3427 = arith.subi %sign3A_3423, %sign3A_3426 : i32
        %sign3A_3428 = arith.constant 0 : i32
        %sign3A_3429 = arith.cmpi sgt, %jit3A_3419, %sign3A_3428 : i32
        %sign3A_3430 = arith.extui %sign3A_3429 : i1 to i32
        %sign3A_3431 = arith.constant 0 : i32
        %sign3A_3432 = arith.cmpi slt, %jit3A_3419, %sign3A_3431 : i32
        %sign3A_3433 = arith.extui %sign3A_3432 : i1 to i32
        %sign3A_3434 = arith.subi %sign3A_3430, %sign3A_3433 : i32
        %ne3A_3435 = arith.cmpi ne, %sign3A_3427, %sign3A_3434 : i32
        %rem3A_3436 = arith.remsi %add3A_3418, %jit3A_3419 : i32
        %ne3A_3437 = arith.constant 0 : i32
        %ne3A_3438 = arith.cmpi ne, %rem3A_3436, %ne3A_3437 : i32
        %and3A_3439 = arith.andi %ne3A_3435, %ne3A_3438 : i1
        %sub3A_3440 = arith.constant 1 : i32
        %sub3A_3441 = arith.subi %div3A_3420, %sub3A_3440 : i32
        %select_n3A_3442 = arith.select %and3A_3439, %sub3A_3441, %div3A_3420 : i32
        %jit3A_3443 = arith.constant 128 : i32
        %eq3A_3444 = arith.constant 0 : i32
        %eq3A_3445 = arith.cmpi eq, %jit3A_3443, %eq3A_3444 : i32
        %jit3A_3446 = arith.constant 1 : i32
        %select_n3A_3447 = arith.select %eq3A_3445, %jit3A_3446, %jit3A_3443 : i32
        %rem3A_3448 = arith.remsi %add3A_3418, %select_n3A_3447 : i32
        %ne3A_3449 = arith.constant 0 : i32
        %ne3A_3450 = arith.cmpi ne, %rem3A_3448, %ne3A_3449 : i32
        %lt3A_3451 = arith.constant 0 : i32
        %lt3A_3452 = arith.cmpi slt, %rem3A_3448, %lt3A_3451 : i32
        %lt3A_3453 = arith.constant 0 : i32
        %lt3A_3454 = arith.cmpi slt, %select_n3A_3447, %lt3A_3453 : i32
        %ne3A_3455 = arith.xori %lt3A_3452, %lt3A_3454 : i1
        %and3A_3456 = arith.andi %ne3A_3455, %ne3A_3450 : i1
        %add3A_3457 = arith.addi %rem3A_3448, %select_n3A_3447 : i32
        %select_n3A_3458 = arith.select %and3A_3456, %add3A_3457, %rem3A_3448 : i32
        %swap3A_3459 = arith.index_cast %select_n3A_3442 : i32 to index
        %swap3A_3460 = arith.index_cast %select_n3A_3458 : i32 to index
        %swap3A_3461 = tpu.vector_load %arg8[%swap3A_3459, %swap3A_3460] {strides = array<i32>} : memref<440x128xf32, #tpu.memory_space<vmem>>, vector<16xf32>,
        tpu.vector_store %arg8[%swap3A_3459, %swap3A_3460], %gather3A_3416 {strides = array<i32>} : memref<440x128xf32, #tpu.memory_space<vmem>>, vector<16xf32>,
        %broadcast_in_dim3A_3462 = arith.constant 8 : i32
        %broadcast_in_dim3A_3463 = vector.broadcast %broadcast_in_dim3A_3462 : i32 to vector<16xi32>
        %lt3A_3464 = arith.constant 0 : i32
        %lt3A_3465 = vector.broadcast %lt3A_3464 : i32 to vector<16xi32>
        %lt3A_3466 = arith.cmpi slt, %broadcast_in_dim3A_3463, %lt3A_3465 : vector<16xi32>
        %add3A_3467 = arith.constant 16 : i32
        %add3A_3468 = vector.broadcast %add3A_3467 : i32 to vector<16xi32>
        %add3A_3469 = arith.addi %broadcast_in_dim3A_3463, %add3A_3468 : vector<16xi32>
        %select_n3A_3470 = arith.select %lt3A_3466, %add3A_3469, %broadcast_in_dim3A_3463 : vector<16xi1>, vector<16xi32>
        %broadcast_in_dim3A_3471 = vector.shape_cast %select_n3A_3470 : vector<16xi32> to vector<16x1xi32>
        %gather3A_3472 = vector.shape_cast %broadcast_in_dim3A_3471 : vector<16x1xi32> to vector<16xi32>
        %gather3A_3473 = tpu.dynamic_gather %get3A_1143[%gather3A_3472] in [0] : vector<16xi32>, vector<16xi32> -> vector<16xi32>
        %gather3A_3474 = tpu.vector_load_idx %arg12[%gather3A_3473, %iota3A] : memref<6x16xf32, #tpu.memory_space<vmem>>[vector<16xi32>, vector<16xi32>], vector<16xf32>,
        %add3A_3475 = arith.constant 640 : i32
        %add3A_3476 = arith.addi %mul3A_1133, %add3A_3475 : i32
        %jit3A_3477 = arith.constant 128 : i32
        %div3A_3478 = arith.divsi %add3A_3476, %jit3A_3477 : i32
        %sign3A_3479 = arith.constant 0 : i32
        %sign3A_3480 = arith.cmpi sgt, %add3A_3476, %sign3A_3479 : i32
        %sign3A_3481 = arith.extui %sign3A_3480 : i1 to i32
        %sign3A_3482 = arith.constant 0 : i32
        %sign3A_3483 = arith.cmpi slt, %add3A_3476, %sign3A_3482 : i32
        %sign3A_3484 = arith.extui %sign3A_3483 : i1 to i32
        %sign3A_3485 = arith.subi %sign3A_3481, %sign3A_3484 : i32
        %sign3A_3486 = arith.constant 0 : i32
        %sign3A_3487 = arith.cmpi sgt, %jit3A_3477, %sign3A_3486 : i32
        %sign3A_3488 = arith.extui %sign3A_3487 : i1 to i32
        %sign3A_3489 = arith.constant 0 : i32
        %sign3A_3490 = arith.cmpi slt, %jit3A_3477, %sign3A_3489 : i32
        %sign3A_3491 = arith.extui %sign3A_3490 : i1 to i32
        %sign3A_3492 = arith.subi %sign3A_3488, %sign3A_3491 : i32
        %ne3A_3493 = arith.cmpi ne, %sign3A_3485, %sign3A_3492 : i32
        %rem3A_3494 = arith.remsi %add3A_3476, %jit3A_3477 : i32
        %ne3A_3495 = arith.constant 0 : i32
        %ne3A_3496 = arith.cmpi ne, %rem3A_3494, %ne3A_3495 : i32
        %and3A_3497 = arith.andi %ne3A_3493, %ne3A_3496 : i1
        %sub3A_3498 = arith.constant 1 : i32
        %sub3A_3499 = arith.subi %div3A_3478, %sub3A_3498 : i32
        %select_n3A_3500 = arith.select %and3A_3497, %sub3A_3499, %div3A_3478 : i32
        %jit3A_3501 = arith.constant 128 : i32
        %eq3A_3502 = arith.constant 0 : i32
        %eq3A_3503 = arith.cmpi eq, %jit3A_3501, %eq3A_3502 : i32
        %jit3A_3504 = arith.constant 1 : i32
        %select_n3A_3505 = arith.select %eq3A_3503, %jit3A_3504, %jit3A_3501 : i32
        %rem3A_3506 = arith.remsi %add3A_3476, %select_n3A_3505 : i32
        %ne3A_3507 = arith.constant 0 : i32
        %ne3A_3508 = arith.cmpi ne, %rem3A_3506, %ne3A_3507 : i32
        %lt3A_3509 = arith.constant 0 : i32
        %lt3A_3510 = arith.cmpi slt, %rem3A_3506, %lt3A_3509 : i32
        %lt3A_3511 = arith.constant 0 : i32
        %lt3A_3512 = arith.cmpi slt, %select_n3A_3505, %lt3A_3511 : i32
        %ne3A_3513 = arith.xori %lt3A_3510, %lt3A_3512 : i1
        %and3A_3514 = arith.andi %ne3A_3513, %ne3A_3508 : i1
        %add3A_3515 = arith.addi %rem3A_3506, %select_n3A_3505 : i32
        %select_n3A_3516 = arith.select %and3A_3514, %add3A_3515, %rem3A_3506 : i32
        %swap3A_3517 = arith.index_cast %select_n3A_3500 : i32 to index
        %swap3A_3518 = arith.index_cast %select_n3A_3516 : i32 to index
        %swap3A_3519 = tpu.vector_load %arg8[%swap3A_3517, %swap3A_3518] {strides = array<i32>} : memref<440x128xf32, #tpu.memory_space<vmem>>, vector<16xf32>,
        tpu.vector_store %arg8[%swap3A_3517, %swap3A_3518], %gather3A_3474 {strides = array<i32>} : memref<440x128xf32, #tpu.memory_space<vmem>>, vector<16xf32>,
        %broadcast_in_dim3A_3520 = arith.constant 9 : i32
        %broadcast_in_dim3A_3521 = vector.broadcast %broadcast_in_dim3A_3520 : i32 to vector<16xi32>
        %lt3A_3522 = arith.constant 0 : i32
        %lt3A_3523 = vector.broadcast %lt3A_3522 : i32 to vector<16xi32>
        %lt3A_3524 = arith.cmpi slt, %broadcast_in_dim3A_3521, %lt3A_3523 : vector<16xi32>
        %add3A_3525 = arith.constant 16 : i32
        %add3A_3526 = vector.broadcast %add3A_3525 : i32 to vector<16xi32>
        %add3A_3527 = arith.addi %broadcast_in_dim3A_3521, %add3A_3526 : vector<16xi32>
        %select_n3A_3528 = arith.select %lt3A_3524, %add3A_3527, %broadcast_in_dim3A_3521 : vector<16xi1>, vector<16xi32>
        %broadcast_in_dim3A_3529 = vector.shape_cast %select_n3A_3528 : vector<16xi32> to vector<16x1xi32>
        %gather3A_3530 = vector.shape_cast %broadcast_in_dim3A_3529 : vector<16x1xi32> to vector<16xi32>
        %gather3A_3531 = tpu.dynamic_gather %get3A_1143[%gather3A_3530] in [0] : vector<16xi32>, vector<16xi32> -> vector<16xi32>
        %gather3A_3532 = tpu.vector_load_idx %arg12[%gather3A_3531, %iota3A] : memref<6x16xf32, #tpu.memory_space<vmem>>[vector<16xi32>, vector<16xi32>], vector<16xf32>,
        %add3A_3533 = arith.constant 656 : i32
        %add3A_3534 = arith.addi %mul3A_1133, %add3A_3533 : i32
        %jit3A_3535 = arith.constant 128 : i32
        %div3A_3536 = arith.divsi %add3A_3534, %jit3A_3535 : i32
        %sign3A_3537 = arith.constant 0 : i32
        %sign3A_3538 = arith.cmpi sgt, %add3A_3534, %sign3A_3537 : i32
        %sign3A_3539 = arith.extui %sign3A_3538 : i1 to i32
        %sign3A_3540 = arith.constant 0 : i32
        %sign3A_3541 = arith.cmpi slt, %add3A_3534, %sign3A_3540 : i32
        %sign3A_3542 = arith.extui %sign3A_3541 : i1 to i32
        %sign3A_3543 = arith.subi %sign3A_3539, %sign3A_3542 : i32
        %sign3A_3544 = arith.constant 0 : i32
        %sign3A_3545 = arith.cmpi sgt, %jit3A_3535, %sign3A_3544 : i32
        %sign3A_3546 = arith.extui %sign3A_3545 : i1 to i32
        %sign3A_3547 = arith.constant 0 : i32
        %sign3A_3548 = arith.cmpi slt, %jit3A_3535, %sign3A_3547 : i32
        %sign3A_3549 = arith.extui %sign3A_3548 : i1 to i32
        %sign3A_3550 = arith.subi %sign3A_3546, %sign3A_3549 : i32
        %ne3A_3551 = arith.cmpi ne, %sign3A_3543, %sign3A_3550 : i32
        %rem3A_3552 = arith.remsi %add3A_3534, %jit3A_3535 : i32
        %ne3A_3553 = arith.constant 0 : i32
        %ne3A_3554 = arith.cmpi ne, %rem3A_3552, %ne3A_3553 : i32
        %and3A_3555 = arith.andi %ne3A_3551, %ne3A_3554 : i1
        %sub3A_3556 = arith.constant 1 : i32
        %sub3A_3557 = arith.subi %div3A_3536, %sub3A_3556 : i32
        %select_n3A_3558 = arith.select %and3A_3555, %sub3A_3557, %div3A_3536 : i32
        %jit3A_3559 = arith.constant 128 : i32
        %eq3A_3560 = arith.constant 0 : i32
        %eq3A_3561 = arith.cmpi eq, %jit3A_3559, %eq3A_3560 : i32
        %jit3A_3562 = arith.constant 1 : i32
        %select_n3A_3563 = arith.select %eq3A_3561, %jit3A_3562, %jit3A_3559 : i32
        %rem3A_3564 = arith.remsi %add3A_3534, %select_n3A_3563 : i32
        %ne3A_3565 = arith.constant 0 : i32
        %ne3A_3566 = arith.cmpi ne, %rem3A_3564, %ne3A_3565 : i32
        %lt3A_3567 = arith.constant 0 : i32
        %lt3A_3568 = arith.cmpi slt, %rem3A_3564, %lt3A_3567 : i32
        %lt3A_3569 = arith.constant 0 : i32
        %lt3A_3570 = arith.cmpi slt, %select_n3A_3563, %lt3A_3569 : i32
        %ne3A_3571 = arith.xori %lt3A_3568, %lt3A_3570 : i1
        %and3A_3572 = arith.andi %ne3A_3571, %ne3A_3566 : i1
        %add3A_3573 = arith.addi %rem3A_3564, %select_n3A_3563 : i32
        %select_n3A_3574 = arith.select %and3A_3572, %add3A_3573, %rem3A_3564 : i32
        %swap3A_3575 = arith.index_cast %select_n3A_3558 : i32 to index
        %swap3A_3576 = arith.index_cast %select_n3A_3574 : i32 to index
        %swap3A_3577 = tpu.vector_load %arg8[%swap3A_3575, %swap3A_3576] {strides = array<i32>} : memref<440x128xf32, #tpu.memory_space<vmem>>, vector<16xf32>,
        tpu.vector_store %arg8[%swap3A_3575, %swap3A_3576], %gather3A_3532 {strides = array<i32>} : memref<440x128xf32, #tpu.memory_space<vmem>>, vector<16xf32>,
        %broadcast_in_dim3A_3578 = arith.constant 10 : i32
        %broadcast_in_dim3A_3579 = vector.broadcast %broadcast_in_dim3A_3578 : i32 to vector<16xi32>
        %lt3A_3580 = arith.constant 0 : i32
        %lt3A_3581 = vector.broadcast %lt3A_3580 : i32 to vector<16xi32>
        %lt3A_3582 = arith.cmpi slt, %broadcast_in_dim3A_3579, %lt3A_3581 : vector<16xi32>
        %add3A_3583 = arith.constant 16 : i32
        %add3A_3584 = vector.broadcast %add3A_3583 : i32 to vector<16xi32>
        %add3A_3585 = arith.addi %broadcast_in_dim3A_3579, %add3A_3584 : vector<16xi32>
        %select_n3A_3586 = arith.select %lt3A_3582, %add3A_3585, %broadcast_in_dim3A_3579 : vector<16xi1>, vector<16xi32>
        %broadcast_in_dim3A_3587 = vector.shape_cast %select_n3A_3586 : vector<16xi32> to vector<16x1xi32>
        %gather3A_3588 = vector.shape_cast %broadcast_in_dim3A_3587 : vector<16x1xi32> to vector<16xi32>
        %gather3A_3589 = tpu.dynamic_gather %get3A_1143[%gather3A_3588] in [0] : vector<16xi32>, vector<16xi32> -> vector<16xi32>
        %gather3A_3590 = tpu.vector_load_idx %arg12[%gather3A_3589, %iota3A] : memref<6x16xf32, #tpu.memory_space<vmem>>[vector<16xi32>, vector<16xi32>], vector<16xf32>,
        %add3A_3591 = arith.constant 672 : i32
        %add3A_3592 = arith.addi %mul3A_1133, %add3A_3591 : i32
        %jit3A_3593 = arith.constant 128 : i32
        %div3A_3594 = arith.divsi %add3A_3592, %jit3A_3593 : i32
        %sign3A_3595 = arith.constant 0 : i32
        %sign3A_3596 = arith.cmpi sgt, %add3A_3592, %sign3A_3595 : i32
        %sign3A_3597 = arith.extui %sign3A_3596 : i1 to i32
        %sign3A_3598 = arith.constant 0 : i32
        %sign3A_3599 = arith.cmpi slt, %add3A_3592, %sign3A_3598 : i32
        %sign3A_3600 = arith.extui %sign3A_3599 : i1 to i32
        %sign3A_3601 = arith.subi %sign3A_3597, %sign3A_3600 : i32
        %sign3A_3602 = arith.constant 0 : i32
        %sign3A_3603 = arith.cmpi sgt, %jit3A_3593, %sign3A_3602 : i32
        %sign3A_3604 = arith.extui %sign3A_3603 : i1 to i32
        %sign3A_3605 = arith.constant 0 : i32
        %sign3A_3606 = arith.cmpi slt, %jit3A_3593, %sign3A_3605 : i32
        %sign3A_3607 = arith.extui %sign3A_3606 : i1 to i32
        %sign3A_3608 = arith.subi %sign3A_3604, %sign3A_3607 : i32
        %ne3A_3609 = arith.cmpi ne, %sign3A_3601, %sign3A_3608 : i32
        %rem3A_3610 = arith.remsi %add3A_3592, %jit3A_3593 : i32
        %ne3A_3611 = arith.constant 0 : i32
        %ne3A_3612 = arith.cmpi ne, %rem3A_3610, %ne3A_3611 : i32
        %and3A_3613 = arith.andi %ne3A_3609, %ne3A_3612 : i1
        %sub3A_3614 = arith.constant 1 : i32
        %sub3A_3615 = arith.subi %div3A_3594, %sub3A_3614 : i32
        %select_n3A_3616 = arith.select %and3A_3613, %sub3A_3615, %div3A_3594 : i32
        %jit3A_3617 = arith.constant 128 : i32
        %eq3A_3618 = arith.constant 0 : i32
        %eq3A_3619 = arith.cmpi eq, %jit3A_3617, %eq3A_3618 : i32
        %jit3A_3620 = arith.constant 1 : i32
        %select_n3A_3621 = arith.select %eq3A_3619, %jit3A_3620, %jit3A_3617 : i32
        %rem3A_3622 = arith.remsi %add3A_3592, %select_n3A_3621 : i32
        %ne3A_3623 = arith.constant 0 : i32
        %ne3A_3624 = arith.cmpi ne, %rem3A_3622, %ne3A_3623 : i32
        %lt3A_3625 = arith.constant 0 : i32
        %lt3A_3626 = arith.cmpi slt, %rem3A_3622, %lt3A_3625 : i32
        %lt3A_3627 = arith.constant 0 : i32
        %lt3A_3628 = arith.cmpi slt, %select_n3A_3621, %lt3A_3627 : i32
        %ne3A_3629 = arith.xori %lt3A_3626, %lt3A_3628 : i1
        %and3A_3630 = arith.andi %ne3A_3629, %ne3A_3624 : i1
        %add3A_3631 = arith.addi %rem3A_3622, %select_n3A_3621 : i32
        %select_n3A_3632 = arith.select %and3A_3630, %add3A_3631, %rem3A_3622 : i32
        %swap3A_3633 = arith.index_cast %select_n3A_3616 : i32 to index
        %swap3A_3634 = arith.index_cast %select_n3A_3632 : i32 to index
        %swap3A_3635 = tpu.vector_load %arg8[%swap3A_3633, %swap3A_3634] {strides = array<i32>} : memref<440x128xf32, #tpu.memory_space<vmem>>, vector<16xf32>,
        tpu.vector_store %arg8[%swap3A_3633, %swap3A_3634], %gather3A_3590 {strides = array<i32>} : memref<440x128xf32, #tpu.memory_space<vmem>>, vector<16xf32>,
        %broadcast_in_dim3A_3636 = arith.constant 11 : i32
        %broadcast_in_dim3A_3637 = vector.broadcast %broadcast_in_dim3A_3636 : i32 to vector<16xi32>
        %lt3A_3638 = arith.constant 0 : i32
        %lt3A_3639 = vector.broadcast %lt3A_3638 : i32 to vector<16xi32>
        %lt3A_3640 = arith.cmpi slt, %broadcast_in_dim3A_3637, %lt3A_3639 : vector<16xi32>
        %add3A_3641 = arith.constant 16 : i32
        %add3A_3642 = vector.broadcast %add3A_3641 : i32 to vector<16xi32>
        %add3A_3643 = arith.addi %broadcast_in_dim3A_3637, %add3A_3642 : vector<16xi32>
        %select_n3A_3644 = arith.select %lt3A_3640, %add3A_3643, %broadcast_in_dim3A_3637 : vector<16xi1>, vector<16xi32>
        %broadcast_in_dim3A_3645 = vector.shape_cast %select_n3A_3644 : vector<16xi32> to vector<16x1xi32>
        %gather3A_3646 = vector.shape_cast %broadcast_in_dim3A_3645 : vector<16x1xi32> to vector<16xi32>
        %gather3A_3647 = tpu.dynamic_gather %get3A_1143[%gather3A_3646] in [0] : vector<16xi32>, vector<16xi32> -> vector<16xi32>
        %gather3A_3648 = tpu.vector_load_idx %arg12[%gather3A_3647, %iota3A] : memref<6x16xf32, #tpu.memory_space<vmem>>[vector<16xi32>, vector<16xi32>], vector<16xf32>,
        %add3A_3649 = arith.constant 688 : i32
        %add3A_3650 = arith.addi %mul3A_1133, %add3A_3649 : i32
        %jit3A_3651 = arith.constant 128 : i32
        %div3A_3652 = arith.divsi %add3A_3650, %jit3A_3651 : i32
        %sign3A_3653 = arith.constant 0 : i32
        %sign3A_3654 = arith.cmpi sgt, %add3A_3650, %sign3A_3653 : i32
        %sign3A_3655 = arith.extui %sign3A_3654 : i1 to i32
        %sign3A_3656 = arith.constant 0 : i32
        %sign3A_3657 = arith.cmpi slt, %add3A_3650, %sign3A_3656 : i32
        %sign3A_3658 = arith.extui %sign3A_3657 : i1 to i32
        %sign3A_3659 = arith.subi %sign3A_3655, %sign3A_3658 : i32
        %sign3A_3660 = arith.constant 0 : i32
        %sign3A_3661 = arith.cmpi sgt, %jit3A_3651, %sign3A_3660 : i32
        %sign3A_3662 = arith.extui %sign3A_3661 : i1 to i32
        %sign3A_3663 = arith.constant 0 : i32
        %sign3A_3664 = arith.cmpi slt, %jit3A_3651, %sign3A_3663 : i32
        %sign3A_3665 = arith.extui %sign3A_3664 : i1 to i32
        %sign3A_3666 = arith.subi %sign3A_3662, %sign3A_3665 : i32
        %ne3A_3667 = arith.cmpi ne, %sign3A_3659, %sign3A_3666 : i32
        %rem3A_3668 = arith.remsi %add3A_3650, %jit3A_3651 : i32
        %ne3A_3669 = arith.constant 0 : i32
        %ne3A_3670 = arith.cmpi ne, %rem3A_3668, %ne3A_3669 : i32
        %and3A_3671 = arith.andi %ne3A_3667, %ne3A_3670 : i1
        %sub3A_3672 = arith.constant 1 : i32
        %sub3A_3673 = arith.subi %div3A_3652, %sub3A_3672 : i32
        %select_n3A_3674 = arith.select %and3A_3671, %sub3A_3673, %div3A_3652 : i32
        %jit3A_3675 = arith.constant 128 : i32
        %eq3A_3676 = arith.constant 0 : i32
        %eq3A_3677 = arith.cmpi eq, %jit3A_3675, %eq3A_3676 : i32
        %jit3A_3678 = arith.constant 1 : i32
        %select_n3A_3679 = arith.select %eq3A_3677, %jit3A_3678, %jit3A_3675 : i32
        %rem3A_3680 = arith.remsi %add3A_3650, %select_n3A_3679 : i32
        %ne3A_3681 = arith.constant 0 : i32
        %ne3A_3682 = arith.cmpi ne, %rem3A_3680, %ne3A_3681 : i32
        %lt3A_3683 = arith.constant 0 : i32
        %lt3A_3684 = arith.cmpi slt, %rem3A_3680, %lt3A_3683 : i32
        %lt3A_3685 = arith.constant 0 : i32
        %lt3A_3686 = arith.cmpi slt, %select_n3A_3679, %lt3A_3685 : i32
        %ne3A_3687 = arith.xori %lt3A_3684, %lt3A_3686 : i1
        %and3A_3688 = arith.andi %ne3A_3687, %ne3A_3682 : i1
        %add3A_3689 = arith.addi %rem3A_3680, %select_n3A_3679 : i32
        %select_n3A_3690 = arith.select %and3A_3688, %add3A_3689, %rem3A_3680 : i32
        %swap3A_3691 = arith.index_cast %select_n3A_3674 : i32 to index
        %swap3A_3692 = arith.index_cast %select_n3A_3690 : i32 to index
        %swap3A_3693 = tpu.vector_load %arg8[%swap3A_3691, %swap3A_3692] {strides = array<i32>} : memref<440x128xf32, #tpu.memory_space<vmem>>, vector<16xf32>,
        tpu.vector_store %arg8[%swap3A_3691, %swap3A_3692], %gather3A_3648 {strides = array<i32>} : memref<440x128xf32, #tpu.memory_space<vmem>>, vector<16xf32>,
        %broadcast_in_dim3A_3694 = arith.constant 12 : i32
        %broadcast_in_dim3A_3695 = vector.broadcast %broadcast_in_dim3A_3694 : i32 to vector<16xi32>
        %lt3A_3696 = arith.constant 0 : i32
        %lt3A_3697 = vector.broadcast %lt3A_3696 : i32 to vector<16xi32>
        %lt3A_3698 = arith.cmpi slt, %broadcast_in_dim3A_3695, %lt3A_3697 : vector<16xi32>
        %add3A_3699 = arith.constant 16 : i32
        %add3A_3700 = vector.broadcast %add3A_3699 : i32 to vector<16xi32>
        %add3A_3701 = arith.addi %broadcast_in_dim3A_3695, %add3A_3700 : vector<16xi32>
        %select_n3A_3702 = arith.select %lt3A_3698, %add3A_3701, %broadcast_in_dim3A_3695 : vector<16xi1>, vector<16xi32>
        %broadcast_in_dim3A_3703 = vector.shape_cast %select_n3A_3702 : vector<16xi32> to vector<16x1xi32>
        %gather3A_3704 = vector.shape_cast %broadcast_in_dim3A_3703 : vector<16x1xi32> to vector<16xi32>
        %gather3A_3705 = tpu.dynamic_gather %get3A_1143[%gather3A_3704] in [0] : vector<16xi32>, vector<16xi32> -> vector<16xi32>
        %gather3A_3706 = tpu.vector_load_idx %arg12[%gather3A_3705, %iota3A] : memref<6x16xf32, #tpu.memory_space<vmem>>[vector<16xi32>, vector<16xi32>], vector<16xf32>,
        %add3A_3707 = arith.constant 704 : i32
        %add3A_3708 = arith.addi %mul3A_1133, %add3A_3707 : i32
        %jit3A_3709 = arith.constant 128 : i32
        %div3A_3710 = arith.divsi %add3A_3708, %jit3A_3709 : i32
        %sign3A_3711 = arith.constant 0 : i32
        %sign3A_3712 = arith.cmpi sgt, %add3A_3708, %sign3A_3711 : i32
        %sign3A_3713 = arith.extui %sign3A_3712 : i1 to i32
        %sign3A_3714 = arith.constant 0 : i32
        %sign3A_3715 = arith.cmpi slt, %add3A_3708, %sign3A_3714 : i32
        %sign3A_3716 = arith.extui %sign3A_3715 : i1 to i32
        %sign3A_3717 = arith.subi %sign3A_3713, %sign3A_3716 : i32
        %sign3A_3718 = arith.constant 0 : i32
        %sign3A_3719 = arith.cmpi sgt, %jit3A_3709, %sign3A_3718 : i32
        %sign3A_3720 = arith.extui %sign3A_3719 : i1 to i32
        %sign3A_3721 = arith.constant 0 : i32
        %sign3A_3722 = arith.cmpi slt, %jit3A_3709, %sign3A_3721 : i32
        %sign3A_3723 = arith.extui %sign3A_3722 : i1 to i32
        %sign3A_3724 = arith.subi %sign3A_3720, %sign3A_3723 : i32
        %ne3A_3725 = arith.cmpi ne, %sign3A_3717, %sign3A_3724 : i32
        %rem3A_3726 = arith.remsi %add3A_3708, %jit3A_3709 : i32
        %ne3A_3727 = arith.constant 0 : i32
        %ne3A_3728 = arith.cmpi ne, %rem3A_3726, %ne3A_3727 : i32
        %and3A_3729 = arith.andi %ne3A_3725, %ne3A_3728 : i1
        %sub3A_3730 = arith.constant 1 : i32
        %sub3A_3731 = arith.subi %div3A_3710, %sub3A_3730 : i32
        %select_n3A_3732 = arith.select %and3A_3729, %sub3A_3731, %div3A_3710 : i32
        %jit3A_3733 = arith.constant 128 : i32
        %eq3A_3734 = arith.constant 0 : i32
        %eq3A_3735 = arith.cmpi eq, %jit3A_3733, %eq3A_3734 : i32
        %jit3A_3736 = arith.constant 1 : i32
        %select_n3A_3737 = arith.select %eq3A_3735, %jit3A_3736, %jit3A_3733 : i32
        %rem3A_3738 = arith.remsi %add3A_3708, %select_n3A_3737 : i32
        %ne3A_3739 = arith.constant 0 : i32
        %ne3A_3740 = arith.cmpi ne, %rem3A_3738, %ne3A_3739 : i32
        %lt3A_3741 = arith.constant 0 : i32
        %lt3A_3742 = arith.cmpi slt, %rem3A_3738, %lt3A_3741 : i32
        %lt3A_3743 = arith.constant 0 : i32
        %lt3A_3744 = arith.cmpi slt, %select_n3A_3737, %lt3A_3743 : i32
        %ne3A_3745 = arith.xori %lt3A_3742, %lt3A_3744 : i1
        %and3A_3746 = arith.andi %ne3A_3745, %ne3A_3740 : i1
        %add3A_3747 = arith.addi %rem3A_3738, %select_n3A_3737 : i32
        %select_n3A_3748 = arith.select %and3A_3746, %add3A_3747, %rem3A_3738 : i32
        %swap3A_3749 = arith.index_cast %select_n3A_3732 : i32 to index
        %swap3A_3750 = arith.index_cast %select_n3A_3748 : i32 to index
        %swap3A_3751 = tpu.vector_load %arg8[%swap3A_3749, %swap3A_3750] {strides = array<i32>} : memref<440x128xf32, #tpu.memory_space<vmem>>, vector<16xf32>,
        tpu.vector_store %arg8[%swap3A_3749, %swap3A_3750], %gather3A_3706 {strides = array<i32>} : memref<440x128xf32, #tpu.memory_space<vmem>>, vector<16xf32>,
        %broadcast_in_dim3A_3752 = arith.constant 13 : i32
        %broadcast_in_dim3A_3753 = vector.broadcast %broadcast_in_dim3A_3752 : i32 to vector<16xi32>
        %lt3A_3754 = arith.constant 0 : i32
        %lt3A_3755 = vector.broadcast %lt3A_3754 : i32 to vector<16xi32>
        %lt3A_3756 = arith.cmpi slt, %broadcast_in_dim3A_3753, %lt3A_3755 : vector<16xi32>
        %add3A_3757 = arith.constant 16 : i32
        %add3A_3758 = vector.broadcast %add3A_3757 : i32 to vector<16xi32>
        %add3A_3759 = arith.addi %broadcast_in_dim3A_3753, %add3A_3758 : vector<16xi32>
        %select_n3A_3760 = arith.select %lt3A_3756, %add3A_3759, %broadcast_in_dim3A_3753 : vector<16xi1>, vector<16xi32>
        %broadcast_in_dim3A_3761 = vector.shape_cast %select_n3A_3760 : vector<16xi32> to vector<16x1xi32>
        %gather3A_3762 = vector.shape_cast %broadcast_in_dim3A_3761 : vector<16x1xi32> to vector<16xi32>
        %gather3A_3763 = tpu.dynamic_gather %get3A_1143[%gather3A_3762] in [0] : vector<16xi32>, vector<16xi32> -> vector<16xi32>
        %gather3A_3764 = tpu.vector_load_idx %arg12[%gather3A_3763, %iota3A] : memref<6x16xf32, #tpu.memory_space<vmem>>[vector<16xi32>, vector<16xi32>], vector<16xf32>,
        %add3A_3765 = arith.constant 720 : i32
        %add3A_3766 = arith.addi %mul3A_1133, %add3A_3765 : i32
        %jit3A_3767 = arith.constant 128 : i32
        %div3A_3768 = arith.divsi %add3A_3766, %jit3A_3767 : i32
        %sign3A_3769 = arith.constant 0 : i32
        %sign3A_3770 = arith.cmpi sgt, %add3A_3766, %sign3A_3769 : i32
        %sign3A_3771 = arith.extui %sign3A_3770 : i1 to i32
        %sign3A_3772 = arith.constant 0 : i32
        %sign3A_3773 = arith.cmpi slt, %add3A_3766, %sign3A_3772 : i32
        %sign3A_3774 = arith.extui %sign3A_3773 : i1 to i32
        %sign3A_3775 = arith.subi %sign3A_3771, %sign3A_3774 : i32
        %sign3A_3776 = arith.constant 0 : i32
        %sign3A_3777 = arith.cmpi sgt, %jit3A_3767, %sign3A_3776 : i32
        %sign3A_3778 = arith.extui %sign3A_3777 : i1 to i32
        %sign3A_3779 = arith.constant 0 : i32
        %sign3A_3780 = arith.cmpi slt, %jit3A_3767, %sign3A_3779 : i32
        %sign3A_3781 = arith.extui %sign3A_3780 : i1 to i32
        %sign3A_3782 = arith.subi %sign3A_3778, %sign3A_3781 : i32
        %ne3A_3783 = arith.cmpi ne, %sign3A_3775, %sign3A_3782 : i32
        %rem3A_3784 = arith.remsi %add3A_3766, %jit3A_3767 : i32
        %ne3A_3785 = arith.constant 0 : i32
        %ne3A_3786 = arith.cmpi ne, %rem3A_3784, %ne3A_3785 : i32
        %and3A_3787 = arith.andi %ne3A_3783, %ne3A_3786 : i1
        %sub3A_3788 = arith.constant 1 : i32
        %sub3A_3789 = arith.subi %div3A_3768, %sub3A_3788 : i32
        %select_n3A_3790 = arith.select %and3A_3787, %sub3A_3789, %div3A_3768 : i32
        %jit3A_3791 = arith.constant 128 : i32
        %eq3A_3792 = arith.constant 0 : i32
        %eq3A_3793 = arith.cmpi eq, %jit3A_3791, %eq3A_3792 : i32
        %jit3A_3794 = arith.constant 1 : i32
        %select_n3A_3795 = arith.select %eq3A_3793, %jit3A_3794, %jit3A_3791 : i32
        %rem3A_3796 = arith.remsi %add3A_3766, %select_n3A_3795 : i32
        %ne3A_3797 = arith.constant 0 : i32
        %ne3A_3798 = arith.cmpi ne, %rem3A_3796, %ne3A_3797 : i32
        %lt3A_3799 = arith.constant 0 : i32
        %lt3A_3800 = arith.cmpi slt, %rem3A_3796, %lt3A_3799 : i32
        %lt3A_3801 = arith.constant 0 : i32
        %lt3A_3802 = arith.cmpi slt, %select_n3A_3795, %lt3A_3801 : i32
        %ne3A_3803 = arith.xori %lt3A_3800, %lt3A_3802 : i1
        %and3A_3804 = arith.andi %ne3A_3803, %ne3A_3798 : i1
        %add3A_3805 = arith.addi %rem3A_3796, %select_n3A_3795 : i32
        %select_n3A_3806 = arith.select %and3A_3804, %add3A_3805, %rem3A_3796 : i32
        %swap3A_3807 = arith.index_cast %select_n3A_3790 : i32 to index
        %swap3A_3808 = arith.index_cast %select_n3A_3806 : i32 to index
        %swap3A_3809 = tpu.vector_load %arg8[%swap3A_3807, %swap3A_3808] {strides = array<i32>} : memref<440x128xf32, #tpu.memory_space<vmem>>, vector<16xf32>,
        tpu.vector_store %arg8[%swap3A_3807, %swap3A_3808], %gather3A_3764 {strides = array<i32>} : memref<440x128xf32, #tpu.memory_space<vmem>>, vector<16xf32>,
        %broadcast_in_dim3A_3810 = arith.constant 14 : i32
        %broadcast_in_dim3A_3811 = vector.broadcast %broadcast_in_dim3A_3810 : i32 to vector<16xi32>
        %lt3A_3812 = arith.constant 0 : i32
        %lt3A_3813 = vector.broadcast %lt3A_3812 : i32 to vector<16xi32>
        %lt3A_3814 = arith.cmpi slt, %broadcast_in_dim3A_3811, %lt3A_3813 : vector<16xi32>
        %add3A_3815 = arith.constant 16 : i32
        %add3A_3816 = vector.broadcast %add3A_3815 : i32 to vector<16xi32>
        %add3A_3817 = arith.addi %broadcast_in_dim3A_3811, %add3A_3816 : vector<16xi32>
        %select_n3A_3818 = arith.select %lt3A_3814, %add3A_3817, %broadcast_in_dim3A_3811 : vector<16xi1>, vector<16xi32>
        %broadcast_in_dim3A_3819 = vector.shape_cast %select_n3A_3818 : vector<16xi32> to vector<16x1xi32>
        %gather3A_3820 = vector.shape_cast %broadcast_in_dim3A_3819 : vector<16x1xi32> to vector<16xi32>
        %gather3A_3821 = tpu.dynamic_gather %get3A_1143[%gather3A_3820] in [0] : vector<16xi32>, vector<16xi32> -> vector<16xi32>
        %gather3A_3822 = tpu.vector_load_idx %arg12[%gather3A_3821, %iota3A] : memref<6x16xf32, #tpu.memory_space<vmem>>[vector<16xi32>, vector<16xi32>], vector<16xf32>,
        %add3A_3823 = arith.constant 736 : i32
        %add3A_3824 = arith.addi %mul3A_1133, %add3A_3823 : i32
        %jit3A_3825 = arith.constant 128 : i32
        %div3A_3826 = arith.divsi %add3A_3824, %jit3A_3825 : i32
        %sign3A_3827 = arith.constant 0 : i32
        %sign3A_3828 = arith.cmpi sgt, %add3A_3824, %sign3A_3827 : i32
        %sign3A_3829 = arith.extui %sign3A_3828 : i1 to i32
        %sign3A_3830 = arith.constant 0 : i32
        %sign3A_3831 = arith.cmpi slt, %add3A_3824, %sign3A_3830 : i32
        %sign3A_3832 = arith.extui %sign3A_3831 : i1 to i32
        %sign3A_3833 = arith.subi %sign3A_3829, %sign3A_3832 : i32
        %sign3A_3834 = arith.constant 0 : i32
        %sign3A_3835 = arith.cmpi sgt, %jit3A_3825, %sign3A_3834 : i32
        %sign3A_3836 = arith.extui %sign3A_3835 : i1 to i32
        %sign3A_3837 = arith.constant 0 : i32
        %sign3A_3838 = arith.cmpi slt, %jit3A_3825, %sign3A_3837 : i32
        %sign3A_3839 = arith.extui %sign3A_3838 : i1 to i32
        %sign3A_3840 = arith.subi %sign3A_3836, %sign3A_3839 : i32
        %ne3A_3841 = arith.cmpi ne, %sign3A_3833, %sign3A_3840 : i32
        %rem3A_3842 = arith.remsi %add3A_3824, %jit3A_3825 : i32
        %ne3A_3843 = arith.constant 0 : i32
        %ne3A_3844 = arith.cmpi ne, %rem3A_3842, %ne3A_3843 : i32
        %and3A_3845 = arith.andi %ne3A_3841, %ne3A_3844 : i1
        %sub3A_3846 = arith.constant 1 : i32
        %sub3A_3847 = arith.subi %div3A_3826, %sub3A_3846 : i32
        %select_n3A_3848 = arith.select %and3A_3845, %sub3A_3847, %div3A_3826 : i32
        %jit3A_3849 = arith.constant 128 : i32
        %eq3A_3850 = arith.constant 0 : i32
        %eq3A_3851 = arith.cmpi eq, %jit3A_3849, %eq3A_3850 : i32
        %jit3A_3852 = arith.constant 1 : i32
        %select_n3A_3853 = arith.select %eq3A_3851, %jit3A_3852, %jit3A_3849 : i32
        %rem3A_3854 = arith.remsi %add3A_3824, %select_n3A_3853 : i32
        %ne3A_3855 = arith.constant 0 : i32
        %ne3A_3856 = arith.cmpi ne, %rem3A_3854, %ne3A_3855 : i32
        %lt3A_3857 = arith.constant 0 : i32
        %lt3A_3858 = arith.cmpi slt, %rem3A_3854, %lt3A_3857 : i32
        %lt3A_3859 = arith.constant 0 : i32
        %lt3A_3860 = arith.cmpi slt, %select_n3A_3853, %lt3A_3859 : i32
        %ne3A_3861 = arith.xori %lt3A_3858, %lt3A_3860 : i1
        %and3A_3862 = arith.andi %ne3A_3861, %ne3A_3856 : i1
        %add3A_3863 = arith.addi %rem3A_3854, %select_n3A_3853 : i32
        %select_n3A_3864 = arith.select %and3A_3862, %add3A_3863, %rem3A_3854 : i32
        %swap3A_3865 = arith.index_cast %select_n3A_3848 : i32 to index
        %swap3A_3866 = arith.index_cast %select_n3A_3864 : i32 to index
        %swap3A_3867 = tpu.vector_load %arg8[%swap3A_3865, %swap3A_3866] {strides = array<i32>} : memref<440x128xf32, #tpu.memory_space<vmem>>, vector<16xf32>,
        tpu.vector_store %arg8[%swap3A_3865, %swap3A_3866], %gather3A_3822 {strides = array<i32>} : memref<440x128xf32, #tpu.memory_space<vmem>>, vector<16xf32>,
        %broadcast_in_dim3A_3868 = arith.constant 15 : i32
        %broadcast_in_dim3A_3869 = vector.broadcast %broadcast_in_dim3A_3868 : i32 to vector<16xi32>
        %lt3A_3870 = arith.constant 0 : i32
        %lt3A_3871 = vector.broadcast %lt3A_3870 : i32 to vector<16xi32>
        %lt3A_3872 = arith.cmpi slt, %broadcast_in_dim3A_3869, %lt3A_3871 : vector<16xi32>
        %add3A_3873 = arith.constant 16 : i32
        %add3A_3874 = vector.broadcast %add3A_3873 : i32 to vector<16xi32>
        %add3A_3875 = arith.addi %broadcast_in_dim3A_3869, %add3A_3874 : vector<16xi32>
        %select_n3A_3876 = arith.select %lt3A_3872, %add3A_3875, %broadcast_in_dim3A_3869 : vector<16xi1>, vector<16xi32>
        %broadcast_in_dim3A_3877 = vector.shape_cast %select_n3A_3876 : vector<16xi32> to vector<16x1xi32>
        %gather3A_3878 = vector.shape_cast %broadcast_in_dim3A_3877 : vector<16x1xi32> to vector<16xi32>
        %gather3A_3879 = tpu.dynamic_gather %get3A_1143[%gather3A_3878] in [0] : vector<16xi32>, vector<16xi32> -> vector<16xi32>
        %gather3A_3880 = tpu.vector_load_idx %arg12[%gather3A_3879, %iota3A] : memref<6x16xf32, #tpu.memory_space<vmem>>[vector<16xi32>, vector<16xi32>], vector<16xf32>,
        %add3A_3881 = arith.constant 752 : i32
        %add3A_3882 = arith.addi %mul3A_1133, %add3A_3881 : i32
        %jit3A_3883 = arith.constant 128 : i32
        %div3A_3884 = arith.divsi %add3A_3882, %jit3A_3883 : i32
        %sign3A_3885 = arith.constant 0 : i32
        %sign3A_3886 = arith.cmpi sgt, %add3A_3882, %sign3A_3885 : i32
        %sign3A_3887 = arith.extui %sign3A_3886 : i1 to i32
        %sign3A_3888 = arith.constant 0 : i32
        %sign3A_3889 = arith.cmpi slt, %add3A_3882, %sign3A_3888 : i32
        %sign3A_3890 = arith.extui %sign3A_3889 : i1 to i32
        %sign3A_3891 = arith.subi %sign3A_3887, %sign3A_3890 : i32
        %sign3A_3892 = arith.constant 0 : i32
        %sign3A_3893 = arith.cmpi sgt, %jit3A_3883, %sign3A_3892 : i32
        %sign3A_3894 = arith.extui %sign3A_3893 : i1 to i32
        %sign3A_3895 = arith.constant 0 : i32
        %sign3A_3896 = arith.cmpi slt, %jit3A_3883, %sign3A_3895 : i32
        %sign3A_3897 = arith.extui %sign3A_3896 : i1 to i32
        %sign3A_3898 = arith.subi %sign3A_3894, %sign3A_3897 : i32
        %ne3A_3899 = arith.cmpi ne, %sign3A_3891, %sign3A_3898 : i32
        %rem3A_3900 = arith.remsi %add3A_3882, %jit3A_3883 : i32
        %ne3A_3901 = arith.constant 0 : i32
        %ne3A_3902 = arith.cmpi ne, %rem3A_3900, %ne3A_3901 : i32
        %and3A_3903 = arith.andi %ne3A_3899, %ne3A_3902 : i1
        %sub3A_3904 = arith.constant 1 : i32
        %sub3A_3905 = arith.subi %div3A_3884, %sub3A_3904 : i32
        %select_n3A_3906 = arith.select %and3A_3903, %sub3A_3905, %div3A_3884 : i32
        %jit3A_3907 = arith.constant 128 : i32
        %eq3A_3908 = arith.constant 0 : i32
        %eq3A_3909 = arith.cmpi eq, %jit3A_3907, %eq3A_3908 : i32
        %jit3A_3910 = arith.constant 1 : i32
        %select_n3A_3911 = arith.select %eq3A_3909, %jit3A_3910, %jit3A_3907 : i32
        %rem3A_3912 = arith.remsi %add3A_3882, %select_n3A_3911 : i32
        %ne3A_3913 = arith.constant 0 : i32
        %ne3A_3914 = arith.cmpi ne, %rem3A_3912, %ne3A_3913 : i32
        %lt3A_3915 = arith.constant 0 : i32
        %lt3A_3916 = arith.cmpi slt, %rem3A_3912, %lt3A_3915 : i32
        %lt3A_3917 = arith.constant 0 : i32
        %lt3A_3918 = arith.cmpi slt, %select_n3A_3911, %lt3A_3917 : i32
        %ne3A_3919 = arith.xori %lt3A_3916, %lt3A_3918 : i1
        %and3A_3920 = arith.andi %ne3A_3919, %ne3A_3914 : i1
        %add3A_3921 = arith.addi %rem3A_3912, %select_n3A_3911 : i32
        %select_n3A_3922 = arith.select %and3A_3920, %add3A_3921, %rem3A_3912 : i32
        %swap3A_3923 = arith.index_cast %select_n3A_3906 : i32 to index
        %swap3A_3924 = arith.index_cast %select_n3A_3922 : i32 to index
        %swap3A_3925 = tpu.vector_load %arg8[%swap3A_3923, %swap3A_3924] {strides = array<i32>} : memref<440x128xf32, #tpu.memory_space<vmem>>, vector<16xf32>,
        tpu.vector_store %arg8[%swap3A_3923, %swap3A_3924], %gather3A_3880 {strides = array<i32>} : memref<440x128xf32, #tpu.memory_space<vmem>>, vector<16xf32>,
        %broadcast_in_dim3A_3926 = arith.constant 10 : i32
        %broadcast_in_dim3A_3927 = vector.broadcast %broadcast_in_dim3A_3926 : i32 to vector<16xi32>
        %lt3A_3928 = arith.constant 0 : i32
        %lt3A_3929 = vector.broadcast %lt3A_3928 : i32 to vector<16xi32>
        %lt3A_3930 = arith.cmpi slt, %broadcast_in_dim3A_3927, %lt3A_3929 : vector<16xi32>
        %add3A_3931 = arith.constant 16 : i32
        %add3A_3932 = vector.broadcast %add3A_3931 : i32 to vector<16xi32>
        %add3A_3933 = arith.addi %broadcast_in_dim3A_3927, %add3A_3932 : vector<16xi32>
        %select_n3A_3934 = arith.select %lt3A_3930, %add3A_3933, %broadcast_in_dim3A_3927 : vector<16xi1>, vector<16xi32>
        %broadcast_in_dim3A_3935 = vector.shape_cast %select_n3A_3934 : vector<16xi32> to vector<16x1xi32>
        %gather3A_3936 = vector.shape_cast %broadcast_in_dim3A_3935 : vector<16x1xi32> to vector<16xi32>
        %gather3A_3937 = tpu.dynamic_gather %get3A_1148[%gather3A_3936] in [0] : vector<16xi32>, vector<16xi32> -> vector<16xi32>
        %gather3A_3938 = tpu.vector_load_idx %arg12[%gather3A_3937, %iota3A] : memref<6x16xf32, #tpu.memory_space<vmem>>[vector<16xi32>, vector<16xi32>], vector<16xf32>,
        %add3A_3939 = arith.constant 768 : i32
        %add3A_3940 = arith.addi %mul3A_1133, %add3A_3939 : i32
        %jit3A_3941 = arith.constant 128 : i32
        %div3A_3942 = arith.divsi %add3A_3940, %jit3A_3941 : i32
        %sign3A_3943 = arith.constant 0 : i32
        %sign3A_3944 = arith.cmpi sgt, %add3A_3940, %sign3A_3943 : i32
        %sign3A_3945 = arith.extui %sign3A_3944 : i1 to i32
        %sign3A_3946 = arith.constant 0 : i32
        %sign3A_3947 = arith.cmpi slt, %add3A_3940, %sign3A_3946 : i32
        %sign3A_3948 = arith.extui %sign3A_3947 : i1 to i32
        %sign3A_3949 = arith.subi %sign3A_3945, %sign3A_3948 : i32
        %sign3A_3950 = arith.constant 0 : i32
        %sign3A_3951 = arith.cmpi sgt, %jit3A_3941, %sign3A_3950 : i32
        %sign3A_3952 = arith.extui %sign3A_3951 : i1 to i32
        %sign3A_3953 = arith.constant 0 : i32
        %sign3A_3954 = arith.cmpi slt, %jit3A_3941, %sign3A_3953 : i32
        %sign3A_3955 = arith.extui %sign3A_3954 : i1 to i32
        %sign3A_3956 = arith.subi %sign3A_3952, %sign3A_3955 : i32
        %ne3A_3957 = arith.cmpi ne, %sign3A_3949, %sign3A_3956 : i32
        %rem3A_3958 = arith.remsi %add3A_3940, %jit3A_3941 : i32
        %ne3A_3959 = arith.constant 0 : i32
        %ne3A_3960 = arith.cmpi ne, %rem3A_3958, %ne3A_3959 : i32
        %and3A_3961 = arith.andi %ne3A_3957, %ne3A_3960 : i1
        %sub3A_3962 = arith.constant 1 : i32
        %sub3A_3963 = arith.subi %div3A_3942, %sub3A_3962 : i32
        %select_n3A_3964 = arith.select %and3A_3961, %sub3A_3963, %div3A_3942 : i32
        %jit3A_3965 = arith.constant 128 : i32
        %eq3A_3966 = arith.constant 0 : i32
        %eq3A_3967 = arith.cmpi eq, %jit3A_3965, %eq3A_3966 : i32
        %jit3A_3968 = arith.constant 1 : i32
        %select_n3A_3969 = arith.select %eq3A_3967, %jit3A_3968, %jit3A_3965 : i32
        %rem3A_3970 = arith.remsi %add3A_3940, %select_n3A_3969 : i32
        %ne3A_3971 = arith.constant 0 : i32
        %ne3A_3972 = arith.cmpi ne, %rem3A_3970, %ne3A_3971 : i32
        %lt3A_3973 = arith.constant 0 : i32
        %lt3A_3974 = arith.cmpi slt, %rem3A_3970, %lt3A_3973 : i32
        %lt3A_3975 = arith.constant 0 : i32
        %lt3A_3976 = arith.cmpi slt, %select_n3A_3969, %lt3A_3975 : i32
        %ne3A_3977 = arith.xori %lt3A_3974, %lt3A_3976 : i1
        %and3A_3978 = arith.andi %ne3A_3977, %ne3A_3972 : i1
        %add3A_3979 = arith.addi %rem3A_3970, %select_n3A_3969 : i32
        %select_n3A_3980 = arith.select %and3A_3978, %add3A_3979, %rem3A_3970 : i32
        %swap3A_3981 = arith.index_cast %select_n3A_3964 : i32 to index
        %swap3A_3982 = arith.index_cast %select_n3A_3980 : i32 to index
        %swap3A_3983 = tpu.vector_load %arg8[%swap3A_3981, %swap3A_3982] {strides = array<i32>} : memref<440x128xf32, #tpu.memory_space<vmem>>, vector<16xf32>,
        tpu.vector_store %arg8[%swap3A_3981, %swap3A_3982], %gather3A_3938 {strides = array<i32>} : memref<440x128xf32, #tpu.memory_space<vmem>>, vector<16xf32>,
        %broadcast_in_dim3A_3984 = arith.constant 11 : i32
        %broadcast_in_dim3A_3985 = vector.broadcast %broadcast_in_dim3A_3984 : i32 to vector<16xi32>
        %lt3A_3986 = arith.constant 0 : i32
        %lt3A_3987 = vector.broadcast %lt3A_3986 : i32 to vector<16xi32>
        %lt3A_3988 = arith.cmpi slt, %broadcast_in_dim3A_3985, %lt3A_3987 : vector<16xi32>
        %add3A_3989 = arith.constant 16 : i32
        %add3A_3990 = vector.broadcast %add3A_3989 : i32 to vector<16xi32>
        %add3A_3991 = arith.addi %broadcast_in_dim3A_3985, %add3A_3990 : vector<16xi32>
        %select_n3A_3992 = arith.select %lt3A_3988, %add3A_3991, %broadcast_in_dim3A_3985 : vector<16xi1>, vector<16xi32>
        %broadcast_in_dim3A_3993 = vector.shape_cast %select_n3A_3992 : vector<16xi32> to vector<16x1xi32>
        %gather3A_3994 = vector.shape_cast %broadcast_in_dim3A_3993 : vector<16x1xi32> to vector<16xi32>
        %gather3A_3995 = tpu.dynamic_gather %get3A_1148[%gather3A_3994] in [0] : vector<16xi32>, vector<16xi32> -> vector<16xi32>
        %gather3A_3996 = tpu.vector_load_idx %arg12[%gather3A_3995, %iota3A] : memref<6x16xf32, #tpu.memory_space<vmem>>[vector<16xi32>, vector<16xi32>], vector<16xf32>,
        %add3A_3997 = arith.constant 784 : i32
        %add3A_3998 = arith.addi %mul3A_1133, %add3A_3997 : i32
        %jit3A_3999 = arith.constant 128 : i32
        %div3A_4000 = arith.divsi %add3A_3998, %jit3A_3999 : i32
        %sign3A_4001 = arith.constant 0 : i32
        %sign3A_4002 = arith.cmpi sgt, %add3A_3998, %sign3A_4001 : i32
        %sign3A_4003 = arith.extui %sign3A_4002 : i1 to i32
        %sign3A_4004 = arith.constant 0 : i32
        %sign3A_4005 = arith.cmpi slt, %add3A_3998, %sign3A_4004 : i32
        %sign3A_4006 = arith.extui %sign3A_4005 : i1 to i32
        %sign3A_4007 = arith.subi %sign3A_4003, %sign3A_4006 : i32
        %sign3A_4008 = arith.constant 0 : i32
        %sign3A_4009 = arith.cmpi sgt, %jit3A_3999, %sign3A_4008 : i32
        %sign3A_4010 = arith.extui %sign3A_4009 : i1 to i32
        %sign3A_4011 = arith.constant 0 : i32
        %sign3A_4012 = arith.cmpi slt, %jit3A_3999, %sign3A_4011 : i32
        %sign3A_4013 = arith.extui %sign3A_4012 : i1 to i32
        %sign3A_4014 = arith.subi %sign3A_4010, %sign3A_4013 : i32
        %ne3A_4015 = arith.cmpi ne, %sign3A_4007, %sign3A_4014 : i32
        %rem3A_4016 = arith.remsi %add3A_3998, %jit3A_3999 : i32
        %ne3A_4017 = arith.constant 0 : i32
        %ne3A_4018 = arith.cmpi ne, %rem3A_4016, %ne3A_4017 : i32
        %and3A_4019 = arith.andi %ne3A_4015, %ne3A_4018 : i1
        %sub3A_4020 = arith.constant 1 : i32
        %sub3A_4021 = arith.subi %div3A_4000, %sub3A_4020 : i32
        %select_n3A_4022 = arith.select %and3A_4019, %sub3A_4021, %div3A_4000 : i32
        %jit3A_4023 = arith.constant 128 : i32
        %eq3A_4024 = arith.constant 0 : i32
        %eq3A_4025 = arith.cmpi eq, %jit3A_4023, %eq3A_4024 : i32
        %jit3A_4026 = arith.constant 1 : i32
        %select_n3A_4027 = arith.select %eq3A_4025, %jit3A_4026, %jit3A_4023 : i32
        %rem3A_4028 = arith.remsi %add3A_3998, %select_n3A_4027 : i32
        %ne3A_4029 = arith.constant 0 : i32
        %ne3A_4030 = arith.cmpi ne, %rem3A_4028, %ne3A_4029 : i32
        %lt3A_4031 = arith.constant 0 : i32
        %lt3A_4032 = arith.cmpi slt, %rem3A_4028, %lt3A_4031 : i32
        %lt3A_4033 = arith.constant 0 : i32
        %lt3A_4034 = arith.cmpi slt, %select_n3A_4027, %lt3A_4033 : i32
        %ne3A_4035 = arith.xori %lt3A_4032, %lt3A_4034 : i1
        %and3A_4036 = arith.andi %ne3A_4035, %ne3A_4030 : i1
        %add3A_4037 = arith.addi %rem3A_4028, %select_n3A_4027 : i32
        %select_n3A_4038 = arith.select %and3A_4036, %add3A_4037, %rem3A_4028 : i32
        %swap3A_4039 = arith.index_cast %select_n3A_4022 : i32 to index
        %swap3A_4040 = arith.index_cast %select_n3A_4038 : i32 to index
        %swap3A_4041 = tpu.vector_load %arg8[%swap3A_4039, %swap3A_4040] {strides = array<i32>} : memref<440x128xf32, #tpu.memory_space<vmem>>, vector<16xf32>,
        tpu.vector_store %arg8[%swap3A_4039, %swap3A_4040], %gather3A_3996 {strides = array<i32>} : memref<440x128xf32, #tpu.memory_space<vmem>>, vector<16xf32>,
        %broadcast_in_dim3A_4042 = arith.constant 12 : i32
        %broadcast_in_dim3A_4043 = vector.broadcast %broadcast_in_dim3A_4042 : i32 to vector<16xi32>
        %lt3A_4044 = arith.constant 0 : i32
        %lt3A_4045 = vector.broadcast %lt3A_4044 : i32 to vector<16xi32>
        %lt3A_4046 = arith.cmpi slt, %broadcast_in_dim3A_4043, %lt3A_4045 : vector<16xi32>
        %add3A_4047 = arith.constant 16 : i32
        %add3A_4048 = vector.broadcast %add3A_4047 : i32 to vector<16xi32>
        %add3A_4049 = arith.addi %broadcast_in_dim3A_4043, %add3A_4048 : vector<16xi32>
        %select_n3A_4050 = arith.select %lt3A_4046, %add3A_4049, %broadcast_in_dim3A_4043 : vector<16xi1>, vector<16xi32>
        %broadcast_in_dim3A_4051 = vector.shape_cast %select_n3A_4050 : vector<16xi32> to vector<16x1xi32>
        %gather3A_4052 = vector.shape_cast %broadcast_in_dim3A_4051 : vector<16x1xi32> to vector<16xi32>
        %gather3A_4053 = tpu.dynamic_gather %get3A_1148[%gather3A_4052] in [0] : vector<16xi32>, vector<16xi32> -> vector<16xi32>
        %gather3A_4054 = tpu.vector_load_idx %arg12[%gather3A_4053, %iota3A] : memref<6x16xf32, #tpu.memory_space<vmem>>[vector<16xi32>, vector<16xi32>], vector<16xf32>,
        %add3A_4055 = arith.constant 800 : i32
        %add3A_4056 = arith.addi %mul3A_1133, %add3A_4055 : i32
        %jit3A_4057 = arith.constant 128 : i32
        %div3A_4058 = arith.divsi %add3A_4056, %jit3A_4057 : i32
        %sign3A_4059 = arith.constant 0 : i32
        %sign3A_4060 = arith.cmpi sgt, %add3A_4056, %sign3A_4059 : i32
        %sign3A_4061 = arith.extui %sign3A_4060 : i1 to i32
        %sign3A_4062 = arith.constant 0 : i32
        %sign3A_4063 = arith.cmpi slt, %add3A_4056, %sign3A_4062 : i32
        %sign3A_4064 = arith.extui %sign3A_4063 : i1 to i32
        %sign3A_4065 = arith.subi %sign3A_4061, %sign3A_4064 : i32
        %sign3A_4066 = arith.constant 0 : i32
        %sign3A_4067 = arith.cmpi sgt, %jit3A_4057, %sign3A_4066 : i32
        %sign3A_4068 = arith.extui %sign3A_4067 : i1 to i32
        %sign3A_4069 = arith.constant 0 : i32
        %sign3A_4070 = arith.cmpi slt, %jit3A_4057, %sign3A_4069 : i32
        %sign3A_4071 = arith.extui %sign3A_4070 : i1 to i32
        %sign3A_4072 = arith.subi %sign3A_4068, %sign3A_4071 : i32
        %ne3A_4073 = arith.cmpi ne, %sign3A_4065, %sign3A_4072 : i32
        %rem3A_4074 = arith.remsi %add3A_4056, %jit3A_4057 : i32
        %ne3A_4075 = arith.constant 0 : i32
        %ne3A_4076 = arith.cmpi ne, %rem3A_4074, %ne3A_4075 : i32
        %and3A_4077 = arith.andi %ne3A_4073, %ne3A_4076 : i1
        %sub3A_4078 = arith.constant 1 : i32
        %sub3A_4079 = arith.subi %div3A_4058, %sub3A_4078 : i32
        %select_n3A_4080 = arith.select %and3A_4077, %sub3A_4079, %div3A_4058 : i32
        %jit3A_4081 = arith.constant 128 : i32
        %eq3A_4082 = arith.constant 0 : i32
        %eq3A_4083 = arith.cmpi eq, %jit3A_4081, %eq3A_4082 : i32
        %jit3A_4084 = arith.constant 1 : i32
        %select_n3A_4085 = arith.select %eq3A_4083, %jit3A_4084, %jit3A_4081 : i32
        %rem3A_4086 = arith.remsi %add3A_4056, %select_n3A_4085 : i32
        %ne3A_4087 = arith.constant 0 : i32
        %ne3A_4088 = arith.cmpi ne, %rem3A_4086, %ne3A_4087 : i32
        %lt3A_4089 = arith.constant 0 : i32
        %lt3A_4090 = arith.cmpi slt, %rem3A_4086, %lt3A_4089 : i32
        %lt3A_4091 = arith.constant 0 : i32
        %lt3A_4092 = arith.cmpi slt, %select_n3A_4085, %lt3A_4091 : i32
        %ne3A_4093 = arith.xori %lt3A_4090, %lt3A_4092 : i1
        %and3A_4094 = arith.andi %ne3A_4093, %ne3A_4088 : i1
        %add3A_4095 = arith.addi %rem3A_4086, %select_n3A_4085 : i32
        %select_n3A_4096 = arith.select %and3A_4094, %add3A_4095, %rem3A_4086 : i32
        %swap3A_4097 = arith.index_cast %select_n3A_4080 : i32 to index
        %swap3A_4098 = arith.index_cast %select_n3A_4096 : i32 to index
        %swap3A_4099 = tpu.vector_load %arg8[%swap3A_4097, %swap3A_4098] {strides = array<i32>} : memref<440x128xf32, #tpu.memory_space<vmem>>, vector<16xf32>,
        tpu.vector_store %arg8[%swap3A_4097, %swap3A_4098], %gather3A_4054 {strides = array<i32>} : memref<440x128xf32, #tpu.memory_space<vmem>>, vector<16xf32>,
        %broadcast_in_dim3A_4100 = arith.constant 13 : i32
        %broadcast_in_dim3A_4101 = vector.broadcast %broadcast_in_dim3A_4100 : i32 to vector<16xi32>
        %lt3A_4102 = arith.constant 0 : i32
        %lt3A_4103 = vector.broadcast %lt3A_4102 : i32 to vector<16xi32>
        %lt3A_4104 = arith.cmpi slt, %broadcast_in_dim3A_4101, %lt3A_4103 : vector<16xi32>
        %add3A_4105 = arith.constant 16 : i32
        %add3A_4106 = vector.broadcast %add3A_4105 : i32 to vector<16xi32>
        %add3A_4107 = arith.addi %broadcast_in_dim3A_4101, %add3A_4106 : vector<16xi32>
        %select_n3A_4108 = arith.select %lt3A_4104, %add3A_4107, %broadcast_in_dim3A_4101 : vector<16xi1>, vector<16xi32>
        %broadcast_in_dim3A_4109 = vector.shape_cast %select_n3A_4108 : vector<16xi32> to vector<16x1xi32>
        %gather3A_4110 = vector.shape_cast %broadcast_in_dim3A_4109 : vector<16x1xi32> to vector<16xi32>
        %gather3A_4111 = tpu.dynamic_gather %get3A_1148[%gather3A_4110] in [0] : vector<16xi32>, vector<16xi32> -> vector<16xi32>
        %gather3A_4112 = tpu.vector_load_idx %arg12[%gather3A_4111, %iota3A] : memref<6x16xf32, #tpu.memory_space<vmem>>[vector<16xi32>, vector<16xi32>], vector<16xf32>,
        %add3A_4113 = arith.constant 816 : i32
        %add3A_4114 = arith.addi %mul3A_1133, %add3A_4113 : i32
        %jit3A_4115 = arith.constant 128 : i32
        %div3A_4116 = arith.divsi %add3A_4114, %jit3A_4115 : i32
        %sign3A_4117 = arith.constant 0 : i32
        %sign3A_4118 = arith.cmpi sgt, %add3A_4114, %sign3A_4117 : i32
        %sign3A_4119 = arith.extui %sign3A_4118 : i1 to i32
        %sign3A_4120 = arith.constant 0 : i32
        %sign3A_4121 = arith.cmpi slt, %add3A_4114, %sign3A_4120 : i32
        %sign3A_4122 = arith.extui %sign3A_4121 : i1 to i32
        %sign3A_4123 = arith.subi %sign3A_4119, %sign3A_4122 : i32
        %sign3A_4124 = arith.constant 0 : i32
        %sign3A_4125 = arith.cmpi sgt, %jit3A_4115, %sign3A_4124 : i32
        %sign3A_4126 = arith.extui %sign3A_4125 : i1 to i32
        %sign3A_4127 = arith.constant 0 : i32
        %sign3A_4128 = arith.cmpi slt, %jit3A_4115, %sign3A_4127 : i32
        %sign3A_4129 = arith.extui %sign3A_4128 : i1 to i32
        %sign3A_4130 = arith.subi %sign3A_4126, %sign3A_4129 : i32
        %ne3A_4131 = arith.cmpi ne, %sign3A_4123, %sign3A_4130 : i32
        %rem3A_4132 = arith.remsi %add3A_4114, %jit3A_4115 : i32
        %ne3A_4133 = arith.constant 0 : i32
        %ne3A_4134 = arith.cmpi ne, %rem3A_4132, %ne3A_4133 : i32
        %and3A_4135 = arith.andi %ne3A_4131, %ne3A_4134 : i1
        %sub3A_4136 = arith.constant 1 : i32
        %sub3A_4137 = arith.subi %div3A_4116, %sub3A_4136 : i32
        %select_n3A_4138 = arith.select %and3A_4135, %sub3A_4137, %div3A_4116 : i32
        %jit3A_4139 = arith.constant 128 : i32
        %eq3A_4140 = arith.constant 0 : i32
        %eq3A_4141 = arith.cmpi eq, %jit3A_4139, %eq3A_4140 : i32
        %jit3A_4142 = arith.constant 1 : i32
        %select_n3A_4143 = arith.select %eq3A_4141, %jit3A_4142, %jit3A_4139 : i32
        %rem3A_4144 = arith.remsi %add3A_4114, %select_n3A_4143 : i32
        %ne3A_4145 = arith.constant 0 : i32
        %ne3A_4146 = arith.cmpi ne, %rem3A_4144, %ne3A_4145 : i32
        %lt3A_4147 = arith.constant 0 : i32
        %lt3A_4148 = arith.cmpi slt, %rem3A_4144, %lt3A_4147 : i32
        %lt3A_4149 = arith.constant 0 : i32
        %lt3A_4150 = arith.cmpi slt, %select_n3A_4143, %lt3A_4149 : i32
        %ne3A_4151 = arith.xori %lt3A_4148, %lt3A_4150 : i1
        %and3A_4152 = arith.andi %ne3A_4151, %ne3A_4146 : i1
        %add3A_4153 = arith.addi %rem3A_4144, %select_n3A_4143 : i32
        %select_n3A_4154 = arith.select %and3A_4152, %add3A_4153, %rem3A_4144 : i32
        %swap3A_4155 = arith.index_cast %select_n3A_4138 : i32 to index
        %swap3A_4156 = arith.index_cast %select_n3A_4154 : i32 to index
        %swap3A_4157 = tpu.vector_load %arg8[%swap3A_4155, %swap3A_4156] {strides = array<i32>} : memref<440x128xf32, #tpu.memory_space<vmem>>, vector<16xf32>,
        tpu.vector_store %arg8[%swap3A_4155, %swap3A_4156], %gather3A_4112 {strides = array<i32>} : memref<440x128xf32, #tpu.memory_space<vmem>>, vector<16xf32>,
        %broadcast_in_dim3A_4158 = arith.constant 14 : i32
        %broadcast_in_dim3A_4159 = vector.broadcast %broadcast_in_dim3A_4158 : i32 to vector<16xi32>
        %lt3A_4160 = arith.constant 0 : i32
        %lt3A_4161 = vector.broadcast %lt3A_4160 : i32 to vector<16xi32>
        %lt3A_4162 = arith.cmpi slt, %broadcast_in_dim3A_4159, %lt3A_4161 : vector<16xi32>
        %add3A_4163 = arith.constant 16 : i32
        %add3A_4164 = vector.broadcast %add3A_4163 : i32 to vector<16xi32>
        %add3A_4165 = arith.addi %broadcast_in_dim3A_4159, %add3A_4164 : vector<16xi32>
        %select_n3A_4166 = arith.select %lt3A_4162, %add3A_4165, %broadcast_in_dim3A_4159 : vector<16xi1>, vector<16xi32>
        %broadcast_in_dim3A_4167 = vector.shape_cast %select_n3A_4166 : vector<16xi32> to vector<16x1xi32>
        %gather3A_4168 = vector.shape_cast %broadcast_in_dim3A_4167 : vector<16x1xi32> to vector<16xi32>
        %gather3A_4169 = tpu.dynamic_gather %get3A_1148[%gather3A_4168] in [0] : vector<16xi32>, vector<16xi32> -> vector<16xi32>
        %gather3A_4170 = tpu.vector_load_idx %arg12[%gather3A_4169, %iota3A] : memref<6x16xf32, #tpu.memory_space<vmem>>[vector<16xi32>, vector<16xi32>], vector<16xf32>,
        %add3A_4171 = arith.constant 832 : i32
        %add3A_4172 = arith.addi %mul3A_1133, %add3A_4171 : i32
        %jit3A_4173 = arith.constant 128 : i32
        %div3A_4174 = arith.divsi %add3A_4172, %jit3A_4173 : i32
        %sign3A_4175 = arith.constant 0 : i32
        %sign3A_4176 = arith.cmpi sgt, %add3A_4172, %sign3A_4175 : i32
        %sign3A_4177 = arith.extui %sign3A_4176 : i1 to i32
        %sign3A_4178 = arith.constant 0 : i32
        %sign3A_4179 = arith.cmpi slt, %add3A_4172, %sign3A_4178 : i32
        %sign3A_4180 = arith.extui %sign3A_4179 : i1 to i32
        %sign3A_4181 = arith.subi %sign3A_4177, %sign3A_4180 : i32
        %sign3A_4182 = arith.constant 0 : i32
        %sign3A_4183 = arith.cmpi sgt, %jit3A_4173, %sign3A_4182 : i32
        %sign3A_4184 = arith.extui %sign3A_4183 : i1 to i32
        %sign3A_4185 = arith.constant 0 : i32
        %sign3A_4186 = arith.cmpi slt, %jit3A_4173, %sign3A_4185 : i32
        %sign3A_4187 = arith.extui %sign3A_4186 : i1 to i32
        %sign3A_4188 = arith.subi %sign3A_4184, %sign3A_4187 : i32
        %ne3A_4189 = arith.cmpi ne, %sign3A_4181, %sign3A_4188 : i32
        %rem3A_4190 = arith.remsi %add3A_4172, %jit3A_4173 : i32
        %ne3A_4191 = arith.constant 0 : i32
        %ne3A_4192 = arith.cmpi ne, %rem3A_4190, %ne3A_4191 : i32
        %and3A_4193 = arith.andi %ne3A_4189, %ne3A_4192 : i1
        %sub3A_4194 = arith.constant 1 : i32
        %sub3A_4195 = arith.subi %div3A_4174, %sub3A_4194 : i32
        %select_n3A_4196 = arith.select %and3A_4193, %sub3A_4195, %div3A_4174 : i32
        %jit3A_4197 = arith.constant 128 : i32
        %eq3A_4198 = arith.constant 0 : i32
        %eq3A_4199 = arith.cmpi eq, %jit3A_4197, %eq3A_4198 : i32
        %jit3A_4200 = arith.constant 1 : i32
        %select_n3A_4201 = arith.select %eq3A_4199, %jit3A_4200, %jit3A_4197 : i32
        %rem3A_4202 = arith.remsi %add3A_4172, %select_n3A_4201 : i32
        %ne3A_4203 = arith.constant 0 : i32
        %ne3A_4204 = arith.cmpi ne, %rem3A_4202, %ne3A_4203 : i32
        %lt3A_4205 = arith.constant 0 : i32
        %lt3A_4206 = arith.cmpi slt, %rem3A_4202, %lt3A_4205 : i32
        %lt3A_4207 = arith.constant 0 : i32
        %lt3A_4208 = arith.cmpi slt, %select_n3A_4201, %lt3A_4207 : i32
        %ne3A_4209 = arith.xori %lt3A_4206, %lt3A_4208 : i1
        %and3A_4210 = arith.andi %ne3A_4209, %ne3A_4204 : i1
        %add3A_4211 = arith.addi %rem3A_4202, %select_n3A_4201 : i32
        %select_n3A_4212 = arith.select %and3A_4210, %add3A_4211, %rem3A_4202 : i32
        %swap3A_4213 = arith.index_cast %select_n3A_4196 : i32 to index
        %swap3A_4214 = arith.index_cast %select_n3A_4212 : i32 to index
        %swap3A_4215 = tpu.vector_load %arg8[%swap3A_4213, %swap3A_4214] {strides = array<i32>} : memref<440x128xf32, #tpu.memory_space<vmem>>, vector<16xf32>,
        tpu.vector_store %arg8[%swap3A_4213, %swap3A_4214], %gather3A_4170 {strides = array<i32>} : memref<440x128xf32, #tpu.memory_space<vmem>>, vector<16xf32>,
        %broadcast_in_dim3A_4216 = arith.constant 15 : i32
        %broadcast_in_dim3A_4217 = vector.broadcast %broadcast_in_dim3A_4216 : i32 to vector<16xi32>
        %lt3A_4218 = arith.constant 0 : i32
        %lt3A_4219 = vector.broadcast %lt3A_4218 : i32 to vector<16xi32>
        %lt3A_4220 = arith.cmpi slt, %broadcast_in_dim3A_4217, %lt3A_4219 : vector<16xi32>
        %add3A_4221 = arith.constant 16 : i32
        %add3A_4222 = vector.broadcast %add3A_4221 : i32 to vector<16xi32>
        %add3A_4223 = arith.addi %broadcast_in_dim3A_4217, %add3A_4222 : vector<16xi32>
        %select_n3A_4224 = arith.select %lt3A_4220, %add3A_4223, %broadcast_in_dim3A_4217 : vector<16xi1>, vector<16xi32>
        %broadcast_in_dim3A_4225 = vector.shape_cast %select_n3A_4224 : vector<16xi32> to vector<16x1xi32>
        %gather3A_4226 = vector.shape_cast %broadcast_in_dim3A_4225 : vector<16x1xi32> to vector<16xi32>
        %gather3A_4227 = tpu.dynamic_gather %get3A_1148[%gather3A_4226] in [0] : vector<16xi32>, vector<16xi32> -> vector<16xi32>
        %gather3A_4228 = tpu.vector_load_idx %arg12[%gather3A_4227, %iota3A] : memref<6x16xf32, #tpu.memory_space<vmem>>[vector<16xi32>, vector<16xi32>], vector<16xf32>,
        %add3A_4229 = arith.constant 848 : i32
        %add3A_4230 = arith.addi %mul3A_1133, %add3A_4229 : i32
        %jit3A_4231 = arith.constant 128 : i32
        %div3A_4232 = arith.divsi %add3A_4230, %jit3A_4231 : i32
        %sign3A_4233 = arith.constant 0 : i32
        %sign3A_4234 = arith.cmpi sgt, %add3A_4230, %sign3A_4233 : i32
        %sign3A_4235 = arith.extui %sign3A_4234 : i1 to i32
        %sign3A_4236 = arith.constant 0 : i32
        %sign3A_4237 = arith.cmpi slt, %add3A_4230, %sign3A_4236 : i32
        %sign3A_4238 = arith.extui %sign3A_4237 : i1 to i32
        %sign3A_4239 = arith.subi %sign3A_4235, %sign3A_4238 : i32
        %sign3A_4240 = arith.constant 0 : i32
        %sign3A_4241 = arith.cmpi sgt, %jit3A_4231, %sign3A_4240 : i32
        %sign3A_4242 = arith.extui %sign3A_4241 : i1 to i32
        %sign3A_4243 = arith.constant 0 : i32
        %sign3A_4244 = arith.cmpi slt, %jit3A_4231, %sign3A_4243 : i32
        %sign3A_4245 = arith.extui %sign3A_4244 : i1 to i32
        %sign3A_4246 = arith.subi %sign3A_4242, %sign3A_4245 : i32
        %ne3A_4247 = arith.cmpi ne, %sign3A_4239, %sign3A_4246 : i32
        %rem3A_4248 = arith.remsi %add3A_4230, %jit3A_4231 : i32
        %ne3A_4249 = arith.constant 0 : i32
        %ne3A_4250 = arith.cmpi ne, %rem3A_4248, %ne3A_4249 : i32
        %and3A_4251 = arith.andi %ne3A_4247, %ne3A_4250 : i1
        %sub3A_4252 = arith.constant 1 : i32
        %sub3A_4253 = arith.subi %div3A_4232, %sub3A_4252 : i32
        %select_n3A_4254 = arith.select %and3A_4251, %sub3A_4253, %div3A_4232 : i32
        %jit3A_4255 = arith.constant 128 : i32
        %eq3A_4256 = arith.constant 0 : i32
        %eq3A_4257 = arith.cmpi eq, %jit3A_4255, %eq3A_4256 : i32
        %jit3A_4258 = arith.constant 1 : i32
        %select_n3A_4259 = arith.select %eq3A_4257, %jit3A_4258, %jit3A_4255 : i32
        %rem3A_4260 = arith.remsi %add3A_4230, %select_n3A_4259 : i32
        %ne3A_4261 = arith.constant 0 : i32
        %ne3A_4262 = arith.cmpi ne, %rem3A_4260, %ne3A_4261 : i32
        %lt3A_4263 = arith.constant 0 : i32
        %lt3A_4264 = arith.cmpi slt, %rem3A_4260, %lt3A_4263 : i32
        %lt3A_4265 = arith.constant 0 : i32
        %lt3A_4266 = arith.cmpi slt, %select_n3A_4259, %lt3A_4265 : i32
        %ne3A_4267 = arith.xori %lt3A_4264, %lt3A_4266 : i1
        %and3A_4268 = arith.andi %ne3A_4267, %ne3A_4262 : i1
        %add3A_4269 = arith.addi %rem3A_4260, %select_n3A_4259 : i32
        %select_n3A_4270 = arith.select %and3A_4268, %add3A_4269, %rem3A_4260 : i32
        %swap3A_4271 = arith.index_cast %select_n3A_4254 : i32 to index
        %swap3A_4272 = arith.index_cast %select_n3A_4270 : i32 to index
        %swap3A_4273 = tpu.vector_load %arg8[%swap3A_4271, %swap3A_4272] {strides = array<i32>} : memref<440x128xf32, #tpu.memory_space<vmem>>, vector<16xf32>,
        tpu.vector_store %arg8[%swap3A_4271, %swap3A_4272], %gather3A_4228 {strides = array<i32>} : memref<440x128xf32, #tpu.memory_space<vmem>>, vector<16xf32>,
      }
      %scan3A_17 = arith.constant 64 : i32
      %get3A = arith.constant 0 : index
      %get3A_18 = tpu.vector_load %arg11[%get3A] {strides = array<i32>} : memref<16xf32, #tpu.memory_space<vmem>>, vector<16xf32>,
      %mul3A_19 = arith.constant 5.000000e-03 : f32
      %mul3A_20 = vector.broadcast %mul3A_19 : f32 to vector<16xf32>
      %mul3A_21 = arith.mulf %get3A_18, %mul3A_20 : vector<16xf32>
      %get3A_22 = arith.constant 0 : index
      %get3A_23 = tpu.vector_load %arg10[%get3A_22] {strides = array<i32>} : memref<64xf32, #tpu.memory_space<vmem>>, vector<16xf32>,
      %broadcast_in_dim3A = arith.constant 0 : i32
      %broadcast_in_dim3A_24 = vector.broadcast %broadcast_in_dim3A : i32 to vector<16xi32>
      %lt3A_25 = arith.constant 0 : i32
      %lt3A_26 = vector.broadcast %lt3A_25 : i32 to vector<16xi32>
      %lt3A_27 = arith.cmpi slt, %broadcast_in_dim3A_24, %lt3A_26 : vector<16xi32>
      %add3A_28 = arith.constant 16 : i32
      %add3A_29 = vector.broadcast %add3A_28 : i32 to vector<16xi32>
      %add3A_30 = arith.addi %broadcast_in_dim3A_24, %add3A_29 : vector<16xi32>
      %select_n3A = arith.select %lt3A_27, %add3A_30, %broadcast_in_dim3A_24 : vector<16xi1>, vector<16xi32>
      %broadcast_in_dim3A_31 = vector.shape_cast %select_n3A : vector<16xi32> to vector<16x1xi32>
      %gather3A = vector.shape_cast %broadcast_in_dim3A_31 : vector<16x1xi32> to vector<16xi32>
      %gather3A_32 = tpu.dynamic_gather %get3A_23[%gather3A] in [0] : vector<16xf32>, vector<16xi32> -> vector<16xf32>
      %mul3A_33 = arith.mulf %gather3A_32, %mul3A_21 : vector<16xf32>
      %swap3A = arith.constant 6 : i32
      %swap3A_34 = arith.index_cast %swap3A : i32 to index
      %swap3A_35 = arith.constant 96 : index
      %swap3A_36 = tpu.vector_load %arg8[%swap3A_34, %swap3A_35] {strides = array<i32>} : memref<440x128xf32, #tpu.memory_space<vmem>>, vector<16xf32>,
      tpu.vector_store %arg8[%swap3A_34, %swap3A_35], %mul3A_33 {strides = array<i32>} : memref<440x128xf32, #tpu.memory_space<vmem>>, vector<16xf32>,
      %broadcast_in_dim3A_37 = arith.constant 1 : i32
      %broadcast_in_dim3A_38 = vector.broadcast %broadcast_in_dim3A_37 : i32 to vector<16xi32>
      %lt3A_39 = arith.constant 0 : i32
      %lt3A_40 = vector.broadcast %lt3A_39 : i32 to vector<16xi32>
      %lt3A_41 = arith.cmpi slt, %broadcast_in_dim3A_38, %lt3A_40 : vector<16xi32>
      %add3A_42 = arith.constant 16 : i32
      %add3A_43 = vector.broadcast %add3A_42 : i32 to vector<16xi32>
      %add3A_44 = arith.addi %broadcast_in_dim3A_38, %add3A_43 : vector<16xi32>
      %select_n3A_45 = arith.select %lt3A_41, %add3A_44, %broadcast_in_dim3A_38 : vector<16xi1>, vector<16xi32>
      %broadcast_in_dim3A_46 = vector.shape_cast %select_n3A_45 : vector<16xi32> to vector<16x1xi32>
      %gather3A_47 = vector.shape_cast %broadcast_in_dim3A_46 : vector<16x1xi32> to vector<16xi32>
      %gather3A_48 = tpu.dynamic_gather %get3A_23[%gather3A_47] in [0] : vector<16xf32>, vector<16xi32> -> vector<16xf32>
      %mul3A_49 = arith.mulf %gather3A_48, %mul3A_21 : vector<16xf32>
      %swap3A_50 = arith.constant 13 : i32
      %swap3A_51 = arith.index_cast %swap3A_50 : i32 to index
      %swap3A_52 = arith.constant 80 : index
      %swap3A_53 = tpu.vector_load %arg8[%swap3A_51, %swap3A_52] {strides = array<i32>} : memref<440x128xf32, #tpu.memory_space<vmem>>, vector<16xf32>,
      tpu.vector_store %arg8[%swap3A_51, %swap3A_52], %mul3A_49 {strides = array<i32>} : memref<440x128xf32, #tpu.memory_space<vmem>>, vector<16xf32>,
      %broadcast_in_dim3A_54 = arith.constant 2 : i32
      %broadcast_in_dim3A_55 = vector.broadcast %broadcast_in_dim3A_54 : i32 to vector<16xi32>
      %lt3A_56 = arith.constant 0 : i32
      %lt3A_57 = vector.broadcast %lt3A_56 : i32 to vector<16xi32>
      %lt3A_58 = arith.cmpi slt, %broadcast_in_dim3A_55, %lt3A_57 : vector<16xi32>
      %add3A_59 = arith.constant 16 : i32
      %add3A_60 = vector.broadcast %add3A_59 : i32 to vector<16xi32>
      %add3A_61 = arith.addi %broadcast_in_dim3A_55, %add3A_60 : vector<16xi32>
      %select_n3A_62 = arith.select %lt3A_58, %add3A_61, %broadcast_in_dim3A_55 : vector<16xi1>, vector<16xi32>
      %broadcast_in_dim3A_63 = vector.shape_cast %select_n3A_62 : vector<16xi32> to vector<16x1xi32>
      %gather3A_64 = vector.shape_cast %broadcast_in_dim3A_63 : vector<16x1xi32> to vector<16xi32>
      %gather3A_65 = tpu.dynamic_gather %get3A_23[%gather3A_64] in [0] : vector<16xf32>, vector<16xi32> -> vector<16xf32>
      %mul3A_66 = arith.mulf %gather3A_65, %mul3A_21 : vector<16xf32>
      %swap3A_67 = arith.constant 20 : i32
      %swap3A_68 = arith.index_cast %swap3A_67 : i32 to index
      %swap3A_69 = arith.constant 64 : index
      %swap3A_70 = tpu.vector_load %arg8[%swap3A_68, %swap3A_69] {strides = array<i32>} : memref<440x128xf32, #tpu.memory_space<vmem>>, vector<16xf32>,
      tpu.vector_store %arg8[%swap3A_68, %swap3A_69], %mul3A_66 {strides = array<i32>} : memref<440x128xf32, #tpu.memory_space<vmem>>, vector<16xf32>,
      %broadcast_in_dim3A_71 = arith.constant 3 : i32
      %broadcast_in_dim3A_72 = vector.broadcast %broadcast_in_dim3A_71 : i32 to vector<16xi32>
      %lt3A_73 = arith.constant 0 : i32
      %lt3A_74 = vector.broadcast %lt3A_73 : i32 to vector<16xi32>
      %lt3A_75 = arith.cmpi slt, %broadcast_in_dim3A_72, %lt3A_74 : vector<16xi32>
      %add3A_76 = arith.constant 16 : i32
      %add3A_77 = vector.broadcast %add3A_76 : i32 to vector<16xi32>
      %add3A_78 = arith.addi %broadcast_in_dim3A_72, %add3A_77 : vector<16xi32>
      %select_n3A_79 = arith.select %lt3A_75, %add3A_78, %broadcast_in_dim3A_72 : vector<16xi1>, vector<16xi32>
      %broadcast_in_dim3A_80 = vector.shape_cast %select_n3A_79 : vector<16xi32> to vector<16x1xi32>
      %gather3A_81 = vector.shape_cast %broadcast_in_dim3A_80 : vector<16x1xi32> to vector<16xi32>
      %gather3A_82 = tpu.dynamic_gather %get3A_23[%gather3A_81] in [0] : vector<16xf32>, vector<16xi32> -> vector<16xf32>
      %mul3A_83 = arith.mulf %gather3A_82, %mul3A_21 : vector<16xf32>
      %swap3A_84 = arith.constant 27 : i32
      %swap3A_85 = arith.index_cast %swap3A_84 : i32 to index
      %swap3A_86 = arith.constant 48 : index
      %swap3A_87 = tpu.vector_load %arg8[%swap3A_85, %swap3A_86] {strides = array<i32>} : memref<440x128xf32, #tpu.memory_space<vmem>>, vector<16xf32>,
      tpu.vector_store %arg8[%swap3A_85, %swap3A_86], %mul3A_83 {strides = array<i32>} : memref<440x128xf32, #tpu.memory_space<vmem>>, vector<16xf32>,
      %broadcast_in_dim3A_88 = arith.constant 4 : i32
      %broadcast_in_dim3A_89 = vector.broadcast %broadcast_in_dim3A_88 : i32 to vector<16xi32>
      %lt3A_90 = arith.constant 0 : i32
      %lt3A_91 = vector.broadcast %lt3A_90 : i32 to vector<16xi32>
      %lt3A_92 = arith.cmpi slt, %broadcast_in_dim3A_89, %lt3A_91 : vector<16xi32>
      %add3A_93 = arith.constant 16 : i32
      %add3A_94 = vector.broadcast %add3A_93 : i32 to vector<16xi32>
      %add3A_95 = arith.addi %broadcast_in_dim3A_89, %add3A_94 : vector<16xi32>
      %select_n3A_96 = arith.select %lt3A_92, %add3A_95, %broadcast_in_dim3A_89 : vector<16xi1>, vector<16xi32>
      %broadcast_in_dim3A_97 = vector.shape_cast %select_n3A_96 : vector<16xi32> to vector<16x1xi32>
      %gather3A_98 = vector.shape_cast %broadcast_in_dim3A_97 : vector<16x1xi32> to vector<16xi32>
      %gather3A_99 = tpu.dynamic_gather %get3A_23[%gather3A_98] in [0] : vector<16xf32>, vector<16xi32> -> vector<16xf32>
      %mul3A_100 = arith.mulf %gather3A_99, %mul3A_21 : vector<16xf32>
      %swap3A_101 = arith.constant 34 : i32
      %swap3A_102 = arith.index_cast %swap3A_101 : i32 to index
      %swap3A_103 = arith.constant 32 : index
      %swap3A_104 = tpu.vector_load %arg8[%swap3A_102, %swap3A_103] {strides = array<i32>} : memref<440x128xf32, #tpu.memory_space<vmem>>, vector<16xf32>,
      tpu.vector_store %arg8[%swap3A_102, %swap3A_103], %mul3A_100 {strides = array<i32>} : memref<440x128xf32, #tpu.memory_space<vmem>>, vector<16xf32>,
      %broadcast_in_dim3A_105 = arith.constant 5 : i32
      %broadcast_in_dim3A_106 = vector.broadcast %broadcast_in_dim3A_105 : i32 to vector<16xi32>
      %lt3A_107 = arith.constant 0 : i32
      %lt3A_108 = vector.broadcast %lt3A_107 : i32 to vector<16xi32>
      %lt3A_109 = arith.cmpi slt, %broadcast_in_dim3A_106, %lt3A_108 : vector<16xi32>
      %add3A_110 = arith.constant 16 : i32
      %add3A_111 = vector.broadcast %add3A_110 : i32 to vector<16xi32>
      %add3A_112 = arith.addi %broadcast_in_dim3A_106, %add3A_111 : vector<16xi32>
      %select_n3A_113 = arith.select %lt3A_109, %add3A_112, %broadcast_in_dim3A_106 : vector<16xi1>, vector<16xi32>
      %broadcast_in_dim3A_114 = vector.shape_cast %select_n3A_113 : vector<16xi32> to vector<16x1xi32>
      %gather3A_115 = vector.shape_cast %broadcast_in_dim3A_114 : vector<16x1xi32> to vector<16xi32>
      %gather3A_116 = tpu.dynamic_gather %get3A_23[%gather3A_115] in [0] : vector<16xf32>, vector<16xi32> -> vector<16xf32>
      %mul3A_117 = arith.mulf %gather3A_116, %mul3A_21 : vector<16xf32>
      %swap3A_118 = arith.constant 41 : i32
      %swap3A_119 = arith.index_cast %swap3A_118 : i32 to index
      %swap3A_120 = arith.constant 16 : index
      %swap3A_121 = tpu.vector_load %arg8[%swap3A_119, %swap3A_120] {strides = array<i32>} : memref<440x128xf32, #tpu.memory_space<vmem>>, vector<16xf32>,
      tpu.vector_store %arg8[%swap3A_119, %swap3A_120], %mul3A_117 {strides = array<i32>} : memref<440x128xf32, #tpu.memory_space<vmem>>, vector<16xf32>,
      %broadcast_in_dim3A_122 = arith.constant 6 : i32
      %broadcast_in_dim3A_123 = vector.broadcast %broadcast_in_dim3A_122 : i32 to vector<16xi32>
      %lt3A_124 = arith.constant 0 : i32
      %lt3A_125 = vector.broadcast %lt3A_124 : i32 to vector<16xi32>
      %lt3A_126 = arith.cmpi slt, %broadcast_in_dim3A_123, %lt3A_125 : vector<16xi32>
      %add3A_127 = arith.constant 16 : i32
      %add3A_128 = vector.broadcast %add3A_127 : i32 to vector<16xi32>
      %add3A_129 = arith.addi %broadcast_in_dim3A_123, %add3A_128 : vector<16xi32>
      %select_n3A_130 = arith.select %lt3A_126, %add3A_129, %broadcast_in_dim3A_123 : vector<16xi1>, vector<16xi32>
      %broadcast_in_dim3A_131 = vector.shape_cast %select_n3A_130 : vector<16xi32> to vector<16x1xi32>
      %gather3A_132 = vector.shape_cast %broadcast_in_dim3A_131 : vector<16x1xi32> to vector<16xi32>
      %gather3A_133 = tpu.dynamic_gather %get3A_23[%gather3A_132] in [0] : vector<16xf32>, vector<16xi32> -> vector<16xf32>
      %mul3A_134 = arith.mulf %gather3A_133, %mul3A_21 : vector<16xf32>
      %swap3A_135 = arith.constant 48 : i32
      %swap3A_136 = arith.index_cast %swap3A_135 : i32 to index
      %swap3A_137 = arith.constant 0 : index
      %swap3A_138 = tpu.vector_load %arg8[%swap3A_136, %swap3A_137] {strides = array<i32>} : memref<440x128xf32, #tpu.memory_space<vmem>>, vector<16xf32>,
      tpu.vector_store %arg8[%swap3A_136, %swap3A_137], %mul3A_134 {strides = array<i32>} : memref<440x128xf32, #tpu.memory_space<vmem>>, vector<16xf32>,
      %broadcast_in_dim3A_139 = arith.constant 7 : i32
      %broadcast_in_dim3A_140 = vector.broadcast %broadcast_in_dim3A_139 : i32 to vector<16xi32>
      %lt3A_141 = arith.constant 0 : i32
      %lt3A_142 = vector.broadcast %lt3A_141 : i32 to vector<16xi32>
      %lt3A_143 = arith.cmpi slt, %broadcast_in_dim3A_140, %lt3A_142 : vector<16xi32>
      %add3A_144 = arith.constant 16 : i32
      %add3A_145 = vector.broadcast %add3A_144 : i32 to vector<16xi32>
      %add3A_146 = arith.addi %broadcast_in_dim3A_140, %add3A_145 : vector<16xi32>
      %select_n3A_147 = arith.select %lt3A_143, %add3A_146, %broadcast_in_dim3A_140 : vector<16xi1>, vector<16xi32>
      %broadcast_in_dim3A_148 = vector.shape_cast %select_n3A_147 : vector<16xi32> to vector<16x1xi32>
      %gather3A_149 = vector.shape_cast %broadcast_in_dim3A_148 : vector<16x1xi32> to vector<16xi32>
      %gather3A_150 = tpu.dynamic_gather %get3A_23[%gather3A_149] in [0] : vector<16xf32>, vector<16xi32> -> vector<16xf32>
      %mul3A_151 = arith.mulf %gather3A_150, %mul3A_21 : vector<16xf32>
      %swap3A_152 = arith.constant 54 : i32
      %swap3A_153 = arith.index_cast %swap3A_152 : i32 to index
      %swap3A_154 = arith.constant 112 : index
      %swap3A_155 = tpu.vector_load %arg8[%swap3A_153, %swap3A_154] {strides = array<i32>} : memref<440x128xf32, #tpu.memory_space<vmem>>, vector<16xf32>,
      tpu.vector_store %arg8[%swap3A_153, %swap3A_154], %mul3A_151 {strides = array<i32>} : memref<440x128xf32, #tpu.memory_space<vmem>>, vector<16xf32>,
      %broadcast_in_dim3A_156 = arith.constant 8 : i32
      %broadcast_in_dim3A_157 = vector.broadcast %broadcast_in_dim3A_156 : i32 to vector<16xi32>
      %lt3A_158 = arith.constant 0 : i32
      %lt3A_159 = vector.broadcast %lt3A_158 : i32 to vector<16xi32>
      %lt3A_160 = arith.cmpi slt, %broadcast_in_dim3A_157, %lt3A_159 : vector<16xi32>
      %add3A_161 = arith.constant 16 : i32
      %add3A_162 = vector.broadcast %add3A_161 : i32 to vector<16xi32>
      %add3A_163 = arith.addi %broadcast_in_dim3A_157, %add3A_162 : vector<16xi32>
      %select_n3A_164 = arith.select %lt3A_160, %add3A_163, %broadcast_in_dim3A_157 : vector<16xi1>, vector<16xi32>
      %broadcast_in_dim3A_165 = vector.shape_cast %select_n3A_164 : vector<16xi32> to vector<16x1xi32>
      %gather3A_166 = vector.shape_cast %broadcast_in_dim3A_165 : vector<16x1xi32> to vector<16xi32>
      %gather3A_167 = tpu.dynamic_gather %get3A_23[%gather3A_166] in [0] : vector<16xf32>, vector<16xi32> -> vector<16xf32>
      %mul3A_168 = arith.mulf %gather3A_167, %mul3A_21 : vector<16xf32>
      %swap3A_169 = arith.constant 61 : i32
      %swap3A_170 = arith.index_cast %swap3A_169 : i32 to index
      %swap3A_171 = arith.constant 96 : index
      %swap3A_172 = tpu.vector_load %arg8[%swap3A_170, %swap3A_171] {strides = array<i32>} : memref<440x128xf32, #tpu.memory_space<vmem>>, vector<16xf32>,
      tpu.vector_store %arg8[%swap3A_170, %swap3A_171], %mul3A_168 {strides = array<i32>} : memref<440x128xf32, #tpu.memory_space<vmem>>, vector<16xf32>,
      %broadcast_in_dim3A_173 = arith.constant 9 : i32
      %broadcast_in_dim3A_174 = vector.broadcast %broadcast_in_dim3A_173 : i32 to vector<16xi32>
      %lt3A_175 = arith.constant 0 : i32
      %lt3A_176 = vector.broadcast %lt3A_175 : i32 to vector<16xi32>
      %lt3A_177 = arith.cmpi slt, %broadcast_in_dim3A_174, %lt3A_176 : vector<16xi32>
      %add3A_178 = arith.constant 16 : i32
      %add3A_179 = vector.broadcast %add3A_178 : i32 to vector<16xi32>
      %add3A_180 = arith.addi %broadcast_in_dim3A_174, %add3A_179 : vector<16xi32>
      %select_n3A_181 = arith.select %lt3A_177, %add3A_180, %broadcast_in_dim3A_174 : vector<16xi1>, vector<16xi32>
      %broadcast_in_dim3A_182 = vector.shape_cast %select_n3A_181 : vector<16xi32> to vector<16x1xi32>
      %gather3A_183 = vector.shape_cast %broadcast_in_dim3A_182 : vector<16x1xi32> to vector<16xi32>
      %gather3A_184 = tpu.dynamic_gather %get3A_23[%gather3A_183] in [0] : vector<16xf32>, vector<16xi32> -> vector<16xf32>
      %mul3A_185 = arith.mulf %gather3A_184, %mul3A_21 : vector<16xf32>
      %swap3A_186 = arith.constant 68 : i32
      %swap3A_187 = arith.index_cast %swap3A_186 : i32 to index
      %swap3A_188 = arith.constant 80 : index
      %swap3A_189 = tpu.vector_load %arg8[%swap3A_187, %swap3A_188] {strides = array<i32>} : memref<440x128xf32, #tpu.memory_space<vmem>>, vector<16xf32>,
      tpu.vector_store %arg8[%swap3A_187, %swap3A_188], %mul3A_185 {strides = array<i32>} : memref<440x128xf32, #tpu.memory_space<vmem>>, vector<16xf32>,
      %broadcast_in_dim3A_190 = arith.constant 10 : i32
      %broadcast_in_dim3A_191 = vector.broadcast %broadcast_in_dim3A_190 : i32 to vector<16xi32>
      %lt3A_192 = arith.constant 0 : i32
      %lt3A_193 = vector.broadcast %lt3A_192 : i32 to vector<16xi32>
      %lt3A_194 = arith.cmpi slt, %broadcast_in_dim3A_191, %lt3A_193 : vector<16xi32>
      %add3A_195 = arith.constant 16 : i32
      %add3A_196 = vector.broadcast %add3A_195 : i32 to vector<16xi32>
      %add3A_197 = arith.addi %broadcast_in_dim3A_191, %add3A_196 : vector<16xi32>
      %select_n3A_198 = arith.select %lt3A_194, %add3A_197, %broadcast_in_dim3A_191 : vector<16xi1>, vector<16xi32>
      %broadcast_in_dim3A_199 = vector.shape_cast %select_n3A_198 : vector<16xi32> to vector<16x1xi32>
      %gather3A_200 = vector.shape_cast %broadcast_in_dim3A_199 : vector<16x1xi32> to vector<16xi32>
      %gather3A_201 = tpu.dynamic_gather %get3A_23[%gather3A_200] in [0] : vector<16xf32>, vector<16xi32> -> vector<16xf32>
      %mul3A_202 = arith.mulf %gather3A_201, %mul3A_21 : vector<16xf32>
      %swap3A_203 = arith.constant 75 : i32
      %swap3A_204 = arith.index_cast %swap3A_203 : i32 to index
      %swap3A_205 = arith.constant 64 : index
      %swap3A_206 = tpu.vector_load %arg8[%swap3A_204, %swap3A_205] {strides = array<i32>} : memref<440x128xf32, #tpu.memory_space<vmem>>, vector<16xf32>,
      tpu.vector_store %arg8[%swap3A_204, %swap3A_205], %mul3A_202 {strides = array<i32>} : memref<440x128xf32, #tpu.memory_space<vmem>>, vector<16xf32>,
      %broadcast_in_dim3A_207 = arith.constant 11 : i32
      %broadcast_in_dim3A_208 = vector.broadcast %broadcast_in_dim3A_207 : i32 to vector<16xi32>
      %lt3A_209 = arith.constant 0 : i32
      %lt3A_210 = vector.broadcast %lt3A_209 : i32 to vector<16xi32>
      %lt3A_211 = arith.cmpi slt, %broadcast_in_dim3A_208, %lt3A_210 : vector<16xi32>
      %add3A_212 = arith.constant 16 : i32
      %add3A_213 = vector.broadcast %add3A_212 : i32 to vector<16xi32>
      %add3A_214 = arith.addi %broadcast_in_dim3A_208, %add3A_213 : vector<16xi32>
      %select_n3A_215 = arith.select %lt3A_211, %add3A_214, %broadcast_in_dim3A_208 : vector<16xi1>, vector<16xi32>
      %broadcast_in_dim3A_216 = vector.shape_cast %select_n3A_215 : vector<16xi32> to vector<16x1xi32>
      %gather3A_217 = vector.shape_cast %broadcast_in_dim3A_216 : vector<16x1xi32> to vector<16xi32>
      %gather3A_218 = tpu.dynamic_gather %get3A_23[%gather3A_217] in [0] : vector<16xf32>, vector<16xi32> -> vector<16xf32>
      %mul3A_219 = arith.mulf %gather3A_218, %mul3A_21 : vector<16xf32>
      %swap3A_220 = arith.constant 82 : i32
      %swap3A_221 = arith.index_cast %swap3A_220 : i32 to index
      %swap3A_222 = arith.constant 48 : index
      %swap3A_223 = tpu.vector_load %arg8[%swap3A_221, %swap3A_222] {strides = array<i32>} : memref<440x128xf32, #tpu.memory_space<vmem>>, vector<16xf32>,
      tpu.vector_store %arg8[%swap3A_221, %swap3A_222], %mul3A_219 {strides = array<i32>} : memref<440x128xf32, #tpu.memory_space<vmem>>, vector<16xf32>,
      %broadcast_in_dim3A_224 = arith.constant 12 : i32
      %broadcast_in_dim3A_225 = vector.broadcast %broadcast_in_dim3A_224 : i32 to vector<16xi32>
      %lt3A_226 = arith.constant 0 : i32
      %lt3A_227 = vector.broadcast %lt3A_226 : i32 to vector<16xi32>
      %lt3A_228 = arith.cmpi slt, %broadcast_in_dim3A_225, %lt3A_227 : vector<16xi32>
      %add3A_229 = arith.constant 16 : i32
      %add3A_230 = vector.broadcast %add3A_229 : i32 to vector<16xi32>
      %add3A_231 = arith.addi %broadcast_in_dim3A_225, %add3A_230 : vector<16xi32>
      %select_n3A_232 = arith.select %lt3A_228, %add3A_231, %broadcast_in_dim3A_225 : vector<16xi1>, vector<16xi32>
      %broadcast_in_dim3A_233 = vector.shape_cast %select_n3A_232 : vector<16xi32> to vector<16x1xi32>
      %gather3A_234 = vector.shape_cast %broadcast_in_dim3A_233 : vector<16x1xi32> to vector<16xi32>
      %gather3A_235 = tpu.dynamic_gather %get3A_23[%gather3A_234] in [0] : vector<16xf32>, vector<16xi32> -> vector<16xf32>
      %mul3A_236 = arith.mulf %gather3A_235, %mul3A_21 : vector<16xf32>
      %swap3A_237 = arith.constant 89 : i32
      %swap3A_238 = arith.index_cast %swap3A_237 : i32 to index
      %swap3A_239 = arith.constant 32 : index
      %swap3A_240 = tpu.vector_load %arg8[%swap3A_238, %swap3A_239] {strides = array<i32>} : memref<440x128xf32, #tpu.memory_space<vmem>>, vector<16xf32>,
      tpu.vector_store %arg8[%swap3A_238, %swap3A_239], %mul3A_236 {strides = array<i32>} : memref<440x128xf32, #tpu.memory_space<vmem>>, vector<16xf32>,
      %broadcast_in_dim3A_241 = arith.constant 13 : i32
      %broadcast_in_dim3A_242 = vector.broadcast %broadcast_in_dim3A_241 : i32 to vector<16xi32>
      %lt3A_243 = arith.constant 0 : i32
      %lt3A_244 = vector.broadcast %lt3A_243 : i32 to vector<16xi32>
      %lt3A_245 = arith.cmpi slt, %broadcast_in_dim3A_242, %lt3A_244 : vector<16xi32>
      %add3A_246 = arith.constant 16 : i32
      %add3A_247 = vector.broadcast %add3A_246 : i32 to vector<16xi32>
      %add3A_248 = arith.addi %broadcast_in_dim3A_242, %add3A_247 : vector<16xi32>
      %select_n3A_249 = arith.select %lt3A_245, %add3A_248, %broadcast_in_dim3A_242 : vector<16xi1>, vector<16xi32>
      %broadcast_in_dim3A_250 = vector.shape_cast %select_n3A_249 : vector<16xi32> to vector<16x1xi32>
      %gather3A_251 = vector.shape_cast %broadcast_in_dim3A_250 : vector<16x1xi32> to vector<16xi32>
      %gather3A_252 = tpu.dynamic_gather %get3A_23[%gather3A_251] in [0] : vector<16xf32>, vector<16xi32> -> vector<16xf32>
      %mul3A_253 = arith.mulf %gather3A_252, %mul3A_21 : vector<16xf32>
      %swap3A_254 = arith.constant 96 : i32
      %swap3A_255 = arith.index_cast %swap3A_254 : i32 to index
      %swap3A_256 = arith.constant 16 : index
      %swap3A_257 = tpu.vector_load %arg8[%swap3A_255, %swap3A_256] {strides = array<i32>} : memref<440x128xf32, #tpu.memory_space<vmem>>, vector<16xf32>,
      tpu.vector_store %arg8[%swap3A_255, %swap3A_256], %mul3A_253 {strides = array<i32>} : memref<440x128xf32, #tpu.memory_space<vmem>>, vector<16xf32>,
      %broadcast_in_dim3A_258 = arith.constant 14 : i32
      %broadcast_in_dim3A_259 = vector.broadcast %broadcast_in_dim3A_258 : i32 to vector<16xi32>
      %lt3A_260 = arith.constant 0 : i32
      %lt3A_261 = vector.broadcast %lt3A_260 : i32 to vector<16xi32>
      %lt3A_262 = arith.cmpi slt, %broadcast_in_dim3A_259, %lt3A_261 : vector<16xi32>
      %add3A_263 = arith.constant 16 : i32
      %add3A_264 = vector.broadcast %add3A_263 : i32 to vector<16xi32>
      %add3A_265 = arith.addi %broadcast_in_dim3A_259, %add3A_264 : vector<16xi32>
      %select_n3A_266 = arith.select %lt3A_262, %add3A_265, %broadcast_in_dim3A_259 : vector<16xi1>, vector<16xi32>
      %broadcast_in_dim3A_267 = vector.shape_cast %select_n3A_266 : vector<16xi32> to vector<16x1xi32>
      %gather3A_268 = vector.shape_cast %broadcast_in_dim3A_267 : vector<16x1xi32> to vector<16xi32>
      %gather3A_269 = tpu.dynamic_gather %get3A_23[%gather3A_268] in [0] : vector<16xf32>, vector<16xi32> -> vector<16xf32>
      %mul3A_270 = arith.mulf %gather3A_269, %mul3A_21 : vector<16xf32>
      %swap3A_271 = arith.constant 103 : i32
      %swap3A_272 = arith.index_cast %swap3A_271 : i32 to index
      %swap3A_273 = arith.constant 0 : index
      %swap3A_274 = tpu.vector_load %arg8[%swap3A_272, %swap3A_273] {strides = array<i32>} : memref<440x128xf32, #tpu.memory_space<vmem>>, vector<16xf32>,
      tpu.vector_store %arg8[%swap3A_272, %swap3A_273], %mul3A_270 {strides = array<i32>} : memref<440x128xf32, #tpu.memory_space<vmem>>, vector<16xf32>,
      %broadcast_in_dim3A_275 = arith.constant 15 : i32
      %broadcast_in_dim3A_276 = vector.broadcast %broadcast_in_dim3A_275 : i32 to vector<16xi32>
      %lt3A_277 = arith.constant 0 : i32
      %lt3A_278 = vector.broadcast %lt3A_277 : i32 to vector<16xi32>
      %lt3A_279 = arith.cmpi slt, %broadcast_in_dim3A_276, %lt3A_278 : vector<16xi32>
      %add3A_280 = arith.constant 16 : i32
      %add3A_281 = vector.broadcast %add3A_280 : i32 to vector<16xi32>
      %add3A_282 = arith.addi %broadcast_in_dim3A_276, %add3A_281 : vector<16xi32>
      %select_n3A_283 = arith.select %lt3A_279, %add3A_282, %broadcast_in_dim3A_276 : vector<16xi1>, vector<16xi32>
      %broadcast_in_dim3A_284 = vector.shape_cast %select_n3A_283 : vector<16xi32> to vector<16x1xi32>
      %gather3A_285 = vector.shape_cast %broadcast_in_dim3A_284 : vector<16x1xi32> to vector<16xi32>
      %gather3A_286 = tpu.dynamic_gather %get3A_23[%gather3A_285] in [0] : vector<16xf32>, vector<16xi32> -> vector<16xf32>
      %mul3A_287 = arith.mulf %gather3A_286, %mul3A_21 : vector<16xf32>
      %swap3A_288 = arith.constant 109 : i32
      %swap3A_289 = arith.index_cast %swap3A_288 : i32 to index
      %swap3A_290 = arith.constant 112 : index
      %swap3A_291 = tpu.vector_load %arg8[%swap3A_289, %swap3A_290] {strides = array<i32>} : memref<440x128xf32, #tpu.memory_space<vmem>>, vector<16xf32>,
      tpu.vector_store %arg8[%swap3A_289, %swap3A_290], %mul3A_287 {strides = array<i32>} : memref<440x128xf32, #tpu.memory_space<vmem>>, vector<16xf32>,
      %get3A_292 = arith.constant 16 : index
      %get3A_293 = tpu.vector_load %arg10[%get3A_292] {strides = array<i32>} : memref<64xf32, #tpu.memory_space<vmem>>, vector<16xf32>,
      %broadcast_in_dim3A_294 = arith.constant 0 : i32
      %broadcast_in_dim3A_295 = vector.broadcast %broadcast_in_dim3A_294 : i32 to vector<16xi32>
      %lt3A_296 = arith.constant 0 : i32
      %lt3A_297 = vector.broadcast %lt3A_296 : i32 to vector<16xi32>
      %lt3A_298 = arith.cmpi slt, %broadcast_in_dim3A_295, %lt3A_297 : vector<16xi32>
      %add3A_299 = arith.constant 16 : i32
      %add3A_300 = vector.broadcast %add3A_299 : i32 to vector<16xi32>
      %add3A_301 = arith.addi %broadcast_in_dim3A_295, %add3A_300 : vector<16xi32>
      %select_n3A_302 = arith.select %lt3A_298, %add3A_301, %broadcast_in_dim3A_295 : vector<16xi1>, vector<16xi32>
      %broadcast_in_dim3A_303 = vector.shape_cast %select_n3A_302 : vector<16xi32> to vector<16x1xi32>
      %gather3A_304 = vector.shape_cast %broadcast_in_dim3A_303 : vector<16x1xi32> to vector<16xi32>
      %gather3A_305 = tpu.dynamic_gather %get3A_293[%gather3A_304] in [0] : vector<16xf32>, vector<16xi32> -> vector<16xf32>
      %mul3A_306 = arith.mulf %gather3A_305, %mul3A_21 : vector<16xf32>
      %swap3A_307 = arith.constant 116 : i32
      %swap3A_308 = arith.index_cast %swap3A_307 : i32 to index
      %swap3A_309 = arith.constant 96 : index
      %swap3A_310 = tpu.vector_load %arg8[%swap3A_308, %swap3A_309] {strides = array<i32>} : memref<440x128xf32, #tpu.memory_space<vmem>>, vector<16xf32>,
      tpu.vector_store %arg8[%swap3A_308, %swap3A_309], %mul3A_306 {strides = array<i32>} : memref<440x128xf32, #tpu.memory_space<vmem>>, vector<16xf32>,
      %broadcast_in_dim3A_311 = arith.constant 1 : i32
      %broadcast_in_dim3A_312 = vector.broadcast %broadcast_in_dim3A_311 : i32 to vector<16xi32>
      %lt3A_313 = arith.constant 0 : i32
      %lt3A_314 = vector.broadcast %lt3A_313 : i32 to vector<16xi32>
      %lt3A_315 = arith.cmpi slt, %broadcast_in_dim3A_312, %lt3A_314 : vector<16xi32>
      %add3A_316 = arith.constant 16 : i32
      %add3A_317 = vector.broadcast %add3A_316 : i32 to vector<16xi32>
      %add3A_318 = arith.addi %broadcast_in_dim3A_312, %add3A_317 : vector<16xi32>
      %select_n3A_319 = arith.select %lt3A_315, %add3A_318, %broadcast_in_dim3A_312 : vector<16xi1>, vector<16xi32>
      %broadcast_in_dim3A_320 = vector.shape_cast %select_n3A_319 : vector<16xi32> to vector<16x1xi32>
      %gather3A_321 = vector.shape_cast %broadcast_in_dim3A_320 : vector<16x1xi32> to vector<16xi32>
      %gather3A_322 = tpu.dynamic_gather %get3A_293[%gather3A_321] in [0] : vector<16xf32>, vector<16xi32> -> vector<16xf32>
      %mul3A_323 = arith.mulf %gather3A_322, %mul3A_21 : vector<16xf32>
      %swap3A_324 = arith.constant 123 : i32
      %swap3A_325 = arith.index_cast %swap3A_324 : i32 to index
      %swap3A_326 = arith.constant 80 : index
      %swap3A_327 = tpu.vector_load %arg8[%swap3A_325, %swap3A_326] {strides = array<i32>} : memref<440x128xf32, #tpu.memory_space<vmem>>, vector<16xf32>,
      tpu.vector_store %arg8[%swap3A_325, %swap3A_326], %mul3A_323 {strides = array<i32>} : memref<440x128xf32, #tpu.memory_space<vmem>>, vector<16xf32>,
      %broadcast_in_dim3A_328 = arith.constant 2 : i32
      %broadcast_in_dim3A_329 = vector.broadcast %broadcast_in_dim3A_328 : i32 to vector<16xi32>
      %lt3A_330 = arith.constant 0 : i32
      %lt3A_331 = vector.broadcast %lt3A_330 : i32 to vector<16xi32>
      %lt3A_332 = arith.cmpi slt, %broadcast_in_dim3A_329, %lt3A_331 : vector<16xi32>
      %add3A_333 = arith.constant 16 : i32
      %add3A_334 = vector.broadcast %add3A_333 : i32 to vector<16xi32>
      %add3A_335 = arith.addi %broadcast_in_dim3A_329, %add3A_334 : vector<16xi32>
      %select_n3A_336 = arith.select %lt3A_332, %add3A_335, %broadcast_in_dim3A_329 : vector<16xi1>, vector<16xi32>
      %broadcast_in_dim3A_337 = vector.shape_cast %select_n3A_336 : vector<16xi32> to vector<16x1xi32>
      %gather3A_338 = vector.shape_cast %broadcast_in_dim3A_337 : vector<16x1xi32> to vector<16xi32>
      %gather3A_339 = tpu.dynamic_gather %get3A_293[%gather3A_338] in [0] : vector<16xf32>, vector<16xi32> -> vector<16xf32>
      %mul3A_340 = arith.mulf %gather3A_339, %mul3A_21 : vector<16xf32>
      %swap3A_341 = arith.constant 130 : i32
      %swap3A_342 = arith.index_cast %swap3A_341 : i32 to index
      %swap3A_343 = arith.constant 64 : index
      %swap3A_344 = tpu.vector_load %arg8[%swap3A_342, %swap3A_343] {strides = array<i32>} : memref<440x128xf32, #tpu.memory_space<vmem>>, vector<16xf32>,
      tpu.vector_store %arg8[%swap3A_342, %swap3A_343], %mul3A_340 {strides = array<i32>} : memref<440x128xf32, #tpu.memory_space<vmem>>, vector<16xf32>,
      %broadcast_in_dim3A_345 = arith.constant 3 : i32
      %broadcast_in_dim3A_346 = vector.broadcast %broadcast_in_dim3A_345 : i32 to vector<16xi32>
      %lt3A_347 = arith.constant 0 : i32
      %lt3A_348 = vector.broadcast %lt3A_347 : i32 to vector<16xi32>
      %lt3A_349 = arith.cmpi slt, %broadcast_in_dim3A_346, %lt3A_348 : vector<16xi32>
      %add3A_350 = arith.constant 16 : i32
      %add3A_351 = vector.broadcast %add3A_350 : i32 to vector<16xi32>
      %add3A_352 = arith.addi %broadcast_in_dim3A_346, %add3A_351 : vector<16xi32>
      %select_n3A_353 = arith.select %lt3A_349, %add3A_352, %broadcast_in_dim3A_346 : vector<16xi1>, vector<16xi32>
      %broadcast_in_dim3A_354 = vector.shape_cast %select_n3A_353 : vector<16xi32> to vector<16x1xi32>
      %gather3A_355 = vector.shape_cast %broadcast_in_dim3A_354 : vector<16x1xi32> to vector<16xi32>
      %gather3A_356 = tpu.dynamic_gather %get3A_293[%gather3A_355] in [0] : vector<16xf32>, vector<16xi32> -> vector<16xf32>
      %mul3A_357 = arith.mulf %gather3A_356, %mul3A_21 : vector<16xf32>
      %swap3A_358 = arith.constant 137 : i32
      %swap3A_359 = arith.index_cast %swap3A_358 : i32 to index
      %swap3A_360 = arith.constant 48 : index
      %swap3A_361 = tpu.vector_load %arg8[%swap3A_359, %swap3A_360] {strides = array<i32>} : memref<440x128xf32, #tpu.memory_space<vmem>>, vector<16xf32>,
      tpu.vector_store %arg8[%swap3A_359, %swap3A_360], %mul3A_357 {strides = array<i32>} : memref<440x128xf32, #tpu.memory_space<vmem>>, vector<16xf32>,
      %broadcast_in_dim3A_362 = arith.constant 4 : i32
      %broadcast_in_dim3A_363 = vector.broadcast %broadcast_in_dim3A_362 : i32 to vector<16xi32>
      %lt3A_364 = arith.constant 0 : i32
      %lt3A_365 = vector.broadcast %lt3A_364 : i32 to vector<16xi32>
      %lt3A_366 = arith.cmpi slt, %broadcast_in_dim3A_363, %lt3A_365 : vector<16xi32>
      %add3A_367 = arith.constant 16 : i32
      %add3A_368 = vector.broadcast %add3A_367 : i32 to vector<16xi32>
      %add3A_369 = arith.addi %broadcast_in_dim3A_363, %add3A_368 : vector<16xi32>
      %select_n3A_370 = arith.select %lt3A_366, %add3A_369, %broadcast_in_dim3A_363 : vector<16xi1>, vector<16xi32>
      %broadcast_in_dim3A_371 = vector.shape_cast %select_n3A_370 : vector<16xi32> to vector<16x1xi32>
      %gather3A_372 = vector.shape_cast %broadcast_in_dim3A_371 : vector<16x1xi32> to vector<16xi32>
      %gather3A_373 = tpu.dynamic_gather %get3A_293[%gather3A_372] in [0] : vector<16xf32>, vector<16xi32> -> vector<16xf32>
      %mul3A_374 = arith.mulf %gather3A_373, %mul3A_21 : vector<16xf32>
      %swap3A_375 = arith.constant 144 : i32
      %swap3A_376 = arith.index_cast %swap3A_375 : i32 to index
      %swap3A_377 = arith.constant 32 : index
      %swap3A_378 = tpu.vector_load %arg8[%swap3A_376, %swap3A_377] {strides = array<i32>} : memref<440x128xf32, #tpu.memory_space<vmem>>, vector<16xf32>,
      tpu.vector_store %arg8[%swap3A_376, %swap3A_377], %mul3A_374 {strides = array<i32>} : memref<440x128xf32, #tpu.memory_space<vmem>>, vector<16xf32>,
      %broadcast_in_dim3A_379 = arith.constant 5 : i32
      %broadcast_in_dim3A_380 = vector.broadcast %broadcast_in_dim3A_379 : i32 to vector<16xi32>
      %lt3A_381 = arith.constant 0 : i32
      %lt3A_382 = vector.broadcast %lt3A_381 : i32 to vector<16xi32>
      %lt3A_383 = arith.cmpi slt, %broadcast_in_dim3A_380, %lt3A_382 : vector<16xi32>
      %add3A_384 = arith.constant 16 : i32
      %add3A_385 = vector.broadcast %add3A_384 : i32 to vector<16xi32>
      %add3A_386 = arith.addi %broadcast_in_dim3A_380, %add3A_385 : vector<16xi32>
      %select_n3A_387 = arith.select %lt3A_383, %add3A_386, %broadcast_in_dim3A_380 : vector<16xi1>, vector<16xi32>
      %broadcast_in_dim3A_388 = vector.shape_cast %select_n3A_387 : vector<16xi32> to vector<16x1xi32>
      %gather3A_389 = vector.shape_cast %broadcast_in_dim3A_388 : vector<16x1xi32> to vector<16xi32>
      %gather3A_390 = tpu.dynamic_gather %get3A_293[%gather3A_389] in [0] : vector<16xf32>, vector<16xi32> -> vector<16xf32>
      %mul3A_391 = arith.mulf %gather3A_390, %mul3A_21 : vector<16xf32>
      %swap3A_392 = arith.constant 151 : i32
      %swap3A_393 = arith.index_cast %swap3A_392 : i32 to index
      %swap3A_394 = arith.constant 16 : index
      %swap3A_395 = tpu.vector_load %arg8[%swap3A_393, %swap3A_394] {strides = array<i32>} : memref<440x128xf32, #tpu.memory_space<vmem>>, vector<16xf32>,
      tpu.vector_store %arg8[%swap3A_393, %swap3A_394], %mul3A_391 {strides = array<i32>} : memref<440x128xf32, #tpu.memory_space<vmem>>, vector<16xf32>,
      %broadcast_in_dim3A_396 = arith.constant 6 : i32
      %broadcast_in_dim3A_397 = vector.broadcast %broadcast_in_dim3A_396 : i32 to vector<16xi32>
      %lt3A_398 = arith.constant 0 : i32
      %lt3A_399 = vector.broadcast %lt3A_398 : i32 to vector<16xi32>
      %lt3A_400 = arith.cmpi slt, %broadcast_in_dim3A_397, %lt3A_399 : vector<16xi32>
      %add3A_401 = arith.constant 16 : i32
      %add3A_402 = vector.broadcast %add3A_401 : i32 to vector<16xi32>
      %add3A_403 = arith.addi %broadcast_in_dim3A_397, %add3A_402 : vector<16xi32>
      %select_n3A_404 = arith.select %lt3A_400, %add3A_403, %broadcast_in_dim3A_397 : vector<16xi1>, vector<16xi32>
      %broadcast_in_dim3A_405 = vector.shape_cast %select_n3A_404 : vector<16xi32> to vector<16x1xi32>
      %gather3A_406 = vector.shape_cast %broadcast_in_dim3A_405 : vector<16x1xi32> to vector<16xi32>
      %gather3A_407 = tpu.dynamic_gather %get3A_293[%gather3A_406] in [0] : vector<16xf32>, vector<16xi32> -> vector<16xf32>
      %mul3A_408 = arith.mulf %gather3A_407, %mul3A_21 : vector<16xf32>
      %swap3A_409 = arith.constant 158 : i32
      %swap3A_410 = arith.index_cast %swap3A_409 : i32 to index
      %swap3A_411 = arith.constant 0 : index
      %swap3A_412 = tpu.vector_load %arg8[%swap3A_410, %swap3A_411] {strides = array<i32>} : memref<440x128xf32, #tpu.memory_space<vmem>>, vector<16xf32>,
      tpu.vector_store %arg8[%swap3A_410, %swap3A_411], %mul3A_408 {strides = array<i32>} : memref<440x128xf32, #tpu.memory_space<vmem>>, vector<16xf32>,
      %broadcast_in_dim3A_413 = arith.constant 7 : i32
      %broadcast_in_dim3A_414 = vector.broadcast %broadcast_in_dim3A_413 : i32 to vector<16xi32>
      %lt3A_415 = arith.constant 0 : i32
      %lt3A_416 = vector.broadcast %lt3A_415 : i32 to vector<16xi32>
      %lt3A_417 = arith.cmpi slt, %broadcast_in_dim3A_414, %lt3A_416 : vector<16xi32>
      %add3A_418 = arith.constant 16 : i32
      %add3A_419 = vector.broadcast %add3A_418 : i32 to vector<16xi32>
      %add3A_420 = arith.addi %broadcast_in_dim3A_414, %add3A_419 : vector<16xi32>
      %select_n3A_421 = arith.select %lt3A_417, %add3A_420, %broadcast_in_dim3A_414 : vector<16xi1>, vector<16xi32>
      %broadcast_in_dim3A_422 = vector.shape_cast %select_n3A_421 : vector<16xi32> to vector<16x1xi32>
      %gather3A_423 = vector.shape_cast %broadcast_in_dim3A_422 : vector<16x1xi32> to vector<16xi32>
      %gather3A_424 = tpu.dynamic_gather %get3A_293[%gather3A_423] in [0] : vector<16xf32>, vector<16xi32> -> vector<16xf32>
      %mul3A_425 = arith.mulf %gather3A_424, %mul3A_21 : vector<16xf32>
      %swap3A_426 = arith.constant 164 : i32
      %swap3A_427 = arith.index_cast %swap3A_426 : i32 to index
      %swap3A_428 = arith.constant 112 : index
      %swap3A_429 = tpu.vector_load %arg8[%swap3A_427, %swap3A_428] {strides = array<i32>} : memref<440x128xf32, #tpu.memory_space<vmem>>, vector<16xf32>,
      tpu.vector_store %arg8[%swap3A_427, %swap3A_428], %mul3A_425 {strides = array<i32>} : memref<440x128xf32, #tpu.memory_space<vmem>>, vector<16xf32>,
      %broadcast_in_dim3A_430 = arith.constant 8 : i32
      %broadcast_in_dim3A_431 = vector.broadcast %broadcast_in_dim3A_430 : i32 to vector<16xi32>
      %lt3A_432 = arith.constant 0 : i32
      %lt3A_433 = vector.broadcast %lt3A_432 : i32 to vector<16xi32>
      %lt3A_434 = arith.cmpi slt, %broadcast_in_dim3A_431, %lt3A_433 : vector<16xi32>
      %add3A_435 = arith.constant 16 : i32
      %add3A_436 = vector.broadcast %add3A_435 : i32 to vector<16xi32>
      %add3A_437 = arith.addi %broadcast_in_dim3A_431, %add3A_436 : vector<16xi32>
      %select_n3A_438 = arith.select %lt3A_434, %add3A_437, %broadcast_in_dim3A_431 : vector<16xi1>, vector<16xi32>
      %broadcast_in_dim3A_439 = vector.shape_cast %select_n3A_438 : vector<16xi32> to vector<16x1xi32>
      %gather3A_440 = vector.shape_cast %broadcast_in_dim3A_439 : vector<16x1xi32> to vector<16xi32>
      %gather3A_441 = tpu.dynamic_gather %get3A_293[%gather3A_440] in [0] : vector<16xf32>, vector<16xi32> -> vector<16xf32>
      %mul3A_442 = arith.mulf %gather3A_441, %mul3A_21 : vector<16xf32>
      %swap3A_443 = arith.constant 171 : i32
      %swap3A_444 = arith.index_cast %swap3A_443 : i32 to index
      %swap3A_445 = arith.constant 96 : index
      %swap3A_446 = tpu.vector_load %arg8[%swap3A_444, %swap3A_445] {strides = array<i32>} : memref<440x128xf32, #tpu.memory_space<vmem>>, vector<16xf32>,
      tpu.vector_store %arg8[%swap3A_444, %swap3A_445], %mul3A_442 {strides = array<i32>} : memref<440x128xf32, #tpu.memory_space<vmem>>, vector<16xf32>,
      %broadcast_in_dim3A_447 = arith.constant 9 : i32
      %broadcast_in_dim3A_448 = vector.broadcast %broadcast_in_dim3A_447 : i32 to vector<16xi32>
      %lt3A_449 = arith.constant 0 : i32
      %lt3A_450 = vector.broadcast %lt3A_449 : i32 to vector<16xi32>
      %lt3A_451 = arith.cmpi slt, %broadcast_in_dim3A_448, %lt3A_450 : vector<16xi32>
      %add3A_452 = arith.constant 16 : i32
      %add3A_453 = vector.broadcast %add3A_452 : i32 to vector<16xi32>
      %add3A_454 = arith.addi %broadcast_in_dim3A_448, %add3A_453 : vector<16xi32>
      %select_n3A_455 = arith.select %lt3A_451, %add3A_454, %broadcast_in_dim3A_448 : vector<16xi1>, vector<16xi32>
      %broadcast_in_dim3A_456 = vector.shape_cast %select_n3A_455 : vector<16xi32> to vector<16x1xi32>
      %gather3A_457 = vector.shape_cast %broadcast_in_dim3A_456 : vector<16x1xi32> to vector<16xi32>
      %gather3A_458 = tpu.dynamic_gather %get3A_293[%gather3A_457] in [0] : vector<16xf32>, vector<16xi32> -> vector<16xf32>
      %mul3A_459 = arith.mulf %gather3A_458, %mul3A_21 : vector<16xf32>
      %swap3A_460 = arith.constant 178 : i32
      %swap3A_461 = arith.index_cast %swap3A_460 : i32 to index
      %swap3A_462 = arith.constant 80 : index
      %swap3A_463 = tpu.vector_load %arg8[%swap3A_461, %swap3A_462] {strides = array<i32>} : memref<440x128xf32, #tpu.memory_space<vmem>>, vector<16xf32>,
      tpu.vector_store %arg8[%swap3A_461, %swap3A_462], %mul3A_459 {strides = array<i32>} : memref<440x128xf32, #tpu.memory_space<vmem>>, vector<16xf32>,
      %broadcast_in_dim3A_464 = arith.constant 10 : i32
      %broadcast_in_dim3A_465 = vector.broadcast %broadcast_in_dim3A_464 : i32 to vector<16xi32>
      %lt3A_466 = arith.constant 0 : i32
      %lt3A_467 = vector.broadcast %lt3A_466 : i32 to vector<16xi32>
      %lt3A_468 = arith.cmpi slt, %broadcast_in_dim3A_465, %lt3A_467 : vector<16xi32>
      %add3A_469 = arith.constant 16 : i32
      %add3A_470 = vector.broadcast %add3A_469 : i32 to vector<16xi32>
      %add3A_471 = arith.addi %broadcast_in_dim3A_465, %add3A_470 : vector<16xi32>
      %select_n3A_472 = arith.select %lt3A_468, %add3A_471, %broadcast_in_dim3A_465 : vector<16xi1>, vector<16xi32>
      %broadcast_in_dim3A_473 = vector.shape_cast %select_n3A_472 : vector<16xi32> to vector<16x1xi32>
      %gather3A_474 = vector.shape_cast %broadcast_in_dim3A_473 : vector<16x1xi32> to vector<16xi32>
      %gather3A_475 = tpu.dynamic_gather %get3A_293[%gather3A_474] in [0] : vector<16xf32>, vector<16xi32> -> vector<16xf32>
      %mul3A_476 = arith.mulf %gather3A_475, %mul3A_21 : vector<16xf32>
      %swap3A_477 = arith.constant 185 : i32
      %swap3A_478 = arith.index_cast %swap3A_477 : i32 to index
      %swap3A_479 = arith.constant 64 : index
      %swap3A_480 = tpu.vector_load %arg8[%swap3A_478, %swap3A_479] {strides = array<i32>} : memref<440x128xf32, #tpu.memory_space<vmem>>, vector<16xf32>,
      tpu.vector_store %arg8[%swap3A_478, %swap3A_479], %mul3A_476 {strides = array<i32>} : memref<440x128xf32, #tpu.memory_space<vmem>>, vector<16xf32>,
      %broadcast_in_dim3A_481 = arith.constant 11 : i32
      %broadcast_in_dim3A_482 = vector.broadcast %broadcast_in_dim3A_481 : i32 to vector<16xi32>
      %lt3A_483 = arith.constant 0 : i32
      %lt3A_484 = vector.broadcast %lt3A_483 : i32 to vector<16xi32>
      %lt3A_485 = arith.cmpi slt, %broadcast_in_dim3A_482, %lt3A_484 : vector<16xi32>
      %add3A_486 = arith.constant 16 : i32
      %add3A_487 = vector.broadcast %add3A_486 : i32 to vector<16xi32>
      %add3A_488 = arith.addi %broadcast_in_dim3A_482, %add3A_487 : vector<16xi32>
      %select_n3A_489 = arith.select %lt3A_485, %add3A_488, %broadcast_in_dim3A_482 : vector<16xi1>, vector<16xi32>
      %broadcast_in_dim3A_490 = vector.shape_cast %select_n3A_489 : vector<16xi32> to vector<16x1xi32>
      %gather3A_491 = vector.shape_cast %broadcast_in_dim3A_490 : vector<16x1xi32> to vector<16xi32>
      %gather3A_492 = tpu.dynamic_gather %get3A_293[%gather3A_491] in [0] : vector<16xf32>, vector<16xi32> -> vector<16xf32>
      %mul3A_493 = arith.mulf %gather3A_492, %mul3A_21 : vector<16xf32>
      %swap3A_494 = arith.constant 192 : i32
      %swap3A_495 = arith.index_cast %swap3A_494 : i32 to index
      %swap3A_496 = arith.constant 48 : index
      %swap3A_497 = tpu.vector_load %arg8[%swap3A_495, %swap3A_496] {strides = array<i32>} : memref<440x128xf32, #tpu.memory_space<vmem>>, vector<16xf32>,
      tpu.vector_store %arg8[%swap3A_495, %swap3A_496], %mul3A_493 {strides = array<i32>} : memref<440x128xf32, #tpu.memory_space<vmem>>, vector<16xf32>,
      %broadcast_in_dim3A_498 = arith.constant 12 : i32
      %broadcast_in_dim3A_499 = vector.broadcast %broadcast_in_dim3A_498 : i32 to vector<16xi32>
      %lt3A_500 = arith.constant 0 : i32
      %lt3A_501 = vector.broadcast %lt3A_500 : i32 to vector<16xi32>
      %lt3A_502 = arith.cmpi slt, %broadcast_in_dim3A_499, %lt3A_501 : vector<16xi32>
      %add3A_503 = arith.constant 16 : i32
      %add3A_504 = vector.broadcast %add3A_503 : i32 to vector<16xi32>
      %add3A_505 = arith.addi %broadcast_in_dim3A_499, %add3A_504 : vector<16xi32>
      %select_n3A_506 = arith.select %lt3A_502, %add3A_505, %broadcast_in_dim3A_499 : vector<16xi1>, vector<16xi32>
      %broadcast_in_dim3A_507 = vector.shape_cast %select_n3A_506 : vector<16xi32> to vector<16x1xi32>
      %gather3A_508 = vector.shape_cast %broadcast_in_dim3A_507 : vector<16x1xi32> to vector<16xi32>
      %gather3A_509 = tpu.dynamic_gather %get3A_293[%gather3A_508] in [0] : vector<16xf32>, vector<16xi32> -> vector<16xf32>
      %mul3A_510 = arith.mulf %gather3A_509, %mul3A_21 : vector<16xf32>
      %swap3A_511 = arith.constant 199 : i32
      %swap3A_512 = arith.index_cast %swap3A_511 : i32 to index
      %swap3A_513 = arith.constant 32 : index
      %swap3A_514 = tpu.vector_load %arg8[%swap3A_512, %swap3A_513] {strides = array<i32>} : memref<440x128xf32, #tpu.memory_space<vmem>>, vector<16xf32>,
      tpu.vector_store %arg8[%swap3A_512, %swap3A_513], %mul3A_510 {strides = array<i32>} : memref<440x128xf32, #tpu.memory_space<vmem>>, vector<16xf32>,
      %broadcast_in_dim3A_515 = arith.constant 13 : i32
      %broadcast_in_dim3A_516 = vector.broadcast %broadcast_in_dim3A_515 : i32 to vector<16xi32>
      %lt3A_517 = arith.constant 0 : i32
      %lt3A_518 = vector.broadcast %lt3A_517 : i32 to vector<16xi32>
      %lt3A_519 = arith.cmpi slt, %broadcast_in_dim3A_516, %lt3A_518 : vector<16xi32>
      %add3A_520 = arith.constant 16 : i32
      %add3A_521 = vector.broadcast %add3A_520 : i32 to vector<16xi32>
      %add3A_522 = arith.addi %broadcast_in_dim3A_516, %add3A_521 : vector<16xi32>
      %select_n3A_523 = arith.select %lt3A_519, %add3A_522, %broadcast_in_dim3A_516 : vector<16xi1>, vector<16xi32>
      %broadcast_in_dim3A_524 = vector.shape_cast %select_n3A_523 : vector<16xi32> to vector<16x1xi32>
      %gather3A_525 = vector.shape_cast %broadcast_in_dim3A_524 : vector<16x1xi32> to vector<16xi32>
      %gather3A_526 = tpu.dynamic_gather %get3A_293[%gather3A_525] in [0] : vector<16xf32>, vector<16xi32> -> vector<16xf32>
      %mul3A_527 = arith.mulf %gather3A_526, %mul3A_21 : vector<16xf32>
      %swap3A_528 = arith.constant 206 : i32
      %swap3A_529 = arith.index_cast %swap3A_528 : i32 to index
      %swap3A_530 = arith.constant 16 : index
      %swap3A_531 = tpu.vector_load %arg8[%swap3A_529, %swap3A_530] {strides = array<i32>} : memref<440x128xf32, #tpu.memory_space<vmem>>, vector<16xf32>,
      tpu.vector_store %arg8[%swap3A_529, %swap3A_530], %mul3A_527 {strides = array<i32>} : memref<440x128xf32, #tpu.memory_space<vmem>>, vector<16xf32>,
      %broadcast_in_dim3A_532 = arith.constant 14 : i32
      %broadcast_in_dim3A_533 = vector.broadcast %broadcast_in_dim3A_532 : i32 to vector<16xi32>
      %lt3A_534 = arith.constant 0 : i32
      %lt3A_535 = vector.broadcast %lt3A_534 : i32 to vector<16xi32>
      %lt3A_536 = arith.cmpi slt, %broadcast_in_dim3A_533, %lt3A_535 : vector<16xi32>
      %add3A_537 = arith.constant 16 : i32
      %add3A_538 = vector.broadcast %add3A_537 : i32 to vector<16xi32>
      %add3A_539 = arith.addi %broadcast_in_dim3A_533, %add3A_538 : vector<16xi32>
      %select_n3A_540 = arith.select %lt3A_536, %add3A_539, %broadcast_in_dim3A_533 : vector<16xi1>, vector<16xi32>
      %broadcast_in_dim3A_541 = vector.shape_cast %select_n3A_540 : vector<16xi32> to vector<16x1xi32>
      %gather3A_542 = vector.shape_cast %broadcast_in_dim3A_541 : vector<16x1xi32> to vector<16xi32>
      %gather3A_543 = tpu.dynamic_gather %get3A_293[%gather3A_542] in [0] : vector<16xf32>, vector<16xi32> -> vector<16xf32>
      %mul3A_544 = arith.mulf %gather3A_543, %mul3A_21 : vector<16xf32>
      %swap3A_545 = arith.constant 213 : i32
      %swap3A_546 = arith.index_cast %swap3A_545 : i32 to index
      %swap3A_547 = arith.constant 0 : index
      %swap3A_548 = tpu.vector_load %arg8[%swap3A_546, %swap3A_547] {strides = array<i32>} : memref<440x128xf32, #tpu.memory_space<vmem>>, vector<16xf32>,
      tpu.vector_store %arg8[%swap3A_546, %swap3A_547], %mul3A_544 {strides = array<i32>} : memref<440x128xf32, #tpu.memory_space<vmem>>, vector<16xf32>,
      %broadcast_in_dim3A_549 = arith.constant 15 : i32
      %broadcast_in_dim3A_550 = vector.broadcast %broadcast_in_dim3A_549 : i32 to vector<16xi32>
      %lt3A_551 = arith.constant 0 : i32
      %lt3A_552 = vector.broadcast %lt3A_551 : i32 to vector<16xi32>
      %lt3A_553 = arith.cmpi slt, %broadcast_in_dim3A_550, %lt3A_552 : vector<16xi32>
      %add3A_554 = arith.constant 16 : i32
      %add3A_555 = vector.broadcast %add3A_554 : i32 to vector<16xi32>
      %add3A_556 = arith.addi %broadcast_in_dim3A_550, %add3A_555 : vector<16xi32>
      %select_n3A_557 = arith.select %lt3A_553, %add3A_556, %broadcast_in_dim3A_550 : vector<16xi1>, vector<16xi32>
      %broadcast_in_dim3A_558 = vector.shape_cast %select_n3A_557 : vector<16xi32> to vector<16x1xi32>
      %gather3A_559 = vector.shape_cast %broadcast_in_dim3A_558 : vector<16x1xi32> to vector<16xi32>
      %gather3A_560 = tpu.dynamic_gather %get3A_293[%gather3A_559] in [0] : vector<16xf32>, vector<16xi32> -> vector<16xf32>
      %mul3A_561 = arith.mulf %gather3A_560, %mul3A_21 : vector<16xf32>
      %swap3A_562 = arith.constant 219 : i32
      %swap3A_563 = arith.index_cast %swap3A_562 : i32 to index
      %swap3A_564 = arith.constant 112 : index
      %swap3A_565 = tpu.vector_load %arg8[%swap3A_563, %swap3A_564] {strides = array<i32>} : memref<440x128xf32, #tpu.memory_space<vmem>>, vector<16xf32>,
      tpu.vector_store %arg8[%swap3A_563, %swap3A_564], %mul3A_561 {strides = array<i32>} : memref<440x128xf32, #tpu.memory_space<vmem>>, vector<16xf32>,
      %get3A_566 = arith.constant 32 : index
      %get3A_567 = tpu.vector_load %arg10[%get3A_566] {strides = array<i32>} : memref<64xf32, #tpu.memory_space<vmem>>, vector<16xf32>,
      %broadcast_in_dim3A_568 = arith.constant 0 : i32
      %broadcast_in_dim3A_569 = vector.broadcast %broadcast_in_dim3A_568 : i32 to vector<16xi32>
      %lt3A_570 = arith.constant 0 : i32
      %lt3A_571 = vector.broadcast %lt3A_570 : i32 to vector<16xi32>
      %lt3A_572 = arith.cmpi slt, %broadcast_in_dim3A_569, %lt3A_571 : vector<16xi32>
      %add3A_573 = arith.constant 16 : i32
      %add3A_574 = vector.broadcast %add3A_573 : i32 to vector<16xi32>
      %add3A_575 = arith.addi %broadcast_in_dim3A_569, %add3A_574 : vector<16xi32>
      %select_n3A_576 = arith.select %lt3A_572, %add3A_575, %broadcast_in_dim3A_569 : vector<16xi1>, vector<16xi32>
      %broadcast_in_dim3A_577 = vector.shape_cast %select_n3A_576 : vector<16xi32> to vector<16x1xi32>
      %gather3A_578 = vector.shape_cast %broadcast_in_dim3A_577 : vector<16x1xi32> to vector<16xi32>
      %gather3A_579 = tpu.dynamic_gather %get3A_567[%gather3A_578] in [0] : vector<16xf32>, vector<16xi32> -> vector<16xf32>
      %mul3A_580 = arith.mulf %gather3A_579, %mul3A_21 : vector<16xf32>
      %swap3A_581 = arith.constant 226 : i32
      %swap3A_582 = arith.index_cast %swap3A_581 : i32 to index
      %swap3A_583 = arith.constant 96 : index
      %swap3A_584 = tpu.vector_load %arg8[%swap3A_582, %swap3A_583] {strides = array<i32>} : memref<440x128xf32, #tpu.memory_space<vmem>>, vector<16xf32>,
      tpu.vector_store %arg8[%swap3A_582, %swap3A_583], %mul3A_580 {strides = array<i32>} : memref<440x128xf32, #tpu.memory_space<vmem>>, vector<16xf32>,
      %broadcast_in_dim3A_585 = arith.constant 1 : i32
      %broadcast_in_dim3A_586 = vector.broadcast %broadcast_in_dim3A_585 : i32 to vector<16xi32>
      %lt3A_587 = arith.constant 0 : i32
      %lt3A_588 = vector.broadcast %lt3A_587 : i32 to vector<16xi32>
      %lt3A_589 = arith.cmpi slt, %broadcast_in_dim3A_586, %lt3A_588 : vector<16xi32>
      %add3A_590 = arith.constant 16 : i32
      %add3A_591 = vector.broadcast %add3A_590 : i32 to vector<16xi32>
      %add3A_592 = arith.addi %broadcast_in_dim3A_586, %add3A_591 : vector<16xi32>
      %select_n3A_593 = arith.select %lt3A_589, %add3A_592, %broadcast_in_dim3A_586 : vector<16xi1>, vector<16xi32>
      %broadcast_in_dim3A_594 = vector.shape_cast %select_n3A_593 : vector<16xi32> to vector<16x1xi32>
      %gather3A_595 = vector.shape_cast %broadcast_in_dim3A_594 : vector<16x1xi32> to vector<16xi32>
      %gather3A_596 = tpu.dynamic_gather %get3A_567[%gather3A_595] in [0] : vector<16xf32>, vector<16xi32> -> vector<16xf32>
      %mul3A_597 = arith.mulf %gather3A_596, %mul3A_21 : vector<16xf32>
      %swap3A_598 = arith.constant 233 : i32
      %swap3A_599 = arith.index_cast %swap3A_598 : i32 to index
      %swap3A_600 = arith.constant 80 : index
      %swap3A_601 = tpu.vector_load %arg8[%swap3A_599, %swap3A_600] {strides = array<i32>} : memref<440x128xf32, #tpu.memory_space<vmem>>, vector<16xf32>,
      tpu.vector_store %arg8[%swap3A_599, %swap3A_600], %mul3A_597 {strides = array<i32>} : memref<440x128xf32, #tpu.memory_space<vmem>>, vector<16xf32>,
      %broadcast_in_dim3A_602 = arith.constant 2 : i32
      %broadcast_in_dim3A_603 = vector.broadcast %broadcast_in_dim3A_602 : i32 to vector<16xi32>
      %lt3A_604 = arith.constant 0 : i32
      %lt3A_605 = vector.broadcast %lt3A_604 : i32 to vector<16xi32>
      %lt3A_606 = arith.cmpi slt, %broadcast_in_dim3A_603, %lt3A_605 : vector<16xi32>
      %add3A_607 = arith.constant 16 : i32
      %add3A_608 = vector.broadcast %add3A_607 : i32 to vector<16xi32>
      %add3A_609 = arith.addi %broadcast_in_dim3A_603, %add3A_608 : vector<16xi32>
      %select_n3A_610 = arith.select %lt3A_606, %add3A_609, %broadcast_in_dim3A_603 : vector<16xi1>, vector<16xi32>
      %broadcast_in_dim3A_611 = vector.shape_cast %select_n3A_610 : vector<16xi32> to vector<16x1xi32>
      %gather3A_612 = vector.shape_cast %broadcast_in_dim3A_611 : vector<16x1xi32> to vector<16xi32>
      %gather3A_613 = tpu.dynamic_gather %get3A_567[%gather3A_612] in [0] : vector<16xf32>, vector<16xi32> -> vector<16xf32>
      %mul3A_614 = arith.mulf %gather3A_613, %mul3A_21 : vector<16xf32>
      %swap3A_615 = arith.constant 240 : i32
      %swap3A_616 = arith.index_cast %swap3A_615 : i32 to index
      %swap3A_617 = arith.constant 64 : index
      %swap3A_618 = tpu.vector_load %arg8[%swap3A_616, %swap3A_617] {strides = array<i32>} : memref<440x128xf32, #tpu.memory_space<vmem>>, vector<16xf32>,
      tpu.vector_store %arg8[%swap3A_616, %swap3A_617], %mul3A_614 {strides = array<i32>} : memref<440x128xf32, #tpu.memory_space<vmem>>, vector<16xf32>,
      %broadcast_in_dim3A_619 = arith.constant 3 : i32
      %broadcast_in_dim3A_620 = vector.broadcast %broadcast_in_dim3A_619 : i32 to vector<16xi32>
      %lt3A_621 = arith.constant 0 : i32
      %lt3A_622 = vector.broadcast %lt3A_621 : i32 to vector<16xi32>
      %lt3A_623 = arith.cmpi slt, %broadcast_in_dim3A_620, %lt3A_622 : vector<16xi32>
      %add3A_624 = arith.constant 16 : i32
      %add3A_625 = vector.broadcast %add3A_624 : i32 to vector<16xi32>
      %add3A_626 = arith.addi %broadcast_in_dim3A_620, %add3A_625 : vector<16xi32>
      %select_n3A_627 = arith.select %lt3A_623, %add3A_626, %broadcast_in_dim3A_620 : vector<16xi1>, vector<16xi32>
      %broadcast_in_dim3A_628 = vector.shape_cast %select_n3A_627 : vector<16xi32> to vector<16x1xi32>
      %gather3A_629 = vector.shape_cast %broadcast_in_dim3A_628 : vector<16x1xi32> to vector<16xi32>
      %gather3A_630 = tpu.dynamic_gather %get3A_567[%gather3A_629] in [0] : vector<16xf32>, vector<16xi32> -> vector<16xf32>
      %mul3A_631 = arith.mulf %gather3A_630, %mul3A_21 : vector<16xf32>
      %swap3A_632 = arith.constant 247 : i32
      %swap3A_633 = arith.index_cast %swap3A_632 : i32 to index
      %swap3A_634 = arith.constant 48 : index
      %swap3A_635 = tpu.vector_load %arg8[%swap3A_633, %swap3A_634] {strides = array<i32>} : memref<440x128xf32, #tpu.memory_space<vmem>>, vector<16xf32>,
      tpu.vector_store %arg8[%swap3A_633, %swap3A_634], %mul3A_631 {strides = array<i32>} : memref<440x128xf32, #tpu.memory_space<vmem>>, vector<16xf32>,
      %broadcast_in_dim3A_636 = arith.constant 4 : i32
      %broadcast_in_dim3A_637 = vector.broadcast %broadcast_in_dim3A_636 : i32 to vector<16xi32>
      %lt3A_638 = arith.constant 0 : i32
      %lt3A_639 = vector.broadcast %lt3A_638 : i32 to vector<16xi32>
      %lt3A_640 = arith.cmpi slt, %broadcast_in_dim3A_637, %lt3A_639 : vector<16xi32>
      %add3A_641 = arith.constant 16 : i32
      %add3A_642 = vector.broadcast %add3A_641 : i32 to vector<16xi32>
      %add3A_643 = arith.addi %broadcast_in_dim3A_637, %add3A_642 : vector<16xi32>
      %select_n3A_644 = arith.select %lt3A_640, %add3A_643, %broadcast_in_dim3A_637 : vector<16xi1>, vector<16xi32>
      %broadcast_in_dim3A_645 = vector.shape_cast %select_n3A_644 : vector<16xi32> to vector<16x1xi32>
      %gather3A_646 = vector.shape_cast %broadcast_in_dim3A_645 : vector<16x1xi32> to vector<16xi32>
      %gather3A_647 = tpu.dynamic_gather %get3A_567[%gather3A_646] in [0] : vector<16xf32>, vector<16xi32> -> vector<16xf32>
      %mul3A_648 = arith.mulf %gather3A_647, %mul3A_21 : vector<16xf32>
      %swap3A_649 = arith.constant 254 : i32
      %swap3A_650 = arith.index_cast %swap3A_649 : i32 to index
      %swap3A_651 = arith.constant 32 : index
      %swap3A_652 = tpu.vector_load %arg8[%swap3A_650, %swap3A_651] {strides = array<i32>} : memref<440x128xf32, #tpu.memory_space<vmem>>, vector<16xf32>,
      tpu.vector_store %arg8[%swap3A_650, %swap3A_651], %mul3A_648 {strides = array<i32>} : memref<440x128xf32, #tpu.memory_space<vmem>>, vector<16xf32>,
      %broadcast_in_dim3A_653 = arith.constant 5 : i32
      %broadcast_in_dim3A_654 = vector.broadcast %broadcast_in_dim3A_653 : i32 to vector<16xi32>
      %lt3A_655 = arith.constant 0 : i32
      %lt3A_656 = vector.broadcast %lt3A_655 : i32 to vector<16xi32>
      %lt3A_657 = arith.cmpi slt, %broadcast_in_dim3A_654, %lt3A_656 : vector<16xi32>
      %add3A_658 = arith.constant 16 : i32
      %add3A_659 = vector.broadcast %add3A_658 : i32 to vector<16xi32>
      %add3A_660 = arith.addi %broadcast_in_dim3A_654, %add3A_659 : vector<16xi32>
      %select_n3A_661 = arith.select %lt3A_657, %add3A_660, %broadcast_in_dim3A_654 : vector<16xi1>, vector<16xi32>
      %broadcast_in_dim3A_662 = vector.shape_cast %select_n3A_661 : vector<16xi32> to vector<16x1xi32>
      %gather3A_663 = vector.shape_cast %broadcast_in_dim3A_662 : vector<16x1xi32> to vector<16xi32>
      %gather3A_664 = tpu.dynamic_gather %get3A_567[%gather3A_663] in [0] : vector<16xf32>, vector<16xi32> -> vector<16xf32>
      %mul3A_665 = arith.mulf %gather3A_664, %mul3A_21 : vector<16xf32>
      %swap3A_666 = arith.constant 261 : i32
      %swap3A_667 = arith.index_cast %swap3A_666 : i32 to index
      %swap3A_668 = arith.constant 16 : index
      %swap3A_669 = tpu.vector_load %arg8[%swap3A_667, %swap3A_668] {strides = array<i32>} : memref<440x128xf32, #tpu.memory_space<vmem>>, vector<16xf32>,
      tpu.vector_store %arg8[%swap3A_667, %swap3A_668], %mul3A_665 {strides = array<i32>} : memref<440x128xf32, #tpu.memory_space<vmem>>, vector<16xf32>,
      %broadcast_in_dim3A_670 = arith.constant 6 : i32
      %broadcast_in_dim3A_671 = vector.broadcast %broadcast_in_dim3A_670 : i32 to vector<16xi32>
      %lt3A_672 = arith.constant 0 : i32
      %lt3A_673 = vector.broadcast %lt3A_672 : i32 to vector<16xi32>
      %lt3A_674 = arith.cmpi slt, %broadcast_in_dim3A_671, %lt3A_673 : vector<16xi32>
      %add3A_675 = arith.constant 16 : i32
      %add3A_676 = vector.broadcast %add3A_675 : i32 to vector<16xi32>
      %add3A_677 = arith.addi %broadcast_in_dim3A_671, %add3A_676 : vector<16xi32>
      %select_n3A_678 = arith.select %lt3A_674, %add3A_677, %broadcast_in_dim3A_671 : vector<16xi1>, vector<16xi32>
      %broadcast_in_dim3A_679 = vector.shape_cast %select_n3A_678 : vector<16xi32> to vector<16x1xi32>
      %gather3A_680 = vector.shape_cast %broadcast_in_dim3A_679 : vector<16x1xi32> to vector<16xi32>
      %gather3A_681 = tpu.dynamic_gather %get3A_567[%gather3A_680] in [0] : vector<16xf32>, vector<16xi32> -> vector<16xf32>
      %mul3A_682 = arith.mulf %gather3A_681, %mul3A_21 : vector<16xf32>
      %swap3A_683 = arith.constant 268 : i32
      %swap3A_684 = arith.index_cast %swap3A_683 : i32 to index
      %swap3A_685 = arith.constant 0 : index
      %swap3A_686 = tpu.vector_load %arg8[%swap3A_684, %swap3A_685] {strides = array<i32>} : memref<440x128xf32, #tpu.memory_space<vmem>>, vector<16xf32>,
      tpu.vector_store %arg8[%swap3A_684, %swap3A_685], %mul3A_682 {strides = array<i32>} : memref<440x128xf32, #tpu.memory_space<vmem>>, vector<16xf32>,
      %broadcast_in_dim3A_687 = arith.constant 7 : i32
      %broadcast_in_dim3A_688 = vector.broadcast %broadcast_in_dim3A_687 : i32 to vector<16xi32>
      %lt3A_689 = arith.constant 0 : i32
      %lt3A_690 = vector.broadcast %lt3A_689 : i32 to vector<16xi32>
      %lt3A_691 = arith.cmpi slt, %broadcast_in_dim3A_688, %lt3A_690 : vector<16xi32>
      %add3A_692 = arith.constant 16 : i32
      %add3A_693 = vector.broadcast %add3A_692 : i32 to vector<16xi32>
      %add3A_694 = arith.addi %broadcast_in_dim3A_688, %add3A_693 : vector<16xi32>
      %select_n3A_695 = arith.select %lt3A_691, %add3A_694, %broadcast_in_dim3A_688 : vector<16xi1>, vector<16xi32>
      %broadcast_in_dim3A_696 = vector.shape_cast %select_n3A_695 : vector<16xi32> to vector<16x1xi32>
      %gather3A_697 = vector.shape_cast %broadcast_in_dim3A_696 : vector<16x1xi32> to vector<16xi32>
      %gather3A_698 = tpu.dynamic_gather %get3A_567[%gather3A_697] in [0] : vector<16xf32>, vector<16xi32> -> vector<16xf32>
      %mul3A_699 = arith.mulf %gather3A_698, %mul3A_21 : vector<16xf32>
      %swap3A_700 = arith.constant 274 : i32
      %swap3A_701 = arith.index_cast %swap3A_700 : i32 to index
      %swap3A_702 = arith.constant 112 : index
      %swap3A_703 = tpu.vector_load %arg8[%swap3A_701, %swap3A_702] {strides = array<i32>} : memref<440x128xf32, #tpu.memory_space<vmem>>, vector<16xf32>,
      tpu.vector_store %arg8[%swap3A_701, %swap3A_702], %mul3A_699 {strides = array<i32>} : memref<440x128xf32, #tpu.memory_space<vmem>>, vector<16xf32>,
      %broadcast_in_dim3A_704 = arith.constant 8 : i32
      %broadcast_in_dim3A_705 = vector.broadcast %broadcast_in_dim3A_704 : i32 to vector<16xi32>
      %lt3A_706 = arith.constant 0 : i32
      %lt3A_707 = vector.broadcast %lt3A_706 : i32 to vector<16xi32>
      %lt3A_708 = arith.cmpi slt, %broadcast_in_dim3A_705, %lt3A_707 : vector<16xi32>
      %add3A_709 = arith.constant 16 : i32
      %add3A_710 = vector.broadcast %add3A_709 : i32 to vector<16xi32>
      %add3A_711 = arith.addi %broadcast_in_dim3A_705, %add3A_710 : vector<16xi32>
      %select_n3A_712 = arith.select %lt3A_708, %add3A_711, %broadcast_in_dim3A_705 : vector<16xi1>, vector<16xi32>
      %broadcast_in_dim3A_713 = vector.shape_cast %select_n3A_712 : vector<16xi32> to vector<16x1xi32>
      %gather3A_714 = vector.shape_cast %broadcast_in_dim3A_713 : vector<16x1xi32> to vector<16xi32>
      %gather3A_715 = tpu.dynamic_gather %get3A_567[%gather3A_714] in [0] : vector<16xf32>, vector<16xi32> -> vector<16xf32>
      %mul3A_716 = arith.mulf %gather3A_715, %mul3A_21 : vector<16xf32>
      %swap3A_717 = arith.constant 281 : i32
      %swap3A_718 = arith.index_cast %swap3A_717 : i32 to index
      %swap3A_719 = arith.constant 96 : index
      %swap3A_720 = tpu.vector_load %arg8[%swap3A_718, %swap3A_719] {strides = array<i32>} : memref<440x128xf32, #tpu.memory_space<vmem>>, vector<16xf32>,
      tpu.vector_store %arg8[%swap3A_718, %swap3A_719], %mul3A_716 {strides = array<i32>} : memref<440x128xf32, #tpu.memory_space<vmem>>, vector<16xf32>,
      %broadcast_in_dim3A_721 = arith.constant 9 : i32
      %broadcast_in_dim3A_722 = vector.broadcast %broadcast_in_dim3A_721 : i32 to vector<16xi32>
      %lt3A_723 = arith.constant 0 : i32
      %lt3A_724 = vector.broadcast %lt3A_723 : i32 to vector<16xi32>
      %lt3A_725 = arith.cmpi slt, %broadcast_in_dim3A_722, %lt3A_724 : vector<16xi32>
      %add3A_726 = arith.constant 16 : i32
      %add3A_727 = vector.broadcast %add3A_726 : i32 to vector<16xi32>
      %add3A_728 = arith.addi %broadcast_in_dim3A_722, %add3A_727 : vector<16xi32>
      %select_n3A_729 = arith.select %lt3A_725, %add3A_728, %broadcast_in_dim3A_722 : vector<16xi1>, vector<16xi32>
      %broadcast_in_dim3A_730 = vector.shape_cast %select_n3A_729 : vector<16xi32> to vector<16x1xi32>
      %gather3A_731 = vector.shape_cast %broadcast_in_dim3A_730 : vector<16x1xi32> to vector<16xi32>
      %gather3A_732 = tpu.dynamic_gather %get3A_567[%gather3A_731] in [0] : vector<16xf32>, vector<16xi32> -> vector<16xf32>
      %mul3A_733 = arith.mulf %gather3A_732, %mul3A_21 : vector<16xf32>
      %swap3A_734 = arith.constant 288 : i32
      %swap3A_735 = arith.index_cast %swap3A_734 : i32 to index
      %swap3A_736 = arith.constant 80 : index
      %swap3A_737 = tpu.vector_load %arg8[%swap3A_735, %swap3A_736] {strides = array<i32>} : memref<440x128xf32, #tpu.memory_space<vmem>>, vector<16xf32>,
      tpu.vector_store %arg8[%swap3A_735, %swap3A_736], %mul3A_733 {strides = array<i32>} : memref<440x128xf32, #tpu.memory_space<vmem>>, vector<16xf32>,
      %broadcast_in_dim3A_738 = arith.constant 10 : i32
      %broadcast_in_dim3A_739 = vector.broadcast %broadcast_in_dim3A_738 : i32 to vector<16xi32>
      %lt3A_740 = arith.constant 0 : i32
      %lt3A_741 = vector.broadcast %lt3A_740 : i32 to vector<16xi32>
      %lt3A_742 = arith.cmpi slt, %broadcast_in_dim3A_739, %lt3A_741 : vector<16xi32>
      %add3A_743 = arith.constant 16 : i32
      %add3A_744 = vector.broadcast %add3A_743 : i32 to vector<16xi32>
      %add3A_745 = arith.addi %broadcast_in_dim3A_739, %add3A_744 : vector<16xi32>
      %select_n3A_746 = arith.select %lt3A_742, %add3A_745, %broadcast_in_dim3A_739 : vector<16xi1>, vector<16xi32>
      %broadcast_in_dim3A_747 = vector.shape_cast %select_n3A_746 : vector<16xi32> to vector<16x1xi32>
      %gather3A_748 = vector.shape_cast %broadcast_in_dim3A_747 : vector<16x1xi32> to vector<16xi32>
      %gather3A_749 = tpu.dynamic_gather %get3A_567[%gather3A_748] in [0] : vector<16xf32>, vector<16xi32> -> vector<16xf32>
      %mul3A_750 = arith.mulf %gather3A_749, %mul3A_21 : vector<16xf32>
      %swap3A_751 = arith.constant 295 : i32
      %swap3A_752 = arith.index_cast %swap3A_751 : i32 to index
      %swap3A_753 = arith.constant 64 : index
      %swap3A_754 = tpu.vector_load %arg8[%swap3A_752, %swap3A_753] {strides = array<i32>} : memref<440x128xf32, #tpu.memory_space<vmem>>, vector<16xf32>,
      tpu.vector_store %arg8[%swap3A_752, %swap3A_753], %mul3A_750 {strides = array<i32>} : memref<440x128xf32, #tpu.memory_space<vmem>>, vector<16xf32>,
      %broadcast_in_dim3A_755 = arith.constant 11 : i32
      %broadcast_in_dim3A_756 = vector.broadcast %broadcast_in_dim3A_755 : i32 to vector<16xi32>
      %lt3A_757 = arith.constant 0 : i32
      %lt3A_758 = vector.broadcast %lt3A_757 : i32 to vector<16xi32>
      %lt3A_759 = arith.cmpi slt, %broadcast_in_dim3A_756, %lt3A_758 : vector<16xi32>
      %add3A_760 = arith.constant 16 : i32
      %add3A_761 = vector.broadcast %add3A_760 : i32 to vector<16xi32>
      %add3A_762 = arith.addi %broadcast_in_dim3A_756, %add3A_761 : vector<16xi32>
      %select_n3A_763 = arith.select %lt3A_759, %add3A_762, %broadcast_in_dim3A_756 : vector<16xi1>, vector<16xi32>
      %broadcast_in_dim3A_764 = vector.shape_cast %select_n3A_763 : vector<16xi32> to vector<16x1xi32>
      %gather3A_765 = vector.shape_cast %broadcast_in_dim3A_764 : vector<16x1xi32> to vector<16xi32>
      %gather3A_766 = tpu.dynamic_gather %get3A_567[%gather3A_765] in [0] : vector<16xf32>, vector<16xi32> -> vector<16xf32>
      %mul3A_767 = arith.mulf %gather3A_766, %mul3A_21 : vector<16xf32>
      %swap3A_768 = arith.constant 302 : i32
      %swap3A_769 = arith.index_cast %swap3A_768 : i32 to index
      %swap3A_770 = arith.constant 48 : index
      %swap3A_771 = tpu.vector_load %arg8[%swap3A_769, %swap3A_770] {strides = array<i32>} : memref<440x128xf32, #tpu.memory_space<vmem>>, vector<16xf32>,
      tpu.vector_store %arg8[%swap3A_769, %swap3A_770], %mul3A_767 {strides = array<i32>} : memref<440x128xf32, #tpu.memory_space<vmem>>, vector<16xf32>,
      %broadcast_in_dim3A_772 = arith.constant 12 : i32
      %broadcast_in_dim3A_773 = vector.broadcast %broadcast_in_dim3A_772 : i32 to vector<16xi32>
      %lt3A_774 = arith.constant 0 : i32
      %lt3A_775 = vector.broadcast %lt3A_774 : i32 to vector<16xi32>
      %lt3A_776 = arith.cmpi slt, %broadcast_in_dim3A_773, %lt3A_775 : vector<16xi32>
      %add3A_777 = arith.constant 16 : i32
      %add3A_778 = vector.broadcast %add3A_777 : i32 to vector<16xi32>
      %add3A_779 = arith.addi %broadcast_in_dim3A_773, %add3A_778 : vector<16xi32>
      %select_n3A_780 = arith.select %lt3A_776, %add3A_779, %broadcast_in_dim3A_773 : vector<16xi1>, vector<16xi32>
      %broadcast_in_dim3A_781 = vector.shape_cast %select_n3A_780 : vector<16xi32> to vector<16x1xi32>
      %gather3A_782 = vector.shape_cast %broadcast_in_dim3A_781 : vector<16x1xi32> to vector<16xi32>
      %gather3A_783 = tpu.dynamic_gather %get3A_567[%gather3A_782] in [0] : vector<16xf32>, vector<16xi32> -> vector<16xf32>
      %mul3A_784 = arith.mulf %gather3A_783, %mul3A_21 : vector<16xf32>
      %swap3A_785 = arith.constant 309 : i32
      %swap3A_786 = arith.index_cast %swap3A_785 : i32 to index
      %swap3A_787 = arith.constant 32 : index
      %swap3A_788 = tpu.vector_load %arg8[%swap3A_786, %swap3A_787] {strides = array<i32>} : memref<440x128xf32, #tpu.memory_space<vmem>>, vector<16xf32>,
      tpu.vector_store %arg8[%swap3A_786, %swap3A_787], %mul3A_784 {strides = array<i32>} : memref<440x128xf32, #tpu.memory_space<vmem>>, vector<16xf32>,
      %broadcast_in_dim3A_789 = arith.constant 13 : i32
      %broadcast_in_dim3A_790 = vector.broadcast %broadcast_in_dim3A_789 : i32 to vector<16xi32>
      %lt3A_791 = arith.constant 0 : i32
      %lt3A_792 = vector.broadcast %lt3A_791 : i32 to vector<16xi32>
      %lt3A_793 = arith.cmpi slt, %broadcast_in_dim3A_790, %lt3A_792 : vector<16xi32>
      %add3A_794 = arith.constant 16 : i32
      %add3A_795 = vector.broadcast %add3A_794 : i32 to vector<16xi32>
      %add3A_796 = arith.addi %broadcast_in_dim3A_790, %add3A_795 : vector<16xi32>
      %select_n3A_797 = arith.select %lt3A_793, %add3A_796, %broadcast_in_dim3A_790 : vector<16xi1>, vector<16xi32>
      %broadcast_in_dim3A_798 = vector.shape_cast %select_n3A_797 : vector<16xi32> to vector<16x1xi32>
      %gather3A_799 = vector.shape_cast %broadcast_in_dim3A_798 : vector<16x1xi32> to vector<16xi32>
      %gather3A_800 = tpu.dynamic_gather %get3A_567[%gather3A_799] in [0] : vector<16xf32>, vector<16xi32> -> vector<16xf32>
      %mul3A_801 = arith.mulf %gather3A_800, %mul3A_21 : vector<16xf32>
      %swap3A_802 = arith.constant 316 : i32
      %swap3A_803 = arith.index_cast %swap3A_802 : i32 to index
      %swap3A_804 = arith.constant 16 : index
      %swap3A_805 = tpu.vector_load %arg8[%swap3A_803, %swap3A_804] {strides = array<i32>} : memref<440x128xf32, #tpu.memory_space<vmem>>, vector<16xf32>,
      tpu.vector_store %arg8[%swap3A_803, %swap3A_804], %mul3A_801 {strides = array<i32>} : memref<440x128xf32, #tpu.memory_space<vmem>>, vector<16xf32>,
      %broadcast_in_dim3A_806 = arith.constant 14 : i32
      %broadcast_in_dim3A_807 = vector.broadcast %broadcast_in_dim3A_806 : i32 to vector<16xi32>
      %lt3A_808 = arith.constant 0 : i32
      %lt3A_809 = vector.broadcast %lt3A_808 : i32 to vector<16xi32>
      %lt3A_810 = arith.cmpi slt, %broadcast_in_dim3A_807, %lt3A_809 : vector<16xi32>
      %add3A_811 = arith.constant 16 : i32
      %add3A_812 = vector.broadcast %add3A_811 : i32 to vector<16xi32>
      %add3A_813 = arith.addi %broadcast_in_dim3A_807, %add3A_812 : vector<16xi32>
      %select_n3A_814 = arith.select %lt3A_810, %add3A_813, %broadcast_in_dim3A_807 : vector<16xi1>, vector<16xi32>
      %broadcast_in_dim3A_815 = vector.shape_cast %select_n3A_814 : vector<16xi32> to vector<16x1xi32>
      %gather3A_816 = vector.shape_cast %broadcast_in_dim3A_815 : vector<16x1xi32> to vector<16xi32>
      %gather3A_817 = tpu.dynamic_gather %get3A_567[%gather3A_816] in [0] : vector<16xf32>, vector<16xi32> -> vector<16xf32>
      %mul3A_818 = arith.mulf %gather3A_817, %mul3A_21 : vector<16xf32>
      %swap3A_819 = arith.constant 323 : i32
      %swap3A_820 = arith.index_cast %swap3A_819 : i32 to index
      %swap3A_821 = arith.constant 0 : index
      %swap3A_822 = tpu.vector_load %arg8[%swap3A_820, %swap3A_821] {strides = array<i32>} : memref<440x128xf32, #tpu.memory_space<vmem>>, vector<16xf32>,
      tpu.vector_store %arg8[%swap3A_820, %swap3A_821], %mul3A_818 {strides = array<i32>} : memref<440x128xf32, #tpu.memory_space<vmem>>, vector<16xf32>,
      %broadcast_in_dim3A_823 = arith.constant 15 : i32
      %broadcast_in_dim3A_824 = vector.broadcast %broadcast_in_dim3A_823 : i32 to vector<16xi32>
      %lt3A_825 = arith.constant 0 : i32
      %lt3A_826 = vector.broadcast %lt3A_825 : i32 to vector<16xi32>
      %lt3A_827 = arith.cmpi slt, %broadcast_in_dim3A_824, %lt3A_826 : vector<16xi32>
      %add3A_828 = arith.constant 16 : i32
      %add3A_829 = vector.broadcast %add3A_828 : i32 to vector<16xi32>
      %add3A_830 = arith.addi %broadcast_in_dim3A_824, %add3A_829 : vector<16xi32>
      %select_n3A_831 = arith.select %lt3A_827, %add3A_830, %broadcast_in_dim3A_824 : vector<16xi1>, vector<16xi32>
      %broadcast_in_dim3A_832 = vector.shape_cast %select_n3A_831 : vector<16xi32> to vector<16x1xi32>
      %gather3A_833 = vector.shape_cast %broadcast_in_dim3A_832 : vector<16x1xi32> to vector<16xi32>
      %gather3A_834 = tpu.dynamic_gather %get3A_567[%gather3A_833] in [0] : vector<16xf32>, vector<16xi32> -> vector<16xf32>
      %mul3A_835 = arith.mulf %gather3A_834, %mul3A_21 : vector<16xf32>
      %swap3A_836 = arith.constant 329 : i32
      %swap3A_837 = arith.index_cast %swap3A_836 : i32 to index
      %swap3A_838 = arith.constant 112 : index
      %swap3A_839 = tpu.vector_load %arg8[%swap3A_837, %swap3A_838] {strides = array<i32>} : memref<440x128xf32, #tpu.memory_space<vmem>>, vector<16xf32>,
      tpu.vector_store %arg8[%swap3A_837, %swap3A_838], %mul3A_835 {strides = array<i32>} : memref<440x128xf32, #tpu.memory_space<vmem>>, vector<16xf32>,
      %get3A_840 = arith.constant 48 : index
      %get3A_841 = tpu.vector_load %arg10[%get3A_840] {strides = array<i32>} : memref<64xf32, #tpu.memory_space<vmem>>, vector<16xf32>,
      %broadcast_in_dim3A_842 = arith.constant 0 : i32
      %broadcast_in_dim3A_843 = vector.broadcast %broadcast_in_dim3A_842 : i32 to vector<16xi32>
      %lt3A_844 = arith.constant 0 : i32
      %lt3A_845 = vector.broadcast %lt3A_844 : i32 to vector<16xi32>
      %lt3A_846 = arith.cmpi slt, %broadcast_in_dim3A_843, %lt3A_845 : vector<16xi32>
      %add3A_847 = arith.constant 16 : i32
      %add3A_848 = vector.broadcast %add3A_847 : i32 to vector<16xi32>
      %add3A_849 = arith.addi %broadcast_in_dim3A_843, %add3A_848 : vector<16xi32>
      %select_n3A_850 = arith.select %lt3A_846, %add3A_849, %broadcast_in_dim3A_843 : vector<16xi1>, vector<16xi32>
      %broadcast_in_dim3A_851 = vector.shape_cast %select_n3A_850 : vector<16xi32> to vector<16x1xi32>
      %gather3A_852 = vector.shape_cast %broadcast_in_dim3A_851 : vector<16x1xi32> to vector<16xi32>
      %gather3A_853 = tpu.dynamic_gather %get3A_841[%gather3A_852] in [0] : vector<16xf32>, vector<16xi32> -> vector<16xf32>
      %mul3A_854 = arith.mulf %gather3A_853, %mul3A_21 : vector<16xf32>
      %swap3A_855 = arith.constant 336 : i32
      %swap3A_856 = arith.index_cast %swap3A_855 : i32 to index
      %swap3A_857 = arith.constant 96 : index
      %swap3A_858 = tpu.vector_load %arg8[%swap3A_856, %swap3A_857] {strides = array<i32>} : memref<440x128xf32, #tpu.memory_space<vmem>>, vector<16xf32>,
      tpu.vector_store %arg8[%swap3A_856, %swap3A_857], %mul3A_854 {strides = array<i32>} : memref<440x128xf32, #tpu.memory_space<vmem>>, vector<16xf32>,
      %broadcast_in_dim3A_859 = arith.constant 1 : i32
      %broadcast_in_dim3A_860 = vector.broadcast %broadcast_in_dim3A_859 : i32 to vector<16xi32>
      %lt3A_861 = arith.constant 0 : i32
      %lt3A_862 = vector.broadcast %lt3A_861 : i32 to vector<16xi32>
      %lt3A_863 = arith.cmpi slt, %broadcast_in_dim3A_860, %lt3A_862 : vector<16xi32>
      %add3A_864 = arith.constant 16 : i32
      %add3A_865 = vector.broadcast %add3A_864 : i32 to vector<16xi32>
      %add3A_866 = arith.addi %broadcast_in_dim3A_860, %add3A_865 : vector<16xi32>
      %select_n3A_867 = arith.select %lt3A_863, %add3A_866, %broadcast_in_dim3A_860 : vector<16xi1>, vector<16xi32>
      %broadcast_in_dim3A_868 = vector.shape_cast %select_n3A_867 : vector<16xi32> to vector<16x1xi32>
      %gather3A_869 = vector.shape_cast %broadcast_in_dim3A_868 : vector<16x1xi32> to vector<16xi32>
      %gather3A_870 = tpu.dynamic_gather %get3A_841[%gather3A_869] in [0] : vector<16xf32>, vector<16xi32> -> vector<16xf32>
      %mul3A_871 = arith.mulf %gather3A_870, %mul3A_21 : vector<16xf32>
      %swap3A_872 = arith.constant 343 : i32
      %swap3A_873 = arith.index_cast %swap3A_872 : i32 to index
      %swap3A_874 = arith.constant 80 : index
      %swap3A_875 = tpu.vector_load %arg8[%swap3A_873, %swap3A_874] {strides = array<i32>} : memref<440x128xf32, #tpu.memory_space<vmem>>, vector<16xf32>,
      tpu.vector_store %arg8[%swap3A_873, %swap3A_874], %mul3A_871 {strides = array<i32>} : memref<440x128xf32, #tpu.memory_space<vmem>>, vector<16xf32>,
      %broadcast_in_dim3A_876 = arith.constant 2 : i32
      %broadcast_in_dim3A_877 = vector.broadcast %broadcast_in_dim3A_876 : i32 to vector<16xi32>
      %lt3A_878 = arith.constant 0 : i32
      %lt3A_879 = vector.broadcast %lt3A_878 : i32 to vector<16xi32>
      %lt3A_880 = arith.cmpi slt, %broadcast_in_dim3A_877, %lt3A_879 : vector<16xi32>
      %add3A_881 = arith.constant 16 : i32
      %add3A_882 = vector.broadcast %add3A_881 : i32 to vector<16xi32>
      %add3A_883 = arith.addi %broadcast_in_dim3A_877, %add3A_882 : vector<16xi32>
      %select_n3A_884 = arith.select %lt3A_880, %add3A_883, %broadcast_in_dim3A_877 : vector<16xi1>, vector<16xi32>
      %broadcast_in_dim3A_885 = vector.shape_cast %select_n3A_884 : vector<16xi32> to vector<16x1xi32>
      %gather3A_886 = vector.shape_cast %broadcast_in_dim3A_885 : vector<16x1xi32> to vector<16xi32>
      %gather3A_887 = tpu.dynamic_gather %get3A_841[%gather3A_886] in [0] : vector<16xf32>, vector<16xi32> -> vector<16xf32>
      %mul3A_888 = arith.mulf %gather3A_887, %mul3A_21 : vector<16xf32>
      %swap3A_889 = arith.constant 350 : i32
      %swap3A_890 = arith.index_cast %swap3A_889 : i32 to index
      %swap3A_891 = arith.constant 64 : index
      %swap3A_892 = tpu.vector_load %arg8[%swap3A_890, %swap3A_891] {strides = array<i32>} : memref<440x128xf32, #tpu.memory_space<vmem>>, vector<16xf32>,
      tpu.vector_store %arg8[%swap3A_890, %swap3A_891], %mul3A_888 {strides = array<i32>} : memref<440x128xf32, #tpu.memory_space<vmem>>, vector<16xf32>,
      %broadcast_in_dim3A_893 = arith.constant 3 : i32
      %broadcast_in_dim3A_894 = vector.broadcast %broadcast_in_dim3A_893 : i32 to vector<16xi32>
      %lt3A_895 = arith.constant 0 : i32
      %lt3A_896 = vector.broadcast %lt3A_895 : i32 to vector<16xi32>
      %lt3A_897 = arith.cmpi slt, %broadcast_in_dim3A_894, %lt3A_896 : vector<16xi32>
      %add3A_898 = arith.constant 16 : i32
      %add3A_899 = vector.broadcast %add3A_898 : i32 to vector<16xi32>
      %add3A_900 = arith.addi %broadcast_in_dim3A_894, %add3A_899 : vector<16xi32>
      %select_n3A_901 = arith.select %lt3A_897, %add3A_900, %broadcast_in_dim3A_894 : vector<16xi1>, vector<16xi32>
      %broadcast_in_dim3A_902 = vector.shape_cast %select_n3A_901 : vector<16xi32> to vector<16x1xi32>
      %gather3A_903 = vector.shape_cast %broadcast_in_dim3A_902 : vector<16x1xi32> to vector<16xi32>
      %gather3A_904 = tpu.dynamic_gather %get3A_841[%gather3A_903] in [0] : vector<16xf32>, vector<16xi32> -> vector<16xf32>
      %mul3A_905 = arith.mulf %gather3A_904, %mul3A_21 : vector<16xf32>
      %swap3A_906 = arith.constant 357 : i32
      %swap3A_907 = arith.index_cast %swap3A_906 : i32 to index
      %swap3A_908 = arith.constant 48 : index
      %swap3A_909 = tpu.vector_load %arg8[%swap3A_907, %swap3A_908] {strides = array<i32>} : memref<440x128xf32, #tpu.memory_space<vmem>>, vector<16xf32>,
      tpu.vector_store %arg8[%swap3A_907, %swap3A_908], %mul3A_905 {strides = array<i32>} : memref<440x128xf32, #tpu.memory_space<vmem>>, vector<16xf32>,
      %broadcast_in_dim3A_910 = arith.constant 4 : i32
      %broadcast_in_dim3A_911 = vector.broadcast %broadcast_in_dim3A_910 : i32 to vector<16xi32>
      %lt3A_912 = arith.constant 0 : i32
      %lt3A_913 = vector.broadcast %lt3A_912 : i32 to vector<16xi32>
      %lt3A_914 = arith.cmpi slt, %broadcast_in_dim3A_911, %lt3A_913 : vector<16xi32>
      %add3A_915 = arith.constant 16 : i32
      %add3A_916 = vector.broadcast %add3A_915 : i32 to vector<16xi32>
      %add3A_917 = arith.addi %broadcast_in_dim3A_911, %add3A_916 : vector<16xi32>
      %select_n3A_918 = arith.select %lt3A_914, %add3A_917, %broadcast_in_dim3A_911 : vector<16xi1>, vector<16xi32>
      %broadcast_in_dim3A_919 = vector.shape_cast %select_n3A_918 : vector<16xi32> to vector<16x1xi32>
      %gather3A_920 = vector.shape_cast %broadcast_in_dim3A_919 : vector<16x1xi32> to vector<16xi32>
      %gather3A_921 = tpu.dynamic_gather %get3A_841[%gather3A_920] in [0] : vector<16xf32>, vector<16xi32> -> vector<16xf32>
      %mul3A_922 = arith.mulf %gather3A_921, %mul3A_21 : vector<16xf32>
      %swap3A_923 = arith.constant 364 : i32
      %swap3A_924 = arith.index_cast %swap3A_923 : i32 to index
      %swap3A_925 = arith.constant 32 : index
      %swap3A_926 = tpu.vector_load %arg8[%swap3A_924, %swap3A_925] {strides = array<i32>} : memref<440x128xf32, #tpu.memory_space<vmem>>, vector<16xf32>,
      tpu.vector_store %arg8[%swap3A_924, %swap3A_925], %mul3A_922 {strides = array<i32>} : memref<440x128xf32, #tpu.memory_space<vmem>>, vector<16xf32>,
      %broadcast_in_dim3A_927 = arith.constant 5 : i32
      %broadcast_in_dim3A_928 = vector.broadcast %broadcast_in_dim3A_927 : i32 to vector<16xi32>
      %lt3A_929 = arith.constant 0 : i32
      %lt3A_930 = vector.broadcast %lt3A_929 : i32 to vector<16xi32>
      %lt3A_931 = arith.cmpi slt, %broadcast_in_dim3A_928, %lt3A_930 : vector<16xi32>
      %add3A_932 = arith.constant 16 : i32
      %add3A_933 = vector.broadcast %add3A_932 : i32 to vector<16xi32>
      %add3A_934 = arith.addi %broadcast_in_dim3A_928, %add3A_933 : vector<16xi32>
      %select_n3A_935 = arith.select %lt3A_931, %add3A_934, %broadcast_in_dim3A_928 : vector<16xi1>, vector<16xi32>
      %broadcast_in_dim3A_936 = vector.shape_cast %select_n3A_935 : vector<16xi32> to vector<16x1xi32>
      %gather3A_937 = vector.shape_cast %broadcast_in_dim3A_936 : vector<16x1xi32> to vector<16xi32>
      %gather3A_938 = tpu.dynamic_gather %get3A_841[%gather3A_937] in [0] : vector<16xf32>, vector<16xi32> -> vector<16xf32>
      %mul3A_939 = arith.mulf %gather3A_938, %mul3A_21 : vector<16xf32>
      %swap3A_940 = arith.constant 371 : i32
      %swap3A_941 = arith.index_cast %swap3A_940 : i32 to index
      %swap3A_942 = arith.constant 16 : index
      %swap3A_943 = tpu.vector_load %arg8[%swap3A_941, %swap3A_942] {strides = array<i32>} : memref<440x128xf32, #tpu.memory_space<vmem>>, vector<16xf32>,
      tpu.vector_store %arg8[%swap3A_941, %swap3A_942], %mul3A_939 {strides = array<i32>} : memref<440x128xf32, #tpu.memory_space<vmem>>, vector<16xf32>,
      %broadcast_in_dim3A_944 = arith.constant 6 : i32
      %broadcast_in_dim3A_945 = vector.broadcast %broadcast_in_dim3A_944 : i32 to vector<16xi32>
      %lt3A_946 = arith.constant 0 : i32
      %lt3A_947 = vector.broadcast %lt3A_946 : i32 to vector<16xi32>
      %lt3A_948 = arith.cmpi slt, %broadcast_in_dim3A_945, %lt3A_947 : vector<16xi32>
      %add3A_949 = arith.constant 16 : i32
      %add3A_950 = vector.broadcast %add3A_949 : i32 to vector<16xi32>
      %add3A_951 = arith.addi %broadcast_in_dim3A_945, %add3A_950 : vector<16xi32>
      %select_n3A_952 = arith.select %lt3A_948, %add3A_951, %broadcast_in_dim3A_945 : vector<16xi1>, vector<16xi32>
      %broadcast_in_dim3A_953 = vector.shape_cast %select_n3A_952 : vector<16xi32> to vector<16x1xi32>
      %gather3A_954 = vector.shape_cast %broadcast_in_dim3A_953 : vector<16x1xi32> to vector<16xi32>
      %gather3A_955 = tpu.dynamic_gather %get3A_841[%gather3A_954] in [0] : vector<16xf32>, vector<16xi32> -> vector<16xf32>
      %mul3A_956 = arith.mulf %gather3A_955, %mul3A_21 : vector<16xf32>
      %swap3A_957 = arith.constant 378 : i32
      %swap3A_958 = arith.index_cast %swap3A_957 : i32 to index
      %swap3A_959 = arith.constant 0 : index
      %swap3A_960 = tpu.vector_load %arg8[%swap3A_958, %swap3A_959] {strides = array<i32>} : memref<440x128xf32, #tpu.memory_space<vmem>>, vector<16xf32>,
      tpu.vector_store %arg8[%swap3A_958, %swap3A_959], %mul3A_956 {strides = array<i32>} : memref<440x128xf32, #tpu.memory_space<vmem>>, vector<16xf32>,
      %broadcast_in_dim3A_961 = arith.constant 7 : i32
      %broadcast_in_dim3A_962 = vector.broadcast %broadcast_in_dim3A_961 : i32 to vector<16xi32>
      %lt3A_963 = arith.constant 0 : i32
      %lt3A_964 = vector.broadcast %lt3A_963 : i32 to vector<16xi32>
      %lt3A_965 = arith.cmpi slt, %broadcast_in_dim3A_962, %lt3A_964 : vector<16xi32>
      %add3A_966 = arith.constant 16 : i32
      %add3A_967 = vector.broadcast %add3A_966 : i32 to vector<16xi32>
      %add3A_968 = arith.addi %broadcast_in_dim3A_962, %add3A_967 : vector<16xi32>
      %select_n3A_969 = arith.select %lt3A_965, %add3A_968, %broadcast_in_dim3A_962 : vector<16xi1>, vector<16xi32>
      %broadcast_in_dim3A_970 = vector.shape_cast %select_n3A_969 : vector<16xi32> to vector<16x1xi32>
      %gather3A_971 = vector.shape_cast %broadcast_in_dim3A_970 : vector<16x1xi32> to vector<16xi32>
      %gather3A_972 = tpu.dynamic_gather %get3A_841[%gather3A_971] in [0] : vector<16xf32>, vector<16xi32> -> vector<16xf32>
      %mul3A_973 = arith.mulf %gather3A_972, %mul3A_21 : vector<16xf32>
      %swap3A_974 = arith.constant 384 : i32
      %swap3A_975 = arith.index_cast %swap3A_974 : i32 to index
      %swap3A_976 = arith.constant 112 : index
      %swap3A_977 = tpu.vector_load %arg8[%swap3A_975, %swap3A_976] {strides = array<i32>} : memref<440x128xf32, #tpu.memory_space<vmem>>, vector<16xf32>,
      tpu.vector_store %arg8[%swap3A_975, %swap3A_976], %mul3A_973 {strides = array<i32>} : memref<440x128xf32, #tpu.memory_space<vmem>>, vector<16xf32>,
      %broadcast_in_dim3A_978 = arith.constant 8 : i32
      %broadcast_in_dim3A_979 = vector.broadcast %broadcast_in_dim3A_978 : i32 to vector<16xi32>
      %lt3A_980 = arith.constant 0 : i32
      %lt3A_981 = vector.broadcast %lt3A_980 : i32 to vector<16xi32>
      %lt3A_982 = arith.cmpi slt, %broadcast_in_dim3A_979, %lt3A_981 : vector<16xi32>
      %add3A_983 = arith.constant 16 : i32
      %add3A_984 = vector.broadcast %add3A_983 : i32 to vector<16xi32>
      %add3A_985 = arith.addi %broadcast_in_dim3A_979, %add3A_984 : vector<16xi32>
      %select_n3A_986 = arith.select %lt3A_982, %add3A_985, %broadcast_in_dim3A_979 : vector<16xi1>, vector<16xi32>
      %broadcast_in_dim3A_987 = vector.shape_cast %select_n3A_986 : vector<16xi32> to vector<16x1xi32>
      %gather3A_988 = vector.shape_cast %broadcast_in_dim3A_987 : vector<16x1xi32> to vector<16xi32>
      %gather3A_989 = tpu.dynamic_gather %get3A_841[%gather3A_988] in [0] : vector<16xf32>, vector<16xi32> -> vector<16xf32>
      %mul3A_990 = arith.mulf %gather3A_989, %mul3A_21 : vector<16xf32>
      %swap3A_991 = arith.constant 391 : i32
      %swap3A_992 = arith.index_cast %swap3A_991 : i32 to index
      %swap3A_993 = arith.constant 96 : index
      %swap3A_994 = tpu.vector_load %arg8[%swap3A_992, %swap3A_993] {strides = array<i32>} : memref<440x128xf32, #tpu.memory_space<vmem>>, vector<16xf32>,
      tpu.vector_store %arg8[%swap3A_992, %swap3A_993], %mul3A_990 {strides = array<i32>} : memref<440x128xf32, #tpu.memory_space<vmem>>, vector<16xf32>,
      %broadcast_in_dim3A_995 = arith.constant 9 : i32
      %broadcast_in_dim3A_996 = vector.broadcast %broadcast_in_dim3A_995 : i32 to vector<16xi32>
      %lt3A_997 = arith.constant 0 : i32
      %lt3A_998 = vector.broadcast %lt3A_997 : i32 to vector<16xi32>
      %lt3A_999 = arith.cmpi slt, %broadcast_in_dim3A_996, %lt3A_998 : vector<16xi32>
      %add3A_1000 = arith.constant 16 : i32
      %add3A_1001 = vector.broadcast %add3A_1000 : i32 to vector<16xi32>
      %add3A_1002 = arith.addi %broadcast_in_dim3A_996, %add3A_1001 : vector<16xi32>
      %select_n3A_1003 = arith.select %lt3A_999, %add3A_1002, %broadcast_in_dim3A_996 : vector<16xi1>, vector<16xi32>
      %broadcast_in_dim3A_1004 = vector.shape_cast %select_n3A_1003 : vector<16xi32> to vector<16x1xi32>
      %gather3A_1005 = vector.shape_cast %broadcast_in_dim3A_1004 : vector<16x1xi32> to vector<16xi32>
      %gather3A_1006 = tpu.dynamic_gather %get3A_841[%gather3A_1005] in [0] : vector<16xf32>, vector<16xi32> -> vector<16xf32>
      %mul3A_1007 = arith.mulf %gather3A_1006, %mul3A_21 : vector<16xf32>
      %swap3A_1008 = arith.constant 398 : i32
      %swap3A_1009 = arith.index_cast %swap3A_1008 : i32 to index
      %swap3A_1010 = arith.constant 80 : index
      %swap3A_1011 = tpu.vector_load %arg8[%swap3A_1009, %swap3A_1010] {strides = array<i32>} : memref<440x128xf32, #tpu.memory_space<vmem>>, vector<16xf32>,
      tpu.vector_store %arg8[%swap3A_1009, %swap3A_1010], %mul3A_1007 {strides = array<i32>} : memref<440x128xf32, #tpu.memory_space<vmem>>, vector<16xf32>,
      %broadcast_in_dim3A_1012 = arith.constant 10 : i32
      %broadcast_in_dim3A_1013 = vector.broadcast %broadcast_in_dim3A_1012 : i32 to vector<16xi32>
      %lt3A_1014 = arith.constant 0 : i32
      %lt3A_1015 = vector.broadcast %lt3A_1014 : i32 to vector<16xi32>
      %lt3A_1016 = arith.cmpi slt, %broadcast_in_dim3A_1013, %lt3A_1015 : vector<16xi32>
      %add3A_1017 = arith.constant 16 : i32
      %add3A_1018 = vector.broadcast %add3A_1017 : i32 to vector<16xi32>
      %add3A_1019 = arith.addi %broadcast_in_dim3A_1013, %add3A_1018 : vector<16xi32>
      %select_n3A_1020 = arith.select %lt3A_1016, %add3A_1019, %broadcast_in_dim3A_1013 : vector<16xi1>, vector<16xi32>
      %broadcast_in_dim3A_1021 = vector.shape_cast %select_n3A_1020 : vector<16xi32> to vector<16x1xi32>
      %gather3A_1022 = vector.shape_cast %broadcast_in_dim3A_1021 : vector<16x1xi32> to vector<16xi32>
      %gather3A_1023 = tpu.dynamic_gather %get3A_841[%gather3A_1022] in [0] : vector<16xf32>, vector<16xi32> -> vector<16xf32>
      %mul3A_1024 = arith.mulf %gather3A_1023, %mul3A_21 : vector<16xf32>
      %swap3A_1025 = arith.constant 405 : i32
      %swap3A_1026 = arith.index_cast %swap3A_1025 : i32 to index
      %swap3A_1027 = arith.constant 64 : index
      %swap3A_1028 = tpu.vector_load %arg8[%swap3A_1026, %swap3A_1027] {strides = array<i32>} : memref<440x128xf32, #tpu.memory_space<vmem>>, vector<16xf32>,
      tpu.vector_store %arg8[%swap3A_1026, %swap3A_1027], %mul3A_1024 {strides = array<i32>} : memref<440x128xf32, #tpu.memory_space<vmem>>, vector<16xf32>,
      %broadcast_in_dim3A_1029 = arith.constant 11 : i32
      %broadcast_in_dim3A_1030 = vector.broadcast %broadcast_in_dim3A_1029 : i32 to vector<16xi32>
      %lt3A_1031 = arith.constant 0 : i32
      %lt3A_1032 = vector.broadcast %lt3A_1031 : i32 to vector<16xi32>
      %lt3A_1033 = arith.cmpi slt, %broadcast_in_dim3A_1030, %lt3A_1032 : vector<16xi32>
      %add3A_1034 = arith.constant 16 : i32
      %add3A_1035 = vector.broadcast %add3A_1034 : i32 to vector<16xi32>
      %add3A_1036 = arith.addi %broadcast_in_dim3A_1030, %add3A_1035 : vector<16xi32>
      %select_n3A_1037 = arith.select %lt3A_1033, %add3A_1036, %broadcast_in_dim3A_1030 : vector<16xi1>, vector<16xi32>
      %broadcast_in_dim3A_1038 = vector.shape_cast %select_n3A_1037 : vector<16xi32> to vector<16x1xi32>
      %gather3A_1039 = vector.shape_cast %broadcast_in_dim3A_1038 : vector<16x1xi32> to vector<16xi32>
      %gather3A_1040 = tpu.dynamic_gather %get3A_841[%gather3A_1039] in [0] : vector<16xf32>, vector<16xi32> -> vector<16xf32>
      %mul3A_1041 = arith.mulf %gather3A_1040, %mul3A_21 : vector<16xf32>
      %swap3A_1042 = arith.constant 412 : i32
      %swap3A_1043 = arith.index_cast %swap3A_1042 : i32 to index
      %swap3A_1044 = arith.constant 48 : index
      %swap3A_1045 = tpu.vector_load %arg8[%swap3A_1043, %swap3A_1044] {strides = array<i32>} : memref<440x128xf32, #tpu.memory_space<vmem>>, vector<16xf32>,
      tpu.vector_store %arg8[%swap3A_1043, %swap3A_1044], %mul3A_1041 {strides = array<i32>} : memref<440x128xf32, #tpu.memory_space<vmem>>, vector<16xf32>,
      %broadcast_in_dim3A_1046 = arith.constant 12 : i32
      %broadcast_in_dim3A_1047 = vector.broadcast %broadcast_in_dim3A_1046 : i32 to vector<16xi32>
      %lt3A_1048 = arith.constant 0 : i32
      %lt3A_1049 = vector.broadcast %lt3A_1048 : i32 to vector<16xi32>
      %lt3A_1050 = arith.cmpi slt, %broadcast_in_dim3A_1047, %lt3A_1049 : vector<16xi32>
      %add3A_1051 = arith.constant 16 : i32
      %add3A_1052 = vector.broadcast %add3A_1051 : i32 to vector<16xi32>
      %add3A_1053 = arith.addi %broadcast_in_dim3A_1047, %add3A_1052 : vector<16xi32>
      %select_n3A_1054 = arith.select %lt3A_1050, %add3A_1053, %broadcast_in_dim3A_1047 : vector<16xi1>, vector<16xi32>
      %broadcast_in_dim3A_1055 = vector.shape_cast %select_n3A_1054 : vector<16xi32> to vector<16x1xi32>
      %gather3A_1056 = vector.shape_cast %broadcast_in_dim3A_1055 : vector<16x1xi32> to vector<16xi32>
      %gather3A_1057 = tpu.dynamic_gather %get3A_841[%gather3A_1056] in [0] : vector<16xf32>, vector<16xi32> -> vector<16xf32>
      %mul3A_1058 = arith.mulf %gather3A_1057, %mul3A_21 : vector<16xf32>
      %swap3A_1059 = arith.constant 419 : i32
      %swap3A_1060 = arith.index_cast %swap3A_1059 : i32 to index
      %swap3A_1061 = arith.constant 32 : index
      %swap3A_1062 = tpu.vector_load %arg8[%swap3A_1060, %swap3A_1061] {strides = array<i32>} : memref<440x128xf32, #tpu.memory_space<vmem>>, vector<16xf32>,
      tpu.vector_store %arg8[%swap3A_1060, %swap3A_1061], %mul3A_1058 {strides = array<i32>} : memref<440x128xf32, #tpu.memory_space<vmem>>, vector<16xf32>,
      %broadcast_in_dim3A_1063 = arith.constant 13 : i32
      %broadcast_in_dim3A_1064 = vector.broadcast %broadcast_in_dim3A_1063 : i32 to vector<16xi32>
      %lt3A_1065 = arith.constant 0 : i32
      %lt3A_1066 = vector.broadcast %lt3A_1065 : i32 to vector<16xi32>
      %lt3A_1067 = arith.cmpi slt, %broadcast_in_dim3A_1064, %lt3A_1066 : vector<16xi32>
      %add3A_1068 = arith.constant 16 : i32
      %add3A_1069 = vector.broadcast %add3A_1068 : i32 to vector<16xi32>
      %add3A_1070 = arith.addi %broadcast_in_dim3A_1064, %add3A_1069 : vector<16xi32>
      %select_n3A_1071 = arith.select %lt3A_1067, %add3A_1070, %broadcast_in_dim3A_1064 : vector<16xi1>, vector<16xi32>
      %broadcast_in_dim3A_1072 = vector.shape_cast %select_n3A_1071 : vector<16xi32> to vector<16x1xi32>
      %gather3A_1073 = vector.shape_cast %broadcast_in_dim3A_1072 : vector<16x1xi32> to vector<16xi32>
      %gather3A_1074 = tpu.dynamic_gather %get3A_841[%gather3A_1073] in [0] : vector<16xf32>, vector<16xi32> -> vector<16xf32>
      %mul3A_1075 = arith.mulf %gather3A_1074, %mul3A_21 : vector<16xf32>
      %swap3A_1076 = arith.constant 426 : i32
      %swap3A_1077 = arith.index_cast %swap3A_1076 : i32 to index
      %swap3A_1078 = arith.constant 16 : index
      %swap3A_1079 = tpu.vector_load %arg8[%swap3A_1077, %swap3A_1078] {strides = array<i32>} : memref<440x128xf32, #tpu.memory_space<vmem>>, vector<16xf32>,
      tpu.vector_store %arg8[%swap3A_1077, %swap3A_1078], %mul3A_1075 {strides = array<i32>} : memref<440x128xf32, #tpu.memory_space<vmem>>, vector<16xf32>,
      %broadcast_in_dim3A_1080 = arith.constant 14 : i32
      %broadcast_in_dim3A_1081 = vector.broadcast %broadcast_in_dim3A_1080 : i32 to vector<16xi32>
      %lt3A_1082 = arith.constant 0 : i32
      %lt3A_1083 = vector.broadcast %lt3A_1082 : i32 to vector<16xi32>
      %lt3A_1084 = arith.cmpi slt, %broadcast_in_dim3A_1081, %lt3A_1083 : vector<16xi32>
      %add3A_1085 = arith.constant 16 : i32
      %add3A_1086 = vector.broadcast %add3A_1085 : i32 to vector<16xi32>
      %add3A_1087 = arith.addi %broadcast_in_dim3A_1081, %add3A_1086 : vector<16xi32>
      %select_n3A_1088 = arith.select %lt3A_1084, %add3A_1087, %broadcast_in_dim3A_1081 : vector<16xi1>, vector<16xi32>
      %broadcast_in_dim3A_1089 = vector.shape_cast %select_n3A_1088 : vector<16xi32> to vector<16x1xi32>
      %gather3A_1090 = vector.shape_cast %broadcast_in_dim3A_1089 : vector<16x1xi32> to vector<16xi32>
      %gather3A_1091 = tpu.dynamic_gather %get3A_841[%gather3A_1090] in [0] : vector<16xf32>, vector<16xi32> -> vector<16xf32>
      %mul3A_1092 = arith.mulf %gather3A_1091, %mul3A_21 : vector<16xf32>
      %swap3A_1093 = arith.constant 433 : i32
      %swap3A_1094 = arith.index_cast %swap3A_1093 : i32 to index
      %swap3A_1095 = arith.constant 0 : index
      %swap3A_1096 = tpu.vector_load %arg8[%swap3A_1094, %swap3A_1095] {strides = array<i32>} : memref<440x128xf32, #tpu.memory_space<vmem>>, vector<16xf32>,
      tpu.vector_store %arg8[%swap3A_1094, %swap3A_1095], %mul3A_1092 {strides = array<i32>} : memref<440x128xf32, #tpu.memory_space<vmem>>, vector<16xf32>,
      %broadcast_in_dim3A_1097 = arith.constant 15 : i32
      %broadcast_in_dim3A_1098 = vector.broadcast %broadcast_in_dim3A_1097 : i32 to vector<16xi32>
      %lt3A_1099 = arith.constant 0 : i32
      %lt3A_1100 = vector.broadcast %lt3A_1099 : i32 to vector<16xi32>
      %lt3A_1101 = arith.cmpi slt, %broadcast_in_dim3A_1098, %lt3A_1100 : vector<16xi32>
      %add3A_1102 = arith.constant 16 : i32
      %add3A_1103 = vector.broadcast %add3A_1102 : i32 to vector<16xi32>
      %add3A_1104 = arith.addi %broadcast_in_dim3A_1098, %add3A_1103 : vector<16xi32>
      %select_n3A_1105 = arith.select %lt3A_1101, %add3A_1104, %broadcast_in_dim3A_1098 : vector<16xi1>, vector<16xi32>
      %broadcast_in_dim3A_1106 = vector.shape_cast %select_n3A_1105 : vector<16xi32> to vector<16x1xi32>
      %gather3A_1107 = vector.shape_cast %broadcast_in_dim3A_1106 : vector<16x1xi32> to vector<16xi32>
      %gather3A_1108 = tpu.dynamic_gather %get3A_841[%gather3A_1107] in [0] : vector<16xf32>, vector<16xi32> -> vector<16xf32>
      %mul3A_1109 = arith.mulf %gather3A_1108, %mul3A_21 : vector<16xf32>
      %swap3A_1110 = arith.constant 439 : i32
      %swap3A_1111 = arith.index_cast %swap3A_1110 : i32 to index
      %swap3A_1112 = arith.constant 112 : index
      %swap3A_1113 = tpu.vector_load %arg8[%swap3A_1111, %swap3A_1112] {strides = array<i32>} : memref<440x128xf32, #tpu.memory_space<vmem>>, vector<16xf32>,
      tpu.vector_store %arg8[%swap3A_1111, %swap3A_1112], %mul3A_1109 {strides = array<i32>} : memref<440x128xf32, #tpu.memory_space<vmem>>, vector<16xf32>,
      %mul3A_1114 = arith.constant 440 : i32
      %mul3A_1115 = arith.muli %add3A, %mul3A_1114 : i32
      %multiple_of3A = tpu.assume_multiple %mul3A_1115, 8 : i32
      "tpu.region"() ({
        %run_scoped3A = tpu.sem_alloc : memref<!tpu.dma_semaphore, #tpu.memory_space<semaphore_mem>>
        %dma_start3A_1129 = arith.constant 0 : i32
        %dma_start3A_1130 = arith.constant 0 : i32
        %dma_start3A_1131 = tpu.memref_slice %arg9[%arg1, %dma_start3A_1129, %dma_start3A_1130] : memref<16x440x128xf32, #tpu.memory_space<vmem_shared>> -> memref<1x440x128xf32, #tpu.memory_space<vmem_shared>>
        %dma_start3A_1132 = tpu.memref_squeeze %dma_start3A_1131 : memref<1x440x128xf32, #tpu.memory_space<vmem_shared>> -> memref<440x128xf32, #tpu.memory_space<vmem_shared>>
        %dma_start3A_1133 = arith.constant 0 : i32
        %dma_start3A_1134 = arith.constant 0 : i32
        %dma_start3A_1135 = tpu.memref_slice %arg9[%arg1, %dma_start3A_1133, %dma_start3A_1134] : memref<16x440x128xf32, #tpu.memory_space<vmem_shared>> -> memref<1x440x128xf32, #tpu.memory_space<vmem_shared>>
        %dma_start3A_1136 = tpu.memref_squeeze %dma_start3A_1135 : memref<1x440x128xf32, #tpu.memory_space<vmem_shared>> -> memref<440x128xf32, #tpu.memory_space<vmem_shared>>
        tpu.enqueue_dma source(%arg8 : memref<440x128xf32, #tpu.memory_space<vmem>>) target(%dma_start3A_1136 : memref<440x128xf32, #tpu.memory_space<vmem_shared>>) target_semaphore(%run_scoped3A : memref<!tpu.dma_semaphore, #tpu.memory_space<semaphore_mem>>)
        %dma_wait3A_1137 = arith.constant 0 : i32
        %dma_wait3A_1138 = arith.constant 0 : i32
        %dma_wait3A_1139 = tpu.memref_slice %arg9[%arg1, %dma_wait3A_1137, %dma_wait3A_1138] : memref<16x440x128xf32, #tpu.memory_space<vmem_shared>> -> memref<1x440x128xf32, #tpu.memory_space<vmem_shared>>
        %dma_wait3A_1140 = tpu.memref_squeeze %dma_wait3A_1139 : memref<1x440x128xf32, #tpu.memory_space<vmem_shared>> -> memref<440x128xf32, #tpu.memory_space<vmem_shared>>
        %dma_wait3A_1141 = arith.constant 0 : i32
        %dma_wait3A_1142 = arith.constant 0 : i32
        %dma_wait3A_1143 = tpu.memref_slice %arg9[%arg1, %dma_wait3A_1141, %dma_wait3A_1142] : memref<16x440x128xf32, #tpu.memory_space<vmem_shared>> -> memref<1x440x128xf32, #tpu.memory_space<vmem_shared>>
        %dma_wait3A_1144 = tpu.memref_squeeze %dma_wait3A_1143 : memref<1x440x128xf32, #tpu.memory_space<vmem_shared>> -> memref<440x128xf32, #tpu.memory_space<vmem_shared>>
        tpu.wait_dma2 semaphore(%run_scoped3A : memref<!tpu.dma_semaphore, #tpu.memory_space<semaphore_mem>>) src(%arg8 : memref<440x128xf32, #tpu.memory_space<vmem>>) dst(%dma_wait3A_1144 : memref<440x128xf32, #tpu.memory_space<vmem_shared>>)
        tpu.yield
      }) : () -> ()
      %dma_start3A_1116 = arith.constant 0 : i32
      %dma_start3A_1117 = tpu.memref_slice %arg6[%multiple_of3A, %dma_start3A_1116] : memref<3520x128xf32, #tpu.memory_space<hbm>> -> memref<440x128xf32, #tpu.memory_space<hbm>>
      %dma_start3A_1118 = arith.constant 0 : i32
      %dma_start3A_1119 = arith.constant 0 : i32
      %dma_start3A_1120 = tpu.memref_slice %arg9[%arg1, %dma_start3A_1118, %dma_start3A_1119] : memref<16x440x128xf32, #tpu.memory_space<vmem_shared>> -> memref<1x440x128xf32, #tpu.memory_space<vmem_shared>>
      %dma_start3A_1121 = tpu.memref_squeeze %dma_start3A_1120 : memref<1x440x128xf32, #tpu.memory_space<vmem_shared>> -> memref<440x128xf32, #tpu.memory_space<vmem_shared>>
      tpu.enqueue_dma source(%dma_start3A_1121 : memref<440x128xf32, #tpu.memory_space<vmem_shared>>) target(%dma_start3A_1117 : memref<440x128xf32, #tpu.memory_space<hbm>>) target_semaphore(%arg14 : memref<!tpu.dma_semaphore, #tpu.memory_space<semaphore_mem>>)
      %dma_wait3A_1122 = arith.constant 0 : i32
      %dma_wait3A_1123 = arith.constant 0 : i32
      %dma_wait3A_1124 = tpu.memref_slice %arg6[%dma_wait3A_1122, %dma_wait3A_1123] : memref<3520x128xf32, #tpu.memory_space<hbm>> -> memref<440x128xf32, #tpu.memory_space<hbm>>
      %dma_wait3A_1125 = arith.constant 0 : i32
      %dma_wait3A_1126 = arith.constant 0 : i32
      %dma_wait3A_1127 = tpu.memref_slice %arg9[%arg1, %dma_wait3A_1125, %dma_wait3A_1126] : memref<16x440x128xf32, #tpu.memory_space<vmem_shared>> -> memref<1x440x128xf32, #tpu.memory_space<vmem_shared>>
      %dma_wait3A_1128 = tpu.memref_squeeze %dma_wait3A_1127 : memref<1x440x128xf32, #tpu.memory_space<vmem_shared>> -> memref<440x128xf32, #tpu.memory_space<vmem_shared>>
      tpu.wait_dma2 semaphore(%arg14 : memref<!tpu.dma_semaphore, #tpu.memory_space<semaphore_mem>>) src(%dma_wait3A_1128 : memref<440x128xf32, #tpu.memory_space<vmem_shared>>) dst(%dma_wait3A_1124 : memref<440x128xf32, #tpu.memory_space<hbm>>)
    } else {
    }
    return
  }
}

module attributes {stable_mosaic.version = 14 : i64} {
  func.func @_torso_tc_body(%arg0: i32, %arg1: memref<256x54xi32, #tpu.memory_space<vmem>>, %arg2: memref<256x1xf32, #tpu.memory_space<vmem>>, %arg3: memref<1x16xf32, #tpu.memory_space<vmem>>, %arg4: memref<6x864xf32, #tpu.memory_space<vmem>>, %arg5: memref<256x880xf32, #tpu.memory_space<vmem>>, %arg6: memref<256x880xf32, #tpu.memory_space<vmem>>) attributes {dimension_semantics = [#tpu.dimension_semantics<arbitrary>], iteration_bounds = array<i64: 64>, scalar_prefetch = 0 : i64, scratch_operands = 0 : i64, tpu.core_type = #tpu.core_type<tc>, window_params = [{transform_indices = @transform_0, window_bounds = array<i64: 256, 54>}, {transform_indices = @transform_1, window_bounds = array<i64: 256, 1>}, {pipeline_mode = #tpu.pipeline_mode<synchronous>, transform_indices = @transform_2, window_bounds = array<i64: 1, 16>}, {pipeline_mode = #tpu.pipeline_mode<synchronous>, transform_indices = @transform_3, window_bounds = array<i64: 6, 864>}, {transform_indices = @transform_4, window_bounds = array<i64: 256, 880>}, {transform_indices = @transform_5, window_bounds = array<i64: 256, 880>}]} {
    %lt3A = arith.constant 62 : i32
    %lt3A_0 = arith.cmpi slt, %arg0, %lt3A : i32
    %convert_element_type3A = arith.extui %lt3A_0 : i1 to i32
    %cond3A = arith.constant 0 : i32
    %cond3A_1 = arith.cmpi ne, %convert_element_type3A, %cond3A : i32
    scf.if %cond3A_1 {
      %get3A = arith.constant 0 : index
      %get3A_6 = arith.constant 0 : index
      %get3A_7 = vector.load %arg1[%get3A, %get3A_6] : memref<256x54xi32, #tpu.memory_space<vmem>>, vector<256x54xi32>
      %convert_element_type3A_8 = arith.sitofp %get3A_7 : vector<256x54xi32> to vector<256x54xf32>
      %iota3A = tpu.iota {dimensions = array<i32: 1>} : vector<54x864xi32>
      %jit3A = arith.constant 16 : i32
      %div3A = vector.broadcast %jit3A : i32 to vector<54x864xi32>
      %div3A_9 = arith.divsi %iota3A, %div3A : vector<54x864xi32>
      %sign3A = arith.constant 0 : i32
      %sign3A_10 = vector.broadcast %sign3A : i32 to vector<54x864xi32>
      %sign3A_11 = arith.cmpi sgt, %iota3A, %sign3A_10 : vector<54x864xi32>
      %sign3A_12 = arith.extui %sign3A_11 : vector<54x864xi1> to vector<54x864xi32>
      %sign3A_13 = arith.constant 0 : i32
      %sign3A_14 = vector.broadcast %sign3A_13 : i32 to vector<54x864xi32>
      %sign3A_15 = arith.cmpi slt, %iota3A, %sign3A_14 : vector<54x864xi32>
      %sign3A_16 = arith.extui %sign3A_15 : vector<54x864xi1> to vector<54x864xi32>
      %sign3A_17 = arith.subi %sign3A_12, %sign3A_16 : vector<54x864xi32>
      %sign3A_18 = arith.constant 0 : i32
      %sign3A_19 = arith.cmpi sgt, %jit3A, %sign3A_18 : i32
      %sign3A_20 = arith.extui %sign3A_19 : i1 to i32
      %sign3A_21 = arith.constant 0 : i32
      %sign3A_22 = arith.cmpi slt, %jit3A, %sign3A_21 : i32
      %sign3A_23 = arith.extui %sign3A_22 : i1 to i32
      %sign3A_24 = arith.subi %sign3A_20, %sign3A_23 : i32
      %ne3A = vector.broadcast %sign3A_24 : i32 to vector<54x864xi32>
      %ne3A_25 = arith.cmpi ne, %sign3A_17, %ne3A : vector<54x864xi32>
      %rem3A = vector.broadcast %jit3A : i32 to vector<54x864xi32>
      %rem3A_26 = arith.remsi %iota3A, %rem3A : vector<54x864xi32>
      %ne3A_27 = arith.constant 0 : i32
      %ne3A_28 = vector.broadcast %ne3A_27 : i32 to vector<54x864xi32>
      %ne3A_29 = arith.cmpi ne, %rem3A_26, %ne3A_28 : vector<54x864xi32>
      %and3A = arith.andi %ne3A_25, %ne3A_29 : vector<54x864xi1>
      %sub3A = arith.constant 1 : i32
      %sub3A_30 = vector.broadcast %sub3A : i32 to vector<54x864xi32>
      %sub3A_31 = arith.subi %div3A_9, %sub3A_30 : vector<54x864xi32>
      %select_n3A = arith.select %and3A, %sub3A_31, %div3A_9 : vector<54x864xi1>, vector<54x864xi32>
      %iota3A_32 = tpu.iota {dimensions = array<i32: 0>} : vector<54x864xi32>
      %eq3A = arith.cmpi eq, %select_n3A, %iota3A_32 : vector<54x864xi32>
      %convert_element_type3A_33 = arith.extui %eq3A : vector<54x864xi1> to vector<54x864xi32>
      %convert_element_type3A_34 = arith.sitofp %convert_element_type3A_33 : vector<54x864xi32> to vector<54x864xf32>
      %dot_general3A = arith.constant dense<0.000000e+00> : vector<256x864xf32>
      %dot_general3A_35 = tpu.matmul %convert_element_type3A_8, %convert_element_type3A_34, %dot_general3A {dimension_numbers = #tpu.dot_dimension_numbers<[1], [0], [0], [1], [0, 0, 1, 1], [], []>, transpose_lhs_hint = false} : vector<256x54xf32>, vector<54x864xf32>, vector<256x864xf32> -> vector<256x864xf32>
      %get3A_36 = arith.constant 0 : index
      %get3A_37 = arith.constant 0 : index
      %get3A_38 = vector.load %arg4[%get3A_36, %get3A_37] : memref<6x864xf32, #tpu.memory_space<vmem>>, vector<1x864xf32>
      %broadcast_in_dim3A = vector.shape_cast %get3A_38 : vector<1x864xf32> to vector<1x864xf32>
      %broadcast_in_dim3A_39 = vector.broadcast %broadcast_in_dim3A : vector<1x864xf32> to vector<256x864xf32>
      %eq3A_40 = arith.constant 1.000000e+00 : f32
      %eq3A_41 = vector.broadcast %eq3A_40 : f32 to vector<256x864xf32>
      %eq3A_42 = arith.cmpf oeq, %dot_general3A_35, %eq3A_41 : vector<256x864xf32>
      %get3A_43 = arith.constant 1 : index
      %get3A_44 = arith.constant 0 : index
      %get3A_45 = vector.load %arg4[%get3A_43, %get3A_44] : memref<6x864xf32, #tpu.memory_space<vmem>>, vector<1x864xf32>
      %broadcast_in_dim3A_46 = vector.shape_cast %get3A_45 : vector<1x864xf32> to vector<1x864xf32>
      %broadcast_in_dim3A_47 = vector.broadcast %broadcast_in_dim3A_46 : vector<1x864xf32> to vector<256x864xf32>
      %select_n3A_48 = arith.select %eq3A_42, %broadcast_in_dim3A_47, %broadcast_in_dim3A_39 : vector<256x864xi1>, vector<256x864xf32>
      %eq3A_49 = arith.constant 2.000000e+00 : f32
      %eq3A_50 = vector.broadcast %eq3A_49 : f32 to vector<256x864xf32>
      %eq3A_51 = arith.cmpf oeq, %dot_general3A_35, %eq3A_50 : vector<256x864xf32>
      %get3A_52 = arith.constant 2 : index
      %get3A_53 = arith.constant 0 : index
      %get3A_54 = vector.load %arg4[%get3A_52, %get3A_53] : memref<6x864xf32, #tpu.memory_space<vmem>>, vector<1x864xf32>
      %broadcast_in_dim3A_55 = vector.shape_cast %get3A_54 : vector<1x864xf32> to vector<1x864xf32>
      %broadcast_in_dim3A_56 = vector.broadcast %broadcast_in_dim3A_55 : vector<1x864xf32> to vector<256x864xf32>
      %select_n3A_57 = arith.select %eq3A_51, %broadcast_in_dim3A_56, %select_n3A_48 : vector<256x864xi1>, vector<256x864xf32>
      %eq3A_58 = arith.constant 3.000000e+00 : f32
      %eq3A_59 = vector.broadcast %eq3A_58 : f32 to vector<256x864xf32>
      %eq3A_60 = arith.cmpf oeq, %dot_general3A_35, %eq3A_59 : vector<256x864xf32>
      %get3A_61 = arith.constant 3 : index
      %get3A_62 = arith.constant 0 : index
      %get3A_63 = vector.load %arg4[%get3A_61, %get3A_62] : memref<6x864xf32, #tpu.memory_space<vmem>>, vector<1x864xf32>
      %broadcast_in_dim3A_64 = vector.shape_cast %get3A_63 : vector<1x864xf32> to vector<1x864xf32>
      %broadcast_in_dim3A_65 = vector.broadcast %broadcast_in_dim3A_64 : vector<1x864xf32> to vector<256x864xf32>
      %select_n3A_66 = arith.select %eq3A_60, %broadcast_in_dim3A_65, %select_n3A_57 : vector<256x864xi1>, vector<256x864xf32>
      %eq3A_67 = arith.constant 4.000000e+00 : f32
      %eq3A_68 = vector.broadcast %eq3A_67 : f32 to vector<256x864xf32>
      %eq3A_69 = arith.cmpf oeq, %dot_general3A_35, %eq3A_68 : vector<256x864xf32>
      %get3A_70 = arith.constant 4 : index
      %get3A_71 = arith.constant 0 : index
      %get3A_72 = vector.load %arg4[%get3A_70, %get3A_71] : memref<6x864xf32, #tpu.memory_space<vmem>>, vector<1x864xf32>
      %broadcast_in_dim3A_73 = vector.shape_cast %get3A_72 : vector<1x864xf32> to vector<1x864xf32>
      %broadcast_in_dim3A_74 = vector.broadcast %broadcast_in_dim3A_73 : vector<1x864xf32> to vector<256x864xf32>
      %select_n3A_75 = arith.select %eq3A_69, %broadcast_in_dim3A_74, %select_n3A_66 : vector<256x864xi1>, vector<256x864xf32>
      %eq3A_76 = arith.constant 5.000000e+00 : f32
      %eq3A_77 = vector.broadcast %eq3A_76 : f32 to vector<256x864xf32>
      %eq3A_78 = arith.cmpf oeq, %dot_general3A_35, %eq3A_77 : vector<256x864xf32>
      %get3A_79 = arith.constant 5 : index
      %get3A_80 = arith.constant 0 : index
      %get3A_81 = vector.load %arg4[%get3A_79, %get3A_80] : memref<6x864xf32, #tpu.memory_space<vmem>>, vector<1x864xf32>
      %broadcast_in_dim3A_82 = vector.shape_cast %get3A_81 : vector<1x864xf32> to vector<1x864xf32>
      %broadcast_in_dim3A_83 = vector.broadcast %broadcast_in_dim3A_82 : vector<1x864xf32> to vector<256x864xf32>
      %select_n3A_84 = arith.select %eq3A_78, %broadcast_in_dim3A_83, %select_n3A_75 : vector<256x864xi1>, vector<256x864xf32>
      %get3A_85 = arith.constant 0 : index
      %get3A_86 = arith.constant 0 : index
      %get3A_87 = vector.load %arg2[%get3A_85, %get3A_86] : memref<256x1xf32, #tpu.memory_space<vmem>>, vector<256x1xf32>
      %mul3A = arith.constant 5.000000e-03 : f32
      %mul3A_88 = vector.broadcast %mul3A : f32 to vector<256x1xf32>
      %mul3A_89 = arith.mulf %get3A_87, %mul3A_88 : vector<256x1xf32>
      %get3A_90 = arith.constant 0 : index
      %get3A_91 = arith.constant 0 : index
      %get3A_92 = vector.load %arg3[%get3A_90, %get3A_91] : memref<1x16xf32, #tpu.memory_space<vmem>>, vector<1x16xf32>
      %mul3A_93 = vector.broadcast %mul3A_89 : vector<256x1xf32> to vector<256x16xf32>
      %mul3A_94 = vector.broadcast %get3A_92 : vector<1x16xf32> to vector<256x16xf32>
      %mul3A_95 = arith.mulf %mul3A_93, %mul3A_94 : vector<256x16xf32>
      %concatenate3A = tpu.concatenate %select_n3A_84, %mul3A_95 in 1 : vector<256x864xf32>, vector<256x16xf32> -> vector<256x880xf32>
      %swap3A = arith.constant 0 : index
      %swap3A_96 = arith.constant 0 : index
      %swap3A_97 = vector.load %arg6[%swap3A, %swap3A_96] : memref<256x880xf32, #tpu.memory_space<vmem>>, vector<256x880xf32>
      tpu.vector_store %arg6[%swap3A, %swap3A_96], %concatenate3A {strides = array<i32>} : memref<256x880xf32, #tpu.memory_space<vmem>>, vector<256x880xf32>,
    } else {
    }
    %ge3A = arith.constant 62 : i32
    %ge3A_2 = arith.cmpi sge, %arg0, %ge3A : i32
    %convert_element_type3A_3 = arith.extui %ge3A_2 : i1 to i32
    %cond3A_4 = arith.constant 0 : i32
    %cond3A_5 = arith.cmpi ne, %convert_element_type3A_3, %cond3A_4 : i32
    scf.if %cond3A_5 {
      %get3A = arith.constant 0 : index
      %get3A_6 = arith.constant 0 : index
      %get3A_7 = vector.load %arg5[%get3A, %get3A_6] : memref<256x880xf32, #tpu.memory_space<vmem>>, vector<256x880xf32>
      %swap3A = arith.constant 0 : index
      %swap3A_8 = arith.constant 0 : index
      %swap3A_9 = vector.load %arg6[%swap3A, %swap3A_8] : memref<256x880xf32, #tpu.memory_space<vmem>>, vector<256x880xf32>
      tpu.vector_store %arg6[%swap3A, %swap3A_8], %get3A_7 {strides = array<i32>} : memref<256x880xf32, #tpu.memory_space<vmem>>, vector<256x880xf32>,
    } else {
    }
    return
  }
  func.func @transform_0(%arg0: i32) -> (i32, i32) {
    %c0_i32 = arith.constant 0 : i32
    %c0_i32_0 = arith.constant 0 : i32
    return %arg0, %c0_i32 : i32, i32
  }
  func.func @transform_1(%arg0: i32) -> (i32, i32) {
    %c0_i32 = arith.constant 0 : i32
    %c0_i32_0 = arith.constant 0 : i32
    return %arg0, %c0_i32 : i32, i32
  }
  func.func @transform_2(%arg0: i32) -> (i32, i32) {
    %c0_i32 = arith.constant 0 : i32
    %c0_i32_0 = arith.constant 0 : i32
    %c0_i32_1 = arith.constant 0 : i32
    return %c0_i32, %c0_i32_0 : i32, i32
  }
  func.func @transform_3(%arg0: i32) -> (i32, i32) {
    %c0_i32 = arith.constant 0 : i32
    %c0_i32_0 = arith.constant 0 : i32
    %c0_i32_1 = arith.constant 0 : i32
    return %c0_i32, %c0_i32_0 : i32, i32
  }
  func.func @transform_4(%arg0: i32) -> (i32, i32) {
    %sub3A = arith.constant 62 : i32
    %sub3A_0 = arith.subi %arg0, %sub3A : i32
    %max3A = arith.constant 0 : i32
    %max3A_1 = arith.maxsi %sub3A_0, %max3A : i32
    %c0_i32 = arith.constant 0 : i32
    %c0_i32_2 = arith.constant 0 : i32
    return %max3A_1, %c0_i32 : i32, i32
  }
  func.func @transform_5(%arg0: i32) -> (i32, i32) {
    %c0_i32 = arith.constant 0 : i32
    %c0_i32_0 = arith.constant 0 : i32
    return %arg0, %c0_i32 : i32, i32
  }
}

</mosaic_0001>

<sc_bundles>
// kernel: kernel.4.cloned.1.call-start
scs
__scs_entry_jumppad:
0x0: {  	(pc) =	sbr.rel $0x88, $3  }
0x1: {  	(tag) =	ssettag $0x0;
	lr =	simm.s32 $0x1  }
0x2: {  	[smem:$0x3F9D] =	sst lr;
	_ =	strace $0xD0000000  }
0x3: {  	_ = 	snop  }
0x4: {  	_ = 	snop  }
0x5: {  	_ = 	snop  }
0x6: {  	_ = 	snop  }
0x7: {  	_ = 	snop  }
__scs_overlays_trampoline_lowered:
0x8: {  	[smem:$0x3FAC] =	sst s0  }
0x9: {  	[smem:$0x3FAD] =	sst s1  }
0xa: {  	[smem:$0x3FAE] =	sst s2  }
0xb: {  	[smem:$0x3FAF] =	sst s3  }
0xc: {  	[smem:$0x3FB0] =	sst s4  }
0xd: {  	[smem:$0x3FB1] =	sst s5  }
0xe: {  	[smem:$0x3FB2] =	sst s6  }
0xf: {  	[smem:$0x3FB3] =	sst s7  }
0x10: {  	[smem:$0x3FB4] =	sst s8  }
0x11: {  	[smem:$0x3FB5] =	sst s9;
	s0 =	simm.s32 @!p0 $0x0  }
0x12: {  	s1 =	sld [smem:$0x3F9B];
	s0 =	simm.s32 @p0 $0x1  }
0x13: {  	[smem:$0x3FB6] =	sst s0;
	s0 =	simm.s32 @!p1 $0x0  }
0x14: {  	s2 =	sld [smem:$0x3F9A];
	s0 =	simm.s32 @p1 $0x1  }
0x15: {  	[smem:$0x3FB7] =	sst s0;
	s0 =	simm.s32 @!p2 $0x0  }
0x16: {  	s3 =	sld [smem:$0x3FDB];
	s0 =	simm.s32 @p2 $0x1  }
0x17: {  	s4 =	simm.s32 $0x1BF5;
	[smem:$0x3FB9] =	sst s0  }
0x18: {  	s0 =	sld [smem:$0x3F9C];
	_ =	swait.ge [sflag:s4], $0x0  }
0x19: {  	s7 =	sld [smem:$0x3F9D]  }
0x1a: {  	s8 =	sadd.s32 $0xFFFFE003, lr  }
0x1b: {  	s9 =	sadd.s32 $0xFFFFFEF7, lr;
	s5 =	simm.s32 $0xFFFFFFFF;
	p2 =	slt.u32 s8, $0xFFFFF086  }
0x1c: {  	p1 =	slt.u32 s9, $0xF7A;
	s5 =	simm.s32 @!p2 $0x0  }
0x1d: {  	s5 =	simm.s32 @p1 $0x1;
	p0 =	seq.s32 s7, s2  }
0x1e: {  	s7 =	smul.u32 @!p0 $0xF7A, s2;
	p2 =	seq.s32 @!p0 s5, $0x0  }
0x1f: {  	s9 =	smul.u32 $0xF7A, s1;
	s8 =	simm.s32 @!p0 $0x1BF5;
	p2 =	por !p2, p0  }
0x20: {  	[sflag:s8] =	ssyncset.s32 @!p0 $0xFFFFF086;
	s6 =	sadd.s32 @!p0 s3, s7;
	s7 =	simm.s32 @!p0 $0x108  }
0x21: {  	s3 =	sadd.s32 s3, s9;
	s6 =	sadd.s32 @!p0 $0x88, s6;
	s7 =	simm.s32 @p2 $0x1082  }
0x22: {  	[simem:s7], [sflag:s8] =	dma.local @!p0 [hbm:s6], $0xF7A  }
0x23: {  	s9 =	sor.u32 $0xD0000000, s2;
	s6 =	simm.s32 $0x108;
	_ =	swait.ge @!p0 [sflag:s8], $0x0  }
0x24: {  	s3 =	sadd.s32 $0x88, s3;
	s6 =	simm.s32 @!p1 $0x1082;
	[sflag:s4] =	ssyncset.s32 $0xFFFFF086  }
0x25: {  	[simem:s6], [sflag:s4] =	dma.local [hbm:s3], $0xF7A  }
0x26: {  	[smem:$0x3F9D] =	sst s1;
	(tag) =	ssettag s2;
	_ =	strace s9  }
0x27: {  	s1 =	sld [smem:$0x3FAD]  }
0x28: {  	s2 =	sld [smem:$0x3FAE]  }
0x29: {  	s4 =	sld [smem:$0x3FB0]  }
0x2a: {  	p0 =	seq.s32 s5, $0x0;
	s5 =	sld [smem:$0x3FB1]  }
0x2b: {  	s6 =	sld [smem:$0x3FB2]  }
0x2c: {  	s7 =	sld [smem:$0x3FB3]  }
0x2d: {  	s3 =	simm.s32 $0x108;
	s8 =	sld [smem:$0x3FB4]  }
0x2e: {  	s3 =	simm.s32 @!p0 $0x1082;
	s9 =	sld [smem:$0x3FB5]  }
0x2f: {  	lr =	sadd.s32 s0, s3;
	s0 =	sld [smem:$0x3FAC]  }
0x30: {  	s3 =	sld [smem:$0x3FAF]  }
0x31: {  	[smem:$0x3FB8] =	sst s10  }
0x32: {  	s10 =	sld [smem:$0x3FB6];
	_ =	sdelay $0x3  }
0x33: {  	p0 =	seq.s32 s10, $0x1;
	s10 =	sld [smem:$0x3FB8];
	_ =	sdelay $0x3  }
0x34: {  	[smem:$0x3FB8] =	sst s10  }
0x35: {  	s10 =	sld [smem:$0x3FB7];
	_ =	sdelay $0x3  }
0x36: {  	p1 =	seq.s32 s10, $0x1;
	s10 =	sld [smem:$0x3FB8];
	_ =	sdelay $0x3  }
0x37: {  	[smem:$0x3FB8] =	sst s10  }
0x38: {  	s10 =	sld [smem:$0x3FB9]  }
0x39: {  	_ = 	snop;
	(pc) =	sbr.ind lr, $3  }
0x3a: {  	_ = 	snop  }
0x3b: {  	_ = 	snop  }
0x3c: {  	p2 =	seq.s32 s10, $0x1;
	s10 =	sld [smem:$0x3FB8]  }
0x3d: {  	_ =	shalt  }
0x3e: {  	_ =	shalt  }
0x3f: {  	_ =	shalt  }
0x40: {  	_ =	shalt  }
0x41: {  	_ =	shalt  }
0x42: {  	_ =	shalt  }
0x43: {  	_ =	shalt  }
0x44: {  	_ =	shalt  }
0x45: {  	_ =	shalt  }
0x46: {  	_ =	shalt  }
0x47: {  	_ =	shalt  }
0x48: {  	_ =	shalt  }
0x49: {  	_ =	shalt  }
0x4a: {  	_ =	shalt  }
0x4b: {  	_ =	shalt  }
0x4c: {  	_ =	shalt  }
0x4d: {  	_ =	shalt  }
0x4e: {  	_ =	shalt  }
0x4f: {  	_ =	shalt  }
0x50: {  	_ =	shalt  }
0x51: {  	_ =	shalt  }
0x52: {  	_ =	shalt  }
0x53: {  	_ =	shalt  }
0x54: {  	_ =	shalt  }
0x55: {  	_ =	shalt  }
0x56: {  	_ =	shalt  }
0x57: {  	_ =	shalt  }
0x58: {  	_ =	shalt  }
0x59: {  	_ =	shalt  }
0x5a: {  	_ =	shalt  }
0x5b: {  	_ =	shalt  }
0x5c: {  	_ =	shalt  }
0x5d: {  	_ =	shalt  }
0x5e: {  	_ =	shalt  }
0x5f: {  	_ =	shalt  }
0x60: {  	_ =	shalt  }
0x61: {  	_ =	shalt  }
0x62: {  	_ =	shalt  }
0x63: {  	_ =	shalt  }
0x64: {  	_ =	shalt  }
0x65: {  	_ =	shalt  }
0x66: {  	_ =	shalt  }
0x67: {  	_ =	shalt  }
0x68: {  	_ =	shalt  }
0x69: {  	_ =	shalt  }
0x6a: {  	_ =	shalt  }
0x6b: {  	_ =	shalt  }
0x6c: {  	_ =	shalt  }
0x6d: {  	_ =	shalt  }
0x6e: {  	_ =	shalt  }
0x6f: {  	_ =	shalt  }
0x70: {  	_ =	shalt  }
0x71: {  	_ =	shalt  }
0x72: {  	_ =	shalt  }
0x73: {  	_ =	shalt  }
0x74: {  	_ =	shalt  }
0x75: {  	_ =	shalt  }
0x76: {  	_ =	shalt  }
0x77: {  	_ =	shalt  }
0x78: {  	_ =	shalt  }
0x79: {  	_ =	shalt  }
0x7a: {  	_ =	shalt  }
0x7b: {  	_ =	shalt  }
0x7c: {  	_ =	shalt  }
0x7d: {  	_ =	shalt  }
0x7e: {  	_ =	shalt  }
0x7f: {  	_ =	shalt  }
0x80: {  	_ =	shalt  }
0x81: {  	_ =	shalt  }
0x82: {  	_ =	shalt  }
0x83: {  	_ =	shalt  }
0x84: {  	_ =	shalt  }
0x85: {  	_ =	shalt  }
0x86: {  	_ =	shalt  }
0x87: {  	_ =	shalt  }
.Lfunc_end0:
.L_simem_size_0:
called_computation_lowered:
.L_overlay_start_0:
0x88: {  	s2 =	sld [smem:$0x3FD9]  }
0x89: {  	s3 =	sld [smem:$0x3FFE];
	_ =	sdelay $0x1  }
0x8a: {  	s1 =	srdreg.scid  }
0x8b: {  	s0 =	sand.u32 $0x1, s1  }
0x8c: {  	s17 =	sshll.u32 s0, $0xA;
	s2 =	sadd.s32 s3, s2  }
0x8d: {  	s2 =	sadd.s32 s2, s17  }
0x8e: {  	[smem:$0x3FC4] =	sst s2  }
0x8f: {  	_ = 	snop  }
0x90: {  	s2 =	sld [smem:$0x3FC8]  }
0x91: {  	s18 =	sld [smem:$0x3FC7]  }
0x92: {  	s4 =	sld [smem:$0x3FC6]  }
0x93: {  	s5 =	sld [smem:$0x3FD0];
	(tm) =	ssettm $0x1  }
0x94: {  	s6 =	sld [smem:$0x3FFB];
	_ =	sdelay $0x3  }
0x95: {  	_ =	strace s6  }
0x96: {  	s6 =	sld [smem:$0x3FFC];
	_ =	sdelay $0x3  }
0x97: {  	_ =	strace s6  }
0x98: {  	s6 =	sld [smem:$0x3FFD];
	_ =	sdelay $0x3  }
0x99: {  	_ =	strace s6  }
0x9a: {  	_ =	strace $0x8FFFFFFF  }
0x9b: {  	s19 =	sld [smem:$0x3FDB];
	_ =	sdelay $0x1  }
0x9c: {  	s7 =	simm.s32 $_scs_section_size  }
0x9d: {  	s8 =	simm.s32 $_size__tile_overlayer_lowered;
	s9 =	simm.s32 $_tile_overlayer_lowered  }
0x9e: {  	s22 =	simm.s32 $0x1BFF;
	s21 =	sshll.u32 s9, $0x1;
	s6 =	sadd.s32 s7, s19  }
0x9f: {  	s10 =	simm.s32 $0x0;
	s20 =	sshll.u32 s8, $0x1;
	s8 =	sadd.s32 s21, s6  }
0xa0: {  	[timem:s10], [sflag:s22] =	dma.local [hbm:s8], s20  }
0xa1: {  	_ =	swait.ge [sflag:s22], s20  }
0xa2: {  	s7 =	ssub.s32 $0x0, s20;
	[sflag:s22] =	ssyncset.done $0x0  }
0xa3: {  	[sflag:s22] =	ssyncadd.s32 s7;
	_ =	sdelay $0x1  }
0xa4: {  	s23 =	simm.s32 $0x1B8B  }
0xa5: {  	_ =	swait.ge [sflag:s23], $0x1  }
0xa6: {  	[sflag:s23] =	ssyncset.done $0x0  }
0xa7: {  	s25 =	simm.s32 $0x1B8E;
	s24 =	sld [smem:$0x3FFE];
	[sflag:s23] =	ssyncadd.s32 $0xFFFFFFFF  }
0xa8: {  	s26 =	simm.s32 $execute0_lowered;
	[smem:$0x3FD2] =	sst s25  }
0xa9: {  	s8 =	sshll.u32 s26, $0x1;
	_ =	strace $0x80000046;
	[dreg:$0x1] =	wrdreg $0xFFFFFFFF  }
0xaa: {  	s28 =	simm.s32 $_size_execute0_lowered;
	s6 =	sadd.s32 s6, s8;
	[dreg:$0x0] =	wrdreg $0x0  }
0xab: {  	s8 =	sshll.u32 s28, $0x1;
	[dreg:$0x2] =	wrdreg s6  }
0xac: {  	[dreg:$0x3] =	wrdreg s8  }
0xad: {  	[dreg:$0x4] =	wrdreg $0xC0  }
0xae: {  	_ =	task [dreg:s10], $0x5FFFF  }
0xaf: {  	[dreg:$0x1] =	wrdreg $0xFFFFFFFF  }
0xb0: {  	[dreg:$0x0] =	wrdreg $0x60  }
0xb1: {  	[dreg:$0x2] =	wrdreg s5  }
0xb2: {  	[dreg:$0x3] =	wrdreg s2  }
0xb3: {  	[dreg:$0x4] =	wrdreg s18  }
0xb4: {  	[dreg:$0x5] =	wrdreg s4  }
0xb5: {  	[dreg:$0x6] =	wrdreg s24  }
0xb6: {  	[dreg:$0x7] =	wrdreg $0xE9800  }
0xb7: {  	[dreg:$0x8] =	wrdreg $0x9  }
0xb8: {  	_ =	task.clear_ibuf [dreg:s10], $0x9FFFF;
	_ =	strace $0x90000046  }
0xb9: {  	s29 =	simm.s32 $0x9;
	_ =	strace $0x80000048  }
0xba: {  	_ =	swait.ge [sflag:s29], $0x1  }
0xbb: {  	[sflag:s29] =	ssyncadd.s32 $0xFFFFFFFF  }
0xbc: {  	_ =	strace $0x90000048  }
0xbd: {  	_ =	sfence  }
0xbe: {  	s30 =	sld [smem:$0x0];
	_ =	sdelay $0x2  }
0xbf: {  	s31 =	sshll.u32 s1, $0xD;
	s1 =	sshrl.u32 s1, $0x2  }
0xc0: {  	s3 =	sand.u32 $0x4000, s31;
	s1 =	sadd.s32 s1, s30  }
0xc1: {  	s0 =	sor.u32 s3, s0;
	s1 =	sshll.u32 s1, $0x11  }
0xc2: {  	s0 =	sor.u32 s1, s0  }
0xc3: {  	s0 =	sadd.s32 $0x8F2B, s0  }
0xc4: {  	[sflag:s0] =	ssyncadd.remote.s32 $0x1  }
0xc5: {  	_ =	sfence.sel $0xFFFF  }
0xc6: {  	[dreg:$0x0] =	wrdreg $0xFFFFFFFF;
	(pc) =	sbr.abs _section_cstart, $3  }
0xc7: {  	[dreg:$0x1] =	wrdreg $0xFFFFFFFF  }
0xc8: {  	_ =	task.clear_ibuf [dreg:s10], $0x2FFFF;
	_ =	strace $0x9FFFFFFF  }
0xc9: {  	(tm) =	ssettm $0x7FFFFFFF  }
tec
execute0_lowered:
.L_overlay_start_1:
0x0: {  	(tag) =	ssettag $0x1  }
0x1: {  	s8 =	rddreg [dreg:$0x0]  }
0x2: {  	s5 =	rddreg [dreg:$0x1];
	s3 =	stileid.u32  }
0x3: {  	s1 =	rddreg [dreg:$0x2];
	p0 =	sgt.u32 s3, $0x3  }
.Ltmp0:
0x4: {  	s2 =	rddreg [dreg:$0x3];
	(pc) =	sbr.rel @p0 .LBB2_5-.Ltmp0, $4  }
0x5: {  	s7 =	rddreg [dreg:$0x4]  }
0x6: {  	s6 =	rddreg [dreg:$0x5];
	s4 =	simm.s32 $0x0  }
0x7: {  	[smem:$0x7FF] =	sst s4  }
0x8: {  	s0 =	rddreg [dreg:$0x6];
	_ =	strace $0x80000047  }
0x9: {  	s9 =	srdreg.scid  }
0xa: {  	s10 =	sshll.u32 s3, $0x1;
	s12 =	smul.u32 $0x37000, s3;
	s13 =	simm.s32 $0x1C580  }
0xb: {  	s14 =	simm.s32 $0x1;
	s15 =	simm.s32 $0xD80;
	s16 =	sshll.u32 s3, $0x6  }
0xc: {  	s18 =	simm.s32 $0x2;
	s9 =	sand.u32 $0x1, s9;
	s16 =	sor.u32 $0x1C02, s16  }
0xd: {  	s10 =	sor.u32 s9, s10;
	s12 =	sshrl.u32 s12, $0x2;
	s9 =	ssub.s32 $0x2, s9  }
0xe: {  	v0 =	vimm.s32 $0x0;
	v1 =	vimm.s32 $0x7;
	s11 =	smul.u32 $0x1B80, s10;
	s10 =	sshll.u32 s10, $0x6;
	s6 =	sadd.s32 s12, s6  }
0xf: {  	v2 =	vlaneseq.u32;
	v3 =	vimm.s32 $0x1;
	v4 =	vimm.s32 $0x2;
	s31 =	sshrl.u32 s9, $0x1;
	s12 =	simm.s32 $0x1C680;
	s10 =	sadd.s32 $0x3E00, s10  }
0x10: {  	v5 =	vimm.s32 $0x3;
	v6 =	vimm.s32 $0x4;
	v7 =	vimm.s32 $0x5;
	s9 =	ssub.s32 s9, s31;
	s30 =	sshrl.u32 s10, $0x3;
	s10 =	smul.u32 $0x36, s10  }
0x11: {  	v8 =	vimm.s32 $0x6;
	v9 =	vimm.s32 $0x8;
	v10 =	vimm.s32 $0x9;
	s17 =	sshrl.u32 s6, $0x3;
	s7 =	sadd.s32 s11, s7;
	s9 =	smax.u32 s9, $0x1  }
0x12: {  	v11 =	vimm.s32 $0xA;
	v12 =	vimm.s32 $0xB;
	v13 =	vimm.s32 $0xC;
	s11 =	simm.s32 $0x3;
	s5 =	sadd.s32 s5, s30;
	s10 =	sshrl.u32 s10, $0x3  }
0x13: {  	v14 =	vimm.s32 $0xD;
	v15 =	vimm.s32 $0xE;
	v16 =	vimm.s32 $0xF;
	s7 =	sadd.s32 $0x1200, s7;
	s8 =	sadd.s32 s8, s10;
	s10 =	simm.s32 $0x1C600  }
.LBB2_2:
0x14: {  	s19 =	simm.s32 $0x0  }
0x15: {  	[tilespmem:s19], [sflag:$0x1] =	stream.linear.gather [hbm4b:s8+s19], $0xD80, $0x38;
	[tilespmem:$0x1CA80] =	vst v63  }
0x16: {  	_ = 	snop  }
0x17: {  	[tilespmem:s10], [sflag:$0x3] =	stream.linear.gather [hbm4b:s1+s19], $0x80, $0x38;
	[tilespmem:$0x1CA80] =	vst v63  }
0x18: {  	_ =	swait.ge [sflag:s11], $0x80  }
0x19: {  	[sflag:s11] =	ssyncset.done $0x0  }
0x1a: {  	[sflag:s11] =	ssyncadd.s32 $0xFFFFFF80  }
0x1b: {  	[tilespmem:s12], [sflag:$0x3] =	stream.linear.gather [hbm4b:s2+s19], $0x300, $0x38;
	[tilespmem:$0x1CA80] =	vst v63  }
0x1c: {  	_ =	swait.ge [sflag:s11], $0x300  }
0x1d: {  	[sflag:s11] =	ssyncset.done $0x0  }
0x1e: {  	[sflag:s11] =	ssyncadd.s32 $0xFFFFFD00  }
0x1f: {  	[tilespmem:s13], [sflag:$0x3] =	stream.linear.gather [hbm4b:s5+s19], $0x40, $0x38;
	[tilespmem:$0x1CA80] =	vst v63  }
0x20: {  	_ =	swait.ge [sflag:s11], $0x40  }
0x21: {  	[sflag:s11] =	ssyncset.done $0x0  }
0x22: {  	[sflag:s11] =	ssyncadd.s32 $0xFFFFFFC0  }
0x23: {  	_ =	swait.ge [sflag:s14], $0xD80  }
0x24: {  	[sflag:s14] =	ssyncset.done $0x0  }
0x25: {  	s20 =	simm.s32 $0xD40;
	s21 =	simm.s32 $0x20;
	[sflag:s14] =	ssyncadd.s32 $0xFFFFF280  }
.LBB2_3:
0x26: {  	v20 =	vld [tilespmem:s21+$0xFFFFFFE0];
	_ =	sdelay $0x4  }
0x27: {  	v17 =	vperm.xlane v20, v0;
	_ =	sdelay $0x1  }
0x28: {  	v17 =	vshll.u32 v17, $0x7  }
0x29: {  	v17 =	vor.u32 v2, v17;
	_ =	sdelay $0x2  }
0x2a: {  	v18 =	vperm.xlane v20, v3;
	_ =	sdelay $0x1  }
0x2b: {  	v21 =	vld.idx.msk [tilespmem:v17+s12+$0x0], $0xffff;
	v17 =	vshll.u32 v18, $0x7  }
0x2c: {  	s22 =	sadd.s32 $0xFFFFF2C0, s20;
	v22 =	vor.u32 v2, v17  }
0x2d: {  	s23 =	sand.u32 $0x3FE00, s22  }
0x2e: {  	v19 =	vld [tilespmem:s21+$0xFFFFFFF0];
	s22 =	sand.u32 $0x70, s19;
	s23 =	sshrl.u32 s23, $0x2  }
0x2f: {  	s23 =	sor.u32 s22, s23;
	v23 =	vperm.xlane v20, v4;
	v18 =	vld [tilespmem:s21+$0x0]  }
0x30: {  	v17 =	vld [tilespmem:s21+$0x6];
	[tilespmem:s23+$0xD80] =	vst v21  }
0x31: {  	v54 =	vshll.u32 v23, $0x7;
	v21 =	vld.idx.msk [tilespmem:v22+s12+$0x0], $0xffff  }
0x32: {  	s31 =	sadd.s32 $0xFFFFF300, s20;
	v22 =	vor.u32 v2, v54  }
0x33: {  	s24 =	sadd.s32 $0x10, s19;
	s23 =	sand.u32 $0x7FE00, s31  }
0x34: {  	s24 =	sand.u32 $0x70, s24;
	s23 =	sshrl.u32 s23, $0x2  }
0x35: {  	v55 =	vperm.xlane v20, v5;
	s23 =	sor.u32 s24, s23  }
0x36: {  	[tilespmem:s23+$0xD80] =	vst v21  }
0x37: {  	v56 =	vshll.u32 v55, $0x7;
	v21 =	vld.idx.msk [tilespmem:v22+s12+$0x0], $0xffff  }
0x38: {  	s25 =	sadd.s32 $0xFFFFF340, s20;
	v22 =	vor.u32 v2, v56  }
0x39: {  	s26 =	sadd.s32 $0x20, s19;
	s23 =	sand.u32 $0x7FE00, s25  }
0x3a: {  	s24 =	sand.u32 $0x70, s26;
	s23 =	sshrl.u32 s23, $0x2  }
0x3b: {  	v57 =	vperm.xlane v20, v6;
	s23 =	sor.u32 s24, s23  }
0x3c: {  	[tilespmem:s23+$0xD80] =	vst v21  }
0x3d: {  	v58 =	vshll.u32 v57, $0x7;
	v21 =	vld.idx.msk [tilespmem:v22+s12+$0x0], $0xffff  }
0x3e: {  	s28 =	sadd.s32 $0xFFFFF380, s20;
	v22 =	vor.u32 v2, v58  }
0x3f: {  	s29 =	sadd.s32 $0x30, s19;
	s23 =	sand.u32 $0x7FE00, s28  }
0x40: {  	s24 =	sand.u32 $0x70, s29;
	s23 =	sshrl.u32 s23, $0x2  }
0x41: {  	v59 =	vperm.xlane v20, v7;
	s23 =	sor.u32 s24, s23  }
0x42: {  	[tilespmem:s23+$0xD80] =	vst v21  }
0x43: {  	v60 =	vshll.u32 v59, $0x7;
	v21 =	vld.idx.msk [tilespmem:v22+s12+$0x0], $0xffff  }
0x44: {  	s30 =	sadd.s32 $0xFFFFF3C0, s20;
	v22 =	vor.u32 v2, v60  }
0x45: {  	s31 =	sadd.s32 $0x40, s19;
	s23 =	sand.u32 $0x7FE00, s30  }
0x46: {  	s24 =	sand.u32 $0x70, s31;
	s23 =	sshrl.u32 s23, $0x2  }
0x47: {  	v61 =	vperm.xlane v20, v8;
	s23 =	sor.u32 s24, s23  }
0x48: {  	[tilespmem:s23+$0xD80] =	vst v21  }
0x49: {  	v62 =	vshll.u32 v61, $0x7;
	v21 =	vld.idx.msk [tilespmem:v22+s12+$0x0], $0xffff  }
0x4a: {  	s25 =	sadd.s32 $0xFFFFF400, s20;
	v22 =	vor.u32 v2, v62  }
0x4b: {  	s26 =	sadd.s32 $0x50, s19;
	s23 =	sand.u32 $0x7FE00, s25  }
0x4c: {  	s24 =	sand.u32 $0x70, s26;
	s23 =	sshrl.u32 s23, $0x2  }
0x4d: {  	v63 =	vperm.xlane v20, v1;
	s23 =	sor.u32 s24, s23  }
0x4e: {  	[tilespmem:s23+$0xD80] =	vst v21  }
0x4f: {  	v24 =	vshll.u32 v63, $0x7;
	v21 =	vld.idx.msk [tilespmem:v22+s12+$0x0], $0xffff  }
0x50: {  	s28 =	sadd.s32 $0xFFFFF440, s20;
	v22 =	vor.u32 v2, v24  }
0x51: {  	s29 =	sadd.s32 $0x60, s19;
	s23 =	sand.u32 $0x7FE00, s28  }
0x52: {  	s24 =	sand.u32 $0x70, s29;
	s23 =	sshrl.u32 s23, $0x2  }
0x53: {  	v25 =	vperm.xlane v20, v9;
	s23 =	sor.u32 s24, s23  }
0x54: {  	[tilespmem:s23+$0xD80] =	vst v21  }
0x55: {  	v26 =	vshll.u32 v25, $0x7;
	v21 =	vld.idx.msk [tilespmem:v22+s12+$0x0], $0xffff  }
0x56: {  	s30 =	sadd.s32 $0xFFFFF480, s20;
	v22 =	vor.u32 v2, v26  }
0x57: {  	s31 =	sadd.s32 $0x70, s19;
	s23 =	sand.u32 $0x7FE00, s30  }
0x58: {  	s24 =	sand.u32 $0x70, s31;
	s23 =	sshrl.u32 s23, $0x2  }
0x59: {  	v27 =	vperm.xlane v20, v10;
	s23 =	sor.u32 s24, s23  }
0x5a: {  	[tilespmem:s23+$0xD80] =	vst v21  }
0x5b: {  	v28 =	vshll.u32 v27, $0x7;
	v21 =	vld.idx.msk [tilespmem:v22+s12+$0x0], $0xffff  }
0x5c: {  	s24 =	sadd.s32 $0xFFFFF4C0, s20;
	v22 =	vor.u32 v2, v28  }
0x5d: {  	s23 =	sand.u32 $0x7FE00, s24  }
0x5e: {  	s23 =	sshrl.u32 s23, $0x2  }
0x5f: {  	v29 =	vperm.xlane v20, v11;
	s23 =	sor.u32 s22, s23  }
0x60: {  	[tilespmem:s23+$0xD80] =	vst v21  }
0x61: {  	v30 =	vshll.u32 v29, $0x7;
	v21 =	vld.idx.msk [tilespmem:v22+s12+$0x0], $0xffff  }
0x62: {  	s25 =	sadd.s32 $0xFFFFF500, s20;
	v22 =	vor.u32 v2, v30  }
0x63: {  	s26 =	sadd.s32 $0x90, s19;
	s23 =	sand.u32 $0x7FE00, s25  }
0x64: {  	s24 =	sand.u32 $0x70, s26;
	s23 =	sshrl.u32 s23, $0x2  }
0x65: {  	v31 =	vperm.xlane v20, v12;
	s23 =	sor.u32 s24, s23  }
0x66: {  	[tilespmem:s23+$0xD80] =	vst v21  }
0x67: {  	v32 =	vshll.u32 v31, $0x7;
	v21 =	vld.idx.msk [tilespmem:v22+s12+$0x0], $0xffff  }
0x68: {  	s28 =	sadd.s32 $0xFFFFF540, s20;
	v22 =	vor.u32 v2, v32  }
0x69: {  	s29 =	sadd.s32 $0xA0, s19;
	s23 =	sand.u32 $0x7FE00, s28  }
0x6a: {  	s24 =	sand.u32 $0x70, s29;
	s23 =	sshrl.u32 s23, $0x2  }
0x6b: {  	v33 =	vperm.xlane v20, v13;
	s23 =	sor.u32 s24, s23  }
0x6c: {  	[tilespmem:s23+$0xD80] =	vst v21  }
0x6d: {  	v34 =	vshll.u32 v33, $0x7;
	v21 =	vld.idx.msk [tilespmem:v22+s12+$0x0], $0xffff  }
0x6e: {  	s30 =	sadd.s32 $0xFFFFF580, s20;
	v22 =	vor.u32 v2, v34  }
0x6f: {  	s31 =	sadd.s32 $0xB0, s19;
	s23 =	sand.u32 $0x7FE00, s30  }
0x70: {  	s24 =	sand.u32 $0x70, s31;
	s23 =	sshrl.u32 s23, $0x2  }
0x71: {  	v35 =	vperm.xlane v20, v14;
	s23 =	sor.u32 s24, s23  }
0x72: {  	[tilespmem:s23+$0xD80] =	vst v21  }
0x73: {  	v36 =	vshll.u32 v35, $0x7;
	v21 =	vld.idx.msk [tilespmem:v22+s12+$0x0], $0xffff  }
0x74: {  	s25 =	sadd.s32 $0xFFFFF5C0, s20;
	v22 =	vor.u32 v2, v36  }
0x75: {  	s26 =	sadd.s32 $0xC0, s19;
	s23 =	sand.u32 $0x7FE00, s25  }
0x76: {  	s24 =	sand.u32 $0x70, s26;
	s23 =	sshrl.u32 s23, $0x2  }
0x77: {  	v37 =	vperm.xlane v20, v15;
	s23 =	sor.u32 s24, s23  }
0x78: {  	[tilespmem:s23+$0xD80] =	vst v21  }
0x79: {  	v38 =	vshll.u32 v37, $0x7;
	v21 =	vld.idx.msk [tilespmem:v22+s12+$0x0], $0xffff  }
0x7a: {  	s28 =	sadd.s32 $0xFFFFF600, s20;
	v22 =	vor.u32 v2, v38  }
0x7b: {  	s29 =	sadd.s32 $0xD0, s19;
	s23 =	sand.u32 $0x7FE00, s28  }
0x7c: {  	s24 =	sand.u32 $0x70, s29;
	s23 =	sshrl.u32 s23, $0x2  }
0x7d: {  	v20 =	vperm.xlane v20, v16;
	s23 =	sor.u32 s24, s23  }
0x7e: {  	[tilespmem:s23+$0xD80] =	vst v21  }
0x7f: {  	v20 =	vshll.u32 v20, $0x7;
	v21 =	vld.idx.msk [tilespmem:v22+s12+$0x0], $0xffff  }
0x80: {  	v20 =	vor.u32 v2, v20;
	s30 =	sadd.s32 $0xFFFFF640, s20  }
0x81: {  	s31 =	sadd.s32 $0xE0, s19;
	s23 =	sand.u32 $0x7FE00, s30  }
0x82: {  	s24 =	sand.u32 $0x70, s31;
	s23 =	sshrl.u32 s23, $0x2  }
0x83: {  	v39 =	vperm.xlane v19, v0;
	s23 =	sor.u32 s24, s23  }
0x84: {  	[tilespmem:s23+$0xD80] =	vst v21  }
0x85: {  	v40 =	vshll.u32 v39, $0x7;
	v20 =	vld.idx.msk [tilespmem:v20+s12+$0x0], $0xffff  }
0x86: {  	s24 =	sadd.s32 $0xFFFFF680, s20;
	v21 =	vor.u32 v2, v40  }
0x87: {  	s25 =	sadd.s32 $0xF0, s19;
	s23 =	sand.u32 $0x7FE00, s24  }
0x88: {  	s24 =	sand.u32 $0x70, s25;
	s23 =	sshrl.u32 s23, $0x2  }
0x89: {  	v41 =	vperm.xlane v19, v3;
	s23 =	sor.u32 s24, s23  }
0x8a: {  	[tilespmem:s23+$0xD80] =	vst v20  }
0x8b: {  	v42 =	vshll.u32 v41, $0x7;
	v20 =	vld.idx.msk [tilespmem:v21+s12+$0x0], $0xffff  }
0x8c: {  	s26 =	sadd.s32 $0xFFFFF6C0, s20;
	v21 =	vor.u32 v2, v42  }
0x8d: {  	s23 =	sand.u32 $0x7FE00, s26  }
0x8e: {  	s23 =	sshrl.u32 s23, $0x2  }
0x8f: {  	v43 =	vperm.xlane v19, v4;
	s23 =	sor.u32 s22, s23  }
0x90: {  	[tilespmem:s23+$0xD80] =	vst v20  }
0x91: {  	v44 =	vshll.u32 v43, $0x7;
	v20 =	vld.idx.msk [tilespmem:v21+s12+$0x0], $0xffff  }
0x92: {  	s28 =	sadd.s32 $0xFFFFF700, s20;
	v21 =	vor.u32 v2, v44  }
0x93: {  	s29 =	sadd.s32 $0x110, s19;
	s23 =	sand.u32 $0x7FE00, s28  }
0x94: {  	s24 =	sand.u32 $0x70, s29;
	s23 =	sshrl.u32 s23, $0x2  }
0x95: {  	v45 =	vperm.xlane v19, v5;
	s23 =	sor.u32 s24, s23  }
0x96: {  	[tilespmem:s23+$0xD80] =	vst v20  }
0x97: {  	v46 =	vshll.u32 v45, $0x7;
	v20 =	vld.idx.msk [tilespmem:v21+s12+$0x0], $0xffff  }
0x98: {  	s30 =	sadd.s32 $0xFFFFF740, s20;
	v21 =	vor.u32 v2, v46  }
0x99: {  	s31 =	sadd.s32 $0x120, s19;
	s23 =	sand.u32 $0x7FE00, s30  }
0x9a: {  	s24 =	sand.u32 $0x70, s31;
	s23 =	sshrl.u32 s23, $0x2  }
0x9b: {  	v47 =	vperm.xlane v19, v6;
	s23 =	sor.u32 s24, s23  }
0x9c: {  	[tilespmem:s23+$0xD80] =	vst v20  }
0x9d: {  	v48 =	vshll.u32 v47, $0x7;
	v20 =	vld.idx.msk [tilespmem:v21+s12+$0x0], $0xffff  }
0x9e: {  	s25 =	sadd.s32 $0xFFFFF780, s20;
	v21 =	vor.u32 v2, v48  }
0x9f: {  	s26 =	sadd.s32 $0x130, s19;
	s23 =	sand.u32 $0x7FE00, s25  }
0xa0: {  	s24 =	sand.u32 $0x70, s26;
	s23 =	sshrl.u32 s23, $0x2  }
0xa1: {  	v49 =	vperm.xlane v19, v7;
	s23 =	sor.u32 s24, s23  }
0xa2: {  	[tilespmem:s23+$0xD80] =	vst v20  }
0xa3: {  	v50 =	vshll.u32 v49, $0x7;
	v20 =	vld.idx.msk [tilespmem:v21+s12+$0x0], $0xffff  }
0xa4: {  	s28 =	sadd.s32 $0xFFFFF7C0, s20;
	v21 =	vor.u32 v2, v50  }
0xa5: {  	s29 =	sadd.s32 $0x140, s19;
	s23 =	sand.u32 $0x7FE00, s28  }
0xa6: {  	s24 =	sand.u32 $0x70, s29;
	s23 =	sshrl.u32 s23, $0x2  }
0xa7: {  	v51 =	vperm.xlane v19, v8;
	s23 =	sor.u32 s24, s23  }
0xa8: {  	[tilespmem:s23+$0xD80] =	vst v20  }
0xa9: {  	v52 =	vshll.u32 v51, $0x7;
	v20 =	vld.idx.msk [tilespmem:v21+s12+$0x0], $0xffff  }
0xaa: {  	s30 =	sadd.s32 $0xFFFFF800, s20;
	v21 =	vor.u32 v2, v52  }
0xab: {  	s31 =	sadd.s32 $0x150, s19;
	s23 =	sand.u32 $0x7FE00, s30  }
0xac: {  	s24 =	sand.u32 $0x70, s31;
	s23 =	sshrl.u32 s23, $0x2  }
0xad: {  	v53 =	vperm.xlane v19, v1;
	s23 =	sor.u32 s24, s23  }
0xae: {  	[tilespmem:s23+$0xD80] =	vst v20  }
0xaf: {  	v54 =	vshll.u32 v53, $0x7;
	v20 =	vld.idx.msk [tilespmem:v21+s12+$0x0], $0xffff  }
0xb0: {  	s24 =	sadd.s32 $0xFFFFF840, s20;
	v21 =	vor.u32 v2, v54  }
0xb1: {  	s25 =	sadd.s32 $0x160, s19;
	s23 =	sand.u32 $0x7FE00, s24  }
0xb2: {  	s24 =	sand.u32 $0x70, s25;
	s23 =	sshrl.u32 s23, $0x2  }
0xb3: {  	v55 =	vperm.xlane v19, v9;
	s23 =	sor.u32 s24, s23  }
0xb4: {  	[tilespmem:s23+$0xD80] =	vst v20  }
0xb5: {  	v56 =	vshll.u32 v55, $0x7;
	v20 =	vld.idx.msk [tilespmem:v21+s12+$0x0], $0xffff  }
0xb6: {  	s26 =	sadd.s32 $0xFFFFF880, s20;
	v21 =	vor.u32 v2, v56  }
0xb7: {  	s28 =	sadd.s32 $0x170, s19;
	s23 =	sand.u32 $0x7FE00, s26  }
0xb8: {  	s24 =	sand.u32 $0x70, s28;
	s23 =	sshrl.u32 s23, $0x2  }
0xb9: {  	v57 =	vperm.xlane v19, v10;
	s23 =	sor.u32 s24, s23  }
0xba: {  	[tilespmem:s23+$0xD80] =	vst v20  }
0xbb: {  	v58 =	vshll.u32 v57, $0x7;
	v20 =	vld.idx.msk [tilespmem:v21+s12+$0x0], $0xffff  }
0xbc: {  	s29 =	sadd.s32 $0xFFFFF8C0, s20;
	v21 =	vor.u32 v2, v58  }
0xbd: {  	s23 =	sand.u32 $0x7FE00, s29  }
0xbe: {  	s23 =	sshrl.u32 s23, $0x2  }
0xbf: {  	v59 =	vperm.xlane v19, v11;
	s23 =	sor.u32 s22, s23  }
0xc0: {  	[tilespmem:s23+$0xD80] =	vst v20  }
0xc1: {  	v60 =	vshll.u32 v59, $0x7;
	v20 =	vld.idx.msk [tilespmem:v21+s12+$0x0], $0xffff  }
0xc2: {  	s30 =	sadd.s32 $0xFFFFF900, s20;
	v21 =	vor.u32 v2, v60  }
0xc3: {  	s31 =	sadd.s32 $0x190, s19;
	s23 =	sand.u32 $0x7FE00, s30  }
0xc4: {  	s24 =	sand.u32 $0x70, s31;
	s23 =	sshrl.u32 s23, $0x2  }
0xc5: {  	v61 =	vperm.xlane v19, v12;
	s23 =	sor.u32 s24, s23  }
0xc6: {  	[tilespmem:s23+$0xD80] =	vst v20  }
0xc7: {  	v62 =	vshll.u32 v61, $0x7;
	v20 =	vld.idx.msk [tilespmem:v21+s12+$0x0], $0xffff  }
0xc8: {  	s25 =	sadd.s32 $0xFFFFF940, s20;
	v21 =	vor.u32 v2, v62  }
0xc9: {  	s26 =	sadd.s32 $0x1A0, s19;
	s23 =	sand.u32 $0x7FE00, s25  }
0xca: {  	s24 =	sand.u32 $0x70, s26;
	s23 =	sshrl.u32 s23, $0x2  }
0xcb: {  	v63 =	vperm.xlane v19, v13;
	s23 =	sor.u32 s24, s23  }
0xcc: {  	[tilespmem:s23+$0xD80] =	vst v20  }
0xcd: {  	v24 =	vshll.u32 v63, $0x7;
	v20 =	vld.idx.msk [tilespmem:v21+s12+$0x0], $0xffff  }
0xce: {  	s28 =	sadd.s32 $0xFFFFF980, s20;
	v21 =	vor.u32 v2, v24  }
0xcf: {  	s29 =	sadd.s32 $0x1B0, s19;
	s23 =	sand.u32 $0x7FE00, s28  }
0xd0: {  	s24 =	sand.u32 $0x70, s29;
	s23 =	sshrl.u32 s23, $0x2  }
0xd1: {  	v25 =	vperm.xlane v19, v14;
	s23 =	sor.u32 s24, s23  }
0xd2: {  	[tilespmem:s23+$0xD80] =	vst v20  }
0xd3: {  	v26 =	vshll.u32 v25, $0x7;
	v20 =	vld.idx.msk [tilespmem:v21+s12+$0x0], $0xffff  }
0xd4: {  	s30 =	sadd.s32 $0xFFFFF9C0, s20;
	v21 =	vor.u32 v2, v26  }
0xd5: {  	s31 =	sadd.s32 $0x1C0, s19;
	s23 =	sand.u32 $0x7FE00, s30  }
0xd6: {  	s24 =	sand.u32 $0x70, s31;
	s23 =	sshrl.u32 s23, $0x2  }
0xd7: {  	v27 =	vperm.xlane v19, v15;
	s23 =	sor.u32 s24, s23  }
0xd8: {  	[tilespmem:s23+$0xD80] =	vst v20  }
0xd9: {  	v28 =	vshll.u32 v27, $0x7;
	v20 =	vld.idx.msk [tilespmem:v21+s12+$0x0], $0xffff  }
0xda: {  	s25 =	sadd.s32 $0xFFFFFA00, s20;
	v21 =	vor.u32 v2, v28  }
0xdb: {  	s26 =	sadd.s32 $0x1D0, s19;
	s23 =	sand.u32 $0x7FE00, s25  }
0xdc: {  	s24 =	sand.u32 $0x70, s26;
	s23 =	sshrl.u32 s23, $0x2  }
0xdd: {  	v19 =	vperm.xlane v19, v16;
	s23 =	sor.u32 s24, s23  }
0xde: {  	[tilespmem:s23+$0xD80] =	vst v20  }
0xdf: {  	v19 =	vshll.u32 v19, $0x7;
	v20 =	vld.idx.msk [tilespmem:v21+s12+$0x0], $0xffff  }
0xe0: {  	v19 =	vor.u32 v2, v19;
	s28 =	sadd.s32 $0xFFFFFA40, s20  }
0xe1: {  	s29 =	sadd.s32 $0x1E0, s19;
	s23 =	sand.u32 $0x7FE00, s28  }
0xe2: {  	s24 =	sand.u32 $0x70, s29;
	s23 =	sshrl.u32 s23, $0x2  }
0xe3: {  	v29 =	vperm.xlane v18, v0;
	s23 =	sor.u32 s24, s23  }
0xe4: {  	[tilespmem:s23+$0xD80] =	vst v20  }
0xe5: {  	v30 =	vshll.u32 v29, $0x7;
	v19 =	vld.idx.msk [tilespmem:v19+s12+$0x0], $0xffff  }
0xe6: {  	s30 =	sadd.s32 $0xFFFFFA80, s20;
	v20 =	vor.u32 v2, v30  }
0xe7: {  	s31 =	sadd.s32 $0x1F0, s19;
	s23 =	sand.u32 $0x7FE00, s30  }
0xe8: {  	s24 =	sand.u32 $0x70, s31;
	s23 =	sshrl.u32 s23, $0x2  }
0xe9: {  	v31 =	vperm.xlane v18, v3;
	s23 =	sor.u32 s24, s23  }
0xea: {  	[tilespmem:s23+$0xD80] =	vst v19  }
0xeb: {  	v32 =	vshll.u32 v31, $0x7;
	v19 =	vld.idx.msk [tilespmem:v20+s12+$0x0], $0xffff  }
0xec: {  	s24 =	sadd.s32 $0xFFFFFAC0, s20;
	v20 =	vor.u32 v2, v32  }
0xed: {  	s23 =	sand.u32 $0x7FE00, s24  }
0xee: {  	s23 =	sshrl.u32 s23, $0x2  }
0xef: {  	v33 =	vperm.xlane v18, v4;
	s23 =	sor.u32 s22, s23  }
0xf0: {  	[tilespmem:s23+$0xD80] =	vst v19  }
0xf1: {  	v34 =	vshll.u32 v33, $0x7;
	v19 =	vld.idx.msk [tilespmem:v20+s12+$0x0], $0xffff  }
0xf2: {  	s25 =	sadd.s32 $0xFFFFFB00, s20;
	v20 =	vor.u32 v2, v34  }
0xf3: {  	s26 =	sadd.s32 $0x210, s19;
	s23 =	sand.u32 $0x7FE00, s25  }
0xf4: {  	s24 =	sand.u32 $0x70, s26;
	s23 =	sshrl.u32 s23, $0x2  }
0xf5: {  	v35 =	vperm.xlane v18, v5;
	s23 =	sor.u32 s24, s23  }
0xf6: {  	[tilespmem:s23+$0xD80] =	vst v19  }
0xf7: {  	v36 =	vshll.u32 v35, $0x7;
	v19 =	vld.idx.msk [tilespmem:v20+s12+$0x0], $0xffff  }
0xf8: {  	s28 =	sadd.s32 $0xFFFFFB40, s20;
	v20 =	vor.u32 v2, v36  }
0xf9: {  	s29 =	sadd.s32 $0x220, s19;
	s23 =	sand.u32 $0x7FE00, s28  }
0xfa: {  	s24 =	sand.u32 $0x70, s29;
	s23 =	sshrl.u32 s23, $0x2  }
0xfb: {  	v37 =	vperm.xlane v18, v6;
	s23 =	sor.u32 s24, s23  }
0xfc: {  	[tilespmem:s23+$0xD80] =	vst v19  }
0xfd: {  	v38 =	vshll.u32 v37, $0x7;
	v19 =	vld.idx.msk [tilespmem:v20+s12+$0x0], $0xffff  }
0xfe: {  	s30 =	sadd.s32 $0xFFFFFB80, s20;
	v20 =	vor.u32 v2, v38  }
0xff: {  	s31 =	sadd.s32 $0x230, s19;
	s23 =	sand.u32 $0x7FE00, s30  }
0x100: {  	s24 =	sand.u32 $0x70, s31;
	s23 =	sshrl.u32 s23, $0x2  }
0x101: {  	v39 =	vperm.xlane v18, v7;
	s23 =	sor.u32 s24, s23  }
0x102: {  	[tilespmem:s23+$0xD80] =	vst v19  }
0x103: {  	v40 =	vshll.u32 v39, $0x7;
	v19 =	vld.idx.msk [tilespmem:v20+s12+$0x0], $0xffff  }
0x104: {  	s25 =	sadd.s32 $0xFFFFFBC0, s20;
	v20 =	vor.u32 v2, v40  }
0x105: {  	s26 =	sadd.s32 $0x240, s19;
	s23 =	sand.u32 $0x7FE00, s25  }
0x106: {  	s24 =	sand.u32 $0x70, s26;
	s23 =	sshrl.u32 s23, $0x2  }
0x107: {  	v41 =	vperm.xlane v18, v8;
	s23 =	sor.u32 s24, s23  }
0x108: {  	[tilespmem:s23+$0xD80] =	vst v19  }
0x109: {  	v42 =	vshll.u32 v41, $0x7;
	v19 =	vld.idx.msk [tilespmem:v20+s12+$0x0], $0xffff  }
0x10a: {  	s28 =	sadd.s32 $0xFFFFFC00, s20;
	v20 =	vor.u32 v2, v42  }
0x10b: {  	s29 =	sadd.s32 $0x250, s19;
	s23 =	sand.u32 $0x7FE00, s28  }
0x10c: {  	s24 =	sand.u32 $0x70, s29;
	s23 =	sshrl.u32 s23, $0x2  }
0x10d: {  	v43 =	vperm.xlane v18, v1;
	s23 =	sor.u32 s24, s23  }
0x10e: {  	[tilespmem:s23+$0xD80] =	vst v19  }
0x10f: {  	v44 =	vshll.u32 v43, $0x7;
	v19 =	vld.idx.msk [tilespmem:v20+s12+$0x0], $0xffff  }
0x110: {  	s30 =	sadd.s32 $0xFFFFFC40, s20;
	v20 =	vor.u32 v2, v44  }
0x111: {  	s31 =	sadd.s32 $0x260, s19;
	s23 =	sand.u32 $0x7FE00, s30  }
0x112: {  	s24 =	sand.u32 $0x70, s31;
	s23 =	sshrl.u32 s23, $0x2  }
0x113: {  	v45 =	vperm.xlane v18, v9;
	s23 =	sor.u32 s24, s23  }
0x114: {  	[tilespmem:s23+$0xD80] =	vst v19  }
0x115: {  	v46 =	vshll.u32 v45, $0x7;
	v19 =	vld.idx.msk [tilespmem:v20+s12+$0x0], $0xffff  }
0x116: {  	s24 =	sadd.s32 $0xFFFFFC80, s20;
	v20 =	vor.u32 v2, v46  }
0x117: {  	s25 =	sadd.s32 $0x270, s19;
	s23 =	sand.u32 $0x7FE00, s24  }
0x118: {  	s24 =	sand.u32 $0x70, s25;
	s23 =	sshrl.u32 s23, $0x2  }
0x119: {  	v47 =	vperm.xlane v18, v10;
	s23 =	sor.u32 s24, s23  }
0x11a: {  	[tilespmem:s23+$0xD80] =	vst v19  }
0x11b: {  	v48 =	vshll.u32 v47, $0x7;
	v19 =	vld.idx.msk [tilespmem:v20+s12+$0x0], $0xffff  }
0x11c: {  	s26 =	sadd.s32 $0xFFFFFCC0, s20;
	v20 =	vor.u32 v2, v48  }
0x11d: {  	s23 =	sand.u32 $0x7FE00, s26  }
0x11e: {  	s23 =	sshrl.u32 s23, $0x2  }
0x11f: {  	v49 =	vperm.xlane v18, v11;
	s23 =	sor.u32 s22, s23  }
0x120: {  	[tilespmem:s23+$0xD80] =	vst v19  }
0x121: {  	v50 =	vshll.u32 v49, $0x7;
	v19 =	vld.idx.msk [tilespmem:v20+s12+$0x0], $0xffff  }
0x122: {  	s28 =	sadd.s32 $0xFFFFFD00, s20;
	v20 =	vor.u32 v2, v50  }
0x123: {  	s29 =	sadd.s32 $0x290, s19;
	s23 =	sand.u32 $0x7FE00, s28  }
0x124: {  	s24 =	sand.u32 $0x70, s29;
	s23 =	sshrl.u32 s23, $0x2  }
0x125: {  	v51 =	vperm.xlane v18, v12;
	s23 =	sor.u32 s24, s23  }
0x126: {  	[tilespmem:s23+$0xD80] =	vst v19  }
0x127: {  	v52 =	vshll.u32 v51, $0x7;
	v19 =	vld.idx.msk [tilespmem:v20+s12+$0x0], $0xffff  }
0x128: {  	s30 =	sadd.s32 $0xFFFFFD40, s20;
	v20 =	vor.u32 v2, v52  }
0x129: {  	s31 =	sadd.s32 $0x2A0, s19;
	s23 =	sand.u32 $0x7FE00, s30  }
0x12a: {  	s24 =	sand.u32 $0x70, s31;
	s23 =	sshrl.u32 s23, $0x2  }
0x12b: {  	v53 =	vperm.xlane v18, v13;
	s23 =	sor.u32 s24, s23  }
0x12c: {  	[tilespmem:s23+$0xD80] =	vst v19  }
0x12d: {  	v54 =	vshll.u32 v53, $0x7;
	v19 =	vld.idx.msk [tilespmem:v20+s12+$0x0], $0xffff  }
0x12e: {  	s25 =	sadd.s32 $0xFFFFFD80, s20;
	v20 =	vor.u32 v2, v54  }
0x12f: {  	s26 =	sadd.s32 $0x2B0, s19;
	s23 =	sand.u32 $0x7FE00, s25  }
0x130: {  	s24 =	sand.u32 $0x70, s26;
	s23 =	sshrl.u32 s23, $0x2  }
0x131: {  	v55 =	vperm.xlane v18, v14;
	s23 =	sor.u32 s24, s23  }
0x132: {  	[tilespmem:s23+$0xD80] =	vst v19  }
0x133: {  	v56 =	vshll.u32 v55, $0x7;
	v19 =	vld.idx.msk [tilespmem:v20+s12+$0x0], $0xffff  }
0x134: {  	s28 =	sadd.s32 $0xFFFFFDC0, s20;
	v20 =	vor.u32 v2, v56  }
0x135: {  	s29 =	sadd.s32 $0x2C0, s19;
	s23 =	sand.u32 $0x7FE00, s28  }
0x136: {  	s24 =	sand.u32 $0x70, s29;
	s23 =	sshrl.u32 s23, $0x2  }
0x137: {  	v57 =	vperm.xlane v18, v15;
	s23 =	sor.u32 s24, s23  }
0x138: {  	[tilespmem:s23+$0xD80] =	vst v19  }
0x139: {  	v58 =	vshll.u32 v57, $0x7;
	v19 =	vld.idx.msk [tilespmem:v20+s12+$0x0], $0xffff  }
0x13a: {  	s30 =	sadd.s32 $0xFFFFFE00, s20;
	v20 =	vor.u32 v2, v58  }
0x13b: {  	s31 =	sadd.s32 $0x2D0, s19;
	s23 =	sand.u32 $0x7FE00, s30  }
0x13c: {  	s24 =	sand.u32 $0x70, s31;
	s23 =	sshrl.u32 s23, $0x2  }
0x13d: {  	v18 =	vperm.xlane v18, v16;
	s23 =	sor.u32 s24, s23  }
0x13e: {  	[tilespmem:s23+$0xD80] =	vst v19  }
0x13f: {  	v18 =	vshll.u32 v18, $0x7;
	v19 =	vld.idx.msk [tilespmem:v20+s12+$0x0], $0xffff  }
0x140: {  	v18 =	vor.u32 v2, v18;
	s24 =	sadd.s32 $0xFFFFFE40, s20  }
0x141: {  	s25 =	sadd.s32 $0x2E0, s19;
	s23 =	sand.u32 $0x7FE00, s24  }
0x142: {  	s24 =	sand.u32 $0x70, s25;
	s23 =	sshrl.u32 s23, $0x2  }
0x143: {  	v59 =	vperm.xlane v17, v11;
	s23 =	sor.u32 s24, s23  }
0x144: {  	[tilespmem:s23+$0xD80] =	vst v19  }
0x145: {  	v19 =	vshll.u32 v59, $0x7;
	v18 =	vld.idx.msk [tilespmem:v18+s12+$0x0], $0xffff  }
0x146: {  	s26 =	sadd.s32 $0xFFFFFE80, s20;
	v19 =	vor.u32 v2, v19  }
0x147: {  	s28 =	sadd.s32 $0x2F0, s19;
	s23 =	sand.u32 $0x7FE00, s26  }
0x148: {  	s24 =	sand.u32 $0x70, s28;
	s23 =	sshrl.u32 s23, $0x2  }
0x149: {  	v60 =	vperm.xlane v17, v12;
	s23 =	sor.u32 s24, s23  }
0x14a: {  	[tilespmem:s23+$0xD80] =	vst v18  }
0x14b: {  	v18 =	vld.idx.msk [tilespmem:v19+s12+$0x0], $0xffff;
	v19 =	vshll.u32 v60, $0x7  }
0x14c: {  	s29 =	sadd.s32 $0xFFFFFEC0, s20;
	v19 =	vor.u32 v2, v19  }
0x14d: {  	s23 =	sand.u32 $0x7FE00, s29  }
0x14e: {  	s23 =	sshrl.u32 s23, $0x2  }
0x14f: {  	v61 =	vperm.xlane v17, v13;
	s22 =	sor.u32 s22, s23  }
0x150: {  	[tilespmem:s22+$0xD80] =	vst v18  }
0x151: {  	v18 =	vld.idx.msk [tilespmem:v19+s12+$0x0], $0xffff;
	v19 =	vshll.u32 v61, $0x7  }
0x152: {  	s30 =	sadd.s32 $0xFFFFFF00, s20;
	v19 =	vor.u32 v2, v19  }
0x153: {  	s31 =	sadd.s32 $0x310, s19;
	s22 =	sand.u32 $0x7FE00, s30  }
0x154: {  	s23 =	sand.u32 $0x70, s31;
	s22 =	sshrl.u32 s22, $0x2  }
0x155: {  	v62 =	vperm.xlane v17, v14;
	s22 =	sor.u32 s23, s22  }
0x156: {  	[tilespmem:s22+$0xD80] =	vst v18  }
0x157: {  	v18 =	vld.idx.msk [tilespmem:v19+s12+$0x0], $0xffff;
	v19 =	vshll.u32 v62, $0x7  }
0x158: {  	s23 =	sadd.s32 $0xFFFFFF40, s20;
	v19 =	vor.u32 v2, v19  }
0x159: {  	s24 =	sadd.s32 $0x320, s19;
	s22 =	sand.u32 $0x7FE00, s23  }
0x15a: {  	s23 =	sand.u32 $0x70, s24;
	s22 =	sshrl.u32 s22, $0x2  }
0x15b: {  	v63 =	vperm.xlane v17, v15;
	s22 =	sor.u32 s23, s22  }
0x15c: {  	[tilespmem:s22+$0xD80] =	vst v18  }
0x15d: {  	v18 =	vld.idx.msk [tilespmem:v19+s12+$0x0], $0xffff;
	v19 =	vshll.u32 v63, $0x7  }
0x15e: {  	s25 =	sadd.s32 $0xFFFFFF80, s20;
	v19 =	vor.u32 v2, v19  }
0x15f: {  	s26 =	sadd.s32 $0x330, s19;
	s22 =	sand.u32 $0x7FE00, s25  }
0x160: {  	s23 =	sand.u32 $0x70, s26;
	s22 =	sshrl.u32 s22, $0x2  }
0x161: {  	v17 =	vperm.xlane v17, v16;
	s22 =	sor.u32 s23, s22  }
0x162: {  	[tilespmem:s22+$0xD80] =	vst v18  }
0x163: {  	v17 =	vshll.u32 v17, $0x7;
	v18 =	vld.idx.msk [tilespmem:v19+s12+$0x0], $0xffff  }
0x164: {  	v17 =	vor.u32 v2, v17;
	s28 =	sadd.s32 $0xFFFFFFC0, s20  }
0x165: {  	s29 =	sadd.s32 $0x340, s19;
	s22 =	sand.u32 $0x7FE00, s28  }
0x166: {  	s23 =	sand.u32 $0x70, s29;
	s22 =	sshrl.u32 s22, $0x2  }
0x167: {  	s22 =	sor.u32 s23, s22  }
0x168: {  	[tilespmem:s22+$0xD80] =	vst v18  }
0x169: {  	p0 =	sne.s32 s20, $0x36F80;
	v17 =	vld.idx.msk [tilespmem:v17+s12+$0x0], $0xffff  }
.Ltmp1:
0x16a: {  	_ = 	snop;
	(pc) =	sbr.rel @p0 .LBB2_3-.Ltmp1, $4  }
0x16b: {  	s31 =	sand.u32 $0x7FE00, s20;
	s30 =	sadd.s32 $0x350, s19  }
0x16c: {  	s23 =	sshrl.u32 s31, $0x2;
	s22 =	sand.u32 $0x70, s30  }
0x16d: {  	s22 =	sor.u32 s22, s23  }
0x16e: {  	s21 =	sadd.s32 $0x36, s21;
	s19 =	sadd.s32 $0x370, s19;
	s20 =	sadd.s32 $0xDC0, s20;
	[tilespmem:s22+$0xD80] =	vst v17  }
0x16f: {  	v17 =	vld [tilespmem:$0x1C600]  }
0x170: {  	v18 =	vld [tilespmem:$0x1C580];
	_ =	sdelay $0x4  }
0x171: {  	v17 =	vmul.f32 $4.999999890e-03, v17;
	v19 =	vperm.xlane v18, v0  }
0x172: {  	v20 =	vperm.xlane v18, v3  }
0x173: {  	v21 =	vperm.xlane v18, v4;
	v19 =	vmul.f32 v19, v17  }
0x174: {  	v22 =	vperm.xlane v18, v5;
	v20 =	vmul.f32 v20, v17  }
0x175: {  	v37 =	vperm.xlane v18, v6;
	[tilespmem:$0x10E0] =	vst v19;
	v19 =	vmul.f32 v21, v17  }
0x176: {  	v39 =	vperm.xlane v18, v7;
	v38 =	vmul.f32 v22, v17;
	[tilespmem:$0x1450] =	vst v20  }
0x177: {  	v40 =	vperm.xlane v18, v8;
	[tilespmem:$0x17C0] =	vst v19;
	v19 =	vmul.f32 v37, v17  }
0x178: {  	v42 =	vperm.xlane v18, v1;
	v41 =	vmul.f32 v39, v17;
	[tilespmem:$0x1B30] =	vst v38  }
0x179: {  	v43 =	vperm.xlane v18, v9;
	[tilespmem:$0x1EA0] =	vst v19;
	v19 =	vmul.f32 v40, v17  }
0x17a: {  	v45 =	vperm.xlane v18, v10;
	v44 =	vmul.f32 v42, v17;
	[tilespmem:$0x2210] =	vst v41  }
0x17b: {  	v46 =	vperm.xlane v18, v11;
	[tilespmem:$0x2580] =	vst v19;
	v19 =	vmul.f32 v43, v17  }
0x17c: {  	v23 =	vld [tilespmem:$0x1C590];
	v48 =	vperm.xlane v18, v12;
	v47 =	vmul.f32 v45, v17;
	[tilespmem:$0x28F0] =	vst v44  }
0x17d: {  	v49 =	vperm.xlane v18, v13;
	[tilespmem:$0x2C60] =	vst v19;
	v19 =	vmul.f32 v46, v17  }
0x17e: {  	v51 =	vperm.xlane v18, v14;
	v50 =	vmul.f32 v48, v17;
	[tilespmem:$0x2FD0] =	vst v47  }
0x17f: {  	v52 =	vperm.xlane v18, v15;
	[tilespmem:$0x3340] =	vst v19;
	v19 =	vmul.f32 v49, v17  }
0x180: {  	v18 =	vperm.xlane v18, v16;
	v53 =	vmul.f32 v51, v17;
	[tilespmem:$0x36B0] =	vst v50  }
0x181: {  	v54 =	vperm.xlane v23, v0;
	[tilespmem:$0x3A20] =	vst v19;
	v19 =	vmul.f32 v52, v17  }
0x182: {  	v55 =	vperm.xlane v23, v3;
	v18 =	vmul.f32 v18, v17;
	[tilespmem:$0x3D90] =	vst v53  }
0x183: {  	v56 =	vperm.xlane v23, v4;
	[tilespmem:$0x4100] =	vst v19;
	v19 =	vmul.f32 v54, v17  }
0x184: {  	v57 =	vperm.xlane v23, v5;
	[tilespmem:$0x4470] =	vst v18;
	v18 =	vmul.f32 v55, v17  }
0x185: {  	v58 =	vperm.xlane v23, v6;
	[tilespmem:$0x47E0] =	vst v19;
	v19 =	vmul.f32 v56, v17  }
0x186: {  	v59 =	vperm.xlane v23, v7;
	[tilespmem:$0x4B50] =	vst v18;
	v18 =	vmul.f32 v57, v17  }
0x187: {  	v60 =	vperm.xlane v23, v8;
	[tilespmem:$0x4EC0] =	vst v19;
	v19 =	vmul.f32 v58, v17  }
0x188: {  	v61 =	vperm.xlane v23, v1;
	[tilespmem:$0x5230] =	vst v18;
	v18 =	vmul.f32 v59, v17  }
0x189: {  	v62 =	vperm.xlane v23, v9;
	[tilespmem:$0x55A0] =	vst v19;
	v19 =	vmul.f32 v60, v17  }
0x18a: {  	v63 =	vperm.xlane v23, v10;
	[tilespmem:$0x5910] =	vst v18;
	v18 =	vmul.f32 v61, v17  }
0x18b: {  	v24 =	vperm.xlane v23, v11;
	[tilespmem:$0x5C80] =	vst v19;
	v19 =	vmul.f32 v62, v17  }
0x18c: {  	v26 =	vld [tilespmem:$0x1C5A0];
	v25 =	vperm.xlane v23, v12;
	[tilespmem:$0x5FF0] =	vst v18;
	v18 =	vmul.f32 v63, v17  }
0x18d: {  	v27 =	vperm.xlane v23, v13;
	[tilespmem:$0x6360] =	vst v19;
	v19 =	vmul.f32 v24, v17  }
0x18e: {  	v28 =	vperm.xlane v23, v14;
	[tilespmem:$0x66D0] =	vst v18;
	v18 =	vmul.f32 v25, v17  }
0x18f: {  	v29 =	vperm.xlane v23, v15;
	[tilespmem:$0x6A40] =	vst v19;
	v19 =	vmul.f32 v27, v17  }
0x190: {  	v30 =	vperm.xlane v23, v16;
	[tilespmem:$0x6DB0] =	vst v18;
	v18 =	vmul.f32 v28, v17  }
0x191: {  	v31 =	vperm.xlane v26, v0;
	[tilespmem:$0x7120] =	vst v19;
	v19 =	vmul.f32 v29, v17  }
0x192: {  	v32 =	vperm.xlane v26, v3;
	[tilespmem:$0x7490] =	vst v18;
	v18 =	vmul.f32 v30, v17  }
0x193: {  	v33 =	vperm.xlane v26, v4;
	[tilespmem:$0x7800] =	vst v19;
	v19 =	vmul.f32 v31, v17  }
0x194: {  	v34 =	vperm.xlane v26, v5;
	[tilespmem:$0x7B70] =	vst v18;
	v18 =	vmul.f32 v32, v17  }
0x195: {  	v35 =	vperm.xlane v26, v6;
	[tilespmem:$0x7EE0] =	vst v19;
	v19 =	vmul.f32 v33, v17  }
0x196: {  	v36 =	vperm.xlane v26, v7;
	[tilespmem:$0x8250] =	vst v18;
	v18 =	vmul.f32 v34, v17  }
0x197: {  	v37 =	vperm.xlane v26, v8;
	[tilespmem:$0x85C0] =	vst v19;
	v19 =	vmul.f32 v35, v17  }
0x198: {  	v38 =	vperm.xlane v26, v1;
	[tilespmem:$0x8930] =	vst v18;
	v18 =	vmul.f32 v36, v17  }
0x199: {  	v39 =	vperm.xlane v26, v9;
	[tilespmem:$0x8CA0] =	vst v19;
	v19 =	vmul.f32 v37, v17  }
0x19a: {  	v40 =	vperm.xlane v26, v10;
	[tilespmem:$0x9010] =	vst v18;
	v18 =	vmul.f32 v38, v17  }
0x19b: {  	v41 =	vperm.xlane v26, v11;
	[tilespmem:$0x9380] =	vst v19;
	v19 =	vmul.f32 v39, v17  }
0x19c: {  	v42 =	vperm.xlane v26, v12;
	v43 =	vld [tilespmem:$0x1C5B0];
	[tilespmem:$0x96F0] =	vst v18;
	v18 =	vmul.f32 v40, v17  }
0x19d: {  	v44 =	vperm.xlane v26, v13;
	[tilespmem:$0x9A60] =	vst v19;
	v19 =	vmul.f32 v41, v17  }
0x19e: {  	v45 =	vperm.xlane v26, v14;
	[tilespmem:$0x9DD0] =	vst v18;
	v18 =	vmul.f32 v42, v17  }
0x19f: {  	v46 =	vperm.xlane v26, v15;
	[tilespmem:$0xA140] =	vst v19;
	v19 =	vmul.f32 v44, v17  }
0x1a0: {  	v47 =	vperm.xlane v26, v16;
	[tilespmem:$0xA4B0] =	vst v18;
	v18 =	vmul.f32 v45, v17  }
0x1a1: {  	v48 =	vperm.xlane v43, v0;
	[tilespmem:$0xA820] =	vst v19;
	v19 =	vmul.f32 v46, v17  }
0x1a2: {  	v49 =	vperm.xlane v43, v3;
	[tilespmem:$0xAB90] =	vst v18;
	v18 =	vmul.f32 v47, v17  }
0x1a3: {  	v50 =	vperm.xlane v43, v4;
	[tilespmem:$0xAF00] =	vst v19;
	v19 =	vmul.f32 v48, v17  }
0x1a4: {  	v51 =	vperm.xlane v43, v5;
	[tilespmem:$0xB270] =	vst v18;
	v18 =	vmul.f32 v49, v17  }
0x1a5: {  	v52 =	vperm.xlane v43, v6;
	[tilespmem:$0xB5E0] =	vst v19;
	v19 =	vmul.f32 v50, v17  }
0x1a6: {  	v53 =	vperm.xlane v43, v7;
	[tilespmem:$0xB950] =	vst v18;
	v18 =	vmul.f32 v51, v17  }
0x1a7: {  	v54 =	vperm.xlane v43, v8;
	[tilespmem:$0xBCC0] =	vst v19;
	v19 =	vmul.f32 v52, v17  }
0x1a8: {  	v55 =	vperm.xlane v43, v1;
	[tilespmem:$0xC030] =	vst v18;
	v18 =	vmul.f32 v53, v17  }
0x1a9: {  	v56 =	vperm.xlane v43, v9;
	[tilespmem:$0xC3A0] =	vst v19;
	v19 =	vmul.f32 v54, v17  }
0x1aa: {  	v57 =	vperm.xlane v43, v10;
	[tilespmem:$0xC710] =	vst v18;
	v18 =	vmul.f32 v55, v17  }
0x1ab: {  	v58 =	vperm.xlane v43, v11;
	[tilespmem:$0xCA80] =	vst v19;
	v19 =	vmul.f32 v56, v17  }
0x1ac: {  	v59 =	vperm.xlane v43, v12;
	[tilespmem:$0xCDF0] =	vst v18;
	v18 =	vmul.f32 v57, v17  }
0x1ad: {  	v60 =	vperm.xlane v43, v13;
	[tilespmem:$0xD160] =	vst v19;
	v19 =	vmul.f32 v58, v17  }
0x1ae: {  	v61 =	vperm.xlane v43, v14;
	[tilespmem:$0xD4D0] =	vst v18;
	v18 =	vmul.f32 v59, v17  }
0x1af: {  	v62 =	vperm.xlane v43, v15;
	[tilespmem:$0xD840] =	vst v19;
	v19 =	vmul.f32 v60, v17  }
0x1b0: {  	v63 =	vperm.xlane v43, v16;
	[tilespmem:$0xDBB0] =	vst v18;
	v18 =	vmul.f32 v61, v17  }
0x1b1: {  	[tilespmem:$0xDF20] =	vst v19;
	v19 =	vmul.f32 v62, v17  }
0x1b2: {  	[tilespmem:$0xE290] =	vst v18;
	v17 =	vmul.f32 v63, v17  }
0x1b3: {  	[tilespmem:$0xE600] =	vst v19  }
0x1b4: {  	[tilespmem:$0xE970] =	vst v17  }
0x1b5: {  	[spmem:s6] =	stream.linear.scatter [tilespmem:s15], [sflag:$0x3], $0xDC00, $0x38;
	[tilespmem:$0x1CA80] =	vst v63  }
0x1b6: {  	s4 =	sadd.s32 $0x1, s4;
	_ =	swait.ge [sflag:s11], $0xDC00  }
0x1b7: {  	p0 =	sne.s32 s4, s9;
	[sflag:s11] =	ssyncset.done $0x0  }
.Ltmp2:
0x1b8: {  	[sflag:s11] =	ssyncadd.s32 $0xFFFF2400;
	(pc) =	sbr.rel @p0 .LBB2_2-.Ltmp2, $4  }
0x1b9: {  	[hbm:s7], [sflag:s16] =	dma.local [spmem:s17], $0x1B80  }
0x1ba: {  	_ =	swait.ge [sflag:s18], $0x1B80  }
0x1bb: {  	[sflag:s18] =	ssyncset.done $0x0  }
0x1bc: {  	[sflag:s18] =	ssyncadd.s32 $0xFFFFE480  }
.LBB2_5:
0x1bd: {  	_ =	sfence.sel $0x180000  }
0x1be: {  	[bflag:$0x0] =	sbarrier.arrive $0xFFFF  }
0x1bf: {  	p0 =	sne.s32 s3, $0x0;
	_ =	strace $0x90000047  }
0x1c0: {  	s0 =	sadd.s32 @!p0 $0x100000, s0;
	[bflag:$0x2] =	sbarrier.arrive $0xFFFF  }
0x1c1: {  	[sflag:s0] =	ssyncadd.tile.s32 @!p0 $0x1;
	_ =	shalt  }
.Lfunc_end2:
_tile_overlayer_lowered:
.L_overlay_start_2:
0x1c2: {  	(tag) =	ssettag $0x2  }
0x1c3: {  	s0 =	rddreg [dreg:$0x0];
	s2 =	stileid.u32  }
0x1c4: {  	s1 =	rddreg [dreg:$0x1];
	p0 =	sne.s32 s2, $0x0  }
0x1c5: {  	s3 =	rddreg [dreg:$0x2];
	[bflag:$0x3] =	sbarrier.arrive $0xFFFF;
	s2 =	simm.s32 @!p0 $0x1C03  }
0x1c6: {  	[timem:s3], [sflag:s2] =	dma.local @!p0 [hbm:s0], s1  }
0x1c7: {  	s0 =	simm.s32 @!p0 $0x3  }
0x1c8: {  	_ =	swait.ge @!p0 [sflag:s0], s1  }
0x1c9: {  	s1 =	ssub.s32 @!p0 $0x0, s1;
	[sflag:s0] =	ssyncset.done @!p0 $0x0  }
0x1ca: {  	[sflag:s0] =	ssyncadd.s32 @!p0 s1  }
0x1cb: {  	[bflag:$0x3] =	sbarrier.arrive $0xFFFF  }
0x1cc: {  	_ =	shalt  }

</sc_bundles>
